<compile_context>
chip_gen: v7x
topology: tpu7x:2x2x1
jax: 0.10.2.dev20260603
libtpu: 0.0.44.dev20260713+nightly
codegen_flags: <defaults>
</compile_context>

<pallas_src>
import functools
import math

import jax
import jax.numpy as jnp
from jax import lax
from jax.experimental import pallas as pl
from jax.experimental.pallas import tpu as pltpu
from jax.experimental.pallas import tpu_sc as plsc

N = 4096
M = N * (N - 1) // 2
B = 128
NBLK = N // B
NC, NS, L = 2, 16, 16
NW = NC * NS
G = 128
ROWS = M // G
NSEG = 2
QC = B // L
STW = NSEG * G
NPAIR = NBLK * (NBLK - 1) // 2
UNITS = ((NPAIR + NW - 1) // NW) * NW
UPW = UNITS // NW

def _body(comp_ref, out_ref, idx_ref, stage_ref, outbuf_ref,
          shift_ref, ssem0, ssem1, osem0, osem1):
    wid = lax.axis_index("s") * NC + lax.axis_index("c")
    iota = lax.iota(jnp.int32, L)
    qvs = [c * L + iota for c in range(QC)]
    ssems = (ssem0, ssem1)
    osems = (osem0, osem1)

    def seg_start(g, mx):
        off = g * N - lax.shift_right_logical(g * (g + 1), 1)
        return off + (mx - 1) - g

    def unit_coords(k):
        u = jnp.minimum(k * NW + wid, NPAIR - 1)
        cnt = jnp.int32(-1)
        for c in range(2):
            iv = c * L + iota
            ci = (NBLK - 1) * iv - lax.shift_right_logical(iv * (iv - 1), 1)
            cnt = cnt + jnp.sum(jnp.where(ci <= u, 1, 0).astype(jnp.int32))
        bi = cnt
        cbi = (NBLK - 1) * bi - lax.shift_right_logical(bi * (bi - 1), 1)
        bj = bi + 1 + (u - cbi)
        return bi * B, bj * B

    def build_and_fire(mn, mx, p):
        def build(t16, c_):
            s = seg_start(mn + t16 * L + iota, mx)
            a = jnp.maximum(lax.shift_right_arithmetic(s, 7), 0)
            shift_ref[p, pl.ds(t16 * L, L)] = s - lax.shift_left(a, 7)
            idx_ref[p, 0, pl.ds(t16 * L, L)] = a
            idx_ref[p, 1, pl.ds(t16 * L, L)] = jnp.minimum(a + 1, ROWS - 1)
            return c_

        lax.fori_loop(0, QC, build, 0)
        for c in range(NSEG):
            pltpu.make_async_copy(
                comp_ref.at[idx_ref.at[p, c]],
                stage_ref.at[pl.ds(p * B, B), pl.ds(c * G, G)],
                ssems[p],
            ).start()

    def wait_stage(p):
        for c in range(NSEG):
            pltpu.make_async_copy(
                comp_ref.at[idx_ref.at[p, c]],
                stage_ref.at[pl.ds(p * B, B), pl.ds(c * G, G)],
                ssems[p],
            ).wait()

    def out_copy(i0, j0, slot):
        return pltpu.make_async_copy(
            outbuf_ref.at[pl.ds(slot * B, B)],
            out_ref.at[pl.ds(i0, B), pl.ds(j0, B)],
            osems[slot],
        )


    def compute_upper(mn, mx, p, slot):
        pB, sB = p * B, slot * B

        @plsc.parallel_loop(0, B, unroll=4)
        def row(r):
            sh = lax.bitwise_and(seg_start(mn + r, mx), G - 1)
            rv = jnp.full((L,), pB + r, dtype=jnp.int32)
            for c in range(QC):
                v = plsc.load_gather(stage_ref, [rv, sh + qvs[c]])
                outbuf_ref[sB + r, pl.ds(c * L, L)] = v

    def compute_lower(p, slot, sh_v):
        pB, sB = p * B, slot * B

        @plsc.parallel_loop(0, B, unroll=4)
        def row(r):
            for c in range(QC):
                v = plsc.load_gather(stage_ref, [pB + qvs[c], sh_v[c] + r])
                outbuf_ref[sB + r, pl.ds(c * L, L)] = v

    def compute_diag(mn, p, slot, sh_v):
        pB, sB = p * B, slot * B

        @plsc.parallel_loop(0, B, unroll=2)
        def row(r):
            s = seg_start(mn + r, mn)
            sh = s - lax.shift_left(
                jnp.maximum(lax.shift_right_arithmetic(s, 7), 0), 7
            )
            rv = jnp.full((L,), pB + r, dtype=jnp.int32)
            for c in range(QC):
                vu = plsc.load_gather(stage_ref, [rv, jnp.maximum(sh + qvs[c], 0)])
                vl = plsc.load_gather(
                    stage_ref, [pB + qvs[c], jnp.maximum(sh_v[c] + r, 0)]
                )
                val = jnp.where(qvs[c] > r, vu, jnp.where(qvs[c] < r, vl, 1.0))
                outbuf_ref[sB + r, pl.ds(c * L, L)] = val

    def load_shifts(p):
        return [shift_ref[p, pl.ds(c * L, L)] for c in range(QC)]

    dmn = wid * B
    build_and_fire(dmn, dmn, 0)
    wait_stage(0)
    compute_diag(dmn, 0, 0, load_shifts(0))
    out_copy(dmn, dmn, 0).start()

    i00, j00 = unit_coords(0)
    build_and_fire(i00, j00, 0)
    i01, j01 = unit_coords(1)
    build_and_fire(i01, j01, 1)

    def step(j, carry):
        for p in range(2):
            k = 2 * j + p
            i0, j0 = unit_coords(k)
            wait_stage(p)
            sh_v = load_shifts(p)

            out_copy(i0, j0, 0).wait()
            compute_upper(i0, j0, p, 0)
            out_copy(i0, j0, 0).start()

            if p == 0:
                @pl.when(j > 0)
                def _():
                    out_copy(j0, i0, 1).wait()
            else:
                out_copy(j0, i0, 1).wait()
            compute_lower(p, 1, sh_v)
            out_copy(j0, i0, 1).start()

            @pl.when(j < UPW // 2 - 1)
            def _():
                i2, j2 = unit_coords(k + 2)
                build_and_fire(i2, j2, p)
        return carry

    lax.fori_loop(0, UPW // 2, step, 0)
    iL, jL = unit_coords(UPW - 1)
    out_copy(iL, jL, 0).wait()
    out_copy(jL, iL, 1).wait()


@jax.jit
def kernel(compressed_matrix):
    comp2 = compressed_matrix.reshape(ROWS, G)
    mesh = plsc.VectorSubcoreMesh(core_axis_name="c", subcore_axis_name="s")
    run = pl.kernel(
        _body,
        out_type=jax.ShapeDtypeStruct((N, N), jnp.float32),
        mesh=mesh,
        scratch_types=[
            pltpu.VMEM((2, NSEG, B), jnp.int32),
            pltpu.VMEM((2 * B, STW), jnp.float32),
            pltpu.VMEM((2 * B, B), jnp.float32),
            pltpu.VMEM((2, B), jnp.int32),
            pltpu.SemaphoreType.DMA,
            pltpu.SemaphoreType.DMA,
            pltpu.SemaphoreType.DMA,
            pltpu.SemaphoreType.DMA,
        ],
        compiler_params=pltpu.CompilerParams(needs_layout_passes=False),
    )
    return run(comp2)

# --- scband reference (transcript-rebuilt; emitter-appended) ---
"""Pipeline reference for scband-uncompress-transform-layer-20100446945611 (READ-ONLY COPY).

The authoritative reference and input builder live on the scoring server;
editing this copy changes nothing except your own understanding.
"""

import jax, jax.numpy as jnp
import numpy as np
import math


def setup_inputs(seed: int = 0) -> dict:
    key = jax.random.key(seed)
    n = 4096
    m = n * (n - 1) // 2  # 8386560
    compressed_matrix = jax.random.normal(key, (m,), dtype=jnp.float32)
    return {"compressed_matrix": compressed_matrix}


def reference(compressed_matrix):
    m = compressed_matrix.shape[0]
    n = round(math.sqrt(2 * m)) + 1
    rows, cols = np.triu_indices(n, k=1)  # same row-major ordering as torch.triu_indices(n, n, offset=1)
    # scatter (sparse_coo_tensor -> to_dense): overwrite scatter into zeros
    M = jnp.zeros((n, n), dtype=compressed_matrix.dtype).at[rows, cols].set(compressed_matrix)
    # symmetrize; torch.diag(2D) extracts 1D diagonal which broadcasts over rows when subtracted
    M = M + M.T - jnp.diagonal(M)
    M = M + jnp.eye(n, dtype=M.dtype)
    return M

if __name__ == "__main__":
    import jax
    _d = setup_inputs()
    print(jax.jit(kernel)(*tuple(_d.values())))

</pallas_src>

<mosaic_0001>
#map = affine_map<(d0, d1) -> (0, 0)>
module attributes {stable_mosaic.version = 14 : i64} {
  func.func @_body(%arg0: i32, %arg1: i32, %arg2: memref<65520x128xf32, #tpu.memory_space<hbm>>, %arg3: memref<4096x4096xf32, #tpu.memory_space<hbm>>, %arg4: memref<2x2x128xi32, #tpu.memory_space<vmem>>, %arg5: memref<256x256xf32, #tpu.memory_space<vmem>>, %arg6: memref<256x128xf32, #tpu.memory_space<vmem>>, %arg7: memref<2x128xi32, #tpu.memory_space<vmem>>, %arg8: memref<!tpu.dma_semaphore, #tpu.memory_space<semaphore_mem>>, %arg9: memref<!tpu.dma_semaphore, #tpu.memory_space<semaphore_mem>>, %arg10: memref<!tpu.dma_semaphore, #tpu.memory_space<semaphore_mem>>, %arg11: memref<!tpu.dma_semaphore, #tpu.memory_space<semaphore_mem>>) attributes {dimension_semantics = [#tpu.dimension_semantics<core_parallel>, #tpu.dimension_semantics<subcore_parallel>], iteration_bounds = array<i64: 2, 16>, scalar_prefetch = 0 : i64, scratch_operands = 8 : i64, tpu.core_type = #tpu.core_type<sc_vector_subcore>, window_params = [{transform_indices = #map}, {transform_indices = #map}]} {
    %mul3A = arith.constant 2 : i32
    %mul3A_0 = arith.muli %arg1, %mul3A : i32
    %add3A = arith.addi %mul3A_0, %arg0 : i32
    %iota3A = tpu.iota {dimensions = array<i32: 0>} : vector<16xi32>
    %add3A_1 = arith.constant 0 : i32
    %add3A_2 = vector.broadcast %add3A_1 : i32 to vector<16xi32>
    %add3A_3 = arith.addi %add3A_2, %iota3A : vector<16xi32>
    %add3A_4 = arith.constant 16 : i32
    %add3A_5 = vector.broadcast %add3A_4 : i32 to vector<16xi32>
    %add3A_6 = arith.addi %add3A_5, %iota3A : vector<16xi32>
    %add3A_7 = arith.constant 32 : i32
    %add3A_8 = vector.broadcast %add3A_7 : i32 to vector<16xi32>
    %add3A_9 = arith.addi %add3A_8, %iota3A : vector<16xi32>
    %add3A_10 = arith.constant 48 : i32
    %add3A_11 = vector.broadcast %add3A_10 : i32 to vector<16xi32>
    %add3A_12 = arith.addi %add3A_11, %iota3A : vector<16xi32>
    %add3A_13 = arith.constant 64 : i32
    %add3A_14 = vector.broadcast %add3A_13 : i32 to vector<16xi32>
    %add3A_15 = arith.addi %add3A_14, %iota3A : vector<16xi32>
    %add3A_16 = arith.constant 80 : i32
    %add3A_17 = vector.broadcast %add3A_16 : i32 to vector<16xi32>
    %add3A_18 = arith.addi %add3A_17, %iota3A : vector<16xi32>
    %add3A_19 = arith.constant 96 : i32
    %add3A_20 = vector.broadcast %add3A_19 : i32 to vector<16xi32>
    %add3A_21 = arith.addi %add3A_20, %iota3A : vector<16xi32>
    %add3A_22 = arith.constant 112 : i32
    %add3A_23 = vector.broadcast %add3A_22 : i32 to vector<16xi32>
    %add3A_24 = arith.addi %add3A_23, %iota3A : vector<16xi32>
    %mul3A_25 = arith.constant 128 : i32
    %mul3A_26 = arith.muli %add3A, %mul3A_25 : i32
    %scan3A = arith.constant 0 : i32
    %scan3A_27 = arith.constant 0 : i32
    %scan3A_28 = arith.constant 8 : i32
    %scan3A_29 = arith.addi %scan3A_27, %scan3A_28 : i32
    %scan3A_30 = arith.constant 1 : i32
    scf.for %scan3A_404 = %scan3A_27 to %scan3A_29 step %scan3A_30  : i32 {
      %mul3A_405 = arith.constant 16 : i32
      %mul3A_406 = arith.muli %scan3A_404, %mul3A_405 : i32
      %add3A_407 = arith.addi %mul3A_26, %mul3A_406 : i32
      %add3A_408 = vector.broadcast %add3A_407 : i32 to vector<16xi32>
      %add3A_409 = arith.addi %add3A_408, %iota3A : vector<16xi32>
      %mul3A_410 = arith.constant 4096 : i32
      %mul3A_411 = vector.broadcast %mul3A_410 : i32 to vector<16xi32>
      %mul3A_412 = arith.muli %add3A_409, %mul3A_411 : vector<16xi32>
      %add3A_413 = arith.constant 1 : i32
      %add3A_414 = vector.broadcast %add3A_413 : i32 to vector<16xi32>
      %add3A_415 = arith.addi %add3A_409, %add3A_414 : vector<16xi32>
      %mul3A_416 = arith.muli %add3A_409, %add3A_415 : vector<16xi32>
      %shift_right_logical3A_417 = arith.constant 1 : i32
      %shift_right_logical3A_418 = vector.broadcast %shift_right_logical3A_417 : i32 to vector<16xi32>
      %shift_right_logical3A_419 = arith.shrui %mul3A_416, %shift_right_logical3A_418 : vector<16xi32>
      %sub3A_420 = arith.subi %mul3A_412, %shift_right_logical3A_419 : vector<16xi32>
      %sub3A_421 = arith.constant 1 : i32
      %sub3A_422 = arith.subi %mul3A_26, %sub3A_421 : i32
      %add3A_423 = vector.broadcast %sub3A_422 : i32 to vector<16xi32>
      %add3A_424 = arith.addi %sub3A_420, %add3A_423 : vector<16xi32>
      %sub3A_425 = arith.subi %add3A_424, %add3A_409 : vector<16xi32>
      %shift_right_arithmetic3A = arith.constant 7 : i32
      %shift_right_arithmetic3A_426 = vector.broadcast %shift_right_arithmetic3A : i32 to vector<16xi32>
      %shift_right_arithmetic3A_427 = arith.shrsi %sub3A_425, %shift_right_arithmetic3A_426 : vector<16xi32>
      %max3A = arith.constant 0 : i32
      %max3A_428 = vector.broadcast %max3A : i32 to vector<16xi32>
      %max3A_429 = arith.maxsi %shift_right_arithmetic3A_427, %max3A_428 : vector<16xi32>
      %shift_left3A = arith.constant 7 : i32
      %shift_left3A_430 = vector.broadcast %shift_left3A : i32 to vector<16xi32>
      %shift_left3A_431 = arith.shli %max3A_429, %shift_left3A_430 : vector<16xi32>
      %sub3A_432 = arith.subi %sub3A_425, %shift_left3A_431 : vector<16xi32>
      %mul3A_433 = arith.constant 16 : i32
      %mul3A_434 = arith.muli %scan3A_404, %mul3A_433 : i32
      %swap3A = arith.constant 0 : i32
      %swap3A_435 = arith.index_cast %swap3A : i32 to index
      %swap3A_436 = arith.index_cast %mul3A_434 : i32 to index
      %swap3A_437 = tpu.vector_load %arg7[%swap3A_435, %swap3A_436] {strides = array<i32>} : memref<2x128xi32, #tpu.memory_space<vmem>>, vector<16xi32>,
      tpu.vector_store %arg7[%swap3A_435, %swap3A_436], %sub3A_432 {strides = array<i32>} : memref<2x128xi32, #tpu.memory_space<vmem>>, vector<16xi32>,
      %mul3A_438 = arith.constant 16 : i32
      %mul3A_439 = arith.muli %scan3A_404, %mul3A_438 : i32
      %swap3A_440 = arith.constant 0 : i32
      %swap3A_441 = arith.constant 0 : i32
      %swap3A_442 = arith.index_cast %swap3A_440 : i32 to index
      %swap3A_443 = arith.index_cast %swap3A_441 : i32 to index
      %swap3A_444 = arith.index_cast %mul3A_439 : i32 to index
      %swap3A_445 = tpu.vector_load %arg4[%swap3A_442, %swap3A_443, %swap3A_444] {strides = array<i32>} : memref<2x2x128xi32, #tpu.memory_space<vmem>>, vector<16xi32>,
      tpu.vector_store %arg4[%swap3A_442, %swap3A_443, %swap3A_444], %max3A_429 {strides = array<i32>} : memref<2x2x128xi32, #tpu.memory_space<vmem>>, vector<16xi32>,
      %add3A_446 = arith.constant 1 : i32
      %add3A_447 = vector.broadcast %add3A_446 : i32 to vector<16xi32>
      %add3A_448 = arith.addi %max3A_429, %add3A_447 : vector<16xi32>
      %min3A_449 = arith.constant 65519 : i32
      %min3A_450 = vector.broadcast %min3A_449 : i32 to vector<16xi32>
      %min3A_451 = arith.minsi %add3A_448, %min3A_450 : vector<16xi32>
      %mul3A_452 = arith.constant 16 : i32
      %mul3A_453 = arith.muli %scan3A_404, %mul3A_452 : i32
      %swap3A_454 = arith.constant 0 : i32
      %swap3A_455 = arith.constant 1 : i32
      %swap3A_456 = arith.index_cast %swap3A_454 : i32 to index
      %swap3A_457 = arith.index_cast %swap3A_455 : i32 to index
      %swap3A_458 = arith.index_cast %mul3A_453 : i32 to index
      %swap3A_459 = tpu.vector_load %arg4[%swap3A_456, %swap3A_457, %swap3A_458] {strides = array<i32>} : memref<2x2x128xi32, #tpu.memory_space<vmem>>, vector<16xi32>,
      tpu.vector_store %arg4[%swap3A_456, %swap3A_457, %swap3A_458], %min3A_451 {strides = array<i32>} : memref<2x2x128xi32, #tpu.memory_space<vmem>>, vector<16xi32>,
    }
    %scan3A_31 = arith.constant 8 : i32
    %dma_start3A = arith.constant 0 : i32
    %dma_start3A_32 = arith.constant 0 : i32
    %dma_start3A_33 = arith.constant 0 : i32
    %dma_start3A_34 = arith.constant 0 : i32
    %dma_start3A_35 = tpu.memref_slice %arg5[%dma_start3A_33, %dma_start3A_34] : memref<256x256xf32, #tpu.memory_space<vmem>> -> memref<128x128xf32, #tpu.memory_space<vmem>>
    %dma_start3A_36 = arith.constant 0 : i32
    %dma_start3A_37 = tpu.memref_slice %arg4[%dma_start3A, %dma_start3A_32, %dma_start3A_36] : memref<2x2x128xi32, #tpu.memory_space<vmem>> -> memref<1x1x128xi32, #tpu.memory_space<vmem>>
    %dma_start3A_38 = tpu.memref_squeeze %dma_start3A_37 : memref<1x1x128xi32, #tpu.memory_space<vmem>> -> memref<128xi32, #tpu.memory_space<vmem>>
    %dma_start3A_39 = arith.constant 0 : i32
    %dma_start3A_40 = arith.constant 0 : i32
    %dma_start3A_41 = tpu.memref_slice %arg2[%dma_start3A_39, %dma_start3A_40] : memref<65520x128xf32, #tpu.memory_space<hbm>> -> memref<65520x128xf32, #tpu.memory_space<hbm>>
    tpu.enqueue_indirect_dma source(%dma_start3A_41 : memref<65520x128xf32, #tpu.memory_space<hbm>>) target(%dma_start3A_35 : memref<128x128xf32, #tpu.memory_space<vmem>>) offsets(%dma_start3A_38 : memref<128xi32, #tpu.memory_space<vmem>>) semaphore(%arg8 : memref<!tpu.dma_semaphore, #tpu.memory_space<semaphore_mem>>)
    %dma_start3A_42 = arith.constant 0 : i32
    %dma_start3A_43 = arith.constant 1 : i32
    %dma_start3A_44 = arith.constant 0 : i32
    %dma_start3A_45 = arith.constant 128 : i32
    %dma_start3A_46 = tpu.memref_slice %arg5[%dma_start3A_44, %dma_start3A_45] : memref<256x256xf32, #tpu.memory_space<vmem>> -> memref<128x128xf32, #tpu.memory_space<vmem>>
    %dma_start3A_47 = arith.constant 0 : i32
    %dma_start3A_48 = tpu.memref_slice %arg4[%dma_start3A_42, %dma_start3A_43, %dma_start3A_47] : memref<2x2x128xi32, #tpu.memory_space<vmem>> -> memref<1x1x128xi32, #tpu.memory_space<vmem>>
    %dma_start3A_49 = tpu.memref_squeeze %dma_start3A_48 : memref<1x1x128xi32, #tpu.memory_space<vmem>> -> memref<128xi32, #tpu.memory_space<vmem>>
    %dma_start3A_50 = arith.constant 0 : i32
    %dma_start3A_51 = arith.constant 0 : i32
    %dma_start3A_52 = tpu.memref_slice %arg2[%dma_start3A_50, %dma_start3A_51] : memref<65520x128xf32, #tpu.memory_space<hbm>> -> memref<65520x128xf32, #tpu.memory_space<hbm>>
    tpu.enqueue_indirect_dma source(%dma_start3A_52 : memref<65520x128xf32, #tpu.memory_space<hbm>>) target(%dma_start3A_46 : memref<128x128xf32, #tpu.memory_space<vmem>>) offsets(%dma_start3A_49 : memref<128xi32, #tpu.memory_space<vmem>>) semaphore(%arg8 : memref<!tpu.dma_semaphore, #tpu.memory_space<semaphore_mem>>)
    %dma_wait3A = arith.constant 0 : i32
    %dma_wait3A_53 = arith.constant 0 : i32
    %dma_wait3A_54 = arith.constant 0 : i32
    %dma_wait3A_55 = arith.constant 0 : i32
    %dma_wait3A_56 = tpu.memref_slice %arg5[%dma_wait3A_54, %dma_wait3A_55] : memref<256x256xf32, #tpu.memory_space<vmem>> -> memref<128x128xf32, #tpu.memory_space<vmem>>
    %dma_wait3A_57 = arith.constant 0 : i32
    %dma_wait3A_58 = tpu.memref_slice %arg4[%dma_wait3A, %dma_wait3A_53, %dma_wait3A_57] : memref<2x2x128xi32, #tpu.memory_space<vmem>> -> memref<1x1x128xi32, #tpu.memory_space<vmem>>
    %dma_wait3A_59 = tpu.memref_squeeze %dma_wait3A_58 : memref<1x1x128xi32, #tpu.memory_space<vmem>> -> memref<128xi32, #tpu.memory_space<vmem>>
    %dma_wait3A_60 = arith.constant 0 : i32
    %dma_wait3A_61 = arith.constant 0 : i32
    %dma_wait3A_62 = tpu.memref_slice %arg2[%dma_wait3A_60, %dma_wait3A_61] : memref<65520x128xf32, #tpu.memory_space<hbm>> -> memref<65520x128xf32, #tpu.memory_space<hbm>>
    tpu.wait_indirect_dma semaphore(%arg8 : memref<!tpu.dma_semaphore, #tpu.memory_space<semaphore_mem>>) src(%dma_wait3A_62 : memref<65520x128xf32, #tpu.memory_space<hbm>>) dst(%dma_wait3A_56 : memref<128x128xf32, #tpu.memory_space<vmem>>)
    %dma_wait3A_63 = arith.constant 0 : i32
    %dma_wait3A_64 = arith.constant 1 : i32
    %dma_wait3A_65 = arith.constant 0 : i32
    %dma_wait3A_66 = arith.constant 128 : i32
    %dma_wait3A_67 = tpu.memref_slice %arg5[%dma_wait3A_65, %dma_wait3A_66] : memref<256x256xf32, #tpu.memory_space<vmem>> -> memref<128x128xf32, #tpu.memory_space<vmem>>
    %dma_wait3A_68 = arith.constant 0 : i32
    %dma_wait3A_69 = tpu.memref_slice %arg4[%dma_wait3A_63, %dma_wait3A_64, %dma_wait3A_68] : memref<2x2x128xi32, #tpu.memory_space<vmem>> -> memref<1x1x128xi32, #tpu.memory_space<vmem>>
    %dma_wait3A_70 = tpu.memref_squeeze %dma_wait3A_69 : memref<1x1x128xi32, #tpu.memory_space<vmem>> -> memref<128xi32, #tpu.memory_space<vmem>>
    %dma_wait3A_71 = arith.constant 0 : i32
    %dma_wait3A_72 = arith.constant 0 : i32
    %dma_wait3A_73 = tpu.memref_slice %arg2[%dma_wait3A_71, %dma_wait3A_72] : memref<65520x128xf32, #tpu.memory_space<hbm>> -> memref<65520x128xf32, #tpu.memory_space<hbm>>
    tpu.wait_indirect_dma semaphore(%arg8 : memref<!tpu.dma_semaphore, #tpu.memory_space<semaphore_mem>>) src(%dma_wait3A_73 : memref<65520x128xf32, #tpu.memory_space<hbm>>) dst(%dma_wait3A_67 : memref<128x128xf32, #tpu.memory_space<vmem>>)
    %get3A = arith.constant 0 : i32
    %get3A_74 = arith.index_cast %get3A : i32 to index
    %get3A_75 = arith.constant 0 : index
    %get3A_76 = tpu.vector_load %arg7[%get3A_74, %get3A_75] {strides = array<i32>} : memref<2x128xi32, #tpu.memory_space<vmem>>, vector<16xi32>,
    %get3A_77 = arith.constant 0 : i32
    %get3A_78 = arith.index_cast %get3A_77 : i32 to index
    %get3A_79 = arith.constant 16 : index
    %get3A_80 = tpu.vector_load %arg7[%get3A_78, %get3A_79] {strides = array<i32>} : memref<2x128xi32, #tpu.memory_space<vmem>>, vector<16xi32>,
    %get3A_81 = arith.constant 0 : i32
    %get3A_82 = arith.index_cast %get3A_81 : i32 to index
    %get3A_83 = arith.constant 32 : index
    %get3A_84 = tpu.vector_load %arg7[%get3A_82, %get3A_83] {strides = array<i32>} : memref<2x128xi32, #tpu.memory_space<vmem>>, vector<16xi32>,
    %get3A_85 = arith.constant 0 : i32
    %get3A_86 = arith.index_cast %get3A_85 : i32 to index
    %get3A_87 = arith.constant 48 : index
    %get3A_88 = tpu.vector_load %arg7[%get3A_86, %get3A_87] {strides = array<i32>} : memref<2x128xi32, #tpu.memory_space<vmem>>, vector<16xi32>,
    %get3A_89 = arith.constant 0 : i32
    %get3A_90 = arith.index_cast %get3A_89 : i32 to index
    %get3A_91 = arith.constant 64 : index
    %get3A_92 = tpu.vector_load %arg7[%get3A_90, %get3A_91] {strides = array<i32>} : memref<2x128xi32, #tpu.memory_space<vmem>>, vector<16xi32>,
    %get3A_93 = arith.constant 0 : i32
    %get3A_94 = arith.index_cast %get3A_93 : i32 to index
    %get3A_95 = arith.constant 80 : index
    %get3A_96 = tpu.vector_load %arg7[%get3A_94, %get3A_95] {strides = array<i32>} : memref<2x128xi32, #tpu.memory_space<vmem>>, vector<16xi32>,
    %get3A_97 = arith.constant 0 : i32
    %get3A_98 = arith.index_cast %get3A_97 : i32 to index
    %get3A_99 = arith.constant 96 : index
    %get3A_100 = tpu.vector_load %arg7[%get3A_98, %get3A_99] {strides = array<i32>} : memref<2x128xi32, #tpu.memory_space<vmem>>, vector<16xi32>,
    %get3A_101 = arith.constant 0 : i32
    %get3A_102 = arith.index_cast %get3A_101 : i32 to index
    %get3A_103 = arith.constant 112 : index
    %get3A_104 = tpu.vector_load %arg7[%get3A_102, %get3A_103] {strides = array<i32>} : memref<2x128xi32, #tpu.memory_space<vmem>>, vector<16xi32>,
    %parallel_loop3A = arith.constant 0 : i32
    %parallel_loop3A_105 = arith.constant 128 : i32
    %parallel_loop3A_106 = arith.constant 1 : i32
    scf.for %parallel_loop3A_404 = %parallel_loop3A to %parallel_loop3A_105 step %parallel_loop3A_106  : i32 {
      %parallel_loop3A_405 = arith.addi %mul3A_26, %parallel_loop3A_404 : i32
      %parallel_loop3A_406 = arith.constant 4096 : i32
      %parallel_loop3A_407 = arith.muli %parallel_loop3A_405, %parallel_loop3A_406 : i32
      %parallel_loop3A_408 = arith.constant 1 : i32
      %parallel_loop3A_409 = arith.addi %parallel_loop3A_405, %parallel_loop3A_408 : i32
      %parallel_loop3A_410 = arith.muli %parallel_loop3A_405, %parallel_loop3A_409 : i32
      %parallel_loop3A_411 = arith.constant 1 : i32
      %parallel_loop3A_412 = arith.shrui %parallel_loop3A_410, %parallel_loop3A_411 : i32
      %parallel_loop3A_413 = arith.subi %parallel_loop3A_407, %parallel_loop3A_412 : i32
      %parallel_loop3A_414 = arith.constant 1 : i32
      %parallel_loop3A_415 = arith.subi %mul3A_26, %parallel_loop3A_414 : i32
      %parallel_loop3A_416 = arith.addi %parallel_loop3A_413, %parallel_loop3A_415 : i32
      %parallel_loop3A_417 = arith.subi %parallel_loop3A_416, %parallel_loop3A_405 : i32
      %parallel_loop3A_418 = arith.constant 7 : i32
      %parallel_loop3A_419 = arith.shrsi %parallel_loop3A_417, %parallel_loop3A_418 : i32
      %parallel_loop3A_420 = arith.constant 0 : i32
      %parallel_loop3A_421 = arith.maxsi %parallel_loop3A_419, %parallel_loop3A_420 : i32
      %parallel_loop3A_422 = arith.constant 7 : i32
      %parallel_loop3A_423 = arith.shli %parallel_loop3A_421, %parallel_loop3A_422 : i32
      %parallel_loop3A_424 = arith.subi %parallel_loop3A_417, %parallel_loop3A_423 : i32
      %parallel_loop3A_425 = arith.constant 0 : i32
      %parallel_loop3A_426 = arith.addi %parallel_loop3A_425, %parallel_loop3A_404 : i32
      %parallel_loop3A_427 = vector.broadcast %parallel_loop3A_426 : i32 to vector<16xi32>
      %parallel_loop3A_428 = vector.broadcast %parallel_loop3A_424 : i32 to vector<16xi32>
      %parallel_loop3A_429 = arith.addi %parallel_loop3A_428, %add3A_3 : vector<16xi32>
      %parallel_loop3A_430 = arith.constant 0 : i32
      %parallel_loop3A_431 = vector.broadcast %parallel_loop3A_430 : i32 to vector<16xi32>
      %parallel_loop3A_432 = arith.maxsi %parallel_loop3A_429, %parallel_loop3A_431 : vector<16xi32>
      %parallel_loop3A_433 = tpu.vector_load_idx %arg5[%parallel_loop3A_427, %parallel_loop3A_432] : memref<256x256xf32, #tpu.memory_space<vmem>>[vector<16xi32>, vector<16xi32>], vector<16xf32>,
      %parallel_loop3A_434 = arith.constant 0 : i32
      %parallel_loop3A_435 = vector.broadcast %parallel_loop3A_434 : i32 to vector<16xi32>
      %parallel_loop3A_436 = arith.addi %parallel_loop3A_435, %add3A_3 : vector<16xi32>
      %parallel_loop3A_437 = vector.broadcast %parallel_loop3A_404 : i32 to vector<16xi32>
      %parallel_loop3A_438 = arith.addi %get3A_76, %parallel_loop3A_437 : vector<16xi32>
      %parallel_loop3A_439 = arith.constant 0 : i32
      %parallel_loop3A_440 = vector.broadcast %parallel_loop3A_439 : i32 to vector<16xi32>
      %parallel_loop3A_441 = arith.maxsi %parallel_loop3A_438, %parallel_loop3A_440 : vector<16xi32>
      %parallel_loop3A_442 = tpu.vector_load_idx %arg5[%parallel_loop3A_436, %parallel_loop3A_441] : memref<256x256xf32, #tpu.memory_space<vmem>>[vector<16xi32>, vector<16xi32>], vector<16xf32>,
      %parallel_loop3A_443 = vector.broadcast %parallel_loop3A_404 : i32 to vector<16xi32>
      %parallel_loop3A_444 = arith.cmpi sgt, %add3A_3, %parallel_loop3A_443 : vector<16xi32>
      %parallel_loop3A_445 = vector.broadcast %parallel_loop3A_404 : i32 to vector<16xi32>
      %parallel_loop3A_446 = arith.cmpi slt, %add3A_3, %parallel_loop3A_445 : vector<16xi32>
      %parallel_loop3A_447 = arith.constant 1.000000e+00 : f32
      %parallel_loop3A_448 = vector.broadcast %parallel_loop3A_447 : f32 to vector<16xf32>
      %parallel_loop3A_449 = arith.select %parallel_loop3A_446, %parallel_loop3A_442, %parallel_loop3A_448 : vector<16xi1>, vector<16xf32>
      %parallel_loop3A_450 = arith.select %parallel_loop3A_444, %parallel_loop3A_433, %parallel_loop3A_449 : vector<16xi1>, vector<16xf32>
      %parallel_loop3A_451 = arith.constant 0 : i32
      %parallel_loop3A_452 = arith.addi %parallel_loop3A_451, %parallel_loop3A_404 : i32
      %parallel_loop3A_453 = arith.index_cast %parallel_loop3A_452 : i32 to index
      %parallel_loop3A_454 = arith.constant 0 : index
      %parallel_loop3A_455 = tpu.vector_load %arg6[%parallel_loop3A_453, %parallel_loop3A_454] {strides = array<i32>} : memref<256x128xf32, #tpu.memory_space<vmem>>, vector<16xf32>,
      tpu.vector_store %arg6[%parallel_loop3A_453, %parallel_loop3A_454], %parallel_loop3A_450 {strides = array<i32>} : memref<256x128xf32, #tpu.memory_space<vmem>>, vector<16xf32>,
      %parallel_loop3A_456 = vector.broadcast %parallel_loop3A_424 : i32 to vector<16xi32>
      %parallel_loop3A_457 = arith.addi %parallel_loop3A_456, %add3A_6 : vector<16xi32>
      %parallel_loop3A_458 = arith.constant 0 : i32
      %parallel_loop3A_459 = vector.broadcast %parallel_loop3A_458 : i32 to vector<16xi32>
      %parallel_loop3A_460 = arith.maxsi %parallel_loop3A_457, %parallel_loop3A_459 : vector<16xi32>
      %parallel_loop3A_461 = tpu.vector_load_idx %arg5[%parallel_loop3A_427, %parallel_loop3A_460] : memref<256x256xf32, #tpu.memory_space<vmem>>[vector<16xi32>, vector<16xi32>], vector<16xf32>,
      %parallel_loop3A_462 = arith.constant 0 : i32
      %parallel_loop3A_463 = vector.broadcast %parallel_loop3A_462 : i32 to vector<16xi32>
      %parallel_loop3A_464 = arith.addi %parallel_loop3A_463, %add3A_6 : vector<16xi32>
      %parallel_loop3A_465 = vector.broadcast %parallel_loop3A_404 : i32 to vector<16xi32>
      %parallel_loop3A_466 = arith.addi %get3A_80, %parallel_loop3A_465 : vector<16xi32>
      %parallel_loop3A_467 = arith.constant 0 : i32
      %parallel_loop3A_468 = vector.broadcast %parallel_loop3A_467 : i32 to vector<16xi32>
      %parallel_loop3A_469 = arith.maxsi %parallel_loop3A_466, %parallel_loop3A_468 : vector<16xi32>
      %parallel_loop3A_470 = tpu.vector_load_idx %arg5[%parallel_loop3A_464, %parallel_loop3A_469] : memref<256x256xf32, #tpu.memory_space<vmem>>[vector<16xi32>, vector<16xi32>], vector<16xf32>,
      %parallel_loop3A_471 = vector.broadcast %parallel_loop3A_404 : i32 to vector<16xi32>
      %parallel_loop3A_472 = arith.cmpi sgt, %add3A_6, %parallel_loop3A_471 : vector<16xi32>
      %parallel_loop3A_473 = vector.broadcast %parallel_loop3A_404 : i32 to vector<16xi32>
      %parallel_loop3A_474 = arith.cmpi slt, %add3A_6, %parallel_loop3A_473 : vector<16xi32>
      %parallel_loop3A_475 = arith.constant 1.000000e+00 : f32
      %parallel_loop3A_476 = vector.broadcast %parallel_loop3A_475 : f32 to vector<16xf32>
      %parallel_loop3A_477 = arith.select %parallel_loop3A_474, %parallel_loop3A_470, %parallel_loop3A_476 : vector<16xi1>, vector<16xf32>
      %parallel_loop3A_478 = arith.select %parallel_loop3A_472, %parallel_loop3A_461, %parallel_loop3A_477 : vector<16xi1>, vector<16xf32>
      %parallel_loop3A_479 = arith.constant 0 : i32
      %parallel_loop3A_480 = arith.addi %parallel_loop3A_479, %parallel_loop3A_404 : i32
      %parallel_loop3A_481 = arith.index_cast %parallel_loop3A_480 : i32 to index
      %parallel_loop3A_482 = arith.constant 16 : index
      %parallel_loop3A_483 = tpu.vector_load %arg6[%parallel_loop3A_481, %parallel_loop3A_482] {strides = array<i32>} : memref<256x128xf32, #tpu.memory_space<vmem>>, vector<16xf32>,
      tpu.vector_store %arg6[%parallel_loop3A_481, %parallel_loop3A_482], %parallel_loop3A_478 {strides = array<i32>} : memref<256x128xf32, #tpu.memory_space<vmem>>, vector<16xf32>,
      %parallel_loop3A_484 = vector.broadcast %parallel_loop3A_424 : i32 to vector<16xi32>
      %parallel_loop3A_485 = arith.addi %parallel_loop3A_484, %add3A_9 : vector<16xi32>
      %parallel_loop3A_486 = arith.constant 0 : i32
      %parallel_loop3A_487 = vector.broadcast %parallel_loop3A_486 : i32 to vector<16xi32>
      %parallel_loop3A_488 = arith.maxsi %parallel_loop3A_485, %parallel_loop3A_487 : vector<16xi32>
      %parallel_loop3A_489 = tpu.vector_load_idx %arg5[%parallel_loop3A_427, %parallel_loop3A_488] : memref<256x256xf32, #tpu.memory_space<vmem>>[vector<16xi32>, vector<16xi32>], vector<16xf32>,
      %parallel_loop3A_490 = arith.constant 0 : i32
      %parallel_loop3A_491 = vector.broadcast %parallel_loop3A_490 : i32 to vector<16xi32>
      %parallel_loop3A_492 = arith.addi %parallel_loop3A_491, %add3A_9 : vector<16xi32>
      %parallel_loop3A_493 = vector.broadcast %parallel_loop3A_404 : i32 to vector<16xi32>
      %parallel_loop3A_494 = arith.addi %get3A_84, %parallel_loop3A_493 : vector<16xi32>
      %parallel_loop3A_495 = arith.constant 0 : i32
      %parallel_loop3A_496 = vector.broadcast %parallel_loop3A_495 : i32 to vector<16xi32>
      %parallel_loop3A_497 = arith.maxsi %parallel_loop3A_494, %parallel_loop3A_496 : vector<16xi32>
      %parallel_loop3A_498 = tpu.vector_load_idx %arg5[%parallel_loop3A_492, %parallel_loop3A_497] : memref<256x256xf32, #tpu.memory_space<vmem>>[vector<16xi32>, vector<16xi32>], vector<16xf32>,
      %parallel_loop3A_499 = vector.broadcast %parallel_loop3A_404 : i32 to vector<16xi32>
      %parallel_loop3A_500 = arith.cmpi sgt, %add3A_9, %parallel_loop3A_499 : vector<16xi32>
      %parallel_loop3A_501 = vector.broadcast %parallel_loop3A_404 : i32 to vector<16xi32>
      %parallel_loop3A_502 = arith.cmpi slt, %add3A_9, %parallel_loop3A_501 : vector<16xi32>
      %parallel_loop3A_503 = arith.constant 1.000000e+00 : f32
      %parallel_loop3A_504 = vector.broadcast %parallel_loop3A_503 : f32 to vector<16xf32>
      %parallel_loop3A_505 = arith.select %parallel_loop3A_502, %parallel_loop3A_498, %parallel_loop3A_504 : vector<16xi1>, vector<16xf32>
      %parallel_loop3A_506 = arith.select %parallel_loop3A_500, %parallel_loop3A_489, %parallel_loop3A_505 : vector<16xi1>, vector<16xf32>
      %parallel_loop3A_507 = arith.constant 0 : i32
      %parallel_loop3A_508 = arith.addi %parallel_loop3A_507, %parallel_loop3A_404 : i32
      %parallel_loop3A_509 = arith.index_cast %parallel_loop3A_508 : i32 to index
      %parallel_loop3A_510 = arith.constant 32 : index
      %parallel_loop3A_511 = tpu.vector_load %arg6[%parallel_loop3A_509, %parallel_loop3A_510] {strides = array<i32>} : memref<256x128xf32, #tpu.memory_space<vmem>>, vector<16xf32>,
      tpu.vector_store %arg6[%parallel_loop3A_509, %parallel_loop3A_510], %parallel_loop3A_506 {strides = array<i32>} : memref<256x128xf32, #tpu.memory_space<vmem>>, vector<16xf32>,
      %parallel_loop3A_512 = vector.broadcast %parallel_loop3A_424 : i32 to vector<16xi32>
      %parallel_loop3A_513 = arith.addi %parallel_loop3A_512, %add3A_12 : vector<16xi32>
      %parallel_loop3A_514 = arith.constant 0 : i32
      %parallel_loop3A_515 = vector.broadcast %parallel_loop3A_514 : i32 to vector<16xi32>
      %parallel_loop3A_516 = arith.maxsi %parallel_loop3A_513, %parallel_loop3A_515 : vector<16xi32>
      %parallel_loop3A_517 = tpu.vector_load_idx %arg5[%parallel_loop3A_427, %parallel_loop3A_516] : memref<256x256xf32, #tpu.memory_space<vmem>>[vector<16xi32>, vector<16xi32>], vector<16xf32>,
      %parallel_loop3A_518 = arith.constant 0 : i32
      %parallel_loop3A_519 = vector.broadcast %parallel_loop3A_518 : i32 to vector<16xi32>
      %parallel_loop3A_520 = arith.addi %parallel_loop3A_519, %add3A_12 : vector<16xi32>
      %parallel_loop3A_521 = vector.broadcast %parallel_loop3A_404 : i32 to vector<16xi32>
      %parallel_loop3A_522 = arith.addi %get3A_88, %parallel_loop3A_521 : vector<16xi32>
      %parallel_loop3A_523 = arith.constant 0 : i32
      %parallel_loop3A_524 = vector.broadcast %parallel_loop3A_523 : i32 to vector<16xi32>
      %parallel_loop3A_525 = arith.maxsi %parallel_loop3A_522, %parallel_loop3A_524 : vector<16xi32>
      %parallel_loop3A_526 = tpu.vector_load_idx %arg5[%parallel_loop3A_520, %parallel_loop3A_525] : memref<256x256xf32, #tpu.memory_space<vmem>>[vector<16xi32>, vector<16xi32>], vector<16xf32>,
      %parallel_loop3A_527 = vector.broadcast %parallel_loop3A_404 : i32 to vector<16xi32>
      %parallel_loop3A_528 = arith.cmpi sgt, %add3A_12, %parallel_loop3A_527 : vector<16xi32>
      %parallel_loop3A_529 = vector.broadcast %parallel_loop3A_404 : i32 to vector<16xi32>
      %parallel_loop3A_530 = arith.cmpi slt, %add3A_12, %parallel_loop3A_529 : vector<16xi32>
      %parallel_loop3A_531 = arith.constant 1.000000e+00 : f32
      %parallel_loop3A_532 = vector.broadcast %parallel_loop3A_531 : f32 to vector<16xf32>
      %parallel_loop3A_533 = arith.select %parallel_loop3A_530, %parallel_loop3A_526, %parallel_loop3A_532 : vector<16xi1>, vector<16xf32>
      %parallel_loop3A_534 = arith.select %parallel_loop3A_528, %parallel_loop3A_517, %parallel_loop3A_533 : vector<16xi1>, vector<16xf32>
      %parallel_loop3A_535 = arith.constant 0 : i32
      %parallel_loop3A_536 = arith.addi %parallel_loop3A_535, %parallel_loop3A_404 : i32
      %parallel_loop3A_537 = arith.index_cast %parallel_loop3A_536 : i32 to index
      %parallel_loop3A_538 = arith.constant 48 : index
      %parallel_loop3A_539 = tpu.vector_load %arg6[%parallel_loop3A_537, %parallel_loop3A_538] {strides = array<i32>} : memref<256x128xf32, #tpu.memory_space<vmem>>, vector<16xf32>,
      tpu.vector_store %arg6[%parallel_loop3A_537, %parallel_loop3A_538], %parallel_loop3A_534 {strides = array<i32>} : memref<256x128xf32, #tpu.memory_space<vmem>>, vector<16xf32>,
      %parallel_loop3A_540 = vector.broadcast %parallel_loop3A_424 : i32 to vector<16xi32>
      %parallel_loop3A_541 = arith.addi %parallel_loop3A_540, %add3A_15 : vector<16xi32>
      %parallel_loop3A_542 = arith.constant 0 : i32
      %parallel_loop3A_543 = vector.broadcast %parallel_loop3A_542 : i32 to vector<16xi32>
      %parallel_loop3A_544 = arith.maxsi %parallel_loop3A_541, %parallel_loop3A_543 : vector<16xi32>
      %parallel_loop3A_545 = tpu.vector_load_idx %arg5[%parallel_loop3A_427, %parallel_loop3A_544] : memref<256x256xf32, #tpu.memory_space<vmem>>[vector<16xi32>, vector<16xi32>], vector<16xf32>,
      %parallel_loop3A_546 = arith.constant 0 : i32
      %parallel_loop3A_547 = vector.broadcast %parallel_loop3A_546 : i32 to vector<16xi32>
      %parallel_loop3A_548 = arith.addi %parallel_loop3A_547, %add3A_15 : vector<16xi32>
      %parallel_loop3A_549 = vector.broadcast %parallel_loop3A_404 : i32 to vector<16xi32>
      %parallel_loop3A_550 = arith.addi %get3A_92, %parallel_loop3A_549 : vector<16xi32>
      %parallel_loop3A_551 = arith.constant 0 : i32
      %parallel_loop3A_552 = vector.broadcast %parallel_loop3A_551 : i32 to vector<16xi32>
      %parallel_loop3A_553 = arith.maxsi %parallel_loop3A_550, %parallel_loop3A_552 : vector<16xi32>
      %parallel_loop3A_554 = tpu.vector_load_idx %arg5[%parallel_loop3A_548, %parallel_loop3A_553] : memref<256x256xf32, #tpu.memory_space<vmem>>[vector<16xi32>, vector<16xi32>], vector<16xf32>,
      %parallel_loop3A_555 = vector.broadcast %parallel_loop3A_404 : i32 to vector<16xi32>
      %parallel_loop3A_556 = arith.cmpi sgt, %add3A_15, %parallel_loop3A_555 : vector<16xi32>
      %parallel_loop3A_557 = vector.broadcast %parallel_loop3A_404 : i32 to vector<16xi32>
      %parallel_loop3A_558 = arith.cmpi slt, %add3A_15, %parallel_loop3A_557 : vector<16xi32>
      %parallel_loop3A_559 = arith.constant 1.000000e+00 : f32
      %parallel_loop3A_560 = vector.broadcast %parallel_loop3A_559 : f32 to vector<16xf32>
      %parallel_loop3A_561 = arith.select %parallel_loop3A_558, %parallel_loop3A_554, %parallel_loop3A_560 : vector<16xi1>, vector<16xf32>
      %parallel_loop3A_562 = arith.select %parallel_loop3A_556, %parallel_loop3A_545, %parallel_loop3A_561 : vector<16xi1>, vector<16xf32>
      %parallel_loop3A_563 = arith.constant 0 : i32
      %parallel_loop3A_564 = arith.addi %parallel_loop3A_563, %parallel_loop3A_404 : i32
      %parallel_loop3A_565 = arith.index_cast %parallel_loop3A_564 : i32 to index
      %parallel_loop3A_566 = arith.constant 64 : index
      %parallel_loop3A_567 = tpu.vector_load %arg6[%parallel_loop3A_565, %parallel_loop3A_566] {strides = array<i32>} : memref<256x128xf32, #tpu.memory_space<vmem>>, vector<16xf32>,
      tpu.vector_store %arg6[%parallel_loop3A_565, %parallel_loop3A_566], %parallel_loop3A_562 {strides = array<i32>} : memref<256x128xf32, #tpu.memory_space<vmem>>, vector<16xf32>,
      %parallel_loop3A_568 = vector.broadcast %parallel_loop3A_424 : i32 to vector<16xi32>
      %parallel_loop3A_569 = arith.addi %parallel_loop3A_568, %add3A_18 : vector<16xi32>
      %parallel_loop3A_570 = arith.constant 0 : i32
      %parallel_loop3A_571 = vector.broadcast %parallel_loop3A_570 : i32 to vector<16xi32>
      %parallel_loop3A_572 = arith.maxsi %parallel_loop3A_569, %parallel_loop3A_571 : vector<16xi32>
      %parallel_loop3A_573 = tpu.vector_load_idx %arg5[%parallel_loop3A_427, %parallel_loop3A_572] : memref<256x256xf32, #tpu.memory_space<vmem>>[vector<16xi32>, vector<16xi32>], vector<16xf32>,
      %parallel_loop3A_574 = arith.constant 0 : i32
      %parallel_loop3A_575 = vector.broadcast %parallel_loop3A_574 : i32 to vector<16xi32>
      %parallel_loop3A_576 = arith.addi %parallel_loop3A_575, %add3A_18 : vector<16xi32>
      %parallel_loop3A_577 = vector.broadcast %parallel_loop3A_404 : i32 to vector<16xi32>
      %parallel_loop3A_578 = arith.addi %get3A_96, %parallel_loop3A_577 : vector<16xi32>
      %parallel_loop3A_579 = arith.constant 0 : i32
      %parallel_loop3A_580 = vector.broadcast %parallel_loop3A_579 : i32 to vector<16xi32>
      %parallel_loop3A_581 = arith.maxsi %parallel_loop3A_578, %parallel_loop3A_580 : vector<16xi32>
      %parallel_loop3A_582 = tpu.vector_load_idx %arg5[%parallel_loop3A_576, %parallel_loop3A_581] : memref<256x256xf32, #tpu.memory_space<vmem>>[vector<16xi32>, vector<16xi32>], vector<16xf32>,
      %parallel_loop3A_583 = vector.broadcast %parallel_loop3A_404 : i32 to vector<16xi32>
      %parallel_loop3A_584 = arith.cmpi sgt, %add3A_18, %parallel_loop3A_583 : vector<16xi32>
      %parallel_loop3A_585 = vector.broadcast %parallel_loop3A_404 : i32 to vector<16xi32>
      %parallel_loop3A_586 = arith.cmpi slt, %add3A_18, %parallel_loop3A_585 : vector<16xi32>
      %parallel_loop3A_587 = arith.constant 1.000000e+00 : f32
      %parallel_loop3A_588 = vector.broadcast %parallel_loop3A_587 : f32 to vector<16xf32>
      %parallel_loop3A_589 = arith.select %parallel_loop3A_586, %parallel_loop3A_582, %parallel_loop3A_588 : vector<16xi1>, vector<16xf32>
      %parallel_loop3A_590 = arith.select %parallel_loop3A_584, %parallel_loop3A_573, %parallel_loop3A_589 : vector<16xi1>, vector<16xf32>
      %parallel_loop3A_591 = arith.constant 0 : i32
      %parallel_loop3A_592 = arith.addi %parallel_loop3A_591, %parallel_loop3A_404 : i32
      %parallel_loop3A_593 = arith.index_cast %parallel_loop3A_592 : i32 to index
      %parallel_loop3A_594 = arith.constant 80 : index
      %parallel_loop3A_595 = tpu.vector_load %arg6[%parallel_loop3A_593, %parallel_loop3A_594] {strides = array<i32>} : memref<256x128xf32, #tpu.memory_space<vmem>>, vector<16xf32>,
      tpu.vector_store %arg6[%parallel_loop3A_593, %parallel_loop3A_594], %parallel_loop3A_590 {strides = array<i32>} : memref<256x128xf32, #tpu.memory_space<vmem>>, vector<16xf32>,
      %parallel_loop3A_596 = vector.broadcast %parallel_loop3A_424 : i32 to vector<16xi32>
      %parallel_loop3A_597 = arith.addi %parallel_loop3A_596, %add3A_21 : vector<16xi32>
      %parallel_loop3A_598 = arith.constant 0 : i32
      %parallel_loop3A_599 = vector.broadcast %parallel_loop3A_598 : i32 to vector<16xi32>
      %parallel_loop3A_600 = arith.maxsi %parallel_loop3A_597, %parallel_loop3A_599 : vector<16xi32>
      %parallel_loop3A_601 = tpu.vector_load_idx %arg5[%parallel_loop3A_427, %parallel_loop3A_600] : memref<256x256xf32, #tpu.memory_space<vmem>>[vector<16xi32>, vector<16xi32>], vector<16xf32>,
      %parallel_loop3A_602 = arith.constant 0 : i32
      %parallel_loop3A_603 = vector.broadcast %parallel_loop3A_602 : i32 to vector<16xi32>
      %parallel_loop3A_604 = arith.addi %parallel_loop3A_603, %add3A_21 : vector<16xi32>
      %parallel_loop3A_605 = vector.broadcast %parallel_loop3A_404 : i32 to vector<16xi32>
      %parallel_loop3A_606 = arith.addi %get3A_100, %parallel_loop3A_605 : vector<16xi32>
      %parallel_loop3A_607 = arith.constant 0 : i32
      %parallel_loop3A_608 = vector.broadcast %parallel_loop3A_607 : i32 to vector<16xi32>
      %parallel_loop3A_609 = arith.maxsi %parallel_loop3A_606, %parallel_loop3A_608 : vector<16xi32>
      %parallel_loop3A_610 = tpu.vector_load_idx %arg5[%parallel_loop3A_604, %parallel_loop3A_609] : memref<256x256xf32, #tpu.memory_space<vmem>>[vector<16xi32>, vector<16xi32>], vector<16xf32>,
      %parallel_loop3A_611 = vector.broadcast %parallel_loop3A_404 : i32 to vector<16xi32>
      %parallel_loop3A_612 = arith.cmpi sgt, %add3A_21, %parallel_loop3A_611 : vector<16xi32>
      %parallel_loop3A_613 = vector.broadcast %parallel_loop3A_404 : i32 to vector<16xi32>
      %parallel_loop3A_614 = arith.cmpi slt, %add3A_21, %parallel_loop3A_613 : vector<16xi32>
      %parallel_loop3A_615 = arith.constant 1.000000e+00 : f32
      %parallel_loop3A_616 = vector.broadcast %parallel_loop3A_615 : f32 to vector<16xf32>
      %parallel_loop3A_617 = arith.select %parallel_loop3A_614, %parallel_loop3A_610, %parallel_loop3A_616 : vector<16xi1>, vector<16xf32>
      %parallel_loop3A_618 = arith.select %parallel_loop3A_612, %parallel_loop3A_601, %parallel_loop3A_617 : vector<16xi1>, vector<16xf32>
      %parallel_loop3A_619 = arith.constant 0 : i32
      %parallel_loop3A_620 = arith.addi %parallel_loop3A_619, %parallel_loop3A_404 : i32
      %parallel_loop3A_621 = arith.index_cast %parallel_loop3A_620 : i32 to index
      %parallel_loop3A_622 = arith.constant 96 : index
      %parallel_loop3A_623 = tpu.vector_load %arg6[%parallel_loop3A_621, %parallel_loop3A_622] {strides = array<i32>} : memref<256x128xf32, #tpu.memory_space<vmem>>, vector<16xf32>,
      tpu.vector_store %arg6[%parallel_loop3A_621, %parallel_loop3A_622], %parallel_loop3A_618 {strides = array<i32>} : memref<256x128xf32, #tpu.memory_space<vmem>>, vector<16xf32>,
      %parallel_loop3A_624 = vector.broadcast %parallel_loop3A_424 : i32 to vector<16xi32>
      %parallel_loop3A_625 = arith.addi %parallel_loop3A_624, %add3A_24 : vector<16xi32>
      %parallel_loop3A_626 = arith.constant 0 : i32
      %parallel_loop3A_627 = vector.broadcast %parallel_loop3A_626 : i32 to vector<16xi32>
      %parallel_loop3A_628 = arith.maxsi %parallel_loop3A_625, %parallel_loop3A_627 : vector<16xi32>
      %parallel_loop3A_629 = tpu.vector_load_idx %arg5[%parallel_loop3A_427, %parallel_loop3A_628] : memref<256x256xf32, #tpu.memory_space<vmem>>[vector<16xi32>, vector<16xi32>], vector<16xf32>,
      %parallel_loop3A_630 = arith.constant 0 : i32
      %parallel_loop3A_631 = vector.broadcast %parallel_loop3A_630 : i32 to vector<16xi32>
      %parallel_loop3A_632 = arith.addi %parallel_loop3A_631, %add3A_24 : vector<16xi32>
      %parallel_loop3A_633 = vector.broadcast %parallel_loop3A_404 : i32 to vector<16xi32>
      %parallel_loop3A_634 = arith.addi %get3A_104, %parallel_loop3A_633 : vector<16xi32>
      %parallel_loop3A_635 = arith.constant 0 : i32
      %parallel_loop3A_636 = vector.broadcast %parallel_loop3A_635 : i32 to vector<16xi32>
      %parallel_loop3A_637 = arith.maxsi %parallel_loop3A_634, %parallel_loop3A_636 : vector<16xi32>
      %parallel_loop3A_638 = tpu.vector_load_idx %arg5[%parallel_loop3A_632, %parallel_loop3A_637] : memref<256x256xf32, #tpu.memory_space<vmem>>[vector<16xi32>, vector<16xi32>], vector<16xf32>,
      %parallel_loop3A_639 = vector.broadcast %parallel_loop3A_404 : i32 to vector<16xi32>
      %parallel_loop3A_640 = arith.cmpi sgt, %add3A_24, %parallel_loop3A_639 : vector<16xi32>
      %parallel_loop3A_641 = vector.broadcast %parallel_loop3A_404 : i32 to vector<16xi32>
      %parallel_loop3A_642 = arith.cmpi slt, %add3A_24, %parallel_loop3A_641 : vector<16xi32>
      %parallel_loop3A_643 = arith.constant 1.000000e+00 : f32
      %parallel_loop3A_644 = vector.broadcast %parallel_loop3A_643 : f32 to vector<16xf32>
      %parallel_loop3A_645 = arith.select %parallel_loop3A_642, %parallel_loop3A_638, %parallel_loop3A_644 : vector<16xi1>, vector<16xf32>
      %parallel_loop3A_646 = arith.select %parallel_loop3A_640, %parallel_loop3A_629, %parallel_loop3A_645 : vector<16xi1>, vector<16xf32>
      %parallel_loop3A_647 = arith.constant 0 : i32
      %parallel_loop3A_648 = arith.addi %parallel_loop3A_647, %parallel_loop3A_404 : i32
      %parallel_loop3A_649 = arith.index_cast %parallel_loop3A_648 : i32 to index
      %parallel_loop3A_650 = arith.constant 112 : index
      %parallel_loop3A_651 = tpu.vector_load %arg6[%parallel_loop3A_649, %parallel_loop3A_650] {strides = array<i32>} : memref<256x128xf32, #tpu.memory_space<vmem>>, vector<16xf32>,
      tpu.vector_store %arg6[%parallel_loop3A_649, %parallel_loop3A_650], %parallel_loop3A_646 {strides = array<i32>} : memref<256x128xf32, #tpu.memory_space<vmem>>, vector<16xf32>,
    } {sc.loop_unroll_factor = 2 : i64, sc.parallel_access}
    %dma_start3A_107 = arith.constant 0 : i32
    %dma_start3A_108 = arith.constant 0 : i32
    %dma_start3A_109 = tpu.memref_slice %arg6[%dma_start3A_107, %dma_start3A_108] : memref<256x128xf32, #tpu.memory_space<vmem>> -> memref<128x128xf32, #tpu.memory_space<vmem>>
    %dma_start3A_110 = tpu.memref_slice %arg3[%mul3A_26, %mul3A_26] : memref<4096x4096xf32, #tpu.memory_space<hbm>> -> memref<128x128xf32, #tpu.memory_space<hbm>>
    %dma_start3A_111 = tpu.memref_slice %arg3[%mul3A_26, %mul3A_26] : memref<4096x4096xf32, #tpu.memory_space<hbm>> -> memref<128x128xf32, #tpu.memory_space<hbm>>
    %dma_start3A_112 = arith.constant 0 : i32
    %dma_start3A_113 = arith.constant 0 : i32
    %dma_start3A_114 = tpu.memref_slice %arg6[%dma_start3A_112, %dma_start3A_113] : memref<256x128xf32, #tpu.memory_space<vmem>> -> memref<128x128xf32, #tpu.memory_space<vmem>>
    tpu.enqueue_dma source(%dma_start3A_114 : memref<128x128xf32, #tpu.memory_space<vmem>>) target(%dma_start3A_111 : memref<128x128xf32, #tpu.memory_space<hbm>>) target_semaphore(%arg10 : memref<!tpu.dma_semaphore, #tpu.memory_space<semaphore_mem>>)
    %add3A_115 = arith.constant 0 : i32
    %add3A_116 = arith.addi %add3A_115, %add3A : i32
    %min3A = arith.constant 495 : i32
    %min3A_117 = arith.minsi %add3A_116, %min3A : i32
    %add3A_118 = arith.constant 0 : i32
    %add3A_119 = vector.broadcast %add3A_118 : i32 to vector<16xi32>
    %add3A_120 = arith.addi %add3A_119, %iota3A : vector<16xi32>
    %mul3A_121 = arith.constant 31 : i32
    %mul3A_122 = vector.broadcast %mul3A_121 : i32 to vector<16xi32>
    %mul3A_123 = arith.muli %mul3A_122, %add3A_120 : vector<16xi32>
    %sub3A = arith.constant 1 : i32
    %sub3A_124 = vector.broadcast %sub3A : i32 to vector<16xi32>
    %sub3A_125 = arith.subi %add3A_120, %sub3A_124 : vector<16xi32>
    %mul3A_126 = arith.muli %add3A_120, %sub3A_125 : vector<16xi32>
    %shift_right_logical3A = arith.constant 1 : i32
    %shift_right_logical3A_127 = vector.broadcast %shift_right_logical3A : i32 to vector<16xi32>
    %shift_right_logical3A_128 = arith.shrui %mul3A_126, %shift_right_logical3A_127 : vector<16xi32>
    %sub3A_129 = arith.subi %mul3A_123, %shift_right_logical3A_128 : vector<16xi32>
    %le3A = vector.broadcast %min3A_117 : i32 to vector<16xi32>
    %le3A_130 = arith.cmpi sle, %sub3A_129, %le3A : vector<16xi32>
    %jit3A = arith.constant 1 : i32
    %jit3A_131 = arith.constant 0 : i32
    %broadcast_in_dim3A = vector.broadcast %jit3A : i32 to vector<16xi32>
    %broadcast_in_dim3A_132 = vector.broadcast %jit3A_131 : i32 to vector<16xi32>
    %select_n3A = arith.select %le3A_130, %broadcast_in_dim3A, %broadcast_in_dim3A_132 : vector<16xi1>, vector<16xi32>
    %reduce_sum3A = arith.constant true
    %reduce_sum3A_133 = vector.broadcast %reduce_sum3A : i1 to vector<16xi1>
    %reduce_sum3A_134 = tpu.scan <sum>, %select_n3A masked %reduce_sum3A_133 : vector<16xi32>, vector<16xi1> -> vector<16xi32>
    %reduce_sum3A_135 = vector.extract %reduce_sum3A_134[15] : i32 from vector<16xi32>
    %add3A_136 = arith.constant -1 : i32
    %add3A_137 = arith.addi %add3A_136, %reduce_sum3A_135 : i32
    %add3A_138 = arith.constant 16 : i32
    %add3A_139 = vector.broadcast %add3A_138 : i32 to vector<16xi32>
    %add3A_140 = arith.addi %add3A_139, %iota3A : vector<16xi32>
    %mul3A_141 = arith.constant 31 : i32
    %mul3A_142 = vector.broadcast %mul3A_141 : i32 to vector<16xi32>
    %mul3A_143 = arith.muli %mul3A_142, %add3A_140 : vector<16xi32>
    %sub3A_144 = arith.constant 1 : i32
    %sub3A_145 = vector.broadcast %sub3A_144 : i32 to vector<16xi32>
    %sub3A_146 = arith.subi %add3A_140, %sub3A_145 : vector<16xi32>
    %mul3A_147 = arith.muli %add3A_140, %sub3A_146 : vector<16xi32>
    %shift_right_logical3A_148 = arith.constant 1 : i32
    %shift_right_logical3A_149 = vector.broadcast %shift_right_logical3A_148 : i32 to vector<16xi32>
    %shift_right_logical3A_150 = arith.shrui %mul3A_147, %shift_right_logical3A_149 : vector<16xi32>
    %sub3A_151 = arith.subi %mul3A_143, %shift_right_logical3A_150 : vector<16xi32>
    %le3A_152 = vector.broadcast %min3A_117 : i32 to vector<16xi32>
    %le3A_153 = arith.cmpi sle, %sub3A_151, %le3A_152 : vector<16xi32>
    %jit3A_154 = arith.constant 1 : i32
    %jit3A_155 = arith.constant 0 : i32
    %broadcast_in_dim3A_156 = vector.broadcast %jit3A_154 : i32 to vector<16xi32>
    %broadcast_in_dim3A_157 = vector.broadcast %jit3A_155 : i32 to vector<16xi32>
    %select_n3A_158 = arith.select %le3A_153, %broadcast_in_dim3A_156, %broadcast_in_dim3A_157 : vector<16xi1>, vector<16xi32>
    %reduce_sum3A_159 = arith.constant true
    %reduce_sum3A_160 = vector.broadcast %reduce_sum3A_159 : i1 to vector<16xi1>
    %reduce_sum3A_161 = tpu.scan <sum>, %select_n3A_158 masked %reduce_sum3A_160 : vector<16xi32>, vector<16xi1> -> vector<16xi32>
    %reduce_sum3A_162 = vector.extract %reduce_sum3A_161[15] : i32 from vector<16xi32>
    %add3A_163 = arith.addi %add3A_137, %reduce_sum3A_162 : i32
    %mul3A_164 = arith.constant 31 : i32
    %mul3A_165 = arith.muli %mul3A_164, %add3A_163 : i32
    %sub3A_166 = arith.constant 1 : i32
    %sub3A_167 = arith.subi %add3A_163, %sub3A_166 : i32
    %mul3A_168 = arith.muli %add3A_163, %sub3A_167 : i32
    %shift_right_logical3A_169 = arith.constant 1 : i32
    %shift_right_logical3A_170 = arith.shrui %mul3A_168, %shift_right_logical3A_169 : i32
    %sub3A_171 = arith.subi %mul3A_165, %shift_right_logical3A_170 : i32
    %add3A_172 = arith.constant 1 : i32
    %add3A_173 = arith.addi %add3A_163, %add3A_172 : i32
    %sub3A_174 = arith.subi %min3A_117, %sub3A_171 : i32
    %add3A_175 = arith.addi %add3A_173, %sub3A_174 : i32
    %mul3A_176 = arith.constant 128 : i32
    %mul3A_177 = arith.muli %add3A_163, %mul3A_176 : i32
    %mul3A_178 = arith.constant 128 : i32
    %mul3A_179 = arith.muli %add3A_175, %mul3A_178 : i32
    %scan3A_180 = arith.constant 0 : i32
    %scan3A_181 = arith.constant 0 : i32
    %scan3A_182 = arith.constant 8 : i32
    %scan3A_183 = arith.addi %scan3A_181, %scan3A_182 : i32
    %scan3A_184 = arith.constant 1 : i32
    scf.for %scan3A_404 = %scan3A_181 to %scan3A_183 step %scan3A_184  : i32 {
      %mul3A_405 = arith.constant 16 : i32
      %mul3A_406 = arith.muli %scan3A_404, %mul3A_405 : i32
      %add3A_407 = arith.addi %mul3A_177, %mul3A_406 : i32
      %add3A_408 = vector.broadcast %add3A_407 : i32 to vector<16xi32>
      %add3A_409 = arith.addi %add3A_408, %iota3A : vector<16xi32>
      %mul3A_410 = arith.constant 4096 : i32
      %mul3A_411 = vector.broadcast %mul3A_410 : i32 to vector<16xi32>
      %mul3A_412 = arith.muli %add3A_409, %mul3A_411 : vector<16xi32>
      %add3A_413 = arith.constant 1 : i32
      %add3A_414 = vector.broadcast %add3A_413 : i32 to vector<16xi32>
      %add3A_415 = arith.addi %add3A_409, %add3A_414 : vector<16xi32>
      %mul3A_416 = arith.muli %add3A_409, %add3A_415 : vector<16xi32>
      %shift_right_logical3A_417 = arith.constant 1 : i32
      %shift_right_logical3A_418 = vector.broadcast %shift_right_logical3A_417 : i32 to vector<16xi32>
      %shift_right_logical3A_419 = arith.shrui %mul3A_416, %shift_right_logical3A_418 : vector<16xi32>
      %sub3A_420 = arith.subi %mul3A_412, %shift_right_logical3A_419 : vector<16xi32>
      %sub3A_421 = arith.constant 1 : i32
      %sub3A_422 = arith.subi %mul3A_179, %sub3A_421 : i32
      %add3A_423 = vector.broadcast %sub3A_422 : i32 to vector<16xi32>
      %add3A_424 = arith.addi %sub3A_420, %add3A_423 : vector<16xi32>
      %sub3A_425 = arith.subi %add3A_424, %add3A_409 : vector<16xi32>
      %shift_right_arithmetic3A = arith.constant 7 : i32
      %shift_right_arithmetic3A_426 = vector.broadcast %shift_right_arithmetic3A : i32 to vector<16xi32>
      %shift_right_arithmetic3A_427 = arith.shrsi %sub3A_425, %shift_right_arithmetic3A_426 : vector<16xi32>
      %max3A = arith.constant 0 : i32
      %max3A_428 = vector.broadcast %max3A : i32 to vector<16xi32>
      %max3A_429 = arith.maxsi %shift_right_arithmetic3A_427, %max3A_428 : vector<16xi32>
      %shift_left3A = arith.constant 7 : i32
      %shift_left3A_430 = vector.broadcast %shift_left3A : i32 to vector<16xi32>
      %shift_left3A_431 = arith.shli %max3A_429, %shift_left3A_430 : vector<16xi32>
      %sub3A_432 = arith.subi %sub3A_425, %shift_left3A_431 : vector<16xi32>
      %mul3A_433 = arith.constant 16 : i32
      %mul3A_434 = arith.muli %scan3A_404, %mul3A_433 : i32
      %swap3A = arith.constant 0 : i32
      %swap3A_435 = arith.index_cast %swap3A : i32 to index
      %swap3A_436 = arith.index_cast %mul3A_434 : i32 to index
      %swap3A_437 = tpu.vector_load %arg7[%swap3A_435, %swap3A_436] {strides = array<i32>} : memref<2x128xi32, #tpu.memory_space<vmem>>, vector<16xi32>,
      tpu.vector_store %arg7[%swap3A_435, %swap3A_436], %sub3A_432 {strides = array<i32>} : memref<2x128xi32, #tpu.memory_space<vmem>>, vector<16xi32>,
      %mul3A_438 = arith.constant 16 : i32
      %mul3A_439 = arith.muli %scan3A_404, %mul3A_438 : i32
      %swap3A_440 = arith.constant 0 : i32
      %swap3A_441 = arith.constant 0 : i32
      %swap3A_442 = arith.index_cast %swap3A_440 : i32 to index
      %swap3A_443 = arith.index_cast %swap3A_441 : i32 to index
      %swap3A_444 = arith.index_cast %mul3A_439 : i32 to index
      %swap3A_445 = tpu.vector_load %arg4[%swap3A_442, %swap3A_443, %swap3A_444] {strides = array<i32>} : memref<2x2x128xi32, #tpu.memory_space<vmem>>, vector<16xi32>,
      tpu.vector_store %arg4[%swap3A_442, %swap3A_443, %swap3A_444], %max3A_429 {strides = array<i32>} : memref<2x2x128xi32, #tpu.memory_space<vmem>>, vector<16xi32>,
      %add3A_446 = arith.constant 1 : i32
      %add3A_447 = vector.broadcast %add3A_446 : i32 to vector<16xi32>
      %add3A_448 = arith.addi %max3A_429, %add3A_447 : vector<16xi32>
      %min3A_449 = arith.constant 65519 : i32
      %min3A_450 = vector.broadcast %min3A_449 : i32 to vector<16xi32>
      %min3A_451 = arith.minsi %add3A_448, %min3A_450 : vector<16xi32>
      %mul3A_452 = arith.constant 16 : i32
      %mul3A_453 = arith.muli %scan3A_404, %mul3A_452 : i32
      %swap3A_454 = arith.constant 0 : i32
      %swap3A_455 = arith.constant 1 : i32
      %swap3A_456 = arith.index_cast %swap3A_454 : i32 to index
      %swap3A_457 = arith.index_cast %swap3A_455 : i32 to index
      %swap3A_458 = arith.index_cast %mul3A_453 : i32 to index
      %swap3A_459 = tpu.vector_load %arg4[%swap3A_456, %swap3A_457, %swap3A_458] {strides = array<i32>} : memref<2x2x128xi32, #tpu.memory_space<vmem>>, vector<16xi32>,
      tpu.vector_store %arg4[%swap3A_456, %swap3A_457, %swap3A_458], %min3A_451 {strides = array<i32>} : memref<2x2x128xi32, #tpu.memory_space<vmem>>, vector<16xi32>,
    }
    %scan3A_185 = arith.constant 8 : i32
    %dma_start3A_186 = arith.constant 0 : i32
    %dma_start3A_187 = arith.constant 0 : i32
    %dma_start3A_188 = arith.constant 0 : i32
    %dma_start3A_189 = arith.constant 0 : i32
    %dma_start3A_190 = tpu.memref_slice %arg5[%dma_start3A_188, %dma_start3A_189] : memref<256x256xf32, #tpu.memory_space<vmem>> -> memref<128x128xf32, #tpu.memory_space<vmem>>
    %dma_start3A_191 = arith.constant 0 : i32
    %dma_start3A_192 = tpu.memref_slice %arg4[%dma_start3A_186, %dma_start3A_187, %dma_start3A_191] : memref<2x2x128xi32, #tpu.memory_space<vmem>> -> memref<1x1x128xi32, #tpu.memory_space<vmem>>
    %dma_start3A_193 = tpu.memref_squeeze %dma_start3A_192 : memref<1x1x128xi32, #tpu.memory_space<vmem>> -> memref<128xi32, #tpu.memory_space<vmem>>
    %dma_start3A_194 = arith.constant 0 : i32
    %dma_start3A_195 = arith.constant 0 : i32
    %dma_start3A_196 = tpu.memref_slice %arg2[%dma_start3A_194, %dma_start3A_195] : memref<65520x128xf32, #tpu.memory_space<hbm>> -> memref<65520x128xf32, #tpu.memory_space<hbm>>
    tpu.enqueue_indirect_dma source(%dma_start3A_196 : memref<65520x128xf32, #tpu.memory_space<hbm>>) target(%dma_start3A_190 : memref<128x128xf32, #tpu.memory_space<vmem>>) offsets(%dma_start3A_193 : memref<128xi32, #tpu.memory_space<vmem>>) semaphore(%arg8 : memref<!tpu.dma_semaphore, #tpu.memory_space<semaphore_mem>>)
    %dma_start3A_197 = arith.constant 0 : i32
    %dma_start3A_198 = arith.constant 1 : i32
    %dma_start3A_199 = arith.constant 0 : i32
    %dma_start3A_200 = arith.constant 128 : i32
    %dma_start3A_201 = tpu.memref_slice %arg5[%dma_start3A_199, %dma_start3A_200] : memref<256x256xf32, #tpu.memory_space<vmem>> -> memref<128x128xf32, #tpu.memory_space<vmem>>
    %dma_start3A_202 = arith.constant 0 : i32
    %dma_start3A_203 = tpu.memref_slice %arg4[%dma_start3A_197, %dma_start3A_198, %dma_start3A_202] : memref<2x2x128xi32, #tpu.memory_space<vmem>> -> memref<1x1x128xi32, #tpu.memory_space<vmem>>
    %dma_start3A_204 = tpu.memref_squeeze %dma_start3A_203 : memref<1x1x128xi32, #tpu.memory_space<vmem>> -> memref<128xi32, #tpu.memory_space<vmem>>
    %dma_start3A_205 = arith.constant 0 : i32
    %dma_start3A_206 = arith.constant 0 : i32
    %dma_start3A_207 = tpu.memref_slice %arg2[%dma_start3A_205, %dma_start3A_206] : memref<65520x128xf32, #tpu.memory_space<hbm>> -> memref<65520x128xf32, #tpu.memory_space<hbm>>
    tpu.enqueue_indirect_dma source(%dma_start3A_207 : memref<65520x128xf32, #tpu.memory_space<hbm>>) target(%dma_start3A_201 : memref<128x128xf32, #tpu.memory_space<vmem>>) offsets(%dma_start3A_204 : memref<128xi32, #tpu.memory_space<vmem>>) semaphore(%arg8 : memref<!tpu.dma_semaphore, #tpu.memory_space<semaphore_mem>>)
    %add3A_208 = arith.constant 32 : i32
    %add3A_209 = arith.addi %add3A_208, %add3A : i32
    %min3A_210 = arith.constant 495 : i32
    %min3A_211 = arith.minsi %add3A_209, %min3A_210 : i32
    %add3A_212 = arith.constant 0 : i32
    %add3A_213 = vector.broadcast %add3A_212 : i32 to vector<16xi32>
    %add3A_214 = arith.addi %add3A_213, %iota3A : vector<16xi32>
    %mul3A_215 = arith.constant 31 : i32
    %mul3A_216 = vector.broadcast %mul3A_215 : i32 to vector<16xi32>
    %mul3A_217 = arith.muli %mul3A_216, %add3A_214 : vector<16xi32>
    %sub3A_218 = arith.constant 1 : i32
    %sub3A_219 = vector.broadcast %sub3A_218 : i32 to vector<16xi32>
    %sub3A_220 = arith.subi %add3A_214, %sub3A_219 : vector<16xi32>
    %mul3A_221 = arith.muli %add3A_214, %sub3A_220 : vector<16xi32>
    %shift_right_logical3A_222 = arith.constant 1 : i32
    %shift_right_logical3A_223 = vector.broadcast %shift_right_logical3A_222 : i32 to vector<16xi32>
    %shift_right_logical3A_224 = arith.shrui %mul3A_221, %shift_right_logical3A_223 : vector<16xi32>
    %sub3A_225 = arith.subi %mul3A_217, %shift_right_logical3A_224 : vector<16xi32>
    %le3A_226 = vector.broadcast %min3A_211 : i32 to vector<16xi32>
    %le3A_227 = arith.cmpi sle, %sub3A_225, %le3A_226 : vector<16xi32>
    %jit3A_228 = arith.constant 1 : i32
    %jit3A_229 = arith.constant 0 : i32
    %broadcast_in_dim3A_230 = vector.broadcast %jit3A_228 : i32 to vector<16xi32>
    %broadcast_in_dim3A_231 = vector.broadcast %jit3A_229 : i32 to vector<16xi32>
    %select_n3A_232 = arith.select %le3A_227, %broadcast_in_dim3A_230, %broadcast_in_dim3A_231 : vector<16xi1>, vector<16xi32>
    %reduce_sum3A_233 = arith.constant true
    %reduce_sum3A_234 = vector.broadcast %reduce_sum3A_233 : i1 to vector<16xi1>
    %reduce_sum3A_235 = tpu.scan <sum>, %select_n3A_232 masked %reduce_sum3A_234 : vector<16xi32>, vector<16xi1> -> vector<16xi32>
    %reduce_sum3A_236 = vector.extract %reduce_sum3A_235[15] : i32 from vector<16xi32>
    %add3A_237 = arith.constant -1 : i32
    %add3A_238 = arith.addi %add3A_237, %reduce_sum3A_236 : i32
    %add3A_239 = arith.constant 16 : i32
    %add3A_240 = vector.broadcast %add3A_239 : i32 to vector<16xi32>
    %add3A_241 = arith.addi %add3A_240, %iota3A : vector<16xi32>
    %mul3A_242 = arith.constant 31 : i32
    %mul3A_243 = vector.broadcast %mul3A_242 : i32 to vector<16xi32>
    %mul3A_244 = arith.muli %mul3A_243, %add3A_241 : vector<16xi32>
    %sub3A_245 = arith.constant 1 : i32
    %sub3A_246 = vector.broadcast %sub3A_245 : i32 to vector<16xi32>
    %sub3A_247 = arith.subi %add3A_241, %sub3A_246 : vector<16xi32>
    %mul3A_248 = arith.muli %add3A_241, %sub3A_247 : vector<16xi32>
    %shift_right_logical3A_249 = arith.constant 1 : i32
    %shift_right_logical3A_250 = vector.broadcast %shift_right_logical3A_249 : i32 to vector<16xi32>
    %shift_right_logical3A_251 = arith.shrui %mul3A_248, %shift_right_logical3A_250 : vector<16xi32>
    %sub3A_252 = arith.subi %mul3A_244, %shift_right_logical3A_251 : vector<16xi32>
    %le3A_253 = vector.broadcast %min3A_211 : i32 to vector<16xi32>
    %le3A_254 = arith.cmpi sle, %sub3A_252, %le3A_253 : vector<16xi32>
    %jit3A_255 = arith.constant 1 : i32
    %jit3A_256 = arith.constant 0 : i32
    %broadcast_in_dim3A_257 = vector.broadcast %jit3A_255 : i32 to vector<16xi32>
    %broadcast_in_dim3A_258 = vector.broadcast %jit3A_256 : i32 to vector<16xi32>
    %select_n3A_259 = arith.select %le3A_254, %broadcast_in_dim3A_257, %broadcast_in_dim3A_258 : vector<16xi1>, vector<16xi32>
    %reduce_sum3A_260 = arith.constant true
    %reduce_sum3A_261 = vector.broadcast %reduce_sum3A_260 : i1 to vector<16xi1>
    %reduce_sum3A_262 = tpu.scan <sum>, %select_n3A_259 masked %reduce_sum3A_261 : vector<16xi32>, vector<16xi1> -> vector<16xi32>
    %reduce_sum3A_263 = vector.extract %reduce_sum3A_262[15] : i32 from vector<16xi32>
    %add3A_264 = arith.addi %add3A_238, %reduce_sum3A_263 : i32
    %mul3A_265 = arith.constant 31 : i32
    %mul3A_266 = arith.muli %mul3A_265, %add3A_264 : i32
    %sub3A_267 = arith.constant 1 : i32
    %sub3A_268 = arith.subi %add3A_264, %sub3A_267 : i32
    %mul3A_269 = arith.muli %add3A_264, %sub3A_268 : i32
    %shift_right_logical3A_270 = arith.constant 1 : i32
    %shift_right_logical3A_271 = arith.shrui %mul3A_269, %shift_right_logical3A_270 : i32
    %sub3A_272 = arith.subi %mul3A_266, %shift_right_logical3A_271 : i32
    %add3A_273 = arith.constant 1 : i32
    %add3A_274 = arith.addi %add3A_264, %add3A_273 : i32
    %sub3A_275 = arith.subi %min3A_211, %sub3A_272 : i32
    %add3A_276 = arith.addi %add3A_274, %sub3A_275 : i32
    %mul3A_277 = arith.constant 128 : i32
    %mul3A_278 = arith.muli %add3A_264, %mul3A_277 : i32
    %mul3A_279 = arith.constant 128 : i32
    %mul3A_280 = arith.muli %add3A_276, %mul3A_279 : i32
    %scan3A_281 = arith.constant 0 : i32
    %scan3A_282 = arith.constant 0 : i32
    %scan3A_283 = arith.constant 8 : i32
    %scan3A_284 = arith.addi %scan3A_282, %scan3A_283 : i32
    %scan3A_285 = arith.constant 1 : i32
    scf.for %scan3A_404 = %scan3A_282 to %scan3A_284 step %scan3A_285  : i32 {
      %mul3A_405 = arith.constant 16 : i32
      %mul3A_406 = arith.muli %scan3A_404, %mul3A_405 : i32
      %add3A_407 = arith.addi %mul3A_278, %mul3A_406 : i32
      %add3A_408 = vector.broadcast %add3A_407 : i32 to vector<16xi32>
      %add3A_409 = arith.addi %add3A_408, %iota3A : vector<16xi32>
      %mul3A_410 = arith.constant 4096 : i32
      %mul3A_411 = vector.broadcast %mul3A_410 : i32 to vector<16xi32>
      %mul3A_412 = arith.muli %add3A_409, %mul3A_411 : vector<16xi32>
      %add3A_413 = arith.constant 1 : i32
      %add3A_414 = vector.broadcast %add3A_413 : i32 to vector<16xi32>
      %add3A_415 = arith.addi %add3A_409, %add3A_414 : vector<16xi32>
      %mul3A_416 = arith.muli %add3A_409, %add3A_415 : vector<16xi32>
      %shift_right_logical3A_417 = arith.constant 1 : i32
      %shift_right_logical3A_418 = vector.broadcast %shift_right_logical3A_417 : i32 to vector<16xi32>
      %shift_right_logical3A_419 = arith.shrui %mul3A_416, %shift_right_logical3A_418 : vector<16xi32>
      %sub3A_420 = arith.subi %mul3A_412, %shift_right_logical3A_419 : vector<16xi32>
      %sub3A_421 = arith.constant 1 : i32
      %sub3A_422 = arith.subi %mul3A_280, %sub3A_421 : i32
      %add3A_423 = vector.broadcast %sub3A_422 : i32 to vector<16xi32>
      %add3A_424 = arith.addi %sub3A_420, %add3A_423 : vector<16xi32>
      %sub3A_425 = arith.subi %add3A_424, %add3A_409 : vector<16xi32>
      %shift_right_arithmetic3A = arith.constant 7 : i32
      %shift_right_arithmetic3A_426 = vector.broadcast %shift_right_arithmetic3A : i32 to vector<16xi32>
      %shift_right_arithmetic3A_427 = arith.shrsi %sub3A_425, %shift_right_arithmetic3A_426 : vector<16xi32>
      %max3A = arith.constant 0 : i32
      %max3A_428 = vector.broadcast %max3A : i32 to vector<16xi32>
      %max3A_429 = arith.maxsi %shift_right_arithmetic3A_427, %max3A_428 : vector<16xi32>
      %shift_left3A = arith.constant 7 : i32
      %shift_left3A_430 = vector.broadcast %shift_left3A : i32 to vector<16xi32>
      %shift_left3A_431 = arith.shli %max3A_429, %shift_left3A_430 : vector<16xi32>
      %sub3A_432 = arith.subi %sub3A_425, %shift_left3A_431 : vector<16xi32>
      %mul3A_433 = arith.constant 16 : i32
      %mul3A_434 = arith.muli %scan3A_404, %mul3A_433 : i32
      %swap3A = arith.constant 1 : i32
      %swap3A_435 = arith.index_cast %swap3A : i32 to index
      %swap3A_436 = arith.index_cast %mul3A_434 : i32 to index
      %swap3A_437 = tpu.vector_load %arg7[%swap3A_435, %swap3A_436] {strides = array<i32>} : memref<2x128xi32, #tpu.memory_space<vmem>>, vector<16xi32>,
      tpu.vector_store %arg7[%swap3A_435, %swap3A_436], %sub3A_432 {strides = array<i32>} : memref<2x128xi32, #tpu.memory_space<vmem>>, vector<16xi32>,
      %mul3A_438 = arith.constant 16 : i32
      %mul3A_439 = arith.muli %scan3A_404, %mul3A_438 : i32
      %swap3A_440 = arith.constant 1 : i32
      %swap3A_441 = arith.constant 0 : i32
      %swap3A_442 = arith.index_cast %swap3A_440 : i32 to index
      %swap3A_443 = arith.index_cast %swap3A_441 : i32 to index
      %swap3A_444 = arith.index_cast %mul3A_439 : i32 to index
      %swap3A_445 = tpu.vector_load %arg4[%swap3A_442, %swap3A_443, %swap3A_444] {strides = array<i32>} : memref<2x2x128xi32, #tpu.memory_space<vmem>>, vector<16xi32>,
      tpu.vector_store %arg4[%swap3A_442, %swap3A_443, %swap3A_444], %max3A_429 {strides = array<i32>} : memref<2x2x128xi32, #tpu.memory_space<vmem>>, vector<16xi32>,
      %add3A_446 = arith.constant 1 : i32
      %add3A_447 = vector.broadcast %add3A_446 : i32 to vector<16xi32>
      %add3A_448 = arith.addi %max3A_429, %add3A_447 : vector<16xi32>
      %min3A_449 = arith.constant 65519 : i32
      %min3A_450 = vector.broadcast %min3A_449 : i32 to vector<16xi32>
      %min3A_451 = arith.minsi %add3A_448, %min3A_450 : vector<16xi32>
      %mul3A_452 = arith.constant 16 : i32
      %mul3A_453 = arith.muli %scan3A_404, %mul3A_452 : i32
      %swap3A_454 = arith.constant 1 : i32
      %swap3A_455 = arith.constant 1 : i32
      %swap3A_456 = arith.index_cast %swap3A_454 : i32 to index
      %swap3A_457 = arith.index_cast %swap3A_455 : i32 to index
      %swap3A_458 = arith.index_cast %mul3A_453 : i32 to index
      %swap3A_459 = tpu.vector_load %arg4[%swap3A_456, %swap3A_457, %swap3A_458] {strides = array<i32>} : memref<2x2x128xi32, #tpu.memory_space<vmem>>, vector<16xi32>,
      tpu.vector_store %arg4[%swap3A_456, %swap3A_457, %swap3A_458], %min3A_451 {strides = array<i32>} : memref<2x2x128xi32, #tpu.memory_space<vmem>>, vector<16xi32>,
    }
    %scan3A_286 = arith.constant 8 : i32
    %dma_start3A_287 = arith.constant 1 : i32
    %dma_start3A_288 = arith.constant 0 : i32
    %dma_start3A_289 = arith.constant 128 : i32
    %dma_start3A_290 = arith.constant 0 : i32
    %dma_start3A_291 = tpu.memref_slice %arg5[%dma_start3A_289, %dma_start3A_290] : memref<256x256xf32, #tpu.memory_space<vmem>> -> memref<128x128xf32, #tpu.memory_space<vmem>>
    %dma_start3A_292 = arith.constant 0 : i32
    %dma_start3A_293 = tpu.memref_slice %arg4[%dma_start3A_287, %dma_start3A_288, %dma_start3A_292] : memref<2x2x128xi32, #tpu.memory_space<vmem>> -> memref<1x1x128xi32, #tpu.memory_space<vmem>>
    %dma_start3A_294 = tpu.memref_squeeze %dma_start3A_293 : memref<1x1x128xi32, #tpu.memory_space<vmem>> -> memref<128xi32, #tpu.memory_space<vmem>>
    %dma_start3A_295 = arith.constant 0 : i32
    %dma_start3A_296 = arith.constant 0 : i32
    %dma_start3A_297 = tpu.memref_slice %arg2[%dma_start3A_295, %dma_start3A_296] : memref<65520x128xf32, #tpu.memory_space<hbm>> -> memref<65520x128xf32, #tpu.memory_space<hbm>>
    tpu.enqueue_indirect_dma source(%dma_start3A_297 : memref<65520x128xf32, #tpu.memory_space<hbm>>) target(%dma_start3A_291 : memref<128x128xf32, #tpu.memory_space<vmem>>) offsets(%dma_start3A_294 : memref<128xi32, #tpu.memory_space<vmem>>) semaphore(%arg9 : memref<!tpu.dma_semaphore, #tpu.memory_space<semaphore_mem>>)
    %dma_start3A_298 = arith.constant 1 : i32
    %dma_start3A_299 = arith.constant 1 : i32
    %dma_start3A_300 = arith.constant 128 : i32
    %dma_start3A_301 = arith.constant 128 : i32
    %dma_start3A_302 = tpu.memref_slice %arg5[%dma_start3A_300, %dma_start3A_301] : memref<256x256xf32, #tpu.memory_space<vmem>> -> memref<128x128xf32, #tpu.memory_space<vmem>>
    %dma_start3A_303 = arith.constant 0 : i32
    %dma_start3A_304 = tpu.memref_slice %arg4[%dma_start3A_298, %dma_start3A_299, %dma_start3A_303] : memref<2x2x128xi32, #tpu.memory_space<vmem>> -> memref<1x1x128xi32, #tpu.memory_space<vmem>>
    %dma_start3A_305 = tpu.memref_squeeze %dma_start3A_304 : memref<1x1x128xi32, #tpu.memory_space<vmem>> -> memref<128xi32, #tpu.memory_space<vmem>>
    %dma_start3A_306 = arith.constant 0 : i32
    %dma_start3A_307 = arith.constant 0 : i32
    %dma_start3A_308 = tpu.memref_slice %arg2[%dma_start3A_306, %dma_start3A_307] : memref<65520x128xf32, #tpu.memory_space<hbm>> -> memref<65520x128xf32, #tpu.memory_space<hbm>>
    tpu.enqueue_indirect_dma source(%dma_start3A_308 : memref<65520x128xf32, #tpu.memory_space<hbm>>) target(%dma_start3A_302 : memref<128x128xf32, #tpu.memory_space<vmem>>) offsets(%dma_start3A_305 : memref<128xi32, #tpu.memory_space<vmem>>) semaphore(%arg9 : memref<!tpu.dma_semaphore, #tpu.memory_space<semaphore_mem>>)
    %scan3A_309 = arith.constant 0 : i32
    %scan3A_310 = arith.constant 0 : i32
    %scan3A_311 = arith.constant 8 : i32
    %scan3A_312 = arith.addi %scan3A_310, %scan3A_311 : i32
    %scan3A_313 = arith.constant 1 : i32
    scf.for %scan3A_404 = %scan3A_310 to %scan3A_312 step %scan3A_313  : i32 {
      %mul3A_405 = arith.constant 2 : i32
      %mul3A_406 = arith.muli %mul3A_405, %scan3A_404 : i32
      %add3A_407 = arith.constant 0 : i32
      %add3A_408 = arith.addi %mul3A_406, %add3A_407 : i32
      %mul3A_409 = arith.constant 32 : i32
      %mul3A_410 = arith.muli %add3A_408, %mul3A_409 : i32
      %add3A_411 = arith.addi %mul3A_410, %add3A : i32
      %min3A_412 = arith.constant 495 : i32
      %min3A_413 = arith.minsi %add3A_411, %min3A_412 : i32
      %add3A_414 = arith.constant 0 : i32
      %add3A_415 = vector.broadcast %add3A_414 : i32 to vector<16xi32>
      %add3A_416 = arith.addi %add3A_415, %iota3A : vector<16xi32>
      %mul3A_417 = arith.constant 31 : i32
      %mul3A_418 = vector.broadcast %mul3A_417 : i32 to vector<16xi32>
      %mul3A_419 = arith.muli %mul3A_418, %add3A_416 : vector<16xi32>
      %sub3A_420 = arith.constant 1 : i32
      %sub3A_421 = vector.broadcast %sub3A_420 : i32 to vector<16xi32>
      %sub3A_422 = arith.subi %add3A_416, %sub3A_421 : vector<16xi32>
      %mul3A_423 = arith.muli %add3A_416, %sub3A_422 : vector<16xi32>
      %shift_right_logical3A_424 = arith.constant 1 : i32
      %shift_right_logical3A_425 = vector.broadcast %shift_right_logical3A_424 : i32 to vector<16xi32>
      %shift_right_logical3A_426 = arith.shrui %mul3A_423, %shift_right_logical3A_425 : vector<16xi32>
      %sub3A_427 = arith.subi %mul3A_419, %shift_right_logical3A_426 : vector<16xi32>
      %le3A_428 = vector.broadcast %min3A_413 : i32 to vector<16xi32>
      %le3A_429 = arith.cmpi sle, %sub3A_427, %le3A_428 : vector<16xi32>
      %jit3A_430 = arith.constant 1 : i32
      %jit3A_431 = arith.constant 0 : i32
      %broadcast_in_dim3A_432 = vector.broadcast %jit3A_430 : i32 to vector<16xi32>
      %broadcast_in_dim3A_433 = vector.broadcast %jit3A_431 : i32 to vector<16xi32>
      %select_n3A_434 = arith.select %le3A_429, %broadcast_in_dim3A_432, %broadcast_in_dim3A_433 : vector<16xi1>, vector<16xi32>
      %reduce_sum3A_435 = arith.constant true
      %reduce_sum3A_436 = vector.broadcast %reduce_sum3A_435 : i1 to vector<16xi1>
      %reduce_sum3A_437 = tpu.scan <sum>, %select_n3A_434 masked %reduce_sum3A_436 : vector<16xi32>, vector<16xi1> -> vector<16xi32>
      %reduce_sum3A_438 = vector.extract %reduce_sum3A_437[15] : i32 from vector<16xi32>
      %add3A_439 = arith.constant -1 : i32
      %add3A_440 = arith.addi %add3A_439, %reduce_sum3A_438 : i32
      %add3A_441 = arith.constant 16 : i32
      %add3A_442 = vector.broadcast %add3A_441 : i32 to vector<16xi32>
      %add3A_443 = arith.addi %add3A_442, %iota3A : vector<16xi32>
      %mul3A_444 = arith.constant 31 : i32
      %mul3A_445 = vector.broadcast %mul3A_444 : i32 to vector<16xi32>
      %mul3A_446 = arith.muli %mul3A_445, %add3A_443 : vector<16xi32>
      %sub3A_447 = arith.constant 1 : i32
      %sub3A_448 = vector.broadcast %sub3A_447 : i32 to vector<16xi32>
      %sub3A_449 = arith.subi %add3A_443, %sub3A_448 : vector<16xi32>
      %mul3A_450 = arith.muli %add3A_443, %sub3A_449 : vector<16xi32>
      %shift_right_logical3A_451 = arith.constant 1 : i32
      %shift_right_logical3A_452 = vector.broadcast %shift_right_logical3A_451 : i32 to vector<16xi32>
      %shift_right_logical3A_453 = arith.shrui %mul3A_450, %shift_right_logical3A_452 : vector<16xi32>
      %sub3A_454 = arith.subi %mul3A_446, %shift_right_logical3A_453 : vector<16xi32>
      %le3A_455 = vector.broadcast %min3A_413 : i32 to vector<16xi32>
      %le3A_456 = arith.cmpi sle, %sub3A_454, %le3A_455 : vector<16xi32>
      %jit3A_457 = arith.constant 1 : i32
      %jit3A_458 = arith.constant 0 : i32
      %broadcast_in_dim3A_459 = vector.broadcast %jit3A_457 : i32 to vector<16xi32>
      %broadcast_in_dim3A_460 = vector.broadcast %jit3A_458 : i32 to vector<16xi32>
      %select_n3A_461 = arith.select %le3A_456, %broadcast_in_dim3A_459, %broadcast_in_dim3A_460 : vector<16xi1>, vector<16xi32>
      %reduce_sum3A_462 = arith.constant true
      %reduce_sum3A_463 = vector.broadcast %reduce_sum3A_462 : i1 to vector<16xi1>
      %reduce_sum3A_464 = tpu.scan <sum>, %select_n3A_461 masked %reduce_sum3A_463 : vector<16xi32>, vector<16xi1> -> vector<16xi32>
      %reduce_sum3A_465 = vector.extract %reduce_sum3A_464[15] : i32 from vector<16xi32>
      %add3A_466 = arith.addi %add3A_440, %reduce_sum3A_465 : i32
      %mul3A_467 = arith.constant 31 : i32
      %mul3A_468 = arith.muli %mul3A_467, %add3A_466 : i32
      %sub3A_469 = arith.constant 1 : i32
      %sub3A_470 = arith.subi %add3A_466, %sub3A_469 : i32
      %mul3A_471 = arith.muli %add3A_466, %sub3A_470 : i32
      %shift_right_logical3A_472 = arith.constant 1 : i32
      %shift_right_logical3A_473 = arith.shrui %mul3A_471, %shift_right_logical3A_472 : i32
      %sub3A_474 = arith.subi %mul3A_468, %shift_right_logical3A_473 : i32
      %add3A_475 = arith.constant 1 : i32
      %add3A_476 = arith.addi %add3A_466, %add3A_475 : i32
      %sub3A_477 = arith.subi %min3A_413, %sub3A_474 : i32
      %add3A_478 = arith.addi %add3A_476, %sub3A_477 : i32
      %mul3A_479 = arith.constant 128 : i32
      %mul3A_480 = arith.muli %add3A_466, %mul3A_479 : i32
      %mul3A_481 = arith.constant 128 : i32
      %mul3A_482 = arith.muli %add3A_478, %mul3A_481 : i32
      %dma_wait3A_483 = arith.constant 0 : i32
      %dma_wait3A_484 = arith.constant 0 : i32
      %dma_wait3A_485 = arith.constant 0 : i32
      %dma_wait3A_486 = arith.constant 0 : i32
      %dma_wait3A_487 = tpu.memref_slice %arg5[%dma_wait3A_485, %dma_wait3A_486] : memref<256x256xf32, #tpu.memory_space<vmem>> -> memref<128x128xf32, #tpu.memory_space<vmem>>
      %dma_wait3A_488 = arith.constant 0 : i32
      %dma_wait3A_489 = tpu.memref_slice %arg4[%dma_wait3A_483, %dma_wait3A_484, %dma_wait3A_488] : memref<2x2x128xi32, #tpu.memory_space<vmem>> -> memref<1x1x128xi32, #tpu.memory_space<vmem>>
      %dma_wait3A_490 = tpu.memref_squeeze %dma_wait3A_489 : memref<1x1x128xi32, #tpu.memory_space<vmem>> -> memref<128xi32, #tpu.memory_space<vmem>>
      %dma_wait3A_491 = arith.constant 0 : i32
      %dma_wait3A_492 = arith.constant 0 : i32
      %dma_wait3A_493 = tpu.memref_slice %arg2[%dma_wait3A_491, %dma_wait3A_492] : memref<65520x128xf32, #tpu.memory_space<hbm>> -> memref<65520x128xf32, #tpu.memory_space<hbm>>
      tpu.wait_indirect_dma semaphore(%arg8 : memref<!tpu.dma_semaphore, #tpu.memory_space<semaphore_mem>>) src(%dma_wait3A_493 : memref<65520x128xf32, #tpu.memory_space<hbm>>) dst(%dma_wait3A_487 : memref<128x128xf32, #tpu.memory_space<vmem>>)
      %dma_wait3A_494 = arith.constant 0 : i32
      %dma_wait3A_495 = arith.constant 1 : i32
      %dma_wait3A_496 = arith.constant 0 : i32
      %dma_wait3A_497 = arith.constant 128 : i32
      %dma_wait3A_498 = tpu.memref_slice %arg5[%dma_wait3A_496, %dma_wait3A_497] : memref<256x256xf32, #tpu.memory_space<vmem>> -> memref<128x128xf32, #tpu.memory_space<vmem>>
      %dma_wait3A_499 = arith.constant 0 : i32
      %dma_wait3A_500 = tpu.memref_slice %arg4[%dma_wait3A_494, %dma_wait3A_495, %dma_wait3A_499] : memref<2x2x128xi32, #tpu.memory_space<vmem>> -> memref<1x1x128xi32, #tpu.memory_space<vmem>>
      %dma_wait3A_501 = tpu.memref_squeeze %dma_wait3A_500 : memref<1x1x128xi32, #tpu.memory_space<vmem>> -> memref<128xi32, #tpu.memory_space<vmem>>
      %dma_wait3A_502 = arith.constant 0 : i32
      %dma_wait3A_503 = arith.constant 0 : i32
      %dma_wait3A_504 = tpu.memref_slice %arg2[%dma_wait3A_502, %dma_wait3A_503] : memref<65520x128xf32, #tpu.memory_space<hbm>> -> memref<65520x128xf32, #tpu.memory_space<hbm>>
      tpu.wait_indirect_dma semaphore(%arg8 : memref<!tpu.dma_semaphore, #tpu.memory_space<semaphore_mem>>) src(%dma_wait3A_504 : memref<65520x128xf32, #tpu.memory_space<hbm>>) dst(%dma_wait3A_498 : memref<128x128xf32, #tpu.memory_space<vmem>>)
      %get3A_505 = arith.constant 0 : i32
      %get3A_506 = arith.index_cast %get3A_505 : i32 to index
      %get3A_507 = arith.constant 0 : index
      %get3A_508 = tpu.vector_load %arg7[%get3A_506, %get3A_507] {strides = array<i32>} : memref<2x128xi32, #tpu.memory_space<vmem>>, vector<16xi32>,
      %get3A_509 = arith.constant 0 : i32
      %get3A_510 = arith.index_cast %get3A_509 : i32 to index
      %get3A_511 = arith.constant 16 : index
      %get3A_512 = tpu.vector_load %arg7[%get3A_510, %get3A_511] {strides = array<i32>} : memref<2x128xi32, #tpu.memory_space<vmem>>, vector<16xi32>,
      %get3A_513 = arith.constant 0 : i32
      %get3A_514 = arith.index_cast %get3A_513 : i32 to index
      %get3A_515 = arith.constant 32 : index
      %get3A_516 = tpu.vector_load %arg7[%get3A_514, %get3A_515] {strides = array<i32>} : memref<2x128xi32, #tpu.memory_space<vmem>>, vector<16xi32>,
      %get3A_517 = arith.constant 0 : i32
      %get3A_518 = arith.index_cast %get3A_517 : i32 to index
      %get3A_519 = arith.constant 48 : index
      %get3A_520 = tpu.vector_load %arg7[%get3A_518, %get3A_519] {strides = array<i32>} : memref<2x128xi32, #tpu.memory_space<vmem>>, vector<16xi32>,
      %get3A_521 = arith.constant 0 : i32
      %get3A_522 = arith.index_cast %get3A_521 : i32 to index
      %get3A_523 = arith.constant 64 : index
      %get3A_524 = tpu.vector_load %arg7[%get3A_522, %get3A_523] {strides = array<i32>} : memref<2x128xi32, #tpu.memory_space<vmem>>, vector<16xi32>,
      %get3A_525 = arith.constant 0 : i32
      %get3A_526 = arith.index_cast %get3A_525 : i32 to index
      %get3A_527 = arith.constant 80 : index
      %get3A_528 = tpu.vector_load %arg7[%get3A_526, %get3A_527] {strides = array<i32>} : memref<2x128xi32, #tpu.memory_space<vmem>>, vector<16xi32>,
      %get3A_529 = arith.constant 0 : i32
      %get3A_530 = arith.index_cast %get3A_529 : i32 to index
      %get3A_531 = arith.constant 96 : index
      %get3A_532 = tpu.vector_load %arg7[%get3A_530, %get3A_531] {strides = array<i32>} : memref<2x128xi32, #tpu.memory_space<vmem>>, vector<16xi32>,
      %get3A_533 = arith.constant 0 : i32
      %get3A_534 = arith.index_cast %get3A_533 : i32 to index
      %get3A_535 = arith.constant 112 : index
      %get3A_536 = tpu.vector_load %arg7[%get3A_534, %get3A_535] {strides = array<i32>} : memref<2x128xi32, #tpu.memory_space<vmem>>, vector<16xi32>,
      %dma_wait3A_537 = arith.constant 0 : i32
      %dma_wait3A_538 = arith.constant 0 : i32
      %dma_wait3A_539 = tpu.memref_slice %arg6[%dma_wait3A_537, %dma_wait3A_538] : memref<256x128xf32, #tpu.memory_space<vmem>> -> memref<128x128xf32, #tpu.memory_space<vmem>>
      %dma_wait3A_540 = tpu.memref_slice %arg3[%mul3A_480, %mul3A_482] : memref<4096x4096xf32, #tpu.memory_space<hbm>> -> memref<128x128xf32, #tpu.memory_space<hbm>>
      %dma_wait3A_541 = tpu.memref_slice %arg3[%mul3A_480, %mul3A_482] : memref<4096x4096xf32, #tpu.memory_space<hbm>> -> memref<128x128xf32, #tpu.memory_space<hbm>>
      %dma_wait3A_542 = arith.constant 0 : i32
      %dma_wait3A_543 = arith.constant 0 : i32
      %dma_wait3A_544 = tpu.memref_slice %arg6[%dma_wait3A_542, %dma_wait3A_543] : memref<256x128xf32, #tpu.memory_space<vmem>> -> memref<128x128xf32, #tpu.memory_space<vmem>>
      tpu.wait_dma2 semaphore(%arg10 : memref<!tpu.dma_semaphore, #tpu.memory_space<semaphore_mem>>) src(%dma_wait3A_544 : memref<128x128xf32, #tpu.memory_space<vmem>>) dst(%dma_wait3A_541 : memref<128x128xf32, #tpu.memory_space<hbm>>)
      %parallel_loop3A_545 = arith.constant 0 : i32
      %parallel_loop3A_546 = arith.constant 128 : i32
      %parallel_loop3A_547 = arith.constant 1 : i32
      scf.for %parallel_loop3A_748 = %parallel_loop3A_545 to %parallel_loop3A_546 step %parallel_loop3A_547  : i32 {
        %parallel_loop3A_749 = arith.addi %mul3A_480, %parallel_loop3A_748 : i32
        %parallel_loop3A_750 = arith.constant 4096 : i32
        %parallel_loop3A_751 = arith.muli %parallel_loop3A_749, %parallel_loop3A_750 : i32
        %parallel_loop3A_752 = arith.constant 1 : i32
        %parallel_loop3A_753 = arith.addi %parallel_loop3A_749, %parallel_loop3A_752 : i32
        %parallel_loop3A_754 = arith.muli %parallel_loop3A_749, %parallel_loop3A_753 : i32
        %parallel_loop3A_755 = arith.constant 1 : i32
        %parallel_loop3A_756 = arith.shrui %parallel_loop3A_754, %parallel_loop3A_755 : i32
        %parallel_loop3A_757 = arith.subi %parallel_loop3A_751, %parallel_loop3A_756 : i32
        %parallel_loop3A_758 = arith.constant 1 : i32
        %parallel_loop3A_759 = arith.subi %mul3A_482, %parallel_loop3A_758 : i32
        %parallel_loop3A_760 = arith.addi %parallel_loop3A_757, %parallel_loop3A_759 : i32
        %parallel_loop3A_761 = arith.subi %parallel_loop3A_760, %parallel_loop3A_749 : i32
        %parallel_loop3A_762 = arith.constant 127 : i32
        %parallel_loop3A_763 = arith.andi %parallel_loop3A_761, %parallel_loop3A_762 : i32
        %parallel_loop3A_764 = arith.constant 0 : i32
        %parallel_loop3A_765 = arith.addi %parallel_loop3A_764, %parallel_loop3A_748 : i32
        %parallel_loop3A_766 = vector.broadcast %parallel_loop3A_765 : i32 to vector<16xi32>
        %parallel_loop3A_767 = vector.broadcast %parallel_loop3A_763 : i32 to vector<16xi32>
        %parallel_loop3A_768 = arith.addi %parallel_loop3A_767, %add3A_3 : vector<16xi32>
        %parallel_loop3A_769 = tpu.vector_load_idx %arg5[%parallel_loop3A_766, %parallel_loop3A_768] : memref<256x256xf32, #tpu.memory_space<vmem>>[vector<16xi32>, vector<16xi32>], vector<16xf32>,
        %parallel_loop3A_770 = arith.constant 0 : i32
        %parallel_loop3A_771 = arith.addi %parallel_loop3A_770, %parallel_loop3A_748 : i32
        %parallel_loop3A_772 = arith.index_cast %parallel_loop3A_771 : i32 to index
        %parallel_loop3A_773 = arith.constant 0 : index
        %parallel_loop3A_774 = tpu.vector_load %arg6[%parallel_loop3A_772, %parallel_loop3A_773] {strides = array<i32>} : memref<256x128xf32, #tpu.memory_space<vmem>>, vector<16xf32>,
        tpu.vector_store %arg6[%parallel_loop3A_772, %parallel_loop3A_773], %parallel_loop3A_769 {strides = array<i32>} : memref<256x128xf32, #tpu.memory_space<vmem>>, vector<16xf32>,
        %parallel_loop3A_775 = vector.broadcast %parallel_loop3A_763 : i32 to vector<16xi32>
        %parallel_loop3A_776 = arith.addi %parallel_loop3A_775, %add3A_6 : vector<16xi32>
        %parallel_loop3A_777 = tpu.vector_load_idx %arg5[%parallel_loop3A_766, %parallel_loop3A_776] : memref<256x256xf32, #tpu.memory_space<vmem>>[vector<16xi32>, vector<16xi32>], vector<16xf32>,
        %parallel_loop3A_778 = arith.constant 0 : i32
        %parallel_loop3A_779 = arith.addi %parallel_loop3A_778, %parallel_loop3A_748 : i32
        %parallel_loop3A_780 = arith.index_cast %parallel_loop3A_779 : i32 to index
        %parallel_loop3A_781 = arith.constant 16 : index
        %parallel_loop3A_782 = tpu.vector_load %arg6[%parallel_loop3A_780, %parallel_loop3A_781] {strides = array<i32>} : memref<256x128xf32, #tpu.memory_space<vmem>>, vector<16xf32>,
        tpu.vector_store %arg6[%parallel_loop3A_780, %parallel_loop3A_781], %parallel_loop3A_777 {strides = array<i32>} : memref<256x128xf32, #tpu.memory_space<vmem>>, vector<16xf32>,
        %parallel_loop3A_783 = vector.broadcast %parallel_loop3A_763 : i32 to vector<16xi32>
        %parallel_loop3A_784 = arith.addi %parallel_loop3A_783, %add3A_9 : vector<16xi32>
        %parallel_loop3A_785 = tpu.vector_load_idx %arg5[%parallel_loop3A_766, %parallel_loop3A_784] : memref<256x256xf32, #tpu.memory_space<vmem>>[vector<16xi32>, vector<16xi32>], vector<16xf32>,
        %parallel_loop3A_786 = arith.constant 0 : i32
        %parallel_loop3A_787 = arith.addi %parallel_loop3A_786, %parallel_loop3A_748 : i32
        %parallel_loop3A_788 = arith.index_cast %parallel_loop3A_787 : i32 to index
        %parallel_loop3A_789 = arith.constant 32 : index
        %parallel_loop3A_790 = tpu.vector_load %arg6[%parallel_loop3A_788, %parallel_loop3A_789] {strides = array<i32>} : memref<256x128xf32, #tpu.memory_space<vmem>>, vector<16xf32>,
        tpu.vector_store %arg6[%parallel_loop3A_788, %parallel_loop3A_789], %parallel_loop3A_785 {strides = array<i32>} : memref<256x128xf32, #tpu.memory_space<vmem>>, vector<16xf32>,
        %parallel_loop3A_791 = vector.broadcast %parallel_loop3A_763 : i32 to vector<16xi32>
        %parallel_loop3A_792 = arith.addi %parallel_loop3A_791, %add3A_12 : vector<16xi32>
        %parallel_loop3A_793 = tpu.vector_load_idx %arg5[%parallel_loop3A_766, %parallel_loop3A_792] : memref<256x256xf32, #tpu.memory_space<vmem>>[vector<16xi32>, vector<16xi32>], vector<16xf32>,
        %parallel_loop3A_794 = arith.constant 0 : i32
        %parallel_loop3A_795 = arith.addi %parallel_loop3A_794, %parallel_loop3A_748 : i32
        %parallel_loop3A_796 = arith.index_cast %parallel_loop3A_795 : i32 to index
        %parallel_loop3A_797 = arith.constant 48 : index
        %parallel_loop3A_798 = tpu.vector_load %arg6[%parallel_loop3A_796, %parallel_loop3A_797] {strides = array<i32>} : memref<256x128xf32, #tpu.memory_space<vmem>>, vector<16xf32>,
        tpu.vector_store %arg6[%parallel_loop3A_796, %parallel_loop3A_797], %parallel_loop3A_793 {strides = array<i32>} : memref<256x128xf32, #tpu.memory_space<vmem>>, vector<16xf32>,
        %parallel_loop3A_799 = vector.broadcast %parallel_loop3A_763 : i32 to vector<16xi32>
        %parallel_loop3A_800 = arith.addi %parallel_loop3A_799, %add3A_15 : vector<16xi32>
        %parallel_loop3A_801 = tpu.vector_load_idx %arg5[%parallel_loop3A_766, %parallel_loop3A_800] : memref<256x256xf32, #tpu.memory_space<vmem>>[vector<16xi32>, vector<16xi32>], vector<16xf32>,
        %parallel_loop3A_802 = arith.constant 0 : i32
        %parallel_loop3A_803 = arith.addi %parallel_loop3A_802, %parallel_loop3A_748 : i32
        %parallel_loop3A_804 = arith.index_cast %parallel_loop3A_803 : i32 to index
        %parallel_loop3A_805 = arith.constant 64 : index
        %parallel_loop3A_806 = tpu.vector_load %arg6[%parallel_loop3A_804, %parallel_loop3A_805] {strides = array<i32>} : memref<256x128xf32, #tpu.memory_space<vmem>>, vector<16xf32>,
        tpu.vector_store %arg6[%parallel_loop3A_804, %parallel_loop3A_805], %parallel_loop3A_801 {strides = array<i32>} : memref<256x128xf32, #tpu.memory_space<vmem>>, vector<16xf32>,
        %parallel_loop3A_807 = vector.broadcast %parallel_loop3A_763 : i32 to vector<16xi32>
        %parallel_loop3A_808 = arith.addi %parallel_loop3A_807, %add3A_18 : vector<16xi32>
        %parallel_loop3A_809 = tpu.vector_load_idx %arg5[%parallel_loop3A_766, %parallel_loop3A_808] : memref<256x256xf32, #tpu.memory_space<vmem>>[vector<16xi32>, vector<16xi32>], vector<16xf32>,
        %parallel_loop3A_810 = arith.constant 0 : i32
        %parallel_loop3A_811 = arith.addi %parallel_loop3A_810, %parallel_loop3A_748 : i32
        %parallel_loop3A_812 = arith.index_cast %parallel_loop3A_811 : i32 to index
        %parallel_loop3A_813 = arith.constant 80 : index
        %parallel_loop3A_814 = tpu.vector_load %arg6[%parallel_loop3A_812, %parallel_loop3A_813] {strides = array<i32>} : memref<256x128xf32, #tpu.memory_space<vmem>>, vector<16xf32>,
        tpu.vector_store %arg6[%parallel_loop3A_812, %parallel_loop3A_813], %parallel_loop3A_809 {strides = array<i32>} : memref<256x128xf32, #tpu.memory_space<vmem>>, vector<16xf32>,
        %parallel_loop3A_815 = vector.broadcast %parallel_loop3A_763 : i32 to vector<16xi32>
        %parallel_loop3A_816 = arith.addi %parallel_loop3A_815, %add3A_21 : vector<16xi32>
        %parallel_loop3A_817 = tpu.vector_load_idx %arg5[%parallel_loop3A_766, %parallel_loop3A_816] : memref<256x256xf32, #tpu.memory_space<vmem>>[vector<16xi32>, vector<16xi32>], vector<16xf32>,
        %parallel_loop3A_818 = arith.constant 0 : i32
        %parallel_loop3A_819 = arith.addi %parallel_loop3A_818, %parallel_loop3A_748 : i32
        %parallel_loop3A_820 = arith.index_cast %parallel_loop3A_819 : i32 to index
        %parallel_loop3A_821 = arith.constant 96 : index
        %parallel_loop3A_822 = tpu.vector_load %arg6[%parallel_loop3A_820, %parallel_loop3A_821] {strides = array<i32>} : memref<256x128xf32, #tpu.memory_space<vmem>>, vector<16xf32>,
        tpu.vector_store %arg6[%parallel_loop3A_820, %parallel_loop3A_821], %parallel_loop3A_817 {strides = array<i32>} : memref<256x128xf32, #tpu.memory_space<vmem>>, vector<16xf32>,
        %parallel_loop3A_823 = vector.broadcast %parallel_loop3A_763 : i32 to vector<16xi32>
        %parallel_loop3A_824 = arith.addi %parallel_loop3A_823, %add3A_24 : vector<16xi32>
        %parallel_loop3A_825 = tpu.vector_load_idx %arg5[%parallel_loop3A_766, %parallel_loop3A_824] : memref<256x256xf32, #tpu.memory_space<vmem>>[vector<16xi32>, vector<16xi32>], vector<16xf32>,
        %parallel_loop3A_826 = arith.constant 0 : i32
        %parallel_loop3A_827 = arith.addi %parallel_loop3A_826, %parallel_loop3A_748 : i32
        %parallel_loop3A_828 = arith.index_cast %parallel_loop3A_827 : i32 to index
        %parallel_loop3A_829 = arith.constant 112 : index
        %parallel_loop3A_830 = tpu.vector_load %arg6[%parallel_loop3A_828, %parallel_loop3A_829] {strides = array<i32>} : memref<256x128xf32, #tpu.memory_space<vmem>>, vector<16xf32>,
        tpu.vector_store %arg6[%parallel_loop3A_828, %parallel_loop3A_829], %parallel_loop3A_825 {strides = array<i32>} : memref<256x128xf32, #tpu.memory_space<vmem>>, vector<16xf32>,
      } {sc.loop_unroll_factor = 4 : i64, sc.parallel_access}
      %dma_start3A_548 = arith.constant 0 : i32
      %dma_start3A_549 = arith.constant 0 : i32
      %dma_start3A_550 = tpu.memref_slice %arg6[%dma_start3A_548, %dma_start3A_549] : memref<256x128xf32, #tpu.memory_space<vmem>> -> memref<128x128xf32, #tpu.memory_space<vmem>>
      %dma_start3A_551 = tpu.memref_slice %arg3[%mul3A_480, %mul3A_482] : memref<4096x4096xf32, #tpu.memory_space<hbm>> -> memref<128x128xf32, #tpu.memory_space<hbm>>
      %dma_start3A_552 = tpu.memref_slice %arg3[%mul3A_480, %mul3A_482] : memref<4096x4096xf32, #tpu.memory_space<hbm>> -> memref<128x128xf32, #tpu.memory_space<hbm>>
      %dma_start3A_553 = arith.constant 0 : i32
      %dma_start3A_554 = arith.constant 0 : i32
      %dma_start3A_555 = tpu.memref_slice %arg6[%dma_start3A_553, %dma_start3A_554] : memref<256x128xf32, #tpu.memory_space<vmem>> -> memref<128x128xf32, #tpu.memory_space<vmem>>
      tpu.enqueue_dma source(%dma_start3A_555 : memref<128x128xf32, #tpu.memory_space<vmem>>) target(%dma_start3A_552 : memref<128x128xf32, #tpu.memory_space<hbm>>) target_semaphore(%arg10 : memref<!tpu.dma_semaphore, #tpu.memory_space<semaphore_mem>>)
      %gt3A = arith.constant 0 : i32
      %gt3A_556 = arith.cmpi sgt, %scan3A_404, %gt3A : i32
      %convert_element_type3A = arith.extui %gt3A_556 : i1 to i32
      %cond3A = arith.constant 0 : i32
      %cond3A_557 = arith.cmpi ne, %convert_element_type3A, %cond3A : i32
      scf.if %cond3A_557 {
        %dma_wait3A_748 = arith.constant 128 : i32
        %dma_wait3A_749 = arith.constant 0 : i32
        %dma_wait3A_750 = tpu.memref_slice %arg6[%dma_wait3A_748, %dma_wait3A_749] : memref<256x128xf32, #tpu.memory_space<vmem>> -> memref<128x128xf32, #tpu.memory_space<vmem>>
        %dma_wait3A_751 = tpu.memref_slice %arg3[%mul3A_482, %mul3A_480] : memref<4096x4096xf32, #tpu.memory_space<hbm>> -> memref<128x128xf32, #tpu.memory_space<hbm>>
        %dma_wait3A_752 = tpu.memref_slice %arg3[%mul3A_482, %mul3A_480] : memref<4096x4096xf32, #tpu.memory_space<hbm>> -> memref<128x128xf32, #tpu.memory_space<hbm>>
        %dma_wait3A_753 = arith.constant 128 : i32
        %dma_wait3A_754 = arith.constant 0 : i32
        %dma_wait3A_755 = tpu.memref_slice %arg6[%dma_wait3A_753, %dma_wait3A_754] : memref<256x128xf32, #tpu.memory_space<vmem>> -> memref<128x128xf32, #tpu.memory_space<vmem>>
        tpu.wait_dma2 semaphore(%arg11 : memref<!tpu.dma_semaphore, #tpu.memory_space<semaphore_mem>>) src(%dma_wait3A_755 : memref<128x128xf32, #tpu.memory_space<vmem>>) dst(%dma_wait3A_752 : memref<128x128xf32, #tpu.memory_space<hbm>>)
      } else {
      }
      %parallel_loop3A_558 = arith.constant 0 : i32
      %parallel_loop3A_559 = arith.constant 128 : i32
      %parallel_loop3A_560 = arith.constant 1 : i32
      scf.for %parallel_loop3A_748 = %parallel_loop3A_558 to %parallel_loop3A_559 step %parallel_loop3A_560  : i32 {
        %parallel_loop3A_749 = arith.constant 0 : i32
        %parallel_loop3A_750 = vector.broadcast %parallel_loop3A_749 : i32 to vector<16xi32>
        %parallel_loop3A_751 = arith.addi %parallel_loop3A_750, %add3A_3 : vector<16xi32>
        %parallel_loop3A_752 = vector.broadcast %parallel_loop3A_748 : i32 to vector<16xi32>
        %parallel_loop3A_753 = arith.addi %get3A_508, %parallel_loop3A_752 : vector<16xi32>
        %parallel_loop3A_754 = tpu.vector_load_idx %arg5[%parallel_loop3A_751, %parallel_loop3A_753] : memref<256x256xf32, #tpu.memory_space<vmem>>[vector<16xi32>, vector<16xi32>], vector<16xf32>,
        %parallel_loop3A_755 = arith.constant 128 : i32
        %parallel_loop3A_756 = arith.addi %parallel_loop3A_755, %parallel_loop3A_748 : i32
        %parallel_loop3A_757 = arith.index_cast %parallel_loop3A_756 : i32 to index
        %parallel_loop3A_758 = arith.constant 0 : index
        %parallel_loop3A_759 = tpu.vector_load %arg6[%parallel_loop3A_757, %parallel_loop3A_758] {strides = array<i32>} : memref<256x128xf32, #tpu.memory_space<vmem>>, vector<16xf32>,
        tpu.vector_store %arg6[%parallel_loop3A_757, %parallel_loop3A_758], %parallel_loop3A_754 {strides = array<i32>} : memref<256x128xf32, #tpu.memory_space<vmem>>, vector<16xf32>,
        %parallel_loop3A_760 = arith.constant 0 : i32
        %parallel_loop3A_761 = vector.broadcast %parallel_loop3A_760 : i32 to vector<16xi32>
        %parallel_loop3A_762 = arith.addi %parallel_loop3A_761, %add3A_6 : vector<16xi32>
        %parallel_loop3A_763 = vector.broadcast %parallel_loop3A_748 : i32 to vector<16xi32>
        %parallel_loop3A_764 = arith.addi %get3A_512, %parallel_loop3A_763 : vector<16xi32>
        %parallel_loop3A_765 = tpu.vector_load_idx %arg5[%parallel_loop3A_762, %parallel_loop3A_764] : memref<256x256xf32, #tpu.memory_space<vmem>>[vector<16xi32>, vector<16xi32>], vector<16xf32>,
        %parallel_loop3A_766 = arith.constant 128 : i32
        %parallel_loop3A_767 = arith.addi %parallel_loop3A_766, %parallel_loop3A_748 : i32
        %parallel_loop3A_768 = arith.index_cast %parallel_loop3A_767 : i32 to index
        %parallel_loop3A_769 = arith.constant 16 : index
        %parallel_loop3A_770 = tpu.vector_load %arg6[%parallel_loop3A_768, %parallel_loop3A_769] {strides = array<i32>} : memref<256x128xf32, #tpu.memory_space<vmem>>, vector<16xf32>,
        tpu.vector_store %arg6[%parallel_loop3A_768, %parallel_loop3A_769], %parallel_loop3A_765 {strides = array<i32>} : memref<256x128xf32, #tpu.memory_space<vmem>>, vector<16xf32>,
        %parallel_loop3A_771 = arith.constant 0 : i32
        %parallel_loop3A_772 = vector.broadcast %parallel_loop3A_771 : i32 to vector<16xi32>
        %parallel_loop3A_773 = arith.addi %parallel_loop3A_772, %add3A_9 : vector<16xi32>
        %parallel_loop3A_774 = vector.broadcast %parallel_loop3A_748 : i32 to vector<16xi32>
        %parallel_loop3A_775 = arith.addi %get3A_516, %parallel_loop3A_774 : vector<16xi32>
        %parallel_loop3A_776 = tpu.vector_load_idx %arg5[%parallel_loop3A_773, %parallel_loop3A_775] : memref<256x256xf32, #tpu.memory_space<vmem>>[vector<16xi32>, vector<16xi32>], vector<16xf32>,
        %parallel_loop3A_777 = arith.constant 128 : i32
        %parallel_loop3A_778 = arith.addi %parallel_loop3A_777, %parallel_loop3A_748 : i32
        %parallel_loop3A_779 = arith.index_cast %parallel_loop3A_778 : i32 to index
        %parallel_loop3A_780 = arith.constant 32 : index
        %parallel_loop3A_781 = tpu.vector_load %arg6[%parallel_loop3A_779, %parallel_loop3A_780] {strides = array<i32>} : memref<256x128xf32, #tpu.memory_space<vmem>>, vector<16xf32>,
        tpu.vector_store %arg6[%parallel_loop3A_779, %parallel_loop3A_780], %parallel_loop3A_776 {strides = array<i32>} : memref<256x128xf32, #tpu.memory_space<vmem>>, vector<16xf32>,
        %parallel_loop3A_782 = arith.constant 0 : i32
        %parallel_loop3A_783 = vector.broadcast %parallel_loop3A_782 : i32 to vector<16xi32>
        %parallel_loop3A_784 = arith.addi %parallel_loop3A_783, %add3A_12 : vector<16xi32>
        %parallel_loop3A_785 = vector.broadcast %parallel_loop3A_748 : i32 to vector<16xi32>
        %parallel_loop3A_786 = arith.addi %get3A_520, %parallel_loop3A_785 : vector<16xi32>
        %parallel_loop3A_787 = tpu.vector_load_idx %arg5[%parallel_loop3A_784, %parallel_loop3A_786] : memref<256x256xf32, #tpu.memory_space<vmem>>[vector<16xi32>, vector<16xi32>], vector<16xf32>,
        %parallel_loop3A_788 = arith.constant 128 : i32
        %parallel_loop3A_789 = arith.addi %parallel_loop3A_788, %parallel_loop3A_748 : i32
        %parallel_loop3A_790 = arith.index_cast %parallel_loop3A_789 : i32 to index
        %parallel_loop3A_791 = arith.constant 48 : index
        %parallel_loop3A_792 = tpu.vector_load %arg6[%parallel_loop3A_790, %parallel_loop3A_791] {strides = array<i32>} : memref<256x128xf32, #tpu.memory_space<vmem>>, vector<16xf32>,
        tpu.vector_store %arg6[%parallel_loop3A_790, %parallel_loop3A_791], %parallel_loop3A_787 {strides = array<i32>} : memref<256x128xf32, #tpu.memory_space<vmem>>, vector<16xf32>,
        %parallel_loop3A_793 = arith.constant 0 : i32
        %parallel_loop3A_794 = vector.broadcast %parallel_loop3A_793 : i32 to vector<16xi32>
        %parallel_loop3A_795 = arith.addi %parallel_loop3A_794, %add3A_15 : vector<16xi32>
        %parallel_loop3A_796 = vector.broadcast %parallel_loop3A_748 : i32 to vector<16xi32>
        %parallel_loop3A_797 = arith.addi %get3A_524, %parallel_loop3A_796 : vector<16xi32>
        %parallel_loop3A_798 = tpu.vector_load_idx %arg5[%parallel_loop3A_795, %parallel_loop3A_797] : memref<256x256xf32, #tpu.memory_space<vmem>>[vector<16xi32>, vector<16xi32>], vector<16xf32>,
        %parallel_loop3A_799 = arith.constant 128 : i32
        %parallel_loop3A_800 = arith.addi %parallel_loop3A_799, %parallel_loop3A_748 : i32
        %parallel_loop3A_801 = arith.index_cast %parallel_loop3A_800 : i32 to index
        %parallel_loop3A_802 = arith.constant 64 : index
        %parallel_loop3A_803 = tpu.vector_load %arg6[%parallel_loop3A_801, %parallel_loop3A_802] {strides = array<i32>} : memref<256x128xf32, #tpu.memory_space<vmem>>, vector<16xf32>,
        tpu.vector_store %arg6[%parallel_loop3A_801, %parallel_loop3A_802], %parallel_loop3A_798 {strides = array<i32>} : memref<256x128xf32, #tpu.memory_space<vmem>>, vector<16xf32>,
        %parallel_loop3A_804 = arith.constant 0 : i32
        %parallel_loop3A_805 = vector.broadcast %parallel_loop3A_804 : i32 to vector<16xi32>
        %parallel_loop3A_806 = arith.addi %parallel_loop3A_805, %add3A_18 : vector<16xi32>
        %parallel_loop3A_807 = vector.broadcast %parallel_loop3A_748 : i32 to vector<16xi32>
        %parallel_loop3A_808 = arith.addi %get3A_528, %parallel_loop3A_807 : vector<16xi32>
        %parallel_loop3A_809 = tpu.vector_load_idx %arg5[%parallel_loop3A_806, %parallel_loop3A_808] : memref<256x256xf32, #tpu.memory_space<vmem>>[vector<16xi32>, vector<16xi32>], vector<16xf32>,
        %parallel_loop3A_810 = arith.constant 128 : i32
        %parallel_loop3A_811 = arith.addi %parallel_loop3A_810, %parallel_loop3A_748 : i32
        %parallel_loop3A_812 = arith.index_cast %parallel_loop3A_811 : i32 to index
        %parallel_loop3A_813 = arith.constant 80 : index
        %parallel_loop3A_814 = tpu.vector_load %arg6[%parallel_loop3A_812, %parallel_loop3A_813] {strides = array<i32>} : memref<256x128xf32, #tpu.memory_space<vmem>>, vector<16xf32>,
        tpu.vector_store %arg6[%parallel_loop3A_812, %parallel_loop3A_813], %parallel_loop3A_809 {strides = array<i32>} : memref<256x128xf32, #tpu.memory_space<vmem>>, vector<16xf32>,
        %parallel_loop3A_815 = arith.constant 0 : i32
        %parallel_loop3A_816 = vector.broadcast %parallel_loop3A_815 : i32 to vector<16xi32>
        %parallel_loop3A_817 = arith.addi %parallel_loop3A_816, %add3A_21 : vector<16xi32>
        %parallel_loop3A_818 = vector.broadcast %parallel_loop3A_748 : i32 to vector<16xi32>
        %parallel_loop3A_819 = arith.addi %get3A_532, %parallel_loop3A_818 : vector<16xi32>
        %parallel_loop3A_820 = tpu.vector_load_idx %arg5[%parallel_loop3A_817, %parallel_loop3A_819] : memref<256x256xf32, #tpu.memory_space<vmem>>[vector<16xi32>, vector<16xi32>], vector<16xf32>,
        %parallel_loop3A_821 = arith.constant 128 : i32
        %parallel_loop3A_822 = arith.addi %parallel_loop3A_821, %parallel_loop3A_748 : i32
        %parallel_loop3A_823 = arith.index_cast %parallel_loop3A_822 : i32 to index
        %parallel_loop3A_824 = arith.constant 96 : index
        %parallel_loop3A_825 = tpu.vector_load %arg6[%parallel_loop3A_823, %parallel_loop3A_824] {strides = array<i32>} : memref<256x128xf32, #tpu.memory_space<vmem>>, vector<16xf32>,
        tpu.vector_store %arg6[%parallel_loop3A_823, %parallel_loop3A_824], %parallel_loop3A_820 {strides = array<i32>} : memref<256x128xf32, #tpu.memory_space<vmem>>, vector<16xf32>,
        %parallel_loop3A_826 = arith.constant 0 : i32
        %parallel_loop3A_827 = vector.broadcast %parallel_loop3A_826 : i32 to vector<16xi32>
        %parallel_loop3A_828 = arith.addi %parallel_loop3A_827, %add3A_24 : vector<16xi32>
        %parallel_loop3A_829 = vector.broadcast %parallel_loop3A_748 : i32 to vector<16xi32>
        %parallel_loop3A_830 = arith.addi %get3A_536, %parallel_loop3A_829 : vector<16xi32>
        %parallel_loop3A_831 = tpu.vector_load_idx %arg5[%parallel_loop3A_828, %parallel_loop3A_830] : memref<256x256xf32, #tpu.memory_space<vmem>>[vector<16xi32>, vector<16xi32>], vector<16xf32>,
        %parallel_loop3A_832 = arith.constant 128 : i32
        %parallel_loop3A_833 = arith.addi %parallel_loop3A_832, %parallel_loop3A_748 : i32
        %parallel_loop3A_834 = arith.index_cast %parallel_loop3A_833 : i32 to index
        %parallel_loop3A_835 = arith.constant 112 : index
        %parallel_loop3A_836 = tpu.vector_load %arg6[%parallel_loop3A_834, %parallel_loop3A_835] {strides = array<i32>} : memref<256x128xf32, #tpu.memory_space<vmem>>, vector<16xf32>,
        tpu.vector_store %arg6[%parallel_loop3A_834, %parallel_loop3A_835], %parallel_loop3A_831 {strides = array<i32>} : memref<256x128xf32, #tpu.memory_space<vmem>>, vector<16xf32>,
      } {sc.loop_unroll_factor = 4 : i64, sc.parallel_access}
      %dma_start3A_561 = arith.constant 128 : i32
      %dma_start3A_562 = arith.constant 0 : i32
      %dma_start3A_563 = tpu.memref_slice %arg6[%dma_start3A_561, %dma_start3A_562] : memref<256x128xf32, #tpu.memory_space<vmem>> -> memref<128x128xf32, #tpu.memory_space<vmem>>
      %dma_start3A_564 = tpu.memref_slice %arg3[%mul3A_482, %mul3A_480] : memref<4096x4096xf32, #tpu.memory_space<hbm>> -> memref<128x128xf32, #tpu.memory_space<hbm>>
      %dma_start3A_565 = tpu.memref_slice %arg3[%mul3A_482, %mul3A_480] : memref<4096x4096xf32, #tpu.memory_space<hbm>> -> memref<128x128xf32, #tpu.memory_space<hbm>>
      %dma_start3A_566 = arith.constant 128 : i32
      %dma_start3A_567 = arith.constant 0 : i32
      %dma_start3A_568 = tpu.memref_slice %arg6[%dma_start3A_566, %dma_start3A_567] : memref<256x128xf32, #tpu.memory_space<vmem>> -> memref<128x128xf32, #tpu.memory_space<vmem>>
      tpu.enqueue_dma source(%dma_start3A_568 : memref<128x128xf32, #tpu.memory_space<vmem>>) target(%dma_start3A_565 : memref<128x128xf32, #tpu.memory_space<hbm>>) target_semaphore(%arg11 : memref<!tpu.dma_semaphore, #tpu.memory_space<semaphore_mem>>)
      %lt3A = arith.constant 7 : i32
      %lt3A_569 = arith.cmpi slt, %scan3A_404, %lt3A : i32
      %convert_element_type3A_570 = arith.extui %lt3A_569 : i1 to i32
      %cond3A_571 = arith.constant 0 : i32
      %cond3A_572 = arith.cmpi ne, %convert_element_type3A_570, %cond3A_571 : i32
      scf.if %cond3A_572 {
        %add3A_748 = arith.constant 2 : i32
        %add3A_749 = arith.addi %add3A_408, %add3A_748 : i32
        %mul3A_750 = arith.constant 32 : i32
        %mul3A_751 = arith.muli %add3A_749, %mul3A_750 : i32
        %add3A_752 = arith.addi %mul3A_751, %add3A : i32
        %min3A_753 = arith.constant 495 : i32
        %min3A_754 = arith.minsi %add3A_752, %min3A_753 : i32
        %add3A_755 = arith.constant 0 : i32
        %add3A_756 = vector.broadcast %add3A_755 : i32 to vector<16xi32>
        %add3A_757 = arith.addi %add3A_756, %iota3A : vector<16xi32>
        %mul3A_758 = arith.constant 31 : i32
        %mul3A_759 = vector.broadcast %mul3A_758 : i32 to vector<16xi32>
        %mul3A_760 = arith.muli %mul3A_759, %add3A_757 : vector<16xi32>
        %sub3A_761 = arith.constant 1 : i32
        %sub3A_762 = vector.broadcast %sub3A_761 : i32 to vector<16xi32>
        %sub3A_763 = arith.subi %add3A_757, %sub3A_762 : vector<16xi32>
        %mul3A_764 = arith.muli %add3A_757, %sub3A_763 : vector<16xi32>
        %shift_right_logical3A_765 = arith.constant 1 : i32
        %shift_right_logical3A_766 = vector.broadcast %shift_right_logical3A_765 : i32 to vector<16xi32>
        %shift_right_logical3A_767 = arith.shrui %mul3A_764, %shift_right_logical3A_766 : vector<16xi32>
        %sub3A_768 = arith.subi %mul3A_760, %shift_right_logical3A_767 : vector<16xi32>
        %le3A_769 = vector.broadcast %min3A_754 : i32 to vector<16xi32>
        %le3A_770 = arith.cmpi sle, %sub3A_768, %le3A_769 : vector<16xi32>
        %jit3A_771 = arith.constant 1 : i32
        %jit3A_772 = arith.constant 0 : i32
        %broadcast_in_dim3A_773 = vector.broadcast %jit3A_771 : i32 to vector<16xi32>
        %broadcast_in_dim3A_774 = vector.broadcast %jit3A_772 : i32 to vector<16xi32>
        %select_n3A_775 = arith.select %le3A_770, %broadcast_in_dim3A_773, %broadcast_in_dim3A_774 : vector<16xi1>, vector<16xi32>
        %reduce_sum3A_776 = arith.constant true
        %reduce_sum3A_777 = vector.broadcast %reduce_sum3A_776 : i1 to vector<16xi1>
        %reduce_sum3A_778 = tpu.scan <sum>, %select_n3A_775 masked %reduce_sum3A_777 : vector<16xi32>, vector<16xi1> -> vector<16xi32>
        %reduce_sum3A_779 = vector.extract %reduce_sum3A_778[15] : i32 from vector<16xi32>
        %add3A_780 = arith.constant -1 : i32
        %add3A_781 = arith.addi %add3A_780, %reduce_sum3A_779 : i32
        %add3A_782 = arith.constant 16 : i32
        %add3A_783 = vector.broadcast %add3A_782 : i32 to vector<16xi32>
        %add3A_784 = arith.addi %add3A_783, %iota3A : vector<16xi32>
        %mul3A_785 = arith.constant 31 : i32
        %mul3A_786 = vector.broadcast %mul3A_785 : i32 to vector<16xi32>
        %mul3A_787 = arith.muli %mul3A_786, %add3A_784 : vector<16xi32>
        %sub3A_788 = arith.constant 1 : i32
        %sub3A_789 = vector.broadcast %sub3A_788 : i32 to vector<16xi32>
        %sub3A_790 = arith.subi %add3A_784, %sub3A_789 : vector<16xi32>
        %mul3A_791 = arith.muli %add3A_784, %sub3A_790 : vector<16xi32>
        %shift_right_logical3A_792 = arith.constant 1 : i32
        %shift_right_logical3A_793 = vector.broadcast %shift_right_logical3A_792 : i32 to vector<16xi32>
        %shift_right_logical3A_794 = arith.shrui %mul3A_791, %shift_right_logical3A_793 : vector<16xi32>
        %sub3A_795 = arith.subi %mul3A_787, %shift_right_logical3A_794 : vector<16xi32>
        %le3A_796 = vector.broadcast %min3A_754 : i32 to vector<16xi32>
        %le3A_797 = arith.cmpi sle, %sub3A_795, %le3A_796 : vector<16xi32>
        %jit3A_798 = arith.constant 1 : i32
        %jit3A_799 = arith.constant 0 : i32
        %broadcast_in_dim3A_800 = vector.broadcast %jit3A_798 : i32 to vector<16xi32>
        %broadcast_in_dim3A_801 = vector.broadcast %jit3A_799 : i32 to vector<16xi32>
        %select_n3A_802 = arith.select %le3A_797, %broadcast_in_dim3A_800, %broadcast_in_dim3A_801 : vector<16xi1>, vector<16xi32>
        %reduce_sum3A_803 = arith.constant true
        %reduce_sum3A_804 = vector.broadcast %reduce_sum3A_803 : i1 to vector<16xi1>
        %reduce_sum3A_805 = tpu.scan <sum>, %select_n3A_802 masked %reduce_sum3A_804 : vector<16xi32>, vector<16xi1> -> vector<16xi32>
        %reduce_sum3A_806 = vector.extract %reduce_sum3A_805[15] : i32 from vector<16xi32>
        %add3A_807 = arith.addi %add3A_781, %reduce_sum3A_806 : i32
        %mul3A_808 = arith.constant 31 : i32
        %mul3A_809 = arith.muli %mul3A_808, %add3A_807 : i32
        %sub3A_810 = arith.constant 1 : i32
        %sub3A_811 = arith.subi %add3A_807, %sub3A_810 : i32
        %mul3A_812 = arith.muli %add3A_807, %sub3A_811 : i32
        %shift_right_logical3A_813 = arith.constant 1 : i32
        %shift_right_logical3A_814 = arith.shrui %mul3A_812, %shift_right_logical3A_813 : i32
        %sub3A_815 = arith.subi %mul3A_809, %shift_right_logical3A_814 : i32
        %add3A_816 = arith.constant 1 : i32
        %add3A_817 = arith.addi %add3A_807, %add3A_816 : i32
        %sub3A_818 = arith.subi %min3A_754, %sub3A_815 : i32
        %add3A_819 = arith.addi %add3A_817, %sub3A_818 : i32
        %mul3A_820 = arith.constant 128 : i32
        %mul3A_821 = arith.muli %add3A_807, %mul3A_820 : i32
        %mul3A_822 = arith.constant 128 : i32
        %mul3A_823 = arith.muli %add3A_819, %mul3A_822 : i32
        %scan3A_824 = arith.constant 0 : i32
        %scan3A_825 = arith.constant 0 : i32
        %scan3A_826 = arith.constant 8 : i32
        %scan3A_827 = arith.addi %scan3A_825, %scan3A_826 : i32
        %scan3A_828 = arith.constant 1 : i32
        scf.for %scan3A_852 = %scan3A_825 to %scan3A_827 step %scan3A_828  : i32 {
          %mul3A_853 = arith.constant 16 : i32
          %mul3A_854 = arith.muli %scan3A_852, %mul3A_853 : i32
          %add3A_855 = arith.addi %mul3A_821, %mul3A_854 : i32
          %add3A_856 = vector.broadcast %add3A_855 : i32 to vector<16xi32>
          %add3A_857 = arith.addi %add3A_856, %iota3A : vector<16xi32>
          %mul3A_858 = arith.constant 4096 : i32
          %mul3A_859 = vector.broadcast %mul3A_858 : i32 to vector<16xi32>
          %mul3A_860 = arith.muli %add3A_857, %mul3A_859 : vector<16xi32>
          %add3A_861 = arith.constant 1 : i32
          %add3A_862 = vector.broadcast %add3A_861 : i32 to vector<16xi32>
          %add3A_863 = arith.addi %add3A_857, %add3A_862 : vector<16xi32>
          %mul3A_864 = arith.muli %add3A_857, %add3A_863 : vector<16xi32>
          %shift_right_logical3A_865 = arith.constant 1 : i32
          %shift_right_logical3A_866 = vector.broadcast %shift_right_logical3A_865 : i32 to vector<16xi32>
          %shift_right_logical3A_867 = arith.shrui %mul3A_864, %shift_right_logical3A_866 : vector<16xi32>
          %sub3A_868 = arith.subi %mul3A_860, %shift_right_logical3A_867 : vector<16xi32>
          %sub3A_869 = arith.constant 1 : i32
          %sub3A_870 = arith.subi %mul3A_823, %sub3A_869 : i32
          %add3A_871 = vector.broadcast %sub3A_870 : i32 to vector<16xi32>
          %add3A_872 = arith.addi %sub3A_868, %add3A_871 : vector<16xi32>
          %sub3A_873 = arith.subi %add3A_872, %add3A_857 : vector<16xi32>
          %shift_right_arithmetic3A = arith.constant 7 : i32
          %shift_right_arithmetic3A_874 = vector.broadcast %shift_right_arithmetic3A : i32 to vector<16xi32>
          %shift_right_arithmetic3A_875 = arith.shrsi %sub3A_873, %shift_right_arithmetic3A_874 : vector<16xi32>
          %max3A = arith.constant 0 : i32
          %max3A_876 = vector.broadcast %max3A : i32 to vector<16xi32>
          %max3A_877 = arith.maxsi %shift_right_arithmetic3A_875, %max3A_876 : vector<16xi32>
          %shift_left3A = arith.constant 7 : i32
          %shift_left3A_878 = vector.broadcast %shift_left3A : i32 to vector<16xi32>
          %shift_left3A_879 = arith.shli %max3A_877, %shift_left3A_878 : vector<16xi32>
          %sub3A_880 = arith.subi %sub3A_873, %shift_left3A_879 : vector<16xi32>
          %mul3A_881 = arith.constant 16 : i32
          %mul3A_882 = arith.muli %scan3A_852, %mul3A_881 : i32
          %swap3A = arith.constant 0 : i32
          %swap3A_883 = arith.index_cast %swap3A : i32 to index
          %swap3A_884 = arith.index_cast %mul3A_882 : i32 to index
          %swap3A_885 = tpu.vector_load %arg7[%swap3A_883, %swap3A_884] {strides = array<i32>} : memref<2x128xi32, #tpu.memory_space<vmem>>, vector<16xi32>,
          tpu.vector_store %arg7[%swap3A_883, %swap3A_884], %sub3A_880 {strides = array<i32>} : memref<2x128xi32, #tpu.memory_space<vmem>>, vector<16xi32>,
          %mul3A_886 = arith.constant 16 : i32
          %mul3A_887 = arith.muli %scan3A_852, %mul3A_886 : i32
          %swap3A_888 = arith.constant 0 : i32
          %swap3A_889 = arith.constant 0 : i32
          %swap3A_890 = arith.index_cast %swap3A_888 : i32 to index
          %swap3A_891 = arith.index_cast %swap3A_889 : i32 to index
          %swap3A_892 = arith.index_cast %mul3A_887 : i32 to index
          %swap3A_893 = tpu.vector_load %arg4[%swap3A_890, %swap3A_891, %swap3A_892] {strides = array<i32>} : memref<2x2x128xi32, #tpu.memory_space<vmem>>, vector<16xi32>,
          tpu.vector_store %arg4[%swap3A_890, %swap3A_891, %swap3A_892], %max3A_877 {strides = array<i32>} : memref<2x2x128xi32, #tpu.memory_space<vmem>>, vector<16xi32>,
          %add3A_894 = arith.constant 1 : i32
          %add3A_895 = vector.broadcast %add3A_894 : i32 to vector<16xi32>
          %add3A_896 = arith.addi %max3A_877, %add3A_895 : vector<16xi32>
          %min3A_897 = arith.constant 65519 : i32
          %min3A_898 = vector.broadcast %min3A_897 : i32 to vector<16xi32>
          %min3A_899 = arith.minsi %add3A_896, %min3A_898 : vector<16xi32>
          %mul3A_900 = arith.constant 16 : i32
          %mul3A_901 = arith.muli %scan3A_852, %mul3A_900 : i32
          %swap3A_902 = arith.constant 0 : i32
          %swap3A_903 = arith.constant 1 : i32
          %swap3A_904 = arith.index_cast %swap3A_902 : i32 to index
          %swap3A_905 = arith.index_cast %swap3A_903 : i32 to index
          %swap3A_906 = arith.index_cast %mul3A_901 : i32 to index
          %swap3A_907 = tpu.vector_load %arg4[%swap3A_904, %swap3A_905, %swap3A_906] {strides = array<i32>} : memref<2x2x128xi32, #tpu.memory_space<vmem>>, vector<16xi32>,
          tpu.vector_store %arg4[%swap3A_904, %swap3A_905, %swap3A_906], %min3A_899 {strides = array<i32>} : memref<2x2x128xi32, #tpu.memory_space<vmem>>, vector<16xi32>,
        }
        %scan3A_829 = arith.constant 8 : i32
        %dma_start3A_830 = arith.constant 0 : i32
        %dma_start3A_831 = arith.constant 0 : i32
        %dma_start3A_832 = arith.constant 0 : i32
        %dma_start3A_833 = arith.constant 0 : i32
        %dma_start3A_834 = tpu.memref_slice %arg5[%dma_start3A_832, %dma_start3A_833] : memref<256x256xf32, #tpu.memory_space<vmem>> -> memref<128x128xf32, #tpu.memory_space<vmem>>
        %dma_start3A_835 = arith.constant 0 : i32
        %dma_start3A_836 = tpu.memref_slice %arg4[%dma_start3A_830, %dma_start3A_831, %dma_start3A_835] : memref<2x2x128xi32, #tpu.memory_space<vmem>> -> memref<1x1x128xi32, #tpu.memory_space<vmem>>
        %dma_start3A_837 = tpu.memref_squeeze %dma_start3A_836 : memref<1x1x128xi32, #tpu.memory_space<vmem>> -> memref<128xi32, #tpu.memory_space<vmem>>
        %dma_start3A_838 = arith.constant 0 : i32
        %dma_start3A_839 = arith.constant 0 : i32
        %dma_start3A_840 = tpu.memref_slice %arg2[%dma_start3A_838, %dma_start3A_839] : memref<65520x128xf32, #tpu.memory_space<hbm>> -> memref<65520x128xf32, #tpu.memory_space<hbm>>
        tpu.enqueue_indirect_dma source(%dma_start3A_840 : memref<65520x128xf32, #tpu.memory_space<hbm>>) target(%dma_start3A_834 : memref<128x128xf32, #tpu.memory_space<vmem>>) offsets(%dma_start3A_837 : memref<128xi32, #tpu.memory_space<vmem>>) semaphore(%arg8 : memref<!tpu.dma_semaphore, #tpu.memory_space<semaphore_mem>>)
        %dma_start3A_841 = arith.constant 0 : i32
        %dma_start3A_842 = arith.constant 1 : i32
        %dma_start3A_843 = arith.constant 0 : i32
        %dma_start3A_844 = arith.constant 128 : i32
        %dma_start3A_845 = tpu.memref_slice %arg5[%dma_start3A_843, %dma_start3A_844] : memref<256x256xf32, #tpu.memory_space<vmem>> -> memref<128x128xf32, #tpu.memory_space<vmem>>
        %dma_start3A_846 = arith.constant 0 : i32
        %dma_start3A_847 = tpu.memref_slice %arg4[%dma_start3A_841, %dma_start3A_842, %dma_start3A_846] : memref<2x2x128xi32, #tpu.memory_space<vmem>> -> memref<1x1x128xi32, #tpu.memory_space<vmem>>
        %dma_start3A_848 = tpu.memref_squeeze %dma_start3A_847 : memref<1x1x128xi32, #tpu.memory_space<vmem>> -> memref<128xi32, #tpu.memory_space<vmem>>
        %dma_start3A_849 = arith.constant 0 : i32
        %dma_start3A_850 = arith.constant 0 : i32
        %dma_start3A_851 = tpu.memref_slice %arg2[%dma_start3A_849, %dma_start3A_850] : memref<65520x128xf32, #tpu.memory_space<hbm>> -> memref<65520x128xf32, #tpu.memory_space<hbm>>
        tpu.enqueue_indirect_dma source(%dma_start3A_851 : memref<65520x128xf32, #tpu.memory_space<hbm>>) target(%dma_start3A_845 : memref<128x128xf32, #tpu.memory_space<vmem>>) offsets(%dma_start3A_848 : memref<128xi32, #tpu.memory_space<vmem>>) semaphore(%arg8 : memref<!tpu.dma_semaphore, #tpu.memory_space<semaphore_mem>>)
      } else {
      }
      %mul3A_573 = arith.constant 2 : i32
      %mul3A_574 = arith.muli %mul3A_573, %scan3A_404 : i32
      %add3A_575 = arith.constant 1 : i32
      %add3A_576 = arith.addi %mul3A_574, %add3A_575 : i32
      %mul3A_577 = arith.constant 32 : i32
      %mul3A_578 = arith.muli %add3A_576, %mul3A_577 : i32
      %add3A_579 = arith.addi %mul3A_578, %add3A : i32
      %min3A_580 = arith.constant 495 : i32
      %min3A_581 = arith.minsi %add3A_579, %min3A_580 : i32
      %add3A_582 = arith.constant 0 : i32
      %add3A_583 = vector.broadcast %add3A_582 : i32 to vector<16xi32>
      %add3A_584 = arith.addi %add3A_583, %iota3A : vector<16xi32>
      %mul3A_585 = arith.constant 31 : i32
      %mul3A_586 = vector.broadcast %mul3A_585 : i32 to vector<16xi32>
      %mul3A_587 = arith.muli %mul3A_586, %add3A_584 : vector<16xi32>
      %sub3A_588 = arith.constant 1 : i32
      %sub3A_589 = vector.broadcast %sub3A_588 : i32 to vector<16xi32>
      %sub3A_590 = arith.subi %add3A_584, %sub3A_589 : vector<16xi32>
      %mul3A_591 = arith.muli %add3A_584, %sub3A_590 : vector<16xi32>
      %shift_right_logical3A_592 = arith.constant 1 : i32
      %shift_right_logical3A_593 = vector.broadcast %shift_right_logical3A_592 : i32 to vector<16xi32>
      %shift_right_logical3A_594 = arith.shrui %mul3A_591, %shift_right_logical3A_593 : vector<16xi32>
      %sub3A_595 = arith.subi %mul3A_587, %shift_right_logical3A_594 : vector<16xi32>
      %le3A_596 = vector.broadcast %min3A_581 : i32 to vector<16xi32>
      %le3A_597 = arith.cmpi sle, %sub3A_595, %le3A_596 : vector<16xi32>
      %jit3A_598 = arith.constant 1 : i32
      %jit3A_599 = arith.constant 0 : i32
      %broadcast_in_dim3A_600 = vector.broadcast %jit3A_598 : i32 to vector<16xi32>
      %broadcast_in_dim3A_601 = vector.broadcast %jit3A_599 : i32 to vector<16xi32>
      %select_n3A_602 = arith.select %le3A_597, %broadcast_in_dim3A_600, %broadcast_in_dim3A_601 : vector<16xi1>, vector<16xi32>
      %reduce_sum3A_603 = arith.constant true
      %reduce_sum3A_604 = vector.broadcast %reduce_sum3A_603 : i1 to vector<16xi1>
      %reduce_sum3A_605 = tpu.scan <sum>, %select_n3A_602 masked %reduce_sum3A_604 : vector<16xi32>, vector<16xi1> -> vector<16xi32>
      %reduce_sum3A_606 = vector.extract %reduce_sum3A_605[15] : i32 from vector<16xi32>
      %add3A_607 = arith.constant -1 : i32
      %add3A_608 = arith.addi %add3A_607, %reduce_sum3A_606 : i32
      %add3A_609 = arith.constant 16 : i32
      %add3A_610 = vector.broadcast %add3A_609 : i32 to vector<16xi32>
      %add3A_611 = arith.addi %add3A_610, %iota3A : vector<16xi32>
      %mul3A_612 = arith.constant 31 : i32
      %mul3A_613 = vector.broadcast %mul3A_612 : i32 to vector<16xi32>
      %mul3A_614 = arith.muli %mul3A_613, %add3A_611 : vector<16xi32>
      %sub3A_615 = arith.constant 1 : i32
      %sub3A_616 = vector.broadcast %sub3A_615 : i32 to vector<16xi32>
      %sub3A_617 = arith.subi %add3A_611, %sub3A_616 : vector<16xi32>
      %mul3A_618 = arith.muli %add3A_611, %sub3A_617 : vector<16xi32>
      %shift_right_logical3A_619 = arith.constant 1 : i32
      %shift_right_logical3A_620 = vector.broadcast %shift_right_logical3A_619 : i32 to vector<16xi32>
      %shift_right_logical3A_621 = arith.shrui %mul3A_618, %shift_right_logical3A_620 : vector<16xi32>
      %sub3A_622 = arith.subi %mul3A_614, %shift_right_logical3A_621 : vector<16xi32>
      %le3A_623 = vector.broadcast %min3A_581 : i32 to vector<16xi32>
      %le3A_624 = arith.cmpi sle, %sub3A_622, %le3A_623 : vector<16xi32>
      %jit3A_625 = arith.constant 1 : i32
      %jit3A_626 = arith.constant 0 : i32
      %broadcast_in_dim3A_627 = vector.broadcast %jit3A_625 : i32 to vector<16xi32>
      %broadcast_in_dim3A_628 = vector.broadcast %jit3A_626 : i32 to vector<16xi32>
      %select_n3A_629 = arith.select %le3A_624, %broadcast_in_dim3A_627, %broadcast_in_dim3A_628 : vector<16xi1>, vector<16xi32>
      %reduce_sum3A_630 = arith.constant true
      %reduce_sum3A_631 = vector.broadcast %reduce_sum3A_630 : i1 to vector<16xi1>
      %reduce_sum3A_632 = tpu.scan <sum>, %select_n3A_629 masked %reduce_sum3A_631 : vector<16xi32>, vector<16xi1> -> vector<16xi32>
      %reduce_sum3A_633 = vector.extract %reduce_sum3A_632[15] : i32 from vector<16xi32>
      %add3A_634 = arith.addi %add3A_608, %reduce_sum3A_633 : i32
      %mul3A_635 = arith.constant 31 : i32
      %mul3A_636 = arith.muli %mul3A_635, %add3A_634 : i32
      %sub3A_637 = arith.constant 1 : i32
      %sub3A_638 = arith.subi %add3A_634, %sub3A_637 : i32
      %mul3A_639 = arith.muli %add3A_634, %sub3A_638 : i32
      %shift_right_logical3A_640 = arith.constant 1 : i32
      %shift_right_logical3A_641 = arith.shrui %mul3A_639, %shift_right_logical3A_640 : i32
      %sub3A_642 = arith.subi %mul3A_636, %shift_right_logical3A_641 : i32
      %add3A_643 = arith.constant 1 : i32
      %add3A_644 = arith.addi %add3A_634, %add3A_643 : i32
      %sub3A_645 = arith.subi %min3A_581, %sub3A_642 : i32
      %add3A_646 = arith.addi %add3A_644, %sub3A_645 : i32
      %mul3A_647 = arith.constant 128 : i32
      %mul3A_648 = arith.muli %add3A_634, %mul3A_647 : i32
      %mul3A_649 = arith.constant 128 : i32
      %mul3A_650 = arith.muli %add3A_646, %mul3A_649 : i32
      %dma_wait3A_651 = arith.constant 1 : i32
      %dma_wait3A_652 = arith.constant 0 : i32
      %dma_wait3A_653 = arith.constant 128 : i32
      %dma_wait3A_654 = arith.constant 0 : i32
      %dma_wait3A_655 = tpu.memref_slice %arg5[%dma_wait3A_653, %dma_wait3A_654] : memref<256x256xf32, #tpu.memory_space<vmem>> -> memref<128x128xf32, #tpu.memory_space<vmem>>
      %dma_wait3A_656 = arith.constant 0 : i32
      %dma_wait3A_657 = tpu.memref_slice %arg4[%dma_wait3A_651, %dma_wait3A_652, %dma_wait3A_656] : memref<2x2x128xi32, #tpu.memory_space<vmem>> -> memref<1x1x128xi32, #tpu.memory_space<vmem>>
      %dma_wait3A_658 = tpu.memref_squeeze %dma_wait3A_657 : memref<1x1x128xi32, #tpu.memory_space<vmem>> -> memref<128xi32, #tpu.memory_space<vmem>>
      %dma_wait3A_659 = arith.constant 0 : i32
      %dma_wait3A_660 = arith.constant 0 : i32
      %dma_wait3A_661 = tpu.memref_slice %arg2[%dma_wait3A_659, %dma_wait3A_660] : memref<65520x128xf32, #tpu.memory_space<hbm>> -> memref<65520x128xf32, #tpu.memory_space<hbm>>
      tpu.wait_indirect_dma semaphore(%arg9 : memref<!tpu.dma_semaphore, #tpu.memory_space<semaphore_mem>>) src(%dma_wait3A_661 : memref<65520x128xf32, #tpu.memory_space<hbm>>) dst(%dma_wait3A_655 : memref<128x128xf32, #tpu.memory_space<vmem>>)
      %dma_wait3A_662 = arith.constant 1 : i32
      %dma_wait3A_663 = arith.constant 1 : i32
      %dma_wait3A_664 = arith.constant 128 : i32
      %dma_wait3A_665 = arith.constant 128 : i32
      %dma_wait3A_666 = tpu.memref_slice %arg5[%dma_wait3A_664, %dma_wait3A_665] : memref<256x256xf32, #tpu.memory_space<vmem>> -> memref<128x128xf32, #tpu.memory_space<vmem>>
      %dma_wait3A_667 = arith.constant 0 : i32
      %dma_wait3A_668 = tpu.memref_slice %arg4[%dma_wait3A_662, %dma_wait3A_663, %dma_wait3A_667] : memref<2x2x128xi32, #tpu.memory_space<vmem>> -> memref<1x1x128xi32, #tpu.memory_space<vmem>>
      %dma_wait3A_669 = tpu.memref_squeeze %dma_wait3A_668 : memref<1x1x128xi32, #tpu.memory_space<vmem>> -> memref<128xi32, #tpu.memory_space<vmem>>
      %dma_wait3A_670 = arith.constant 0 : i32
      %dma_wait3A_671 = arith.constant 0 : i32
      %dma_wait3A_672 = tpu.memref_slice %arg2[%dma_wait3A_670, %dma_wait3A_671] : memref<65520x128xf32, #tpu.memory_space<hbm>> -> memref<65520x128xf32, #tpu.memory_space<hbm>>
      tpu.wait_indirect_dma semaphore(%arg9 : memref<!tpu.dma_semaphore, #tpu.memory_space<semaphore_mem>>) src(%dma_wait3A_672 : memref<65520x128xf32, #tpu.memory_space<hbm>>) dst(%dma_wait3A_666 : memref<128x128xf32, #tpu.memory_space<vmem>>)
      %get3A_673 = arith.constant 1 : i32
      %get3A_674 = arith.index_cast %get3A_673 : i32 to index
      %get3A_675 = arith.constant 0 : index
      %get3A_676 = tpu.vector_load %arg7[%get3A_674, %get3A_675] {strides = array<i32>} : memref<2x128xi32, #tpu.memory_space<vmem>>, vector<16xi32>,
      %get3A_677 = arith.constant 1 : i32
      %get3A_678 = arith.index_cast %get3A_677 : i32 to index
      %get3A_679 = arith.constant 16 : index
      %get3A_680 = tpu.vector_load %arg7[%get3A_678, %get3A_679] {strides = array<i32>} : memref<2x128xi32, #tpu.memory_space<vmem>>, vector<16xi32>,
      %get3A_681 = arith.constant 1 : i32
      %get3A_682 = arith.index_cast %get3A_681 : i32 to index
      %get3A_683 = arith.constant 32 : index
      %get3A_684 = tpu.vector_load %arg7[%get3A_682, %get3A_683] {strides = array<i32>} : memref<2x128xi32, #tpu.memory_space<vmem>>, vector<16xi32>,
      %get3A_685 = arith.constant 1 : i32
      %get3A_686 = arith.index_cast %get3A_685 : i32 to index
      %get3A_687 = arith.constant 48 : index
      %get3A_688 = tpu.vector_load %arg7[%get3A_686, %get3A_687] {strides = array<i32>} : memref<2x128xi32, #tpu.memory_space<vmem>>, vector<16xi32>,
      %get3A_689 = arith.constant 1 : i32
      %get3A_690 = arith.index_cast %get3A_689 : i32 to index
      %get3A_691 = arith.constant 64 : index
      %get3A_692 = tpu.vector_load %arg7[%get3A_690, %get3A_691] {strides = array<i32>} : memref<2x128xi32, #tpu.memory_space<vmem>>, vector<16xi32>,
      %get3A_693 = arith.constant 1 : i32
      %get3A_694 = arith.index_cast %get3A_693 : i32 to index
      %get3A_695 = arith.constant 80 : index
      %get3A_696 = tpu.vector_load %arg7[%get3A_694, %get3A_695] {strides = array<i32>} : memref<2x128xi32, #tpu.memory_space<vmem>>, vector<16xi32>,
      %get3A_697 = arith.constant 1 : i32
      %get3A_698 = arith.index_cast %get3A_697 : i32 to index
      %get3A_699 = arith.constant 96 : index
      %get3A_700 = tpu.vector_load %arg7[%get3A_698, %get3A_699] {strides = array<i32>} : memref<2x128xi32, #tpu.memory_space<vmem>>, vector<16xi32>,
      %get3A_701 = arith.constant 1 : i32
      %get3A_702 = arith.index_cast %get3A_701 : i32 to index
      %get3A_703 = arith.constant 112 : index
      %get3A_704 = tpu.vector_load %arg7[%get3A_702, %get3A_703] {strides = array<i32>} : memref<2x128xi32, #tpu.memory_space<vmem>>, vector<16xi32>,
      %dma_wait3A_705 = arith.constant 0 : i32
      %dma_wait3A_706 = arith.constant 0 : i32
      %dma_wait3A_707 = tpu.memref_slice %arg6[%dma_wait3A_705, %dma_wait3A_706] : memref<256x128xf32, #tpu.memory_space<vmem>> -> memref<128x128xf32, #tpu.memory_space<vmem>>
      %dma_wait3A_708 = tpu.memref_slice %arg3[%mul3A_648, %mul3A_650] : memref<4096x4096xf32, #tpu.memory_space<hbm>> -> memref<128x128xf32, #tpu.memory_space<hbm>>
      %dma_wait3A_709 = tpu.memref_slice %arg3[%mul3A_648, %mul3A_650] : memref<4096x4096xf32, #tpu.memory_space<hbm>> -> memref<128x128xf32, #tpu.memory_space<hbm>>
      %dma_wait3A_710 = arith.constant 0 : i32
      %dma_wait3A_711 = arith.constant 0 : i32
      %dma_wait3A_712 = tpu.memref_slice %arg6[%dma_wait3A_710, %dma_wait3A_711] : memref<256x128xf32, #tpu.memory_space<vmem>> -> memref<128x128xf32, #tpu.memory_space<vmem>>
      tpu.wait_dma2 semaphore(%arg10 : memref<!tpu.dma_semaphore, #tpu.memory_space<semaphore_mem>>) src(%dma_wait3A_712 : memref<128x128xf32, #tpu.memory_space<vmem>>) dst(%dma_wait3A_709 : memref<128x128xf32, #tpu.memory_space<hbm>>)
      %parallel_loop3A_713 = arith.constant 0 : i32
      %parallel_loop3A_714 = arith.constant 128 : i32
      %parallel_loop3A_715 = arith.constant 1 : i32
      scf.for %parallel_loop3A_748 = %parallel_loop3A_713 to %parallel_loop3A_714 step %parallel_loop3A_715  : i32 {
        %parallel_loop3A_749 = arith.addi %mul3A_648, %parallel_loop3A_748 : i32
        %parallel_loop3A_750 = arith.constant 4096 : i32
        %parallel_loop3A_751 = arith.muli %parallel_loop3A_749, %parallel_loop3A_750 : i32
        %parallel_loop3A_752 = arith.constant 1 : i32
        %parallel_loop3A_753 = arith.addi %parallel_loop3A_749, %parallel_loop3A_752 : i32
        %parallel_loop3A_754 = arith.muli %parallel_loop3A_749, %parallel_loop3A_753 : i32
        %parallel_loop3A_755 = arith.constant 1 : i32
        %parallel_loop3A_756 = arith.shrui %parallel_loop3A_754, %parallel_loop3A_755 : i32
        %parallel_loop3A_757 = arith.subi %parallel_loop3A_751, %parallel_loop3A_756 : i32
        %parallel_loop3A_758 = arith.constant 1 : i32
        %parallel_loop3A_759 = arith.subi %mul3A_650, %parallel_loop3A_758 : i32
        %parallel_loop3A_760 = arith.addi %parallel_loop3A_757, %parallel_loop3A_759 : i32
        %parallel_loop3A_761 = arith.subi %parallel_loop3A_760, %parallel_loop3A_749 : i32
        %parallel_loop3A_762 = arith.constant 127 : i32
        %parallel_loop3A_763 = arith.andi %parallel_loop3A_761, %parallel_loop3A_762 : i32
        %parallel_loop3A_764 = arith.constant 128 : i32
        %parallel_loop3A_765 = arith.addi %parallel_loop3A_764, %parallel_loop3A_748 : i32
        %parallel_loop3A_766 = vector.broadcast %parallel_loop3A_765 : i32 to vector<16xi32>
        %parallel_loop3A_767 = vector.broadcast %parallel_loop3A_763 : i32 to vector<16xi32>
        %parallel_loop3A_768 = arith.addi %parallel_loop3A_767, %add3A_3 : vector<16xi32>
        %parallel_loop3A_769 = tpu.vector_load_idx %arg5[%parallel_loop3A_766, %parallel_loop3A_768] : memref<256x256xf32, #tpu.memory_space<vmem>>[vector<16xi32>, vector<16xi32>], vector<16xf32>,
        %parallel_loop3A_770 = arith.constant 0 : i32
        %parallel_loop3A_771 = arith.addi %parallel_loop3A_770, %parallel_loop3A_748 : i32
        %parallel_loop3A_772 = arith.index_cast %parallel_loop3A_771 : i32 to index
        %parallel_loop3A_773 = arith.constant 0 : index
        %parallel_loop3A_774 = tpu.vector_load %arg6[%parallel_loop3A_772, %parallel_loop3A_773] {strides = array<i32>} : memref<256x128xf32, #tpu.memory_space<vmem>>, vector<16xf32>,
        tpu.vector_store %arg6[%parallel_loop3A_772, %parallel_loop3A_773], %parallel_loop3A_769 {strides = array<i32>} : memref<256x128xf32, #tpu.memory_space<vmem>>, vector<16xf32>,
        %parallel_loop3A_775 = vector.broadcast %parallel_loop3A_763 : i32 to vector<16xi32>
        %parallel_loop3A_776 = arith.addi %parallel_loop3A_775, %add3A_6 : vector<16xi32>
        %parallel_loop3A_777 = tpu.vector_load_idx %arg5[%parallel_loop3A_766, %parallel_loop3A_776] : memref<256x256xf32, #tpu.memory_space<vmem>>[vector<16xi32>, vector<16xi32>], vector<16xf32>,
        %parallel_loop3A_778 = arith.constant 0 : i32
        %parallel_loop3A_779 = arith.addi %parallel_loop3A_778, %parallel_loop3A_748 : i32
        %parallel_loop3A_780 = arith.index_cast %parallel_loop3A_779 : i32 to index
        %parallel_loop3A_781 = arith.constant 16 : index
        %parallel_loop3A_782 = tpu.vector_load %arg6[%parallel_loop3A_780, %parallel_loop3A_781] {strides = array<i32>} : memref<256x128xf32, #tpu.memory_space<vmem>>, vector<16xf32>,
        tpu.vector_store %arg6[%parallel_loop3A_780, %parallel_loop3A_781], %parallel_loop3A_777 {strides = array<i32>} : memref<256x128xf32, #tpu.memory_space<vmem>>, vector<16xf32>,
        %parallel_loop3A_783 = vector.broadcast %parallel_loop3A_763 : i32 to vector<16xi32>
        %parallel_loop3A_784 = arith.addi %parallel_loop3A_783, %add3A_9 : vector<16xi32>
        %parallel_loop3A_785 = tpu.vector_load_idx %arg5[%parallel_loop3A_766, %parallel_loop3A_784] : memref<256x256xf32, #tpu.memory_space<vmem>>[vector<16xi32>, vector<16xi32>], vector<16xf32>,
        %parallel_loop3A_786 = arith.constant 0 : i32
        %parallel_loop3A_787 = arith.addi %parallel_loop3A_786, %parallel_loop3A_748 : i32
        %parallel_loop3A_788 = arith.index_cast %parallel_loop3A_787 : i32 to index
        %parallel_loop3A_789 = arith.constant 32 : index
        %parallel_loop3A_790 = tpu.vector_load %arg6[%parallel_loop3A_788, %parallel_loop3A_789] {strides = array<i32>} : memref<256x128xf32, #tpu.memory_space<vmem>>, vector<16xf32>,
        tpu.vector_store %arg6[%parallel_loop3A_788, %parallel_loop3A_789], %parallel_loop3A_785 {strides = array<i32>} : memref<256x128xf32, #tpu.memory_space<vmem>>, vector<16xf32>,
        %parallel_loop3A_791 = vector.broadcast %parallel_loop3A_763 : i32 to vector<16xi32>
        %parallel_loop3A_792 = arith.addi %parallel_loop3A_791, %add3A_12 : vector<16xi32>
        %parallel_loop3A_793 = tpu.vector_load_idx %arg5[%parallel_loop3A_766, %parallel_loop3A_792] : memref<256x256xf32, #tpu.memory_space<vmem>>[vector<16xi32>, vector<16xi32>], vector<16xf32>,
        %parallel_loop3A_794 = arith.constant 0 : i32
        %parallel_loop3A_795 = arith.addi %parallel_loop3A_794, %parallel_loop3A_748 : i32
        %parallel_loop3A_796 = arith.index_cast %parallel_loop3A_795 : i32 to index
        %parallel_loop3A_797 = arith.constant 48 : index
        %parallel_loop3A_798 = tpu.vector_load %arg6[%parallel_loop3A_796, %parallel_loop3A_797] {strides = array<i32>} : memref<256x128xf32, #tpu.memory_space<vmem>>, vector<16xf32>,
        tpu.vector_store %arg6[%parallel_loop3A_796, %parallel_loop3A_797], %parallel_loop3A_793 {strides = array<i32>} : memref<256x128xf32, #tpu.memory_space<vmem>>, vector<16xf32>,
        %parallel_loop3A_799 = vector.broadcast %parallel_loop3A_763 : i32 to vector<16xi32>
        %parallel_loop3A_800 = arith.addi %parallel_loop3A_799, %add3A_15 : vector<16xi32>
        %parallel_loop3A_801 = tpu.vector_load_idx %arg5[%parallel_loop3A_766, %parallel_loop3A_800] : memref<256x256xf32, #tpu.memory_space<vmem>>[vector<16xi32>, vector<16xi32>], vector<16xf32>,
        %parallel_loop3A_802 = arith.constant 0 : i32
        %parallel_loop3A_803 = arith.addi %parallel_loop3A_802, %parallel_loop3A_748 : i32
        %parallel_loop3A_804 = arith.index_cast %parallel_loop3A_803 : i32 to index
        %parallel_loop3A_805 = arith.constant 64 : index
        %parallel_loop3A_806 = tpu.vector_load %arg6[%parallel_loop3A_804, %parallel_loop3A_805] {strides = array<i32>} : memref<256x128xf32, #tpu.memory_space<vmem>>, vector<16xf32>,
        tpu.vector_store %arg6[%parallel_loop3A_804, %parallel_loop3A_805], %parallel_loop3A_801 {strides = array<i32>} : memref<256x128xf32, #tpu.memory_space<vmem>>, vector<16xf32>,
        %parallel_loop3A_807 = vector.broadcast %parallel_loop3A_763 : i32 to vector<16xi32>
        %parallel_loop3A_808 = arith.addi %parallel_loop3A_807, %add3A_18 : vector<16xi32>
        %parallel_loop3A_809 = tpu.vector_load_idx %arg5[%parallel_loop3A_766, %parallel_loop3A_808] : memref<256x256xf32, #tpu.memory_space<vmem>>[vector<16xi32>, vector<16xi32>], vector<16xf32>,
        %parallel_loop3A_810 = arith.constant 0 : i32
        %parallel_loop3A_811 = arith.addi %parallel_loop3A_810, %parallel_loop3A_748 : i32
        %parallel_loop3A_812 = arith.index_cast %parallel_loop3A_811 : i32 to index
        %parallel_loop3A_813 = arith.constant 80 : index
        %parallel_loop3A_814 = tpu.vector_load %arg6[%parallel_loop3A_812, %parallel_loop3A_813] {strides = array<i32>} : memref<256x128xf32, #tpu.memory_space<vmem>>, vector<16xf32>,
        tpu.vector_store %arg6[%parallel_loop3A_812, %parallel_loop3A_813], %parallel_loop3A_809 {strides = array<i32>} : memref<256x128xf32, #tpu.memory_space<vmem>>, vector<16xf32>,
        %parallel_loop3A_815 = vector.broadcast %parallel_loop3A_763 : i32 to vector<16xi32>
        %parallel_loop3A_816 = arith.addi %parallel_loop3A_815, %add3A_21 : vector<16xi32>
        %parallel_loop3A_817 = tpu.vector_load_idx %arg5[%parallel_loop3A_766, %parallel_loop3A_816] : memref<256x256xf32, #tpu.memory_space<vmem>>[vector<16xi32>, vector<16xi32>], vector<16xf32>,
        %parallel_loop3A_818 = arith.constant 0 : i32
        %parallel_loop3A_819 = arith.addi %parallel_loop3A_818, %parallel_loop3A_748 : i32
        %parallel_loop3A_820 = arith.index_cast %parallel_loop3A_819 : i32 to index
        %parallel_loop3A_821 = arith.constant 96 : index
        %parallel_loop3A_822 = tpu.vector_load %arg6[%parallel_loop3A_820, %parallel_loop3A_821] {strides = array<i32>} : memref<256x128xf32, #tpu.memory_space<vmem>>, vector<16xf32>,
        tpu.vector_store %arg6[%parallel_loop3A_820, %parallel_loop3A_821], %parallel_loop3A_817 {strides = array<i32>} : memref<256x128xf32, #tpu.memory_space<vmem>>, vector<16xf32>,
        %parallel_loop3A_823 = vector.broadcast %parallel_loop3A_763 : i32 to vector<16xi32>
        %parallel_loop3A_824 = arith.addi %parallel_loop3A_823, %add3A_24 : vector<16xi32>
        %parallel_loop3A_825 = tpu.vector_load_idx %arg5[%parallel_loop3A_766, %parallel_loop3A_824] : memref<256x256xf32, #tpu.memory_space<vmem>>[vector<16xi32>, vector<16xi32>], vector<16xf32>,
        %parallel_loop3A_826 = arith.constant 0 : i32
        %parallel_loop3A_827 = arith.addi %parallel_loop3A_826, %parallel_loop3A_748 : i32
        %parallel_loop3A_828 = arith.index_cast %parallel_loop3A_827 : i32 to index
        %parallel_loop3A_829 = arith.constant 112 : index
        %parallel_loop3A_830 = tpu.vector_load %arg6[%parallel_loop3A_828, %parallel_loop3A_829] {strides = array<i32>} : memref<256x128xf32, #tpu.memory_space<vmem>>, vector<16xf32>,
        tpu.vector_store %arg6[%parallel_loop3A_828, %parallel_loop3A_829], %parallel_loop3A_825 {strides = array<i32>} : memref<256x128xf32, #tpu.memory_space<vmem>>, vector<16xf32>,
      } {sc.loop_unroll_factor = 4 : i64, sc.parallel_access}
      %dma_start3A_716 = arith.constant 0 : i32
      %dma_start3A_717 = arith.constant 0 : i32
      %dma_start3A_718 = tpu.memref_slice %arg6[%dma_start3A_716, %dma_start3A_717] : memref<256x128xf32, #tpu.memory_space<vmem>> -> memref<128x128xf32, #tpu.memory_space<vmem>>
      %dma_start3A_719 = tpu.memref_slice %arg3[%mul3A_648, %mul3A_650] : memref<4096x4096xf32, #tpu.memory_space<hbm>> -> memref<128x128xf32, #tpu.memory_space<hbm>>
      %dma_start3A_720 = tpu.memref_slice %arg3[%mul3A_648, %mul3A_650] : memref<4096x4096xf32, #tpu.memory_space<hbm>> -> memref<128x128xf32, #tpu.memory_space<hbm>>
      %dma_start3A_721 = arith.constant 0 : i32
      %dma_start3A_722 = arith.constant 0 : i32
      %dma_start3A_723 = tpu.memref_slice %arg6[%dma_start3A_721, %dma_start3A_722] : memref<256x128xf32, #tpu.memory_space<vmem>> -> memref<128x128xf32, #tpu.memory_space<vmem>>
      tpu.enqueue_dma source(%dma_start3A_723 : memref<128x128xf32, #tpu.memory_space<vmem>>) target(%dma_start3A_720 : memref<128x128xf32, #tpu.memory_space<hbm>>) target_semaphore(%arg10 : memref<!tpu.dma_semaphore, #tpu.memory_space<semaphore_mem>>)
      %dma_wait3A_724 = arith.constant 128 : i32
      %dma_wait3A_725 = arith.constant 0 : i32
      %dma_wait3A_726 = tpu.memref_slice %arg6[%dma_wait3A_724, %dma_wait3A_725] : memref<256x128xf32, #tpu.memory_space<vmem>> -> memref<128x128xf32, #tpu.memory_space<vmem>>
      %dma_wait3A_727 = tpu.memref_slice %arg3[%mul3A_650, %mul3A_648] : memref<4096x4096xf32, #tpu.memory_space<hbm>> -> memref<128x128xf32, #tpu.memory_space<hbm>>
      %dma_wait3A_728 = tpu.memref_slice %arg3[%mul3A_650, %mul3A_648] : memref<4096x4096xf32, #tpu.memory_space<hbm>> -> memref<128x128xf32, #tpu.memory_space<hbm>>
      %dma_wait3A_729 = arith.constant 128 : i32
      %dma_wait3A_730 = arith.constant 0 : i32
      %dma_wait3A_731 = tpu.memref_slice %arg6[%dma_wait3A_729, %dma_wait3A_730] : memref<256x128xf32, #tpu.memory_space<vmem>> -> memref<128x128xf32, #tpu.memory_space<vmem>>
      tpu.wait_dma2 semaphore(%arg11 : memref<!tpu.dma_semaphore, #tpu.memory_space<semaphore_mem>>) src(%dma_wait3A_731 : memref<128x128xf32, #tpu.memory_space<vmem>>) dst(%dma_wait3A_728 : memref<128x128xf32, #tpu.memory_space<hbm>>)
      %parallel_loop3A_732 = arith.constant 0 : i32
      %parallel_loop3A_733 = arith.constant 128 : i32
      %parallel_loop3A_734 = arith.constant 1 : i32
      scf.for %parallel_loop3A_748 = %parallel_loop3A_732 to %parallel_loop3A_733 step %parallel_loop3A_734  : i32 {
        %parallel_loop3A_749 = arith.constant 128 : i32
        %parallel_loop3A_750 = vector.broadcast %parallel_loop3A_749 : i32 to vector<16xi32>
        %parallel_loop3A_751 = arith.addi %parallel_loop3A_750, %add3A_3 : vector<16xi32>
        %parallel_loop3A_752 = vector.broadcast %parallel_loop3A_748 : i32 to vector<16xi32>
        %parallel_loop3A_753 = arith.addi %get3A_676, %parallel_loop3A_752 : vector<16xi32>
        %parallel_loop3A_754 = tpu.vector_load_idx %arg5[%parallel_loop3A_751, %parallel_loop3A_753] : memref<256x256xf32, #tpu.memory_space<vmem>>[vector<16xi32>, vector<16xi32>], vector<16xf32>,
        %parallel_loop3A_755 = arith.constant 128 : i32
        %parallel_loop3A_756 = arith.addi %parallel_loop3A_755, %parallel_loop3A_748 : i32
        %parallel_loop3A_757 = arith.index_cast %parallel_loop3A_756 : i32 to index
        %parallel_loop3A_758 = arith.constant 0 : index
        %parallel_loop3A_759 = tpu.vector_load %arg6[%parallel_loop3A_757, %parallel_loop3A_758] {strides = array<i32>} : memref<256x128xf32, #tpu.memory_space<vmem>>, vector<16xf32>,
        tpu.vector_store %arg6[%parallel_loop3A_757, %parallel_loop3A_758], %parallel_loop3A_754 {strides = array<i32>} : memref<256x128xf32, #tpu.memory_space<vmem>>, vector<16xf32>,
        %parallel_loop3A_760 = arith.constant 128 : i32
        %parallel_loop3A_761 = vector.broadcast %parallel_loop3A_760 : i32 to vector<16xi32>
        %parallel_loop3A_762 = arith.addi %parallel_loop3A_761, %add3A_6 : vector<16xi32>
        %parallel_loop3A_763 = vector.broadcast %parallel_loop3A_748 : i32 to vector<16xi32>
        %parallel_loop3A_764 = arith.addi %get3A_680, %parallel_loop3A_763 : vector<16xi32>
        %parallel_loop3A_765 = tpu.vector_load_idx %arg5[%parallel_loop3A_762, %parallel_loop3A_764] : memref<256x256xf32, #tpu.memory_space<vmem>>[vector<16xi32>, vector<16xi32>], vector<16xf32>,
        %parallel_loop3A_766 = arith.constant 128 : i32
        %parallel_loop3A_767 = arith.addi %parallel_loop3A_766, %parallel_loop3A_748 : i32
        %parallel_loop3A_768 = arith.index_cast %parallel_loop3A_767 : i32 to index
        %parallel_loop3A_769 = arith.constant 16 : index
        %parallel_loop3A_770 = tpu.vector_load %arg6[%parallel_loop3A_768, %parallel_loop3A_769] {strides = array<i32>} : memref<256x128xf32, #tpu.memory_space<vmem>>, vector<16xf32>,
        tpu.vector_store %arg6[%parallel_loop3A_768, %parallel_loop3A_769], %parallel_loop3A_765 {strides = array<i32>} : memref<256x128xf32, #tpu.memory_space<vmem>>, vector<16xf32>,
        %parallel_loop3A_771 = arith.constant 128 : i32
        %parallel_loop3A_772 = vector.broadcast %parallel_loop3A_771 : i32 to vector<16xi32>
        %parallel_loop3A_773 = arith.addi %parallel_loop3A_772, %add3A_9 : vector<16xi32>
        %parallel_loop3A_774 = vector.broadcast %parallel_loop3A_748 : i32 to vector<16xi32>
        %parallel_loop3A_775 = arith.addi %get3A_684, %parallel_loop3A_774 : vector<16xi32>
        %parallel_loop3A_776 = tpu.vector_load_idx %arg5[%parallel_loop3A_773, %parallel_loop3A_775] : memref<256x256xf32, #tpu.memory_space<vmem>>[vector<16xi32>, vector<16xi32>], vector<16xf32>,
        %parallel_loop3A_777 = arith.constant 128 : i32
        %parallel_loop3A_778 = arith.addi %parallel_loop3A_777, %parallel_loop3A_748 : i32
        %parallel_loop3A_779 = arith.index_cast %parallel_loop3A_778 : i32 to index
        %parallel_loop3A_780 = arith.constant 32 : index
        %parallel_loop3A_781 = tpu.vector_load %arg6[%parallel_loop3A_779, %parallel_loop3A_780] {strides = array<i32>} : memref<256x128xf32, #tpu.memory_space<vmem>>, vector<16xf32>,
        tpu.vector_store %arg6[%parallel_loop3A_779, %parallel_loop3A_780], %parallel_loop3A_776 {strides = array<i32>} : memref<256x128xf32, #tpu.memory_space<vmem>>, vector<16xf32>,
        %parallel_loop3A_782 = arith.constant 128 : i32
        %parallel_loop3A_783 = vector.broadcast %parallel_loop3A_782 : i32 to vector<16xi32>
        %parallel_loop3A_784 = arith.addi %parallel_loop3A_783, %add3A_12 : vector<16xi32>
        %parallel_loop3A_785 = vector.broadcast %parallel_loop3A_748 : i32 to vector<16xi32>
        %parallel_loop3A_786 = arith.addi %get3A_688, %parallel_loop3A_785 : vector<16xi32>
        %parallel_loop3A_787 = tpu.vector_load_idx %arg5[%parallel_loop3A_784, %parallel_loop3A_786] : memref<256x256xf32, #tpu.memory_space<vmem>>[vector<16xi32>, vector<16xi32>], vector<16xf32>,
        %parallel_loop3A_788 = arith.constant 128 : i32
        %parallel_loop3A_789 = arith.addi %parallel_loop3A_788, %parallel_loop3A_748 : i32
        %parallel_loop3A_790 = arith.index_cast %parallel_loop3A_789 : i32 to index
        %parallel_loop3A_791 = arith.constant 48 : index
        %parallel_loop3A_792 = tpu.vector_load %arg6[%parallel_loop3A_790, %parallel_loop3A_791] {strides = array<i32>} : memref<256x128xf32, #tpu.memory_space<vmem>>, vector<16xf32>,
        tpu.vector_store %arg6[%parallel_loop3A_790, %parallel_loop3A_791], %parallel_loop3A_787 {strides = array<i32>} : memref<256x128xf32, #tpu.memory_space<vmem>>, vector<16xf32>,
        %parallel_loop3A_793 = arith.constant 128 : i32
        %parallel_loop3A_794 = vector.broadcast %parallel_loop3A_793 : i32 to vector<16xi32>
        %parallel_loop3A_795 = arith.addi %parallel_loop3A_794, %add3A_15 : vector<16xi32>
        %parallel_loop3A_796 = vector.broadcast %parallel_loop3A_748 : i32 to vector<16xi32>
        %parallel_loop3A_797 = arith.addi %get3A_692, %parallel_loop3A_796 : vector<16xi32>
        %parallel_loop3A_798 = tpu.vector_load_idx %arg5[%parallel_loop3A_795, %parallel_loop3A_797] : memref<256x256xf32, #tpu.memory_space<vmem>>[vector<16xi32>, vector<16xi32>], vector<16xf32>,
        %parallel_loop3A_799 = arith.constant 128 : i32
        %parallel_loop3A_800 = arith.addi %parallel_loop3A_799, %parallel_loop3A_748 : i32
        %parallel_loop3A_801 = arith.index_cast %parallel_loop3A_800 : i32 to index
        %parallel_loop3A_802 = arith.constant 64 : index
        %parallel_loop3A_803 = tpu.vector_load %arg6[%parallel_loop3A_801, %parallel_loop3A_802] {strides = array<i32>} : memref<256x128xf32, #tpu.memory_space<vmem>>, vector<16xf32>,
        tpu.vector_store %arg6[%parallel_loop3A_801, %parallel_loop3A_802], %parallel_loop3A_798 {strides = array<i32>} : memref<256x128xf32, #tpu.memory_space<vmem>>, vector<16xf32>,
        %parallel_loop3A_804 = arith.constant 128 : i32
        %parallel_loop3A_805 = vector.broadcast %parallel_loop3A_804 : i32 to vector<16xi32>
        %parallel_loop3A_806 = arith.addi %parallel_loop3A_805, %add3A_18 : vector<16xi32>
        %parallel_loop3A_807 = vector.broadcast %parallel_loop3A_748 : i32 to vector<16xi32>
        %parallel_loop3A_808 = arith.addi %get3A_696, %parallel_loop3A_807 : vector<16xi32>
        %parallel_loop3A_809 = tpu.vector_load_idx %arg5[%parallel_loop3A_806, %parallel_loop3A_808] : memref<256x256xf32, #tpu.memory_space<vmem>>[vector<16xi32>, vector<16xi32>], vector<16xf32>,
        %parallel_loop3A_810 = arith.constant 128 : i32
        %parallel_loop3A_811 = arith.addi %parallel_loop3A_810, %parallel_loop3A_748 : i32
        %parallel_loop3A_812 = arith.index_cast %parallel_loop3A_811 : i32 to index
        %parallel_loop3A_813 = arith.constant 80 : index
        %parallel_loop3A_814 = tpu.vector_load %arg6[%parallel_loop3A_812, %parallel_loop3A_813] {strides = array<i32>} : memref<256x128xf32, #tpu.memory_space<vmem>>, vector<16xf32>,
        tpu.vector_store %arg6[%parallel_loop3A_812, %parallel_loop3A_813], %parallel_loop3A_809 {strides = array<i32>} : memref<256x128xf32, #tpu.memory_space<vmem>>, vector<16xf32>,
        %parallel_loop3A_815 = arith.constant 128 : i32
        %parallel_loop3A_816 = vector.broadcast %parallel_loop3A_815 : i32 to vector<16xi32>
        %parallel_loop3A_817 = arith.addi %parallel_loop3A_816, %add3A_21 : vector<16xi32>
        %parallel_loop3A_818 = vector.broadcast %parallel_loop3A_748 : i32 to vector<16xi32>
        %parallel_loop3A_819 = arith.addi %get3A_700, %parallel_loop3A_818 : vector<16xi32>
        %parallel_loop3A_820 = tpu.vector_load_idx %arg5[%parallel_loop3A_817, %parallel_loop3A_819] : memref<256x256xf32, #tpu.memory_space<vmem>>[vector<16xi32>, vector<16xi32>], vector<16xf32>,
        %parallel_loop3A_821 = arith.constant 128 : i32
        %parallel_loop3A_822 = arith.addi %parallel_loop3A_821, %parallel_loop3A_748 : i32
        %parallel_loop3A_823 = arith.index_cast %parallel_loop3A_822 : i32 to index
        %parallel_loop3A_824 = arith.constant 96 : index
        %parallel_loop3A_825 = tpu.vector_load %arg6[%parallel_loop3A_823, %parallel_loop3A_824] {strides = array<i32>} : memref<256x128xf32, #tpu.memory_space<vmem>>, vector<16xf32>,
        tpu.vector_store %arg6[%parallel_loop3A_823, %parallel_loop3A_824], %parallel_loop3A_820 {strides = array<i32>} : memref<256x128xf32, #tpu.memory_space<vmem>>, vector<16xf32>,
        %parallel_loop3A_826 = arith.constant 128 : i32
        %parallel_loop3A_827 = vector.broadcast %parallel_loop3A_826 : i32 to vector<16xi32>
        %parallel_loop3A_828 = arith.addi %parallel_loop3A_827, %add3A_24 : vector<16xi32>
        %parallel_loop3A_829 = vector.broadcast %parallel_loop3A_748 : i32 to vector<16xi32>
        %parallel_loop3A_830 = arith.addi %get3A_704, %parallel_loop3A_829 : vector<16xi32>
        %parallel_loop3A_831 = tpu.vector_load_idx %arg5[%parallel_loop3A_828, %parallel_loop3A_830] : memref<256x256xf32, #tpu.memory_space<vmem>>[vector<16xi32>, vector<16xi32>], vector<16xf32>,
        %parallel_loop3A_832 = arith.constant 128 : i32
        %parallel_loop3A_833 = arith.addi %parallel_loop3A_832, %parallel_loop3A_748 : i32
        %parallel_loop3A_834 = arith.index_cast %parallel_loop3A_833 : i32 to index
        %parallel_loop3A_835 = arith.constant 112 : index
        %parallel_loop3A_836 = tpu.vector_load %arg6[%parallel_loop3A_834, %parallel_loop3A_835] {strides = array<i32>} : memref<256x128xf32, #tpu.memory_space<vmem>>, vector<16xf32>,
        tpu.vector_store %arg6[%parallel_loop3A_834, %parallel_loop3A_835], %parallel_loop3A_831 {strides = array<i32>} : memref<256x128xf32, #tpu.memory_space<vmem>>, vector<16xf32>,
      } {sc.loop_unroll_factor = 4 : i64, sc.parallel_access}
      %dma_start3A_735 = arith.constant 128 : i32
      %dma_start3A_736 = arith.constant 0 : i32
      %dma_start3A_737 = tpu.memref_slice %arg6[%dma_start3A_735, %dma_start3A_736] : memref<256x128xf32, #tpu.memory_space<vmem>> -> memref<128x128xf32, #tpu.memory_space<vmem>>
      %dma_start3A_738 = tpu.memref_slice %arg3[%mul3A_650, %mul3A_648] : memref<4096x4096xf32, #tpu.memory_space<hbm>> -> memref<128x128xf32, #tpu.memory_space<hbm>>
      %dma_start3A_739 = tpu.memref_slice %arg3[%mul3A_650, %mul3A_648] : memref<4096x4096xf32, #tpu.memory_space<hbm>> -> memref<128x128xf32, #tpu.memory_space<hbm>>
      %dma_start3A_740 = arith.constant 128 : i32
      %dma_start3A_741 = arith.constant 0 : i32
      %dma_start3A_742 = tpu.memref_slice %arg6[%dma_start3A_740, %dma_start3A_741] : memref<256x128xf32, #tpu.memory_space<vmem>> -> memref<128x128xf32, #tpu.memory_space<vmem>>
      tpu.enqueue_dma source(%dma_start3A_742 : memref<128x128xf32, #tpu.memory_space<vmem>>) target(%dma_start3A_739 : memref<128x128xf32, #tpu.memory_space<hbm>>) target_semaphore(%arg11 : memref<!tpu.dma_semaphore, #tpu.memory_space<semaphore_mem>>)
      %lt3A_743 = arith.constant 7 : i32
      %lt3A_744 = arith.cmpi slt, %scan3A_404, %lt3A_743 : i32
      %convert_element_type3A_745 = arith.extui %lt3A_744 : i1 to i32
      %cond3A_746 = arith.constant 0 : i32
      %cond3A_747 = arith.cmpi ne, %convert_element_type3A_745, %cond3A_746 : i32
      scf.if %cond3A_747 {
        %add3A_748 = arith.constant 2 : i32
        %add3A_749 = arith.addi %add3A_576, %add3A_748 : i32
        %mul3A_750 = arith.constant 32 : i32
        %mul3A_751 = arith.muli %add3A_749, %mul3A_750 : i32
        %add3A_752 = arith.addi %mul3A_751, %add3A : i32
        %min3A_753 = arith.constant 495 : i32
        %min3A_754 = arith.minsi %add3A_752, %min3A_753 : i32
        %add3A_755 = arith.constant 0 : i32
        %add3A_756 = vector.broadcast %add3A_755 : i32 to vector<16xi32>
        %add3A_757 = arith.addi %add3A_756, %iota3A : vector<16xi32>
        %mul3A_758 = arith.constant 31 : i32
        %mul3A_759 = vector.broadcast %mul3A_758 : i32 to vector<16xi32>
        %mul3A_760 = arith.muli %mul3A_759, %add3A_757 : vector<16xi32>
        %sub3A_761 = arith.constant 1 : i32
        %sub3A_762 = vector.broadcast %sub3A_761 : i32 to vector<16xi32>
        %sub3A_763 = arith.subi %add3A_757, %sub3A_762 : vector<16xi32>
        %mul3A_764 = arith.muli %add3A_757, %sub3A_763 : vector<16xi32>
        %shift_right_logical3A_765 = arith.constant 1 : i32
        %shift_right_logical3A_766 = vector.broadcast %shift_right_logical3A_765 : i32 to vector<16xi32>
        %shift_right_logical3A_767 = arith.shrui %mul3A_764, %shift_right_logical3A_766 : vector<16xi32>
        %sub3A_768 = arith.subi %mul3A_760, %shift_right_logical3A_767 : vector<16xi32>
        %le3A_769 = vector.broadcast %min3A_754 : i32 to vector<16xi32>
        %le3A_770 = arith.cmpi sle, %sub3A_768, %le3A_769 : vector<16xi32>
        %jit3A_771 = arith.constant 1 : i32
        %jit3A_772 = arith.constant 0 : i32
        %broadcast_in_dim3A_773 = vector.broadcast %jit3A_771 : i32 to vector<16xi32>
        %broadcast_in_dim3A_774 = vector.broadcast %jit3A_772 : i32 to vector<16xi32>
        %select_n3A_775 = arith.select %le3A_770, %broadcast_in_dim3A_773, %broadcast_in_dim3A_774 : vector<16xi1>, vector<16xi32>
        %reduce_sum3A_776 = arith.constant true
        %reduce_sum3A_777 = vector.broadcast %reduce_sum3A_776 : i1 to vector<16xi1>
        %reduce_sum3A_778 = tpu.scan <sum>, %select_n3A_775 masked %reduce_sum3A_777 : vector<16xi32>, vector<16xi1> -> vector<16xi32>
        %reduce_sum3A_779 = vector.extract %reduce_sum3A_778[15] : i32 from vector<16xi32>
        %add3A_780 = arith.constant -1 : i32
        %add3A_781 = arith.addi %add3A_780, %reduce_sum3A_779 : i32
        %add3A_782 = arith.constant 16 : i32
        %add3A_783 = vector.broadcast %add3A_782 : i32 to vector<16xi32>
        %add3A_784 = arith.addi %add3A_783, %iota3A : vector<16xi32>
        %mul3A_785 = arith.constant 31 : i32
        %mul3A_786 = vector.broadcast %mul3A_785 : i32 to vector<16xi32>
        %mul3A_787 = arith.muli %mul3A_786, %add3A_784 : vector<16xi32>
        %sub3A_788 = arith.constant 1 : i32
        %sub3A_789 = vector.broadcast %sub3A_788 : i32 to vector<16xi32>
        %sub3A_790 = arith.subi %add3A_784, %sub3A_789 : vector<16xi32>
        %mul3A_791 = arith.muli %add3A_784, %sub3A_790 : vector<16xi32>
        %shift_right_logical3A_792 = arith.constant 1 : i32
        %shift_right_logical3A_793 = vector.broadcast %shift_right_logical3A_792 : i32 to vector<16xi32>
        %shift_right_logical3A_794 = arith.shrui %mul3A_791, %shift_right_logical3A_793 : vector<16xi32>
        %sub3A_795 = arith.subi %mul3A_787, %shift_right_logical3A_794 : vector<16xi32>
        %le3A_796 = vector.broadcast %min3A_754 : i32 to vector<16xi32>
        %le3A_797 = arith.cmpi sle, %sub3A_795, %le3A_796 : vector<16xi32>
        %jit3A_798 = arith.constant 1 : i32
        %jit3A_799 = arith.constant 0 : i32
        %broadcast_in_dim3A_800 = vector.broadcast %jit3A_798 : i32 to vector<16xi32>
        %broadcast_in_dim3A_801 = vector.broadcast %jit3A_799 : i32 to vector<16xi32>
        %select_n3A_802 = arith.select %le3A_797, %broadcast_in_dim3A_800, %broadcast_in_dim3A_801 : vector<16xi1>, vector<16xi32>
        %reduce_sum3A_803 = arith.constant true
        %reduce_sum3A_804 = vector.broadcast %reduce_sum3A_803 : i1 to vector<16xi1>
        %reduce_sum3A_805 = tpu.scan <sum>, %select_n3A_802 masked %reduce_sum3A_804 : vector<16xi32>, vector<16xi1> -> vector<16xi32>
        %reduce_sum3A_806 = vector.extract %reduce_sum3A_805[15] : i32 from vector<16xi32>
        %add3A_807 = arith.addi %add3A_781, %reduce_sum3A_806 : i32
        %mul3A_808 = arith.constant 31 : i32
        %mul3A_809 = arith.muli %mul3A_808, %add3A_807 : i32
        %sub3A_810 = arith.constant 1 : i32
        %sub3A_811 = arith.subi %add3A_807, %sub3A_810 : i32
        %mul3A_812 = arith.muli %add3A_807, %sub3A_811 : i32
        %shift_right_logical3A_813 = arith.constant 1 : i32
        %shift_right_logical3A_814 = arith.shrui %mul3A_812, %shift_right_logical3A_813 : i32
        %sub3A_815 = arith.subi %mul3A_809, %shift_right_logical3A_814 : i32
        %add3A_816 = arith.constant 1 : i32
        %add3A_817 = arith.addi %add3A_807, %add3A_816 : i32
        %sub3A_818 = arith.subi %min3A_754, %sub3A_815 : i32
        %add3A_819 = arith.addi %add3A_817, %sub3A_818 : i32
        %mul3A_820 = arith.constant 128 : i32
        %mul3A_821 = arith.muli %add3A_807, %mul3A_820 : i32
        %mul3A_822 = arith.constant 128 : i32
        %mul3A_823 = arith.muli %add3A_819, %mul3A_822 : i32
        %scan3A_824 = arith.constant 0 : i32
        %scan3A_825 = arith.constant 0 : i32
        %scan3A_826 = arith.constant 8 : i32
        %scan3A_827 = arith.addi %scan3A_825, %scan3A_826 : i32
        %scan3A_828 = arith.constant 1 : i32
        scf.for %scan3A_852 = %scan3A_825 to %scan3A_827 step %scan3A_828  : i32 {
          %mul3A_853 = arith.constant 16 : i32
          %mul3A_854 = arith.muli %scan3A_852, %mul3A_853 : i32
          %add3A_855 = arith.addi %mul3A_821, %mul3A_854 : i32
          %add3A_856 = vector.broadcast %add3A_855 : i32 to vector<16xi32>
          %add3A_857 = arith.addi %add3A_856, %iota3A : vector<16xi32>
          %mul3A_858 = arith.constant 4096 : i32
          %mul3A_859 = vector.broadcast %mul3A_858 : i32 to vector<16xi32>
          %mul3A_860 = arith.muli %add3A_857, %mul3A_859 : vector<16xi32>
          %add3A_861 = arith.constant 1 : i32
          %add3A_862 = vector.broadcast %add3A_861 : i32 to vector<16xi32>
          %add3A_863 = arith.addi %add3A_857, %add3A_862 : vector<16xi32>
          %mul3A_864 = arith.muli %add3A_857, %add3A_863 : vector<16xi32>
          %shift_right_logical3A_865 = arith.constant 1 : i32
          %shift_right_logical3A_866 = vector.broadcast %shift_right_logical3A_865 : i32 to vector<16xi32>
          %shift_right_logical3A_867 = arith.shrui %mul3A_864, %shift_right_logical3A_866 : vector<16xi32>
          %sub3A_868 = arith.subi %mul3A_860, %shift_right_logical3A_867 : vector<16xi32>
          %sub3A_869 = arith.constant 1 : i32
          %sub3A_870 = arith.subi %mul3A_823, %sub3A_869 : i32
          %add3A_871 = vector.broadcast %sub3A_870 : i32 to vector<16xi32>
          %add3A_872 = arith.addi %sub3A_868, %add3A_871 : vector<16xi32>
          %sub3A_873 = arith.subi %add3A_872, %add3A_857 : vector<16xi32>
          %shift_right_arithmetic3A = arith.constant 7 : i32
          %shift_right_arithmetic3A_874 = vector.broadcast %shift_right_arithmetic3A : i32 to vector<16xi32>
          %shift_right_arithmetic3A_875 = arith.shrsi %sub3A_873, %shift_right_arithmetic3A_874 : vector<16xi32>
          %max3A = arith.constant 0 : i32
          %max3A_876 = vector.broadcast %max3A : i32 to vector<16xi32>
          %max3A_877 = arith.maxsi %shift_right_arithmetic3A_875, %max3A_876 : vector<16xi32>
          %shift_left3A = arith.constant 7 : i32
          %shift_left3A_878 = vector.broadcast %shift_left3A : i32 to vector<16xi32>
          %shift_left3A_879 = arith.shli %max3A_877, %shift_left3A_878 : vector<16xi32>
          %sub3A_880 = arith.subi %sub3A_873, %shift_left3A_879 : vector<16xi32>
          %mul3A_881 = arith.constant 16 : i32
          %mul3A_882 = arith.muli %scan3A_852, %mul3A_881 : i32
          %swap3A = arith.constant 1 : i32
          %swap3A_883 = arith.index_cast %swap3A : i32 to index
          %swap3A_884 = arith.index_cast %mul3A_882 : i32 to index
          %swap3A_885 = tpu.vector_load %arg7[%swap3A_883, %swap3A_884] {strides = array<i32>} : memref<2x128xi32, #tpu.memory_space<vmem>>, vector<16xi32>,
          tpu.vector_store %arg7[%swap3A_883, %swap3A_884], %sub3A_880 {strides = array<i32>} : memref<2x128xi32, #tpu.memory_space<vmem>>, vector<16xi32>,
          %mul3A_886 = arith.constant 16 : i32
          %mul3A_887 = arith.muli %scan3A_852, %mul3A_886 : i32
          %swap3A_888 = arith.constant 1 : i32
          %swap3A_889 = arith.constant 0 : i32
          %swap3A_890 = arith.index_cast %swap3A_888 : i32 to index
          %swap3A_891 = arith.index_cast %swap3A_889 : i32 to index
          %swap3A_892 = arith.index_cast %mul3A_887 : i32 to index
          %swap3A_893 = tpu.vector_load %arg4[%swap3A_890, %swap3A_891, %swap3A_892] {strides = array<i32>} : memref<2x2x128xi32, #tpu.memory_space<vmem>>, vector<16xi32>,
          tpu.vector_store %arg4[%swap3A_890, %swap3A_891, %swap3A_892], %max3A_877 {strides = array<i32>} : memref<2x2x128xi32, #tpu.memory_space<vmem>>, vector<16xi32>,
          %add3A_894 = arith.constant 1 : i32
          %add3A_895 = vector.broadcast %add3A_894 : i32 to vector<16xi32>
          %add3A_896 = arith.addi %max3A_877, %add3A_895 : vector<16xi32>
          %min3A_897 = arith.constant 65519 : i32
          %min3A_898 = vector.broadcast %min3A_897 : i32 to vector<16xi32>
          %min3A_899 = arith.minsi %add3A_896, %min3A_898 : vector<16xi32>
          %mul3A_900 = arith.constant 16 : i32
          %mul3A_901 = arith.muli %scan3A_852, %mul3A_900 : i32
          %swap3A_902 = arith.constant 1 : i32
          %swap3A_903 = arith.constant 1 : i32
          %swap3A_904 = arith.index_cast %swap3A_902 : i32 to index
          %swap3A_905 = arith.index_cast %swap3A_903 : i32 to index
          %swap3A_906 = arith.index_cast %mul3A_901 : i32 to index
          %swap3A_907 = tpu.vector_load %arg4[%swap3A_904, %swap3A_905, %swap3A_906] {strides = array<i32>} : memref<2x2x128xi32, #tpu.memory_space<vmem>>, vector<16xi32>,
          tpu.vector_store %arg4[%swap3A_904, %swap3A_905, %swap3A_906], %min3A_899 {strides = array<i32>} : memref<2x2x128xi32, #tpu.memory_space<vmem>>, vector<16xi32>,
        }
        %scan3A_829 = arith.constant 8 : i32
        %dma_start3A_830 = arith.constant 1 : i32
        %dma_start3A_831 = arith.constant 0 : i32
        %dma_start3A_832 = arith.constant 128 : i32
        %dma_start3A_833 = arith.constant 0 : i32
        %dma_start3A_834 = tpu.memref_slice %arg5[%dma_start3A_832, %dma_start3A_833] : memref<256x256xf32, #tpu.memory_space<vmem>> -> memref<128x128xf32, #tpu.memory_space<vmem>>
        %dma_start3A_835 = arith.constant 0 : i32
        %dma_start3A_836 = tpu.memref_slice %arg4[%dma_start3A_830, %dma_start3A_831, %dma_start3A_835] : memref<2x2x128xi32, #tpu.memory_space<vmem>> -> memref<1x1x128xi32, #tpu.memory_space<vmem>>
        %dma_start3A_837 = tpu.memref_squeeze %dma_start3A_836 : memref<1x1x128xi32, #tpu.memory_space<vmem>> -> memref<128xi32, #tpu.memory_space<vmem>>
        %dma_start3A_838 = arith.constant 0 : i32
        %dma_start3A_839 = arith.constant 0 : i32
        %dma_start3A_840 = tpu.memref_slice %arg2[%dma_start3A_838, %dma_start3A_839] : memref<65520x128xf32, #tpu.memory_space<hbm>> -> memref<65520x128xf32, #tpu.memory_space<hbm>>
        tpu.enqueue_indirect_dma source(%dma_start3A_840 : memref<65520x128xf32, #tpu.memory_space<hbm>>) target(%dma_start3A_834 : memref<128x128xf32, #tpu.memory_space<vmem>>) offsets(%dma_start3A_837 : memref<128xi32, #tpu.memory_space<vmem>>) semaphore(%arg9 : memref<!tpu.dma_semaphore, #tpu.memory_space<semaphore_mem>>)
        %dma_start3A_841 = arith.constant 1 : i32
        %dma_start3A_842 = arith.constant 1 : i32
        %dma_start3A_843 = arith.constant 128 : i32
        %dma_start3A_844 = arith.constant 128 : i32
        %dma_start3A_845 = tpu.memref_slice %arg5[%dma_start3A_843, %dma_start3A_844] : memref<256x256xf32, #tpu.memory_space<vmem>> -> memref<128x128xf32, #tpu.memory_space<vmem>>
        %dma_start3A_846 = arith.constant 0 : i32
        %dma_start3A_847 = tpu.memref_slice %arg4[%dma_start3A_841, %dma_start3A_842, %dma_start3A_846] : memref<2x2x128xi32, #tpu.memory_space<vmem>> -> memref<1x1x128xi32, #tpu.memory_space<vmem>>
        %dma_start3A_848 = tpu.memref_squeeze %dma_start3A_847 : memref<1x1x128xi32, #tpu.memory_space<vmem>> -> memref<128xi32, #tpu.memory_space<vmem>>
        %dma_start3A_849 = arith.constant 0 : i32
        %dma_start3A_850 = arith.constant 0 : i32
        %dma_start3A_851 = tpu.memref_slice %arg2[%dma_start3A_849, %dma_start3A_850] : memref<65520x128xf32, #tpu.memory_space<hbm>> -> memref<65520x128xf32, #tpu.memory_space<hbm>>
        tpu.enqueue_indirect_dma source(%dma_start3A_851 : memref<65520x128xf32, #tpu.memory_space<hbm>>) target(%dma_start3A_845 : memref<128x128xf32, #tpu.memory_space<vmem>>) offsets(%dma_start3A_848 : memref<128xi32, #tpu.memory_space<vmem>>) semaphore(%arg9 : memref<!tpu.dma_semaphore, #tpu.memory_space<semaphore_mem>>)
      } else {
      }
    }
    %scan3A_314 = arith.constant 8 : i32
    %add3A_315 = arith.constant 480 : i32
    %add3A_316 = arith.addi %add3A_315, %add3A : i32
    %min3A_317 = arith.constant 495 : i32
    %min3A_318 = arith.minsi %add3A_316, %min3A_317 : i32
    %add3A_319 = arith.constant 0 : i32
    %add3A_320 = vector.broadcast %add3A_319 : i32 to vector<16xi32>
    %add3A_321 = arith.addi %add3A_320, %iota3A : vector<16xi32>
    %mul3A_322 = arith.constant 31 : i32
    %mul3A_323 = vector.broadcast %mul3A_322 : i32 to vector<16xi32>
    %mul3A_324 = arith.muli %mul3A_323, %add3A_321 : vector<16xi32>
    %sub3A_325 = arith.constant 1 : i32
    %sub3A_326 = vector.broadcast %sub3A_325 : i32 to vector<16xi32>
    %sub3A_327 = arith.subi %add3A_321, %sub3A_326 : vector<16xi32>
    %mul3A_328 = arith.muli %add3A_321, %sub3A_327 : vector<16xi32>
    %shift_right_logical3A_329 = arith.constant 1 : i32
    %shift_right_logical3A_330 = vector.broadcast %shift_right_logical3A_329 : i32 to vector<16xi32>
    %shift_right_logical3A_331 = arith.shrui %mul3A_328, %shift_right_logical3A_330 : vector<16xi32>
    %sub3A_332 = arith.subi %mul3A_324, %shift_right_logical3A_331 : vector<16xi32>
    %le3A_333 = vector.broadcast %min3A_318 : i32 to vector<16xi32>
    %le3A_334 = arith.cmpi sle, %sub3A_332, %le3A_333 : vector<16xi32>
    %jit3A_335 = arith.constant 1 : i32
    %jit3A_336 = arith.constant 0 : i32
    %broadcast_in_dim3A_337 = vector.broadcast %jit3A_335 : i32 to vector<16xi32>
    %broadcast_in_dim3A_338 = vector.broadcast %jit3A_336 : i32 to vector<16xi32>
    %select_n3A_339 = arith.select %le3A_334, %broadcast_in_dim3A_337, %broadcast_in_dim3A_338 : vector<16xi1>, vector<16xi32>
    %reduce_sum3A_340 = arith.constant true
    %reduce_sum3A_341 = vector.broadcast %reduce_sum3A_340 : i1 to vector<16xi1>
    %reduce_sum3A_342 = tpu.scan <sum>, %select_n3A_339 masked %reduce_sum3A_341 : vector<16xi32>, vector<16xi1> -> vector<16xi32>
    %reduce_sum3A_343 = vector.extract %reduce_sum3A_342[15] : i32 from vector<16xi32>
    %add3A_344 = arith.constant -1 : i32
    %add3A_345 = arith.addi %add3A_344, %reduce_sum3A_343 : i32
    %add3A_346 = arith.constant 16 : i32
    %add3A_347 = vector.broadcast %add3A_346 : i32 to vector<16xi32>
    %add3A_348 = arith.addi %add3A_347, %iota3A : vector<16xi32>
    %mul3A_349 = arith.constant 31 : i32
    %mul3A_350 = vector.broadcast %mul3A_349 : i32 to vector<16xi32>
    %mul3A_351 = arith.muli %mul3A_350, %add3A_348 : vector<16xi32>
    %sub3A_352 = arith.constant 1 : i32
    %sub3A_353 = vector.broadcast %sub3A_352 : i32 to vector<16xi32>
    %sub3A_354 = arith.subi %add3A_348, %sub3A_353 : vector<16xi32>
    %mul3A_355 = arith.muli %add3A_348, %sub3A_354 : vector<16xi32>
    %shift_right_logical3A_356 = arith.constant 1 : i32
    %shift_right_logical3A_357 = vector.broadcast %shift_right_logical3A_356 : i32 to vector<16xi32>
    %shift_right_logical3A_358 = arith.shrui %mul3A_355, %shift_right_logical3A_357 : vector<16xi32>
    %sub3A_359 = arith.subi %mul3A_351, %shift_right_logical3A_358 : vector<16xi32>
    %le3A_360 = vector.broadcast %min3A_318 : i32 to vector<16xi32>
    %le3A_361 = arith.cmpi sle, %sub3A_359, %le3A_360 : vector<16xi32>
    %jit3A_362 = arith.constant 1 : i32
    %jit3A_363 = arith.constant 0 : i32
    %broadcast_in_dim3A_364 = vector.broadcast %jit3A_362 : i32 to vector<16xi32>
    %broadcast_in_dim3A_365 = vector.broadcast %jit3A_363 : i32 to vector<16xi32>
    %select_n3A_366 = arith.select %le3A_361, %broadcast_in_dim3A_364, %broadcast_in_dim3A_365 : vector<16xi1>, vector<16xi32>
    %reduce_sum3A_367 = arith.constant true
    %reduce_sum3A_368 = vector.broadcast %reduce_sum3A_367 : i1 to vector<16xi1>
    %reduce_sum3A_369 = tpu.scan <sum>, %select_n3A_366 masked %reduce_sum3A_368 : vector<16xi32>, vector<16xi1> -> vector<16xi32>
    %reduce_sum3A_370 = vector.extract %reduce_sum3A_369[15] : i32 from vector<16xi32>
    %add3A_371 = arith.addi %add3A_345, %reduce_sum3A_370 : i32
    %mul3A_372 = arith.constant 31 : i32
    %mul3A_373 = arith.muli %mul3A_372, %add3A_371 : i32
    %sub3A_374 = arith.constant 1 : i32
    %sub3A_375 = arith.subi %add3A_371, %sub3A_374 : i32
    %mul3A_376 = arith.muli %add3A_371, %sub3A_375 : i32
    %shift_right_logical3A_377 = arith.constant 1 : i32
    %shift_right_logical3A_378 = arith.shrui %mul3A_376, %shift_right_logical3A_377 : i32
    %sub3A_379 = arith.subi %mul3A_373, %shift_right_logical3A_378 : i32
    %add3A_380 = arith.constant 1 : i32
    %add3A_381 = arith.addi %add3A_371, %add3A_380 : i32
    %sub3A_382 = arith.subi %min3A_318, %sub3A_379 : i32
    %add3A_383 = arith.addi %add3A_381, %sub3A_382 : i32
    %mul3A_384 = arith.constant 128 : i32
    %mul3A_385 = arith.muli %add3A_371, %mul3A_384 : i32
    %mul3A_386 = arith.constant 128 : i32
    %mul3A_387 = arith.muli %add3A_383, %mul3A_386 : i32
    %dma_wait3A_388 = arith.constant 0 : i32
    %dma_wait3A_389 = arith.constant 0 : i32
    %dma_wait3A_390 = tpu.memref_slice %arg6[%dma_wait3A_388, %dma_wait3A_389] : memref<256x128xf32, #tpu.memory_space<vmem>> -> memref<128x128xf32, #tpu.memory_space<vmem>>
    %dma_wait3A_391 = tpu.memref_slice %arg3[%mul3A_385, %mul3A_387] : memref<4096x4096xf32, #tpu.memory_space<hbm>> -> memref<128x128xf32, #tpu.memory_space<hbm>>
    %dma_wait3A_392 = tpu.memref_slice %arg3[%mul3A_385, %mul3A_387] : memref<4096x4096xf32, #tpu.memory_space<hbm>> -> memref<128x128xf32, #tpu.memory_space<hbm>>
    %dma_wait3A_393 = arith.constant 0 : i32
    %dma_wait3A_394 = arith.constant 0 : i32
    %dma_wait3A_395 = tpu.memref_slice %arg6[%dma_wait3A_393, %dma_wait3A_394] : memref<256x128xf32, #tpu.memory_space<vmem>> -> memref<128x128xf32, #tpu.memory_space<vmem>>
    tpu.wait_dma2 semaphore(%arg10 : memref<!tpu.dma_semaphore, #tpu.memory_space<semaphore_mem>>) src(%dma_wait3A_395 : memref<128x128xf32, #tpu.memory_space<vmem>>) dst(%dma_wait3A_392 : memref<128x128xf32, #tpu.memory_space<hbm>>)
    %dma_wait3A_396 = arith.constant 128 : i32
    %dma_wait3A_397 = arith.constant 0 : i32
    %dma_wait3A_398 = tpu.memref_slice %arg6[%dma_wait3A_396, %dma_wait3A_397] : memref<256x128xf32, #tpu.memory_space<vmem>> -> memref<128x128xf32, #tpu.memory_space<vmem>>
    %dma_wait3A_399 = tpu.memref_slice %arg3[%mul3A_387, %mul3A_385] : memref<4096x4096xf32, #tpu.memory_space<hbm>> -> memref<128x128xf32, #tpu.memory_space<hbm>>
    %dma_wait3A_400 = tpu.memref_slice %arg3[%mul3A_387, %mul3A_385] : memref<4096x4096xf32, #tpu.memory_space<hbm>> -> memref<128x128xf32, #tpu.memory_space<hbm>>
    %dma_wait3A_401 = arith.constant 128 : i32
    %dma_wait3A_402 = arith.constant 0 : i32
    %dma_wait3A_403 = tpu.memref_slice %arg6[%dma_wait3A_401, %dma_wait3A_402] : memref<256x128xf32, #tpu.memory_space<vmem>> -> memref<128x128xf32, #tpu.memory_space<vmem>>
    tpu.wait_dma2 semaphore(%arg11 : memref<!tpu.dma_semaphore, #tpu.memory_space<semaphore_mem>>) src(%dma_wait3A_403 : memref<128x128xf32, #tpu.memory_space<vmem>>) dst(%dma_wait3A_400 : memref<128x128xf32, #tpu.memory_space<hbm>>)
    return
  }
}

</mosaic_0001>

<sc_bundles>
// kernel: kernel.3.cloned.1.call-start
scs
__scs_entry_jumppad:
0x0: {  	(pc) =	sbr.rel $0x88, $3  }
0x1: {  	(tag) =	ssettag $0x0;
	lr =	simm.s32 $0x1  }
0x2: {  	[smem:$0x3FA0] =	sst lr;
	_ =	strace $0xD0000000  }
0x3: {  	_ = 	snop  }
0x4: {  	_ = 	snop  }
0x5: {  	_ = 	snop  }
0x6: {  	_ = 	snop  }
0x7: {  	_ = 	snop  }
__scs_overlays_trampoline_lowered:
0x8: {  	[smem:$0x3FAF] =	sst s0  }
0x9: {  	[smem:$0x3FB0] =	sst s1  }
0xa: {  	[smem:$0x3FB1] =	sst s2  }
0xb: {  	[smem:$0x3FB2] =	sst s3  }
0xc: {  	[smem:$0x3FB3] =	sst s4  }
0xd: {  	[smem:$0x3FB4] =	sst s5  }
0xe: {  	[smem:$0x3FB5] =	sst s6  }
0xf: {  	[smem:$0x3FB6] =	sst s7  }
0x10: {  	[smem:$0x3FB7] =	sst s8  }
0x11: {  	[smem:$0x3FB8] =	sst s9;
	s0 =	simm.s32 @!p0 $0x0  }
0x12: {  	s1 =	sld [smem:$0x3F9E];
	s0 =	simm.s32 @p0 $0x1  }
0x13: {  	[smem:$0x3FB9] =	sst s0;
	s0 =	simm.s32 @!p1 $0x0  }
0x14: {  	s2 =	sld [smem:$0x3F9D];
	s0 =	simm.s32 @p1 $0x1  }
0x15: {  	[smem:$0x3FBA] =	sst s0;
	s0 =	simm.s32 @!p2 $0x0  }
0x16: {  	s3 =	sld [smem:$0x3FDB];
	s0 =	simm.s32 @p2 $0x1  }
0x17: {  	s4 =	simm.s32 $0x1BF5;
	[smem:$0x3FBC] =	sst s0  }
0x18: {  	s0 =	sld [smem:$0x3F9F];
	_ =	swait.ge [sflag:s4], $0x0  }
0x19: {  	s7 =	sld [smem:$0x3FA0]  }
0x1a: {  	s8 =	sadd.s32 $0xFFFFE003, lr  }
0x1b: {  	s9 =	sadd.s32 $0xFFFFFEF7, lr;
	s5 =	simm.s32 $0xFFFFFFFF;
	p2 =	slt.u32 s8, $0xFFFFF086  }
0x1c: {  	p1 =	slt.u32 s9, $0xF7A;
	s5 =	simm.s32 @!p2 $0x0  }
0x1d: {  	s5 =	simm.s32 @p1 $0x1;
	p0 =	seq.s32 s7, s2  }
0x1e: {  	s7 =	smul.u32 @!p0 $0xF7A, s2;
	p2 =	seq.s32 @!p0 s5, $0x0  }
0x1f: {  	s9 =	smul.u32 $0xF7A, s1;
	s8 =	simm.s32 @!p0 $0x1BF5;
	p2 =	por !p2, p0  }
0x20: {  	[sflag:s8] =	ssyncset.s32 @!p0 $0xFFFFF086;
	s6 =	sadd.s32 @!p0 s3, s7;
	s7 =	simm.s32 @!p0 $0x108  }
0x21: {  	s3 =	sadd.s32 s3, s9;
	s6 =	sadd.s32 @!p0 $0x88, s6;
	s7 =	simm.s32 @p2 $0x1082  }
0x22: {  	[simem:s7], [sflag:s8] =	dma.local @!p0 [hbm:s6], $0xF7A  }
0x23: {  	s9 =	sor.u32 $0xD0000000, s2;
	s6 =	simm.s32 $0x108;
	_ =	swait.ge @!p0 [sflag:s8], $0x0  }
0x24: {  	s3 =	sadd.s32 $0x88, s3;
	s6 =	simm.s32 @!p1 $0x1082;
	[sflag:s4] =	ssyncset.s32 $0xFFFFF086  }
0x25: {  	[simem:s6], [sflag:s4] =	dma.local [hbm:s3], $0xF7A  }
0x26: {  	[smem:$0x3FA0] =	sst s1;
	(tag) =	ssettag s2;
	_ =	strace s9  }
0x27: {  	s1 =	sld [smem:$0x3FB0]  }
0x28: {  	s2 =	sld [smem:$0x3FB1]  }
0x29: {  	s4 =	sld [smem:$0x3FB3]  }
0x2a: {  	p0 =	seq.s32 s5, $0x0;
	s5 =	sld [smem:$0x3FB4]  }
0x2b: {  	s6 =	sld [smem:$0x3FB5]  }
0x2c: {  	s7 =	sld [smem:$0x3FB6]  }
0x2d: {  	s3 =	simm.s32 $0x108;
	s8 =	sld [smem:$0x3FB7]  }
0x2e: {  	s3 =	simm.s32 @!p0 $0x1082;
	s9 =	sld [smem:$0x3FB8]  }
0x2f: {  	lr =	sadd.s32 s0, s3;
	s0 =	sld [smem:$0x3FAF]  }
0x30: {  	s3 =	sld [smem:$0x3FB2]  }
0x31: {  	[smem:$0x3FBB] =	sst s10  }
0x32: {  	s10 =	sld [smem:$0x3FB9];
	_ =	sdelay $0x3  }
0x33: {  	p0 =	seq.s32 s10, $0x1;
	s10 =	sld [smem:$0x3FBB];
	_ =	sdelay $0x3  }
0x34: {  	[smem:$0x3FBB] =	sst s10  }
0x35: {  	s10 =	sld [smem:$0x3FBA];
	_ =	sdelay $0x3  }
0x36: {  	p1 =	seq.s32 s10, $0x1;
	s10 =	sld [smem:$0x3FBB];
	_ =	sdelay $0x3  }
0x37: {  	[smem:$0x3FBB] =	sst s10  }
0x38: {  	s10 =	sld [smem:$0x3FBC]  }
0x39: {  	_ = 	snop;
	(pc) =	sbr.ind lr, $3  }
0x3a: {  	_ = 	snop  }
0x3b: {  	_ = 	snop  }
0x3c: {  	p2 =	seq.s32 s10, $0x1;
	s10 =	sld [smem:$0x3FBB]  }
0x3d: {  	_ =	shalt  }
0x3e: {  	_ =	shalt  }
0x3f: {  	_ =	shalt  }
0x40: {  	_ =	shalt  }
0x41: {  	_ =	shalt  }
0x42: {  	_ =	shalt  }
0x43: {  	_ =	shalt  }
0x44: {  	_ =	shalt  }
0x45: {  	_ =	shalt  }
0x46: {  	_ =	shalt  }
0x47: {  	_ =	shalt  }
0x48: {  	_ =	shalt  }
0x49: {  	_ =	shalt  }
0x4a: {  	_ =	shalt  }
0x4b: {  	_ =	shalt  }
0x4c: {  	_ =	shalt  }
0x4d: {  	_ =	shalt  }
0x4e: {  	_ =	shalt  }
0x4f: {  	_ =	shalt  }
0x50: {  	_ =	shalt  }
0x51: {  	_ =	shalt  }
0x52: {  	_ =	shalt  }
0x53: {  	_ =	shalt  }
0x54: {  	_ =	shalt  }
0x55: {  	_ =	shalt  }
0x56: {  	_ =	shalt  }
0x57: {  	_ =	shalt  }
0x58: {  	_ =	shalt  }
0x59: {  	_ =	shalt  }
0x5a: {  	_ =	shalt  }
0x5b: {  	_ =	shalt  }
0x5c: {  	_ =	shalt  }
0x5d: {  	_ =	shalt  }
0x5e: {  	_ =	shalt  }
0x5f: {  	_ =	shalt  }
0x60: {  	_ =	shalt  }
0x61: {  	_ =	shalt  }
0x62: {  	_ =	shalt  }
0x63: {  	_ =	shalt  }
0x64: {  	_ =	shalt  }
0x65: {  	_ =	shalt  }
0x66: {  	_ =	shalt  }
0x67: {  	_ =	shalt  }
0x68: {  	_ =	shalt  }
0x69: {  	_ =	shalt  }
0x6a: {  	_ =	shalt  }
0x6b: {  	_ =	shalt  }
0x6c: {  	_ =	shalt  }
0x6d: {  	_ =	shalt  }
0x6e: {  	_ =	shalt  }
0x6f: {  	_ =	shalt  }
0x70: {  	_ =	shalt  }
0x71: {  	_ =	shalt  }
0x72: {  	_ =	shalt  }
0x73: {  	_ =	shalt  }
0x74: {  	_ =	shalt  }
0x75: {  	_ =	shalt  }
0x76: {  	_ =	shalt  }
0x77: {  	_ =	shalt  }
0x78: {  	_ =	shalt  }
0x79: {  	_ =	shalt  }
0x7a: {  	_ =	shalt  }
0x7b: {  	_ =	shalt  }
0x7c: {  	_ =	shalt  }
0x7d: {  	_ =	shalt  }
0x7e: {  	_ =	shalt  }
0x7f: {  	_ =	shalt  }
0x80: {  	_ =	shalt  }
0x81: {  	_ =	shalt  }
0x82: {  	_ =	shalt  }
0x83: {  	_ =	shalt  }
0x84: {  	_ =	shalt  }
0x85: {  	_ =	shalt  }
0x86: {  	_ =	shalt  }
0x87: {  	_ =	shalt  }
.Lfunc_end0:
.L_simem_size_0:
called_computation_lowered:
.L_overlay_start_0:
0x88: {  	s2 =	sld [smem:$0x3FD9]  }
0x89: {  	s3 =	sld [smem:$0x3FFE];
	_ =	sdelay $0x1  }
0x8a: {  	s1 =	srdreg.scid  }
0x8b: {  	s0 =	sand.u32 $0x1, s1  }
0x8c: {  	s18 =	sshll.u32 s0, $0xA;
	s2 =	sadd.s32 s3, s2  }
0x8d: {  	s2 =	sadd.s32 s2, s18  }
0x8e: {  	[smem:$0x3FC7] =	sst s2  }
0x8f: {  	_ = 	snop  }
0x90: {  	s2 =	sld [smem:$0x3FC9]  }
0x91: {  	s19 =	sld [smem:$0x3FD0];
	(tm) =	ssettm $0x1  }
0x92: {  	s4 =	sld [smem:$0x3FFB];
	_ =	sdelay $0x3  }
0x93: {  	_ =	strace s4  }
0x94: {  	s4 =	sld [smem:$0x3FFC];
	_ =	sdelay $0x3  }
0x95: {  	_ =	strace s4  }
0x96: {  	s4 =	sld [smem:$0x3FFD];
	_ =	sdelay $0x3  }
0x97: {  	_ =	strace s4  }
0x98: {  	_ =	strace $0x8FFFFFFF  }
0x99: {  	s20 =	sld [smem:$0x3FDB];
	_ =	sdelay $0x1  }
0x9a: {  	s5 =	simm.s32 $_scs_section_size  }
0x9b: {  	s6 =	simm.s32 $_size__tile_overlayer_lowered;
	s7 =	simm.s32 $_tile_overlayer_lowered  }
0x9c: {  	s23 =	simm.s32 $0x1BFF;
	s22 =	sshll.u32 s7, $0x1;
	s4 =	sadd.s32 s5, s20  }
0x9d: {  	s8 =	simm.s32 $0x0;
	s21 =	sshll.u32 s6, $0x1;
	s6 =	sadd.s32 s22, s4  }
0x9e: {  	[timem:s8], [sflag:s23] =	dma.local [hbm:s6], s21  }
0x9f: {  	_ =	swait.ge [sflag:s23], s21  }
0xa0: {  	s5 =	ssub.s32 $0x0, s21;
	[sflag:s23] =	ssyncset.done $0x0  }
0xa1: {  	[sflag:s23] =	ssyncadd.s32 s5;
	_ =	sdelay $0x1  }
0xa2: {  	s24 =	simm.s32 $0x1B8B  }
0xa3: {  	_ =	swait.ge [sflag:s24], $0x1  }
0xa4: {  	[sflag:s24] =	ssyncset.done $0x0  }
0xa5: {  	s25 =	simm.s32 $0x1B8E;
	[sflag:s24] =	ssyncadd.s32 $0xFFFFFFFF  }
0xa6: {  	s26 =	simm.s32 $execute0_lowered;
	[smem:$0x3FD2] =	sst s25  }
0xa7: {  	s5 =	sshll.u32 s26, $0x1;
	_ =	strace $0x80000046;
	[dreg:$0x1] =	wrdreg $0xFFFFFFFF  }
0xa8: {  	s28 =	simm.s32 $_size_execute0_lowered;
	s4 =	sadd.s32 s4, s5;
	[dreg:$0x0] =	wrdreg $0x0  }
0xa9: {  	s5 =	sshll.u32 s28, $0x1;
	[dreg:$0x2] =	wrdreg s4  }
0xaa: {  	[dreg:$0x3] =	wrdreg s5  }
0xab: {  	[dreg:$0x4] =	wrdreg $0xC0  }
0xac: {  	_ =	task [dreg:s8], $0x5FFFF  }
0xad: {  	[dreg:$0x1] =	wrdreg $0xFFFFFFFF  }
0xae: {  	[dreg:$0x0] =	wrdreg $0x60  }
0xaf: {  	[dreg:$0x2] =	wrdreg s2  }
0xb0: {  	[dreg:$0x3] =	wrdreg s19  }
0xb1: {  	[dreg:$0x4] =	wrdreg $0x9  }
0xb2: {  	_ =	task.clear_ibuf [dreg:s8], $0x5FFFF;
	_ =	strace $0x90000046  }
0xb3: {  	s29 =	simm.s32 $0x9;
	_ =	strace $0x80000048  }
0xb4: {  	_ =	swait.ge [sflag:s29], $0x1  }
0xb5: {  	[sflag:s29] =	ssyncadd.s32 $0xFFFFFFFF  }
0xb6: {  	_ =	strace $0x90000048  }
0xb7: {  	_ =	sfence  }
0xb8: {  	s30 =	sld [smem:$0x0];
	_ =	sdelay $0x2  }
0xb9: {  	s31 =	sshll.u32 s1, $0xD;
	s1 =	sshrl.u32 s1, $0x2  }
0xba: {  	s3 =	sand.u32 $0x4000, s31;
	s1 =	sadd.s32 s1, s30  }
0xbb: {  	s0 =	sor.u32 s3, s0;
	s1 =	sshll.u32 s1, $0x11  }
0xbc: {  	s0 =	sor.u32 s1, s0  }
0xbd: {  	s0 =	sadd.s32 $0x8F2B, s0  }
0xbe: {  	[sflag:s0] =	ssyncadd.remote.s32 $0x1  }
0xbf: {  	_ =	sfence.sel $0xFFFF  }
0xc0: {  	[dreg:$0x0] =	wrdreg $0xFFFFFFFF;
	(pc) =	sbr.abs _section_cstart, $3  }
0xc1: {  	[dreg:$0x1] =	wrdreg $0xFFFFFFFF  }
0xc2: {  	_ =	task.clear_ibuf [dreg:s8], $0x2FFFF;
	_ =	strace $0x9FFFFFFF  }
0xc3: {  	(tm) =	ssettm $0x7FFFFFFF  }
tec
execute0_lowered:
.L_overlay_start_1:
0x0: {  	(tag) =	ssettag $0x1  }
0x1: {  	v0 =	vimm.s32 $0x593C1EFF;
	v1 =	vimm.s32 $0xC3AA9075;
	vm0 =	vcmask $0xF00  }
0x2: {  	vm7 =	vcmask $0x2320;
	vm6 =	vcmask $0x2724;
	vm5 =	vcmask $0x2B28  }
0x3: {  	vm4 =	vcmask $0x2F2C;
	vm3 =	vcmask $0x3330;
	vm2 =	vcmask $0x3734  }
0x4: {  	vm1 =	vcmask $0x3B38;
	v51 =	vimm.s32 $0x0;
	v56 =	vimm.s32 $0xB80  }
0x5: {  	vm15 =	vcmask $0x300;
	vm14 =	vcmask $0x704;
	vm13 =	vcmask $0xB08  }
0x6: {  	v58 =	vimm.s32 $0x1B80;
	vm12 =	vcmask $0xF0C;
	vm11 =	vcmask $0x1310  }
0x7: {  	vm10 =	vcmask $0x1714;
	vm9 =	vcmask $0x1B18;
	vm8 =	vcmask $0x1F1C  }
0x8: {  	v62 =	vimm.s32 $0x2B80;
	v4 =	vimm.s32 $0x3B80;
	v5 =	vimm.s32 $0x4B80  }
0x9: {  	v22 =	vimm.s32 $0x5B80;
	v32 =	vimm.s32 $0x6B80;
	v33 =	vimm.s32 $0x7B80  }
0xa: {  	v36 =	vimm.s32 $0x1EF;
	v37 =	vimm.s32 $0x8B80;
	v38 =	vimm.s32 $0x9B80  }
0xb: {  	v39 =	vimm.s32 $0xAB80;
	v0 =	vunpack.c.0.s8.s32 v0;
	v1 =	vunpack.c.0.s8.s32 v1  }
0xc: {  	v40 =	vimm.s32 $0xBB80;
	v41 =	vimm.s32 $0xCB80;
	v42 =	vimm.s32 $0xDB80  }
0xd: {  	v0 =	vnsel vm0, $0x167, v0;
	v1 =	vand.u32 $0xFF, v1;
	vm0 =	vcmask $0x1F10  }
0xe: {  	v43 =	vimm.s32 $0xEB80;
	v44 =	vimm.s32 $0xFB80;
	v0 =	vsel vm0, v1, v0  }
0xf: {  	v45 =	vimm.s32 $0x0;
	v1 =	vsel vm15, $0x1000, v58;
	v0 =	vsel vm7, $0xDB, v0  }
0x10: {  	s0 =	srdreg.scid;
	s3 =	stileid.u32;
	v57 =	vsel vm15, $0x0, v56;
	v1 =	vsel vm14, $0x1080, v1;
	v0 =	vsel vm6, $0xF2, v0  }
0x11: {  	s0 =	sand.u32 $0x1, s0;
	s2 =	sshll.u32 s3, $0x1;
	v63 =	vsel vm15, $0x2000, v62;
	v1 =	vsel vm13, $0x1100, v1;
	v0 =	vsel vm5, $0x108, v0  }
0x12: {  	v23 =	vsel vm15, $0x5000, v22;
	s17 =	sor.u32 s0, s2;
	v1 =	vsel vm12, $0x1180, v1;
	v0 =	vsel vm4, $0x11D, v0  }
0x13: {  	v47 =	vmov s17;
	s2 =	sor.u32 $0x20, s17;
	v1 =	vsel vm11, $0x1200, v1;
	v0 =	vsel vm3, $0x131, v0  }
0x14: {  	v49 =	vmov s2;
	v1 =	vsel vm10, $0x1280, v1;
	v0 =	vsel vm2, $0x144, v0  }
0x15: {  	s1 =	rddreg [dreg:$0x0];
	s5 =	simm.s32 $0x0;
	v1 =	vsel vm9, $0x1300, v1;
	v50 =	vsel vm1, $0x156, v0;
	v0 =	vsel vm14, $0x80, v57  }
0x16: {  	[smem:$0x7FF] =	sst s5;
	v1 =	vsel vm8, $0x1380, v1;
	vm0 =	vgt.s32 v47, v50;
	v0 =	vsel vm13, $0x100, v0  }
0x17: {  	s16 =	rddreg [dreg:$0x1];
	_ =	strace $0x80000047;
	v1 =	vsel vm7, $0x1800, v1;
	v48 =	vsel vm0, $0x1, v51;
	v0 =	vsel vm12, $0x180, v0  }
0x18: {  	vm0 =	vgt.s32 v49, v50;
	v1 =	vsel vm6, $0x1880, v1;
	(xrf0) =	vadd.scan.msk.s32 $0xffff, v48;
	v0 =	vsel vm11, $0x200, v0  }
0x19: {  	v52 =	vsel vm0, $0x1, v51;
	v1 =	vsel vm5, $0x1900, v1;
	(xrf0) =	vadd.scan.msk.s32 $0xffff, v51;
	v0 =	vsel vm10, $0x280, v0  }
0x1a: {  	v1 =	vsel vm4, $0x1980, v1;
	(xrf0) =	vadd.scan.msk.s32 $0xffff, v52;
	v0 =	vsel vm9, $0x300, v0;
	v52 =	vlaneseq.u32  }
0x1b: {  	v61 =	vsel vm3, $0x1A00, v1;
	v1 =	vsel vm15, $0x3000, v4;
	v0 =	vsel vm8, $0x380, v0  }
0x1c: {  	v2 =	vand.u32 $0x7, v52;
	v59 =	vshrl.u32 v52, $0x3;
	v60 =	vor.u32 $0x8, v52  }
0x1d: {  	v1 =	vsel vm14, $0x3080, v1;
	v26 =	vor.u32 $0x50, v52;
	v27 =	vor.u32 $0x60, v52  }
0x1e: {  	v0 =	vsel vm7, $0x800, v0;
	[tilespmem:$0x1FE50] =	vst v2;
	v2 =	vmul.u32 $0x8, v59;
	v1 =	vsel vm13, $0x3100, v1  }
0x1f: {  	v28 =	vor.u32 $0x70, v52;
	v0 =	vsel vm6, $0x880, v0;
	v1 =	vsel vm12, $0x3180, v1  }
0x20: {  	v53, _, _ =	vpop (xrf0);
	v0 =	vsel vm5, $0x900, v0;
	[tilespmem:$0x1FE60] =	vst v2;
	v2 =	vsel vm15, $0x4000, v5;
	v1 =	vsel vm11, $0x3200, v1  }
0x21: {  	v54, _, _ =	vpop (xrf0);
	(v2sf) =	vpush v53, $0xF;
	v53 =	vadd.s32 $0x1, v52;
	v0 =	vsel vm4, $0x980, v0  }
0x22: {  	v2 =	vsel vm14, $0x4080, v2;
	v1 =	vsel vm10, $0x3280, v1;
	(v2sf) =	vpush v54, $0xF  }
0x23: {  	v55, _, _ =	vpop (xrf0);
	v54 =	vmul.u32 $0xFFFFFFFF, v52;
	v0 =	vsel vm3, $0xA00, v0;
	v2 =	vsel vm13, $0x4100, v2  }
0x24: {  	v1 =	vsel vm9, $0x3300, v1;
	(v2sf) =	vpush v55, $0xF;
	v0 =	vsel vm2, $0xA80, v0  }
0x25: {  	v2 =	vsel vm12, $0x4180, v2;
	v1 =	vsel vm8, $0x3380, v1;
	v55 =	vsel vm1, $0xB00, v0  }
0x26: {  	v0 =	vsel vm2, $0x1A80, v61;
	v2 =	vsel vm11, $0x4200, v2;
	v1 =	vsel vm7, $0x3800, v1  }
0x27: {  	v57 =	vsel vm1, $0x1B00, v0;
	v0 =	vsel vm14, $0x2080, v63;
	v2 =	vsel vm10, $0x4280, v2  }
0x28: {  	v1 =	vsel vm6, $0x3880, v1;
	v0 =	vsel vm13, $0x2100, v0;
	v2 =	vsel vm9, $0x4300, v2  }
0x29: {  	v1 =	vsel vm5, $0x3900, v1;
	v0 =	vsel vm12, $0x2180, v0;
	v2 =	vsel vm8, $0x4380, v2  }
0x2a: {  	v1 =	vsel vm4, $0x3980, v1;
	v0 =	vsel vm11, $0x2200, v0;
	v2 =	vsel vm7, $0x4800, v2  }
0x2b: {  	v1 =	vsel vm3, $0x3A00, v1;
	v0 =	vsel vm10, $0x2280, v0;
	v2 =	vsel vm6, $0x4880, v2  }
0x2c: {  	v6 =	vsel vm2, $0x3A80, v1;
	v1 =	vsel vm15, $0x6000, v32;
	v0 =	vsel vm9, $0x2300, v0  }
0x2d: {  	v2 =	vsel vm5, $0x4900, v2;
	v61 =	vsel vm1, $0x3B00, v6;
	v0 =	vsel vm8, $0x2380, v0  }
0x2e: {  	v1 =	vsel vm14, $0x6080, v1;
	v7 =	vsel vm4, $0x4980, v2;
	v0 =	vsel vm7, $0x2800, v0  }
0x2f: {  	v2 =	vsel vm15, $0x7000, v33;
	v1 =	vsel vm13, $0x6100, v1;
	v0 =	vsel vm6, $0x2880, v0  }
0x30: {  	v21 =	vsel vm3, $0x4A00, v7;
	v2 =	vsel vm14, $0x7080, v2;
	v0 =	vsel vm5, $0x2900, v0  }
0x31: {  	v1 =	vsel vm12, $0x6180, v1;
	v2 =	vsel vm13, $0x7100, v2;
	v0 =	vsel vm4, $0x2980, v0  }
0x32: {  	v1 =	vsel vm11, $0x6200, v1;
	v2 =	vsel vm12, $0x7180, v2;
	v0 =	vsel vm3, $0x2A00, v0  }
0x33: {  	v1 =	vsel vm10, $0x6280, v1;
	v2 =	vsel vm11, $0x7200, v2;
	v0 =	vsel vm2, $0x2A80, v0  }
0x34: {  	v1 =	vsel vm9, $0x6300, v1;
	v59 =	vsel vm1, $0x2B00, v0;
	v0 =	vsel vm2, $0x4A80, v21  }
0x35: {  	v2 =	vsel vm10, $0x7280, v2;
	v63 =	vsel vm1, $0x4B00, v0;
	v0 =	vsel vm14, $0x5080, v23  }
0x36: {  	v1 =	vsel vm8, $0x6380, v1;
	v2 =	vsel vm9, $0x7300, v2;
	v0 =	vsel vm13, $0x5100, v0  }
0x37: {  	v1 =	vsel vm7, $0x6800, v1;
	v2 =	vsel vm8, $0x7380, v2;
	v0 =	vsel vm12, $0x5180, v0  }
0x38: {  	v1 =	vsel vm6, $0x6880, v1;
	v2 =	vsel vm7, $0x7800, v2;
	v0 =	vsel vm11, $0x5200, v0  }
0x39: {  	v1 =	vsel vm5, $0x6900, v1;
	v2 =	vsel vm6, $0x7880, v2;
	v0 =	vsel vm10, $0x5280, v0  }
0x3a: {  	v1 =	vsel vm4, $0x6980, v1;
	v2 =	vsel vm5, $0x7900, v2;
	v0 =	vsel vm9, $0x5300, v0  }
0x3b: {  	v34 =	vsel vm3, $0x6A00, v1;
	v2 =	vsel vm4, $0x7980, v2;
	v0 =	vsel vm8, $0x5380, v0  }
0x3c: {  	v35 =	vsel vm3, $0x7A00, v2;
	v2 =	vsel vm15, $0x9000, v38;
	v0 =	vsel vm7, $0x5800, v0  }
0x3d: {  	v1 =	vsel vm2, $0x7A80, v35;
	v2 =	vsel vm14, $0x9080, v2;
	v0 =	vsel vm6, $0x5880, v0  }
0x3e: {  	v19 =	vsel vm1, $0x7B00, v1;
	v1 =	vsel vm15, $0x8000, v37;
	v0 =	vsel vm5, $0x5900, v0  }
0x3f: {  	v2 =	vsel vm13, $0x9100, v2;
	v1 =	vsel vm14, $0x8080, v1;
	v0 =	vsel vm4, $0x5980, v0  }
0x40: {  	v2 =	vsel vm12, $0x9180, v2;
	v1 =	vsel vm13, $0x8100, v1;
	v0 =	vsel vm3, $0x5A00, v0  }
0x41: {  	v2 =	vsel vm11, $0x9200, v2;
	v1 =	vsel vm12, $0x8180, v1;
	v0 =	vsel vm2, $0x5A80, v0  }
0x42: {  	v2 =	vsel vm10, $0x9280, v2;
	v11 =	vsel vm1, $0x5B00, v0;
	v0 =	vsel vm2, $0x6A80, v34  }
0x43: {  	v1 =	vsel vm11, $0x8200, v1;
	v15 =	vsel vm1, $0x6B00, v0;
	v0 =	vsel vm15, $0x177, v36  }
0x44: {  	v2 =	vsel vm9, $0x9300, v2;
	v1 =	vsel vm10, $0x8280, v1;
	v0 =	vsel vm14, $0x186, v0  }
0x45: {  	v2 =	vsel vm8, $0x9380, v2;
	v1 =	vsel vm9, $0x8300, v1;
	v0 =	vsel vm13, $0x194, v0  }
0x46: {  	v2 =	vsel vm7, $0x9800, v2;
	v1 =	vsel vm8, $0x8380, v1;
	v0 =	vsel vm12, $0x1A1, v0  }
0x47: {  	v2 =	vsel vm6, $0x9880, v2;
	v1 =	vsel vm7, $0x8800, v1;
	v0 =	vsel vm11, $0x1AD, v0  }
0x48: {  	v2 =	vsel vm5, $0x9900, v2;
	v1 =	vsel vm6, $0x8880, v1;
	v0 =	vsel vm10, $0x1B8, v0  }
0x49: {  	v2 =	vsel vm4, $0x9980, v2;
	v1 =	vsel vm5, $0x8900, v1;
	v0 =	vsel vm9, $0x1C2, v0  }
0x4a: {  	v2 =	vsel vm3, $0x9A00, v2;
	v1 =	vsel vm4, $0x8980, v1;
	v0 =	vsel vm8, $0x1CB, v0  }
0x4b: {  	v2 =	vsel vm2, $0x9A80, v2;
	v1 =	vsel vm3, $0x8A00, v1;
	v0 =	vsel vm7, $0x1D3, v0  }
0x4c: {  	v31 =	vsel vm1, $0x9B00, v2;
	v2 =	vsel vm15, $0xC000, v41;
	v0 =	vsel vm6, $0x1DA, v0  }
0x4d: {  	v1 =	vsel vm2, $0x8A80, v1;
	v2 =	vsel vm14, $0xC080, v2;
	v0 =	vsel vm5, $0x1E0, v0  }
0x4e: {  	v30 =	vsel vm1, $0x8B00, v1;
	v1 =	vsel vm15, $0xB000, v40;
	v0 =	vsel vm4, $0x1E5, v0  }
0x4f: {  	v2 =	vsel vm13, $0xC100, v2;
	v1 =	vsel vm14, $0xB080, v1;
	v0 =	vsel vm3, $0x1E9, v0  }
0x50: {  	v2 =	vsel vm12, $0xC180, v2;
	v1 =	vsel vm13, $0xB100, v1;
	v0 =	vsel vm2, $0x1EC, v0  }
0x51: {  	v2 =	vsel vm11, $0xC200, v2;
	v29 =	vsel vm1, $0x1EE, v0;
	v0 =	vsel vm15, $0xA000, v39  }
0x52: {  	v1 =	vsel vm12, $0xB180, v1;
	v2 =	vsel vm10, $0xC280, v2;
	v0 =	vsel vm14, $0xA080, v0  }
0x53: {  	v1 =	vsel vm11, $0xB200, v1;
	v2 =	vsel vm9, $0xC300, v2;
	v0 =	vsel vm13, $0xA100, v0  }
0x54: {  	v1 =	vsel vm10, $0xB280, v1;
	v2 =	vsel vm8, $0xC380, v2;
	v0 =	vsel vm12, $0xA180, v0  }
0x55: {  	v1 =	vsel vm9, $0xB300, v1;
	v2 =	vsel vm7, $0xC800, v2;
	v0 =	vsel vm11, $0xA200, v0  }
0x56: {  	s19 =	sshll.u32 s3, $0x14;
	s23 =	sshll.u32 s3, $0xA;
	s11 =	ssub.s32 $0x2, s0;
	v1 =	vsel vm8, $0xB380, v1;
	v2 =	vsel vm6, $0xC880, v2;
	v0 =	vsel vm10, $0xA280, v0  }
0x57: {  	s18 =	sshll.u32 s0, $0x7;
	s21 =	sadd.s32 $0xFFFFFFFF, s19;
	s14 =	sshrl.u32 s11, $0x1;
	[tilespmem:$0x1FE80] =	vst v50;
	v1 =	vsel vm7, $0xB800, v1;
	v2 =	vsel vm5, $0xC900, v2;
	v0 =	vsel vm9, $0xA300, v0  }
0x58: {  	s30 =	smul.u32 $0x10080, s17;
	s11 =	ssub.s32 s11, s14;
	s14 =	sor.u32 $0x60, s17;
	[tilespmem:$0x1FE70] =	vst v60;
	v1 =	vsel vm6, $0xB880, v1;
	v2 =	vsel vm4, $0xC980, v2;
	v0 =	vsel vm8, $0xA380, v0  }
0x59: {  	s28 =	sshll.u32 s17, $0x7;
	[dreg:$0x6] =	wrdreg s14;
	[tilespmem:$0x1FF10] =	vst v26;
	s6 =	spop (v2sf);
	v1 =	vsel vm5, $0xB900, v1;
	v2 =	vsel vm3, $0xCA00, v2;
	v0 =	vsel vm7, $0xA800, v0  }
0x5a: {  	s14 =	sshll.u32 s0, $0x13;
	s0 =	sshll.u32 s0, $0x9;
	[tilespmem:$0x1FF30] =	vst v27;
	s8 =	spop (v2sf);
	v1 =	vsel vm4, $0xB980, v1;
	v2 =	vsel vm2, $0xCA80, v2;
	v0 =	vsel vm6, $0xA880, v0  }
0x5b: {  	s0 =	sor.u32 s0, s23;
	s23 =	simm.s32 $0x200;
	[tilespmem:$0x1FF50] =	vst v28;
	s4 =	sadd.s32 s8, s6;
	v1 =	vsel vm3, $0xBA00, v1;
	v48 =	vsel vm1, $0xCB00, v2;
	v0 =	vsel vm5, $0xA900, v0  }
0x5c: {  	[tilespmem:$0x1FE90] =	vst v53;
	s7 =	spop (v2sf);
	s9 =	sadd.s32 $0xFFFFFFFF, s4;
	s12 =	sadd.s32 $0x3FFFFFE, s4;
	v2 =	vsel vm15, $0xF000, v44;
	v1 =	vsel vm2, $0xBA80, v1;
	v0 =	vsel vm4, $0xA980, v0  }
0x5d: {  	[dreg:$0x3] =	wrdreg s17;
	[tilespmem:$0x1FEA0] =	vst v54;
	s7 =	sadd.s32 s8, s7;
	s10 =	smul.u32 $0x1FFFFE1, s9;
	v2 =	vsel vm14, $0xF080, v2;
	v47 =	vsel vm1, $0xBB00, v1;
	v0 =	vsel vm3, $0xAA00, v0  }
0x5e: {  	[tilespmem:$0x1FEC0] =	vst v55;
	s13 =	sadd.s32 $0xFFFFFFFF, s7;
	s9 =	smul.u32 s9, s12;
	s26 =	sadd.s32 $0x3FFFFFE, s7;
	v1 =	vsel vm15, $0xE000, v43;
	v2 =	vsel vm13, $0xF100, v2;
	v0 =	vsel vm2, $0xAA80, v0  }
0x5f: {  	[dreg:$0x9] =	wrdreg s21;
	[tilespmem:$0x1FED0] =	vst v57;
	s8 =	sadd.s32 s8, s17;
	s15 =	smul.u32 $0x1FFFFE1, s13;
	v1 =	vsel vm14, $0xE080, v1;
	v46 =	vsel vm1, $0xAB00, v0;
	v0 =	vsel vm15, $0xD000, v42  }
0x60: {  	[tilespmem:$0x1FEF0] =	vst v61;
	s6 =	sadd.s32 s6, s8;
	s2 =	sadd.s32 s2, s7;
	s12 =	smul.u32 s13, s26;
	v2 =	vsel vm12, $0xF180, v2;
	v1 =	vsel vm13, $0xE100, v1;
	v0 =	vsel vm14, $0xD080, v0  }
0x61: {  	[tilespmem:$0x1FEE0] =	vst v59;
	s13 =	sor.u32 $0x40, s17;
	s17 =	sshll.u32 s3, $0x8;
	s26 =	sor.u32 $0x6, s0;
	v2 =	vsel vm11, $0xF200, v2;
	v1 =	vsel vm12, $0xE180, v1;
	v0 =	vsel vm13, $0xD100, v0  }
0x62: {  	[tilespmem:$0x1FF00] =	vst v63;
	s0 =	sor.u32 $0xA, s0;
	s3 =	simm.s32 $0x0;
	[dreg:$0x5] =	wrdreg s13;
	v2 =	vsel vm10, $0xF280, v2;
	v1 =	vsel vm11, $0xE200, v1;
	v0 =	vsel vm12, $0xD180, v0  }
0x63: {  	s9 =	sshrl.u32 s9, $0x1;
	s6 =	sadd.s32 s10, s6;
	[dreg:$0xb] =	wrdreg s26;
	[tilespmem:$0x1FF60] =	vst v19;
	v2 =	vsel vm9, $0xF300, v2;
	v1 =	vsel vm10, $0xE280, v1;
	v0 =	vsel vm11, $0xD200, v0  }
0x64: {  	s20 =	sor.u32 s18, s17;
	[dreg:$0xe] =	wrdreg s0;
	s17 =	simm.s32 $0x2;
	[tilespmem:$0x1FF20] =	vst v11;
	v2 =	vsel vm8, $0xF380, v2;
	v1 =	vsel vm9, $0xE300, v1;
	v0 =	vsel vm10, $0xD280, v0  }
0x65: {  	s29 =	sshrl.u32 s12, $0x1;
	s2 =	sadd.s32 s15, s2;
	s9 =	sadd.s32 s9, s6;
	[tilespmem:$0x1FF40] =	vst v15;
	v2 =	vsel vm7, $0xF800, v2;
	v1 =	vsel vm8, $0xE380, v1;
	v0 =	vsel vm9, $0xD300, v0  }
0x66: {  	s6 =	sadd.s32 $0xFFFFFFFF, s28;
	s12 =	sadd.s32 s16, s30;
	s15 =	smax.u32 s11, $0x1;
	[tilespmem:$0x1FF90] =	vst v31;
	v2 =	vsel vm6, $0xF880, v2;
	v1 =	vsel vm7, $0xE800, v1;
	v0 =	vsel vm8, $0xD380, v0  }
0x67: {  	s22 =	sor.u32 $0x1, s20;
	[dreg:$0x8] =	wrdreg s20;
	s25 =	sor.u32 $0x2, s20;
	[tilespmem:$0x1FF80] =	vst v30;
	v2 =	vsel vm5, $0xF900, v2;
	v1 =	vsel vm6, $0xE880, v1;
	v0 =	vsel vm7, $0xD800, v0  }
0x68: {  	s28 =	sor.u32 $0xFFE, s19;
	s30 =	sshll.u32 s7, $0x7;
	[dreg:$0x4] =	wrdreg s12;
	[tilespmem:$0x1FF70] =	vst v29;
	v2 =	vsel vm4, $0xF980, v2;
	v1 =	vsel vm5, $0xE900, v1;
	v0 =	vsel vm6, $0xD880, v0  }
0x69: {  	s2 =	sadd.s32 s29, s2;
	s31 =	sshll.u32 s9, $0x7;
	[dreg:$0x7] =	wrdreg s15;
	[tilespmem:$0x1FFC0] =	vst v48;
	v2 =	vsel vm3, $0xFA00, v2;
	v1 =	vsel vm4, $0xE980, v1;
	v0 =	vsel vm5, $0xD900, v0  }
0x6a: {  	s24 =	smul.u32 s20, s22;
	[dreg:$0xc] =	wrdreg s28;
	s29 =	sshll.u32 s4, $0x7;
	[tilespmem:$0x1FFB0] =	vst v47;
	v2 =	vsel vm2, $0xFA80, v2;
	v1 =	vsel vm3, $0xEA00, v1;
	v0 =	vsel vm4, $0xD980, v0  }
.Ltmp0:
0x6b: {  	s2 =	sshll.u32 s2, $0x7;
	s8 =	sadd.s32 $0xFFFFFFFF, s31;
	[tilespmem:$0x1FFA0] =	vst v46;
	v20 =	vsel vm1, $0xFB00, v2;
	v1 =	vsel vm2, $0xEA80, v1;
	v0 =	vsel vm3, $0xDA00, v0;
	(pc) =	sbr.rel .LBB2_1-.Ltmp0, $4  }
0x6c: {  	vm0 =	vmmov $0xff;
	s0 =	sadd.s32 $0xFFFFFF80, s29;
	s31 =	sadd.s32 $0xFFFFFF80, s30;
	[dreg:$0xa] =	wrdreg s24;
	[tilespmem:$0x1FFF0] =	vst v20;
	v18 =	vsel vm1, $0xEB00, v1;
	v0 =	vsel vm2, $0xDA80, v0  }
0x6d: {  	s9 =	sadd.s32 $0xFFFFFFFF, s2;
	s2 =	smul.u32 s22, s25;
	[dreg:$0xf] =	wrdreg s0;
	[tilespmem:$0x1FFE0] =	vst v18;
	v49 =	vsel vm1, $0xDB00, v0;
	v0 =	vsel vm0, $0xFFFFFFFF, v45  }
0x6e: {  	v56 =	vor.u32 $0x10, v52;
	v58 =	vor.u32 $0x20, v52;
	s11 =	simm.s32 $0x400;
	s19 =	simm.s32 $0x8000;
	[dreg:$0x10] =	wrdreg s31;
	[tilespmem:$0x1FEB0] =	vst v0  }
0x6f: {  	v62 =	vor.u32 $0x40, v52;
	v60 =	vor.u32 $0x30, v52;
	s15 =	simm.s32 $0x1;
	s12 =	simm.s32 $0x3;
	[dreg:$0xd] =	wrdreg s2;
	vm2 =	vmmov vm0;
	[tilespmem:$0x1FFD0] =	vst v49  }
.LBB2_26:
0x70: {  	_ =	swait.ge [sflag:s12], $0x4000  }
0x71: {  	[sflag:s12] =	ssyncset.done $0x0  }
0x72: {  	s2 =	simm.s32 $0x4;
	[sflag:s12] =	ssyncadd.s32 $0xFFFFC000  }
0x73: {  	_ =	swait.ge [sflag:s2], $0x4000  }
0x74: {  	s3 =	rddreg [dreg:$0x11]  }
0x75: {  	s0 =	rddreg [dreg:$0x7];
	s3 =	sadd.s32 $0x1, s3  }
0x76: {  	p0 =	sne.s32 s3, s0  }
.Ltmp1:
0x77: {  	_ = 	snop;
	(pc) =	sbr.rel @!p0 .LBB2_27-.Ltmp1, $4  }
0x78: {  	_ = 	snop  }
0x79: {  	v11 =	vld [tilespmem:$0x1FF20]  }
0x7a: {  	[sflag:s2] =	ssyncset.done $0x0;
	v15 =	vld [tilespmem:$0x1FF40]  }
0x7b: {  	v19 =	vld [tilespmem:$0x1FF60];
	[sflag:s2] =	ssyncadd.s32 $0xFFFFC000  }
.LBB2_1:
0x7c: {  	s2 =	rddreg [dreg:$0x8]  }
0x7d: {  	v0 =	vor.u32 s2, v52;
	v1 =	vadd.s32 s2, v53  }
0x7e: {  	v1 =	vmul.u32 v1, v0  }
0x7f: {  	s0 =	ssub.s32 s6, s2;
	v0 =	vshll.u32 v0, $0xC  }
0x80: {  	v0 =	vadd.s32 s0, v0;
	v1 =	vshrl.u32 v1, $0x1  }
0x81: {  	v0 =	vsub.s32 v0, v1  }
0x82: {  	s4 =	sadd.s32 $0x10, s2;
	v2 =	vadd.s32 v54, v0  }
0x83: {  	v1 =	vadd.s32 s4, v53;
	v0 =	vor.u32 s4, v52;
	v3 =	vshra.s32 v2, $0x7  }
0x84: {  	v1 =	vmul.u32 v1, v0;
	vm1 =	vgt.s32 v3, $0x0  }
0x85: {  	s31 =	ssub.s32 s6, s4;
	v4 =	vshll.u32 v0, $0xC;
	v0 =	vnsel vm1, $0x0, v3  }
0x86: {  	v1 =	vshrl.u32 v1, $0x1;
	v3 =	vadd.s32 s31, v4;
	v49 =	vmin.u32 v0, $0xFFEE  }
0x87: {  	[dreg:$0x11] =	wrdreg s3;
	s7 =	simm.s32 $0x0;
	v1 =	vsub.s32 v3, v1;
	v3 =	vshll.u32 v0, $0x7;
	v4 =	vadd.s32 $0x1, v49  }
0x88: {  	s2 =	simm.s32 $0x80;
	s0 =	simm.s32 $0x40;
	s4 =	sadd.s32 $0x10, s4;
	v1 =	vadd.s32 v54, v1;
	v2 =	vsub.s32 v2, v3;
	[tilespmem:s7+$0x80] =	vst v4  }
.LBB2_2:
0x89: {  	v3 =	vor.u32 s4, v52;
	v4 =	vadd.s32 s4, v53;
	p0 =	sne.s32 s2, $0x1C0;
	v5 =	vshra.s32 v1, $0x7;
	[tilespmem:s7+$0x18200] =	vst v2;
	s10 =	smov.u32 s2;
	s2 =	sadd.s32 $0x40, s2  }
.Ltmp2:
0x8a: {  	v2 =	vmul.u32 v4, v3;
	vm1 =	vgt.s32 v5, $0x0;
	[tilespmem:s7+$0x0] =	vst v0;
	(pc) =	sbr.rel @p0 .LBB2_2-.Ltmp2, $4  }
0x8b: {  	v3 =	vshll.u32 v3, $0xC;
	s7 =	ssub.s32 s6, s4;
	v0 =	vnsel vm1, $0x0, v5  }
0x8c: {  	v3 =	vadd.s32 s7, v3;
	v2 =	vshrl.u32 v2, $0x1;
	v4 =	vmin.u32 v0, $0xFFEE  }
0x8d: {  	s7 =	sshra.s32 s0, $0x2;
	s0 =	smov.u32 s10;
	v3 =	vsub.s32 v3, v2;
	v2 =	vshll.u32 v0, $0x7;
	v4 =	vadd.s32 $0x1, v4  }
0x8e: {  	s4 =	sadd.s32 $0x10, s4;
	v2 =	vsub.s32 v1, v2;
	v1 =	vadd.s32 v54, v3;
	[tilespmem:s7+$0x80] =	vst v4  }
0x8f: {  	v3 =	vshra.s32 v1, $0x7  }
0x90: {  	vm1 =	vgt.s32 v3, $0x0  }
0x91: {  	[tilespmem:s7+$0x18200] =	vst v2;
	v3 =	vnsel vm1, $0x0, v3  }
0x92: {  	[tilespmem:s7+$0x0] =	vst v0;
	s0 =	sshra.s32 s0, $0x2;
	v2 =	vmin.u32 v3, $0xFFEE  }
0x93: {  	v0 =	vshll.u32 v3, $0x7;
	[tilespmem:s0+$0x0] =	vst v3;
	v2 =	vadd.s32 $0x1, v2  }
0x94: {  	v0 =	vsub.s32 v1, v0;
	[tilespmem:s0+$0x80] =	vst v2  }
0x95: {  	[tilespmem:s0+$0x18200] =	vst v0;
	v2 =	vld [tilespmem:$0x1FE50]  }
0x96: {  	v0 =	vld [tilespmem:$0x0]  }
0x97: {  	v4 =	vld [tilespmem:$0x1FE70]  }
0x98: {  	v3 =	vld [tilespmem:$0x1FE60];
	_ =	sdelay $0x2  }
0x99: {  	v1 =	vperm.xlane v0, v2;
	_ =	sdelay $0x1  }
0x9a: {  	v0 =	vperm.xlane v0, v4;
	v1 =	vadd.s32 v3, v1;
	_ =	sdelay $0x1  }
0x9b: {  	v0 =	vadd.s32 v3, v0;
	_ =	sdelay $0x1  }
0x9c: {  	s0 =	simm.s32 $0x0  }
0x9d: {  	[tilespmem:s23], [sflag:$0x1] =	stream.indirect_vreg.gather [hbm4b:s1+s0], $0x80, v1, vm2, $0xb8;
	[tilespmem:$0x18300] =	vst v63  }
0x9e: {  	s2 =	simm.s32 $0xA00  }
0x9f: {  	[tilespmem:s2], [sflag:$0x1] =	stream.indirect_vreg.gather [hbm4b:s1+s0], $0x80, v0, vm2, $0xb8;
	[tilespmem:$0x18300] =	vst v63  }
0xa0: {  	v0 =	vld [tilespmem:$0x10];
	_ =	sdelay $0x4  }
0xa1: {  	v1 =	vperm.xlane v0, v2;
	_ =	sdelay $0x1  }
0xa2: {  	v0 =	vperm.xlane v0, v4;
	v1 =	vadd.s32 v3, v1;
	_ =	sdelay $0x1  }
0xa3: {  	v0 =	vadd.s32 v3, v0;
	_ =	sdelay $0x1  }
0xa4: {  	s31 =	simm.s32 $0x1200  }
0xa5: {  	[tilespmem:s31], [sflag:$0x1] =	stream.indirect_vreg.gather [hbm4b:s1+s0], $0x80, v1, vm2, $0xb8;
	[tilespmem:$0x18300] =	vst v63  }
0xa6: {  	s3 =	simm.s32 $0x1A00  }
0xa7: {  	[tilespmem:s3], [sflag:$0x1] =	stream.indirect_vreg.gather [hbm4b:s1+s0], $0x80, v0, vm2, $0xb8;
	[tilespmem:$0x18300] =	vst v63  }
0xa8: {  	v0 =	vld [tilespmem:$0x20];
	_ =	sdelay $0x4  }
0xa9: {  	v1 =	vperm.xlane v0, v2;
	_ =	sdelay $0x1  }
0xaa: {  	v0 =	vperm.xlane v0, v4;
	v1 =	vadd.s32 v3, v1;
	_ =	sdelay $0x1  }
0xab: {  	v0 =	vadd.s32 v3, v0;
	_ =	sdelay $0x1  }
0xac: {  	s4 =	simm.s32 $0x2200  }
0xad: {  	[tilespmem:s4], [sflag:$0x1] =	stream.indirect_vreg.gather [hbm4b:s1+s0], $0x80, v1, vm2, $0xb8;
	[tilespmem:$0x18300] =	vst v63  }
0xae: {  	s7 =	simm.s32 $0x2A00  }
0xaf: {  	[tilespmem:s7], [sflag:$0x1] =	stream.indirect_vreg.gather [hbm4b:s1+s0], $0x80, v0, vm2, $0xb8;
	[tilespmem:$0x18300] =	vst v63  }
0xb0: {  	v0 =	vld [tilespmem:$0x30];
	_ =	sdelay $0x4  }
0xb1: {  	v1 =	vperm.xlane v0, v2;
	_ =	sdelay $0x1  }
0xb2: {  	v0 =	vperm.xlane v0, v4;
	v1 =	vadd.s32 v3, v1;
	_ =	sdelay $0x1  }
0xb3: {  	v0 =	vadd.s32 v3, v0;
	_ =	sdelay $0x1  }
0xb4: {  	s10 =	simm.s32 $0x3200  }
0xb5: {  	[tilespmem:s10], [sflag:$0x1] =	stream.indirect_vreg.gather [hbm4b:s1+s0], $0x80, v1, vm2, $0xb8;
	[tilespmem:$0x18300] =	vst v63  }
0xb6: {  	s13 =	simm.s32 $0x3A00  }
0xb7: {  	[tilespmem:s13], [sflag:$0x1] =	stream.indirect_vreg.gather [hbm4b:s1+s0], $0x80, v0, vm2, $0xb8;
	[tilespmem:$0x18300] =	vst v63  }
0xb8: {  	v0 =	vld [tilespmem:$0x40];
	_ =	sdelay $0x4  }
0xb9: {  	v1 =	vperm.xlane v0, v2;
	_ =	sdelay $0x1  }
0xba: {  	v0 =	vperm.xlane v0, v4;
	v1 =	vadd.s32 v3, v1;
	_ =	sdelay $0x1  }
0xbb: {  	v0 =	vadd.s32 v3, v0;
	_ =	sdelay $0x1  }
0xbc: {  	s18 =	simm.s32 $0x4200  }
0xbd: {  	[tilespmem:s18], [sflag:$0x1] =	stream.indirect_vreg.gather [hbm4b:s1+s0], $0x80, v1, vm2, $0xb8;
	[tilespmem:$0x18300] =	vst v63  }
0xbe: {  	s20 =	simm.s32 $0x4A00  }
0xbf: {  	[tilespmem:s20], [sflag:$0x1] =	stream.indirect_vreg.gather [hbm4b:s1+s0], $0x80, v0, vm2, $0xb8;
	[tilespmem:$0x18300] =	vst v63  }
0xc0: {  	v0 =	vld [tilespmem:$0x50];
	_ =	sdelay $0x4  }
0xc1: {  	v1 =	vperm.xlane v0, v2;
	_ =	sdelay $0x1  }
0xc2: {  	v0 =	vperm.xlane v0, v4;
	v1 =	vadd.s32 v3, v1;
	_ =	sdelay $0x1  }
0xc3: {  	v0 =	vadd.s32 v3, v0;
	_ =	sdelay $0x1  }
0xc4: {  	s21 =	simm.s32 $0x5200  }
0xc5: {  	[tilespmem:s21], [sflag:$0x1] =	stream.indirect_vreg.gather [hbm4b:s1+s0], $0x80, v1, vm2, $0xb8;
	[tilespmem:$0x18300] =	vst v63  }
0xc6: {  	s22 =	simm.s32 $0x5A00  }
0xc7: {  	[tilespmem:s22], [sflag:$0x1] =	stream.indirect_vreg.gather [hbm4b:s1+s0], $0x80, v0, vm2, $0xb8;
	[tilespmem:$0x18300] =	vst v63  }
0xc8: {  	v0 =	vld [tilespmem:$0x60];
	_ =	sdelay $0x4  }
0xc9: {  	v1 =	vperm.xlane v0, v2;
	_ =	sdelay $0x1  }
0xca: {  	v0 =	vperm.xlane v0, v4;
	v1 =	vadd.s32 v3, v1;
	_ =	sdelay $0x1  }
0xcb: {  	v0 =	vadd.s32 v3, v0;
	_ =	sdelay $0x1  }
0xcc: {  	s24 =	simm.s32 $0x6200  }
0xcd: {  	[tilespmem:s24], [sflag:$0x1] =	stream.indirect_vreg.gather [hbm4b:s1+s0], $0x80, v1, vm2, $0xb8;
	[tilespmem:$0x18300] =	vst v63  }
0xce: {  	s25 =	simm.s32 $0x6A00  }
0xcf: {  	[tilespmem:s25], [sflag:$0x1] =	stream.indirect_vreg.gather [hbm4b:s1+s0], $0x80, v0, vm2, $0xb8;
	[tilespmem:$0x18300] =	vst v63  }
0xd0: {  	v0 =	vld [tilespmem:$0x70];
	_ =	sdelay $0x4  }
0xd1: {  	v1 =	vperm.xlane v0, v2;
	_ =	sdelay $0x1  }
0xd2: {  	v0 =	vperm.xlane v0, v4;
	v1 =	vadd.s32 v3, v1;
	_ =	sdelay $0x1  }
0xd3: {  	v0 =	vadd.s32 v3, v0;
	_ =	sdelay $0x1  }
0xd4: {  	s26 =	simm.s32 $0x7200  }
0xd5: {  	[tilespmem:s26], [sflag:$0x1] =	stream.indirect_vreg.gather [hbm4b:s1+s0], $0x80, v1, vm2, $0xb8;
	[tilespmem:$0x18300] =	vst v63  }
0xd6: {  	s31 =	simm.s32 $0x7A00  }
0xd7: {  	[tilespmem:s31], [sflag:$0x1] =	stream.indirect_vreg.gather [hbm4b:s1+s0], $0x80, v0, vm2, $0xb8;
	[tilespmem:$0x18300] =	vst v63  }
0xd8: {  	v0 =	vld [tilespmem:$0x80];
	_ =	sdelay $0x4  }
0xd9: {  	v1 =	vperm.xlane v0, v2;
	_ =	sdelay $0x1  }
0xda: {  	v0 =	vperm.xlane v0, v4;
	v1 =	vadd.s32 v3, v1;
	_ =	sdelay $0x1  }
0xdb: {  	v0 =	vadd.s32 v3, v0;
	_ =	sdelay $0x1  }
0xdc: {  	s3 =	simm.s32 $0x600  }
0xdd: {  	[tilespmem:s3], [sflag:$0x1] =	stream.indirect_vreg.gather [hbm4b:s1+s0], $0x80, v1, vm2, $0xb8;
	[tilespmem:$0x18300] =	vst v63  }
0xde: {  	s4 =	simm.s32 $0xE00  }
0xdf: {  	[tilespmem:s4], [sflag:$0x1] =	stream.indirect_vreg.gather [hbm4b:s1+s0], $0x80, v0, vm2, $0xb8;
	[tilespmem:$0x18300] =	vst v63  }
0xe0: {  	v0 =	vld [tilespmem:$0x90];
	_ =	sdelay $0x4  }
0xe1: {  	v1 =	vperm.xlane v0, v2;
	_ =	sdelay $0x1  }
0xe2: {  	v0 =	vperm.xlane v0, v4;
	v1 =	vadd.s32 v3, v1;
	_ =	sdelay $0x1  }
0xe3: {  	v0 =	vadd.s32 v3, v0;
	_ =	sdelay $0x1  }
0xe4: {  	s7 =	simm.s32 $0x1600  }
0xe5: {  	[tilespmem:s7], [sflag:$0x1] =	stream.indirect_vreg.gather [hbm4b:s1+s0], $0x80, v1, vm2, $0xb8;
	[tilespmem:$0x18300] =	vst v63  }
0xe6: {  	s10 =	simm.s32 $0x1E00  }
0xe7: {  	[tilespmem:s10], [sflag:$0x1] =	stream.indirect_vreg.gather [hbm4b:s1+s0], $0x80, v0, vm2, $0xb8;
	[tilespmem:$0x18300] =	vst v63  }
0xe8: {  	v0 =	vld [tilespmem:$0xA0];
	_ =	sdelay $0x4  }
0xe9: {  	v1 =	vperm.xlane v0, v2;
	_ =	sdelay $0x1  }
0xea: {  	v0 =	vperm.xlane v0, v4;
	v1 =	vadd.s32 v3, v1;
	_ =	sdelay $0x1  }
0xeb: {  	v0 =	vadd.s32 v3, v0;
	_ =	sdelay $0x1  }
0xec: {  	s13 =	simm.s32 $0x2600  }
0xed: {  	[tilespmem:s13], [sflag:$0x1] =	stream.indirect_vreg.gather [hbm4b:s1+s0], $0x80, v1, vm2, $0xb8;
	[tilespmem:$0x18300] =	vst v63  }
0xee: {  	s18 =	simm.s32 $0x2E00  }
0xef: {  	[tilespmem:s18], [sflag:$0x1] =	stream.indirect_vreg.gather [hbm4b:s1+s0], $0x80, v0, vm2, $0xb8;
	[tilespmem:$0x18300] =	vst v63  }
0xf0: {  	v0 =	vld [tilespmem:$0xB0];
	_ =	sdelay $0x4  }
0xf1: {  	v1 =	vperm.xlane v0, v2;
	_ =	sdelay $0x1  }
0xf2: {  	v0 =	vperm.xlane v0, v4;
	v1 =	vadd.s32 v3, v1;
	_ =	sdelay $0x1  }
0xf3: {  	v0 =	vadd.s32 v3, v0;
	_ =	sdelay $0x1  }
0xf4: {  	s20 =	simm.s32 $0x3600  }
0xf5: {  	[tilespmem:s20], [sflag:$0x1] =	stream.indirect_vreg.gather [hbm4b:s1+s0], $0x80, v1, vm2, $0xb8;
	[tilespmem:$0x18300] =	vst v63  }
0xf6: {  	s21 =	simm.s32 $0x3E00  }
0xf7: {  	[tilespmem:s21], [sflag:$0x1] =	stream.indirect_vreg.gather [hbm4b:s1+s0], $0x80, v0, vm2, $0xb8;
	[tilespmem:$0x18300] =	vst v63  }
0xf8: {  	v0 =	vld [tilespmem:$0xC0];
	_ =	sdelay $0x4  }
0xf9: {  	v1 =	vperm.xlane v0, v2;
	_ =	sdelay $0x1  }
0xfa: {  	v0 =	vperm.xlane v0, v4;
	v1 =	vadd.s32 v3, v1;
	_ =	sdelay $0x1  }
0xfb: {  	v0 =	vadd.s32 v3, v0;
	_ =	sdelay $0x1  }
0xfc: {  	s22 =	simm.s32 $0x4600  }
0xfd: {  	[tilespmem:s22], [sflag:$0x1] =	stream.indirect_vreg.gather [hbm4b:s1+s0], $0x80, v1, vm2, $0xb8;
	[tilespmem:$0x18300] =	vst v63  }
0xfe: {  	s24 =	simm.s32 $0x4E00  }
0xff: {  	[tilespmem:s24], [sflag:$0x1] =	stream.indirect_vreg.gather [hbm4b:s1+s0], $0x80, v0, vm2, $0xb8;
	[tilespmem:$0x18300] =	vst v63  }
0x100: {  	v0 =	vld [tilespmem:$0xD0];
	_ =	sdelay $0x4  }
0x101: {  	v1 =	vperm.xlane v0, v2;
	_ =	sdelay $0x1  }
0x102: {  	v0 =	vperm.xlane v0, v4;
	v1 =	vadd.s32 v3, v1;
	_ =	sdelay $0x1  }
0x103: {  	v0 =	vadd.s32 v3, v0;
	_ =	sdelay $0x1  }
0x104: {  	s25 =	simm.s32 $0x5600  }
0x105: {  	[tilespmem:s25], [sflag:$0x1] =	stream.indirect_vreg.gather [hbm4b:s1+s0], $0x80, v1, vm2, $0xb8;
	[tilespmem:$0x18300] =	vst v63  }
0x106: {  	s26 =	simm.s32 $0x5E00  }
0x107: {  	[tilespmem:s26], [sflag:$0x1] =	stream.indirect_vreg.gather [hbm4b:s1+s0], $0x80, v0, vm2, $0xb8;
	[tilespmem:$0x18300] =	vst v63  }
0x108: {  	v0 =	vld [tilespmem:$0xE0];
	_ =	sdelay $0x4  }
0x109: {  	v1 =	vperm.xlane v0, v2;
	_ =	sdelay $0x1  }
0x10a: {  	v0 =	vperm.xlane v0, v4;
	v1 =	vadd.s32 v3, v1;
	_ =	sdelay $0x1  }
0x10b: {  	v0 =	vadd.s32 v3, v0;
	_ =	sdelay $0x1  }
0x10c: {  	s31 =	simm.s32 $0x6600  }
0x10d: {  	[tilespmem:s31], [sflag:$0x1] =	stream.indirect_vreg.gather [hbm4b:s1+s0], $0x80, v1, vm2, $0xb8;
	[tilespmem:$0x18300] =	vst v63  }
0x10e: {  	s3 =	simm.s32 $0x6E00  }
0x10f: {  	[tilespmem:s3], [sflag:$0x1] =	stream.indirect_vreg.gather [hbm4b:s1+s0], $0x80, v0, vm2, $0xb8;
	[tilespmem:$0x18300] =	vst v63  }
0x110: {  	v0 =	vld [tilespmem:$0xF0];
	_ =	sdelay $0x4  }
0x111: {  	v1 =	vperm.xlane v0, v2;
	_ =	sdelay $0x1  }
0x112: {  	v0 =	vperm.xlane v0, v4;
	v1 =	vadd.s32 v3, v1;
	_ =	sdelay $0x1  }
0x113: {  	v0 =	vadd.s32 v3, v0;
	_ =	sdelay $0x1  }
0x114: {  	s4 =	simm.s32 $0x7600  }
0x115: {  	[tilespmem:s4], [sflag:$0x1] =	stream.indirect_vreg.gather [hbm4b:s1+s0], $0x80, v1, vm2, $0xb8;
	[tilespmem:$0x18300] =	vst v63  }
0x116: {  	s7 =	simm.s32 $0x7E00  }
0x117: {  	[tilespmem:s7], [sflag:$0x1] =	stream.indirect_vreg.gather [hbm4b:s1+s0], $0x80, v0, vm2, $0xb8;
	[tilespmem:$0x18300] =	vst v63  }
0x118: {  	_ =	swait.ge [sflag:s15], $0x4000  }
0x119: {  	[sflag:s15] =	ssyncset.done $0x0  }
0x11a: {  	[sflag:s15] =	ssyncadd.s32 $0xFFFFC000  }
0x11b: {  	_ =	swait.ge [sflag:s15], $0x4000  }
0x11c: {  	[sflag:s15] =	ssyncset.done $0x0  }
0x11d: {  	[sflag:s15] =	ssyncadd.s32 $0xFFFFC000  }
0x11e: {  	v38 =	vld [tilespmem:$0x18210]  }
0x11f: {  	v35 =	vld [tilespmem:$0x18240]  }
0x120: {  	v34 =	vld [tilespmem:$0x18250]  }
0x121: {  	v32 =	vld [tilespmem:$0x18270]  }
0x122: {  	v33 =	vld [tilespmem:$0x18260]  }
0x123: {  	v41 =	vmov s0;
	v37 =	vld [tilespmem:$0x18220]  }
0x124: {  	vm1 =	vlt.u32 v41, v26;
	vm3 =	vlt.u32 v41, v62;
	v36 =	vld [tilespmem:$0x18230]  }
0x125: {  	vm4 =	vgt.u32 v41, v62;
	vm5 =	vlt.u32 v41, v60;
	vm6 =	vgt.u32 v41, v60;
	v39 =	vld [tilespmem:$0x18200]  }
0x126: {  	vm7 =	vlt.u32 v41, v58;
	vm9 =	vlt.u32 v41, v56;
	vm8 =	vgt.u32 v41, v58  }
0x127: {  	vm11 =	vlt.u32 v41, v52;
	vm2 =	vgt.u32 v41, v26;
	v0 =	vadd.s32 s0, v32  }
0x128: {  	v1 =	vadd.s32 s0, v35;
	v2 =	vadd.s32 s0, v34;
	v3 =	vadd.s32 s0, v33  }
0x129: {  	s25 =	simm.s32 $0x1;
	v4 =	vadd.s32 s0, v38;
	v5 =	vadd.s32 s0, v37;
	v6 =	vadd.s32 s0, v36  }
0x12a: {  	v7 =	vadd.s32 s0, v39;
	v46 =	vadd.s32 s25, v38;
	vm10 =	vgt.s32 v0, $0x0  }
0x12b: {  	vm13 =	vgt.s32 v3, $0x0;
	vm12 =	vgt.s32 v2, $0x0;
	vm14 =	vgt.s32 v1, $0x0  }
0x12c: {  	vm15 =	vgt.s32 v6, $0x0;
	v8 =	vnsel vm10, $0x0, v0;
	vm10 =	vgt.u32 v41, v56  }
0x12d: {  	v10 =	vnsel vm14, $0x0, v1;
	vm14 =	vgt.s32 v5, $0x0;
	v0 =	vshll.u32 v41, $0x7  }
0x12e: {  	v2 =	vnsel vm12, $0x0, v2;
	vm12 =	vgt.u32 v41, v52;
	v3 =	vnsel vm13, $0x0, v3  }
0x12f: {  	vm13 =	vgt.s32 v4, $0x0;
	v1 =	vshll.u32 v41, $0x8;
	v6 =	vnsel vm15, $0x0, v6  }
0x130: {  	v4 =	vnsel vm13, $0x0, v4;
	vm13 =	vgt.s32 v7, $0x0;
	v5 =	vnsel vm14, $0x0, v5  }
0x131: {  	v1 =	vand.u32 $0x7800, v1;
	v0 =	vand.u32 $0x300, v0;
	v12 =	vand.u32 $0x7F, v3  }
0x132: {  	v14 =	vand.u32 $0x7F, v8;
	v8 =	vshll.u32 v8, $0x3;
	v16 =	vand.u32 $0x7F, v2  }
0x133: {  	v2 =	vshll.u32 v2, $0x3;
	v3 =	vshll.u32 v3, $0x3;
	v18 =	vand.u32 $0x7F, v6  }
0x134: {  	s4 =	rddreg [dreg:$0xa];
	v20 =	vand.u32 $0x7F, v10;
	v10 =	vshll.u32 v10, $0x3;
	v6 =	vshll.u32 v6, $0x3  }
0x135: {  	s3 =	rddreg [dreg:$0x9];
	s10 =	sshrl.u32 s4, $0x1;
	v7 =	vnsel vm13, $0x0, v7;
	v22 =	vand.u32 $0x7F, v5;
	v5 =	vshll.u32 v5, $0x3  }
0x136: {  	s0 =	ssub.s32 s3, s10;
	v24 =	vand.u32 $0x7F, v4;
	v4 =	vshll.u32 v4, $0x3;
	v8 =	vand.u32 $0xFFFFFC00, v8  }
0x137: {  	s13 =	sadd.s32 s0, s14;
	v2 =	vand.u32 $0xFFFFFC00, v2;
	v3 =	vand.u32 $0xFFFFFC00, v3;
	v6 =	vand.u32 $0xFFFFFC00, v6  }
0x138: {  	s2 =	sshra.s32 s13, $0x7;
	v10 =	vand.u32 $0xFFFFFC00, v10;
	v23 =	vshll.u32 v7, $0x3;
	v7 =	vand.u32 $0x7F, v7  }
0x139: {  	p0 =	sgt.s32 s2, $0x0;
	v4 =	vand.u32 $0xFFFFFC00, v4;
	v5 =	vand.u32 $0xFFFFFC00, v5;
	v8 =	vor.u32 v14, v8  }
0x13a: {  	s2 =	simm.s32 @!p0 $0x0;
	v10 =	vor.u32 v20, v10;
	v2 =	vor.u32 v16, v2;
	v23 =	vand.u32 $0xFFFFFC00, v23  }
0x13b: {  	v3 =	vor.u32 v12, v3;
	s2 =	sshll.u32 s2, $0x7;
	v14 =	vor.u32 v18, v6;
	v7 =	vor.u32 v7, v23  }
0x13c: {  	v4 =	vor.u32 v24, v4;
	v12 =	vor.u32 v22, v5;
	s2 =	ssub.s32 s14, s2;
	v7 =	vadd.s32 v55, v7  }
0x13d: {  	v6 =	vadd.s32 v11, v2;
	v5 =	vadd.s32 v15, v3;
	v24 =	vadd.s32 v61, v14;
	s0 =	sadd.s32 s0, s2  }
0x13e: {  	v23 =	vadd.s32 v19, v8;
	v20 =	vadd.s32 v59, v12;
	v3 =	vadd.s32 s0, v27  }
0x13f: {  	v12 =	vadd.s32 v63, v10;
	v10 =	vadd.s32 s0, v62;
	vm14 =	vgt.s32 v3, $0x0  }
0x140: {  	v25 =	vadd.s32 v57, v4;
	v3 =	vnsel vm14, $0x0, v3;
	vm14 =	vgt.s32 v10, $0x0  }
0x141: {  	v4 =	vadd.s32 s0, v28;
	v8 =	vadd.s32 s0, v60;
	v29 =	vnsel vm14, $0x0, v10;
	v2 =	vld.idx.msk [tilespmem:v7+s23+$0x0], $0xffff  }
0x142: {  	v14 =	vadd.s32 s0, v52;
	v22 =	vand.u32 $0x7F, v29;
	v29 =	vshll.u32 v29, $0x3  }
0x143: {  	v16 =	vadd.s32 s0, v56;
	v18 =	vadd.s32 s0, v58;
	v29 =	vand.u32 $0xFFFFFC00, v29  }
0x144: {  	s10 =	rddreg [dreg:$0xd];
	vm15 =	vgt.s32 v4, $0x0;
	v7 =	vadd.s32 s0, v26;
	v29 =	vadd.s32 v1, v29  }
0x145: {  	s20 =	rddreg [dreg:$0xc];
	s18 =	sshrl.u32 s10, $0x1;
	v10 =	vand.u32 $0x7F, v3;
	vm13 =	vgt.s32 v7, $0x0;
	v22 =	vor.u32 v22, v29  }
0x146: {  	s0 =	ssub.s32 s20, s18;
	v22 =	vor.u32 v0, v22;
	v26 =	vnsel vm12, $0x3F800000, v2;
	vm12 =	vgt.s32 v18, $0x0  }
0x147: {  	s24 =	sadd.s32 s0, s14;
	v2 =	vnsel vm13, $0x0, v7;
	vm13 =	vgt.s32 v8, $0x0;
	v7 =	vnsel vm15, $0x0, v4  }
0x148: {  	s2 =	sshra.s32 s24, $0x7;
	vm15 =	vgt.s32 v14, $0x0;
	v27 =	vnsel vm12, $0x0, v18;
	vm12 =	vgt.s32 v16, $0x0  }
0x149: {  	p0 =	sgt.s32 s2, $0x0;
	v49 =	vnsel vm13, $0x0, v8;
	v8 =	vnsel vm15, $0x0, v14;
	v4 =	vand.u32 $0x7F, v7  }
0x14a: {  	s2 =	simm.s32 @!p0 $0x0;
	v14 =	vshll.u32 v3, $0x3;
	v18 =	vshll.u32 v2, $0x3;
	v7 =	vshll.u32 v7, $0x3  }
0x14b: {  	s2 =	sshll.u32 s2, $0x7;
	v30 =	vnsel vm12, $0x0, v16;
	v16 =	vshll.u32 v8, $0x3;
	v31 =	vand.u32 $0x7F, v8  }
0x14c: {  	s2 =	ssub.s32 s14, s2;
	v8 =	vadd.s32 s25, v39;
	v28 =	vshll.u32 v49, $0x3;
	v18 =	vand.u32 $0xFFFFFC00, v18  }
0x14d: {  	s0 =	sadd.s32 s0, s2;
	v14 =	vand.u32 $0xFFFFFC00, v14;
	v7 =	vand.u32 $0xFFFFFC00, v7;
	v3 =	vand.u32 $0xFFFFFC00, v16  }
0x14e: {  	v16 =	vand.u32 $0x7F, v2;
	v2 =	vadd.s32 s0, v52;
	vm13 =	vgt.s32 v8, $0x0  }
0x14f: {  	v28 =	vand.u32 $0xFFFFFC00, v28;
	v18 =	vadd.s32 v1, v18;
	v40 =	vadd.s32 v1, v3  }
0x150: {  	v3 =	vmov s25;
	vm12 =	vgt.s32 v2, $0x0;
	v8 =	vnsel vm13, $0x0, v8  }
0x151: {  	vm13 =	vgt.s32 v46, $0x0;
	v42 =	vshll.u32 v3, $0x7;
	v43 =	vnsel vm12, $0x0, v2  }
0x152: {  	v2 =	vshll.u32 v3, $0x8;
	v45 =	vshll.u32 v8, $0x3;
	v8 =	vand.u32 $0x7F, v8  }
0x153: {  	v31 =	vor.u32 v31, v40;
	v46 =	vnsel vm13, $0x0, v46;
	v2 =	vand.u32 $0x7800, v2  }
0x154: {  	v44 =	vshll.u32 v43, $0x3;
	v45 =	vand.u32 $0xFFFFFC00, v45;
	v43 =	vand.u32 $0x7F, v43  }
0x155: {  	v31 =	vor.u32 v0, v31;
	v44 =	vand.u32 $0xFFFFFC00, v44;
	v45 =	vor.u32 v8, v45  }
0x156: {  	v8 =	vand.u32 $0x380, v42;
	v42 =	vand.u32 $0x7F, v49;
	v44 =	vadd.s32 v2, v44  }
0x157: {  	v49 =	vadd.s32 s0, v56;
	v48 =	vadd.s32 v55, v45;
	v47 =	vor.u32 v43, v44  }
0x158: {  	vm13 =	vlt.u32 v3, v52;
	vm12 =	vgt.s32 v49, $0x0;
	v21 =	vor.u32 v8, v47  }
0x159: {  	v44 =	vand.u32 $0x7F, v27;
	v45 =	vnsel vm12, $0x0, v49;
	v49 =	vshll.u32 v46, $0x3  }
0x15a: {  	v46 =	vand.u32 $0x7F, v46;
	v47 =	vand.u32 $0x7F, v30;
	v30 =	vshll.u32 v30, $0x3  }
0x15b: {  	vm12 =	vgt.u32 v3, v52;
	v27 =	vshll.u32 v27, $0x3;
	v30 =	vand.u32 $0xFFFFFC00, v30;
	v31 =	vld.idx.msk [tilespmem:v31+s23+$0x0], $0xffff  }
0x15c: {  	v49 =	vand.u32 $0xFFFFFC00, v49;
	v30 =	vadd.s32 v1, v30;
	v43 =	vld.idx.msk [tilespmem:v48+s23+$0x0], $0xffff;
	v48 =	vshll.u32 v45, $0x3  }
0x15d: {  	v46 =	vor.u32 v46, v49;
	v30 =	vor.u32 v47, v30;
	v48 =	vand.u32 $0xFFFFFC00, v48;
	v40 =	vld.idx.msk [tilespmem:v21+s23+$0x0], $0xffff  }
0x15e: {  	v45 =	vand.u32 $0x7F, v45;
	v30 =	vor.u32 v0, v30;
	v48 =	vadd.s32 v2, v48  }
0x15f: {  	v27 =	vand.u32 $0xFFFFFC00, v27;
	v46 =	vadd.s32 v57, v46;
	v45 =	vor.u32 v45, v48  }
0x160: {  	s13 =	simm.s32 $0x10280;
	v27 =	vadd.s32 v1, v27;
	v26 =	vsel vm11, v31, v26;
	v45 =	vor.u32 v8, v45  }
0x161: {  	v21 =	vadd.s32 s0, v58;
	v48 =	vadd.s32 s25, v37;
	[tilespmem:s13+$0xFFFFFF80] =	vst v26;
	v43 =	vnsel vm12, $0x3F800000, v43  }
0x162: {  	vm11 =	vgt.s32 v21, $0x0;
	vm12 =	vgt.s32 v48, $0x0;
	v25 =	vld.idx.msk [tilespmem:v25+s23+$0x0], $0xffff;
	v40 =	vsel vm13, v40, v43  }
0x163: {  	v27 =	vor.u32 v44, v27;
	v31 =	vnsel vm11, $0x0, v21;
	v30 =	vld.idx.msk [tilespmem:v30+s23+$0x0], $0xffff;
	v43 =	vnsel vm12, $0x0, v48;
	[tilespmem:s13+$0x0] =	vst v40  }
0x164: {  	v27 =	vor.u32 v0, v27;
	v49 =	vshll.u32 v31, $0x3;
	v48 =	vshll.u32 v43, $0x3;
	v40 =	vld.idx.msk [tilespmem:v46+s23+$0x0], $0xffff  }
0x165: {  	v43 =	vand.u32 $0x7F, v43;
	v21 =	vld.idx.msk [tilespmem:v45+s23+$0x0], $0xffff;
	v46 =	vand.u32 $0xFFFFFC00, v49;
	v45 =	vand.u32 $0xFFFFFC00, v48  }
0x166: {  	v31 =	vand.u32 $0x7F, v31;
	v46 =	vadd.s32 v2, v46;
	v43 =	vor.u32 v43, v45  }
0x167: {  	v25 =	vnsel vm10, $0x3F800000, v25;
	v31 =	vor.u32 v31, v46;
	v43 =	vadd.s32 v59, v43  }
0x168: {  	vm11 =	vgt.u32 v3, v56;
	v25 =	vsel vm9, v30, v25;
	v31 =	vor.u32 v8, v31  }
0x169: {  	v28 =	vadd.s32 v1, v28;
	vm12 =	vlt.u32 v3, v56;
	[tilespmem:s13+$0xFFFFFF90] =	vst v25;
	v40 =	vnsel vm11, $0x3F800000, v40  }
0x16a: {  	v49 =	vadd.s32 s0, v60;
	v20 =	vld.idx.msk [tilespmem:v20+s23+$0x0], $0xffff;
	v26 =	vsel vm12, v21, v40;
	v21 =	vadd.s32 s25, v36  }
0x16b: {  	v28 =	vor.u32 v42, v28;
	vm10 =	vgt.s32 v49, $0x0;
	v27 =	vld.idx.msk [tilespmem:v27+s23+$0x0], $0xffff;
	[tilespmem:s13+$0x10] =	vst v26;
	vm11 =	vgt.s32 v21, $0x0  }
0x16c: {  	vm9 =	vgt.u32 v3, v58;
	v26 =	vnsel vm10, $0x0, v49;
	v46 =	vld.idx.msk [tilespmem:v43+s23+$0x0], $0xffff;
	v47 =	vnsel vm11, $0x0, v21  }
0x16d: {  	vm10 =	vlt.u32 v3, v58;
	v48 =	vshll.u32 v26, $0x3;
	v49 =	vld.idx.msk [tilespmem:v31+s23+$0x0], $0xffff;
	v45 =	vshll.u32 v47, $0x3  }
0x16e: {  	v43 =	vand.u32 $0xFFFFFC00, v48;
	v40 =	vand.u32 $0x7F, v47;
	v31 =	vand.u32 $0xFFFFFC00, v45  }
0x16f: {  	v26 =	vand.u32 $0x7F, v26;
	v43 =	vadd.s32 v2, v43;
	v31 =	vor.u32 v40, v31  }
0x170: {  	v20 =	vnsel vm8, $0x3F800000, v20;
	v26 =	vor.u32 v26, v43;
	v31 =	vadd.s32 v61, v31  }
0x171: {  	v20 =	vsel vm7, v27, v20;
	v26 =	vor.u32 v8, v26;
	v30 =	vnsel vm9, $0x3F800000, v46  }
0x172: {  	v47 =	vadd.s32 s25, v35;
	[tilespmem:s13+$0xFFFFFFA0] =	vst v20;
	v46 =	vadd.s32 s0, v62;
	v25 =	vsel vm10, v49, v30  }
0x173: {  	v28 =	vor.u32 v0, v28;
	vm9 =	vgt.s32 v47, $0x0;
	vm8 =	vgt.s32 v46, $0x0;
	[tilespmem:s13+$0x20] =	vst v25  }
0x174: {  	v14 =	vadd.s32 v1, v14;
	v42 =	vnsel vm9, $0x0, v47;
	v48 =	vnsel vm8, $0x0, v46;
	v9 =	vld [tilespmem:$0x1FF10]  }
0x175: {  	v16 =	vor.u32 v16, v18;
	v44 =	vshll.u32 v42, $0x3;
	v43 =	vshll.u32 v48, $0x3;
	v49 =	vld.idx.msk [tilespmem:v31+s23+$0x0], $0xffff  }
0x176: {  	v30 =	vand.u32 $0x7F, v42;
	v20 =	vld.idx.msk [tilespmem:v26+s23+$0x0], $0xffff;
	v31 =	vand.u32 $0xFFFFFC00, v43;
	v26 =	vand.u32 $0xFFFFFC00, v44  }
0x177: {  	v24 =	vld.idx.msk [tilespmem:v24+s23+$0x0], $0xffff;
	v25 =	vand.u32 $0x7F, v48;
	v31 =	vadd.s32 v2, v31;
	v26 =	vor.u32 v30, v26  }
0x178: {  	v10 =	vor.u32 v10, v14;
	v28 =	vld.idx.msk [tilespmem:v28+s23+$0x0], $0xffff;
	v25 =	vor.u32 v25, v31;
	v26 =	vadd.s32 v63, v26  }
0x179: {  	v16 =	vor.u32 v0, v16;
	vm7 =	vgt.u32 v3, v60;
	v25 =	vor.u32 v8, v25  }
0x17a: {  	vm8 =	vlt.u32 v3, v60;
	v46 =	vadd.s32 s25, v34;
	v27 =	vnsel vm7, $0x3F800000, v49  }
0x17b: {  	v45 =	vadd.s32 s0, v9;
	vm7 =	vgt.s32 v46, $0x0;
	v20 =	vsel vm8, v20, v27  }
0x17c: {  	v24 =	vnsel vm6, $0x3F800000, v24;
	vm6 =	vgt.s32 v45, $0x0;
	v48 =	vnsel vm7, $0x0, v46;
	[tilespmem:s13+$0x30] =	vst v20  }
0x17d: {  	v47 =	vnsel vm6, $0x0, v45;
	v20 =	vsel vm5, v28, v24;
	v21 =	vshll.u32 v48, $0x3;
	v26 =	vld.idx.msk [tilespmem:v26+s23+$0x0], $0xffff  }
0x17e: {  	v49 =	vshll.u32 v47, $0x3;
	v27 =	vand.u32 $0x7F, v48;
	[tilespmem:s13+$0xFFFFFFB0] =	vst v20;
	v20 =	vld.idx.msk [tilespmem:v25+s23+$0x0], $0xffff;
	v25 =	vand.u32 $0xFFFFFC00, v21  }
0x17f: {  	v10 =	vor.u32 v0, v10;
	v28 =	vand.u32 $0xFFFFFC00, v49;
	v25 =	vor.u32 v27, v25;
	v13 =	vld [tilespmem:$0x1FF30]  }
0x180: {  	v24 =	vand.u32 $0x7F, v47;
	v12 =	vld.idx.msk [tilespmem:v12+s23+$0x0], $0xffff;
	v28 =	vadd.s32 v2, v28;
	v25 =	vadd.s32 v11, v25  }
0x181: {  	v1 =	vadd.s32 v1, v7;
	vm5 =	vgt.u32 v3, v62;
	v22 =	vld.idx.msk [tilespmem:v22+s23+$0x0], $0xffff;
	v24 =	vor.u32 v24, v28  }
0x182: {  	s21 =	simm.s32 $0x2;
	vm6 =	vlt.u32 v3, v62;
	v18 =	vor.u32 v8, v24;
	v31 =	vnsel vm5, $0x3F800000, v26  }
0x183: {  	v7 =	vadd.s32 s21, v34;
	v1 =	vor.u32 v4, v1;
	v20 =	vsel vm6, v20, v31  }
0x184: {  	v0 =	vor.u32 v0, v1;
	v42 =	vadd.s32 s25, v33;
	v17 =	vld [tilespmem:$0x1FF50];
	v40 =	vadd.s32 s0, v13;
	[tilespmem:s13+$0x40] =	vst v20  }
0x185: {  	vm5 =	vgt.s32 v42, $0x0;
	v12 =	vnsel vm4, $0x3F800000, v12;
	vm4 =	vgt.s32 v40, $0x0;
	v43 =	vld.idx.msk [tilespmem:v25+s23+$0x0], $0xffff  }
0x186: {  	v44 =	vnsel vm5, $0x0, v42;
	v12 =	vsel vm3, v22, v12;
	v20 =	vnsel vm4, $0x0, v40;
	v9 =	vld [tilespmem:$0x1FF10]  }
0x187: {  	vm13 =	vgt.s32 v7, $0x0;
	[tilespmem:s13+$0xFFFFFFC0] =	vst v12;
	v12 =	vld.idx.msk [tilespmem:v18+s23+$0x0], $0xffff;
	v18 =	vshll.u32 v44, $0x3;
	v45 =	vshll.u32 v20, $0x3  }
0x188: {  	v24 =	vand.u32 $0x7F, v44;
	v18 =	vand.u32 $0xFFFFFC00, v18;
	v25 =	vand.u32 $0xFFFFFC00, v45  }
0x189: {  	v6 =	vld.idx.msk [tilespmem:v6+s23+$0x0], $0xffff;
	v20 =	vand.u32 $0x7F, v20;
	v18 =	vor.u32 v24, v18;
	v25 =	vadd.s32 v2, v25  }
0x18a: {  	v46 =	vadd.s32 s25, v32;
	v16 =	vld.idx.msk [tilespmem:v16+s23+$0x0], $0xffff;
	v18 =	vadd.s32 v15, v18;
	v20 =	vor.u32 v20, v25  }
0x18b: {  	vm8 =	vlt.u32 v41, v17;
	vm3 =	vgt.u32 v3, v9;
	v14 =	vor.u32 v8, v20  }
0x18c: {  	vm7 =	vgt.u32 v41, v17;
	vm4 =	vlt.u32 v3, v9;
	v20 =	vnsel vm3, $0x3F800000, v43  }
0x18d: {  	vm5 =	vlt.u32 v3, v17;
	v12 =	vsel vm4, v12, v20;
	v20 =	vadd.s32 s0, v17  }
0x18e: {  	v6 =	vnsel vm2, $0x3F800000, v6;
	vm3 =	vgt.s32 v46, $0x0;
	vm2 =	vgt.s32 v20, $0x0;
	[tilespmem:s13+$0x50] =	vst v12  }
0x18f: {  	v6 =	vsel vm1, v16, v6;
	v12 =	vnsel vm2, $0x0, v20;
	v16 =	vld.idx.msk [tilespmem:v18+s23+$0x0], $0xffff;
	v18 =	vnsel vm3, $0x0, v46  }
0x190: {  	v40 =	vmov s21;
	[tilespmem:s13+$0xFFFFFFD0] =	vst v6;
	v20 =	vshll.u32 v12, $0x3;
	v6 =	vld.idx.msk [tilespmem:v14+s23+$0x0], $0xffff;
	v14 =	vshll.u32 v18, $0x3  }
0x191: {  	v5 =	vld.idx.msk [tilespmem:v5+s23+$0x0], $0xffff;
	v18 =	vand.u32 $0x7F, v18;
	v20 =	vand.u32 $0xFFFFFC00, v20;
	v14 =	vand.u32 $0xFFFFFC00, v14  }
0x192: {  	v10 =	vld.idx.msk [tilespmem:v10+s23+$0x0], $0xffff;
	v12 =	vand.u32 $0x7F, v12;
	v2 =	vadd.s32 v2, v20;
	v14 =	vor.u32 v18, v14  }
0x193: {  	vm6 =	vgt.u32 v40, v60;
	v2 =	vor.u32 v12, v2;
	v12 =	vadd.s32 v19, v14  }
0x194: {  	vm9 =	vlt.u32 v40, v56;
	vm1 =	vgt.u32 v3, v13;
	vm2 =	vlt.u32 v3, v13  }
0x195: {  	v2 =	vor.u32 v8, v2;
	v4 =	vnsel vm1, $0x3F800000, v16;
	vm1 =	vgt.u32 v41, v13  }
0x196: {  	v1 =	vsel vm2, v6, v4;
	vm2 =	vlt.u32 v41, v13;
	v4 =	vnsel vm1, $0x3F800000, v5  }
0x197: {  	vm0 =	vlt.u32 v40, v9;
	v18 =	vimm.s32 $0x0;
	[tilespmem:s13+$0x60] =	vst v1;
	v4 =	vsel vm2, v10, v4  }
0x198: {  	vm11 =	vlt.u32 v40, v52;
	vm4 =	vgt.u32 v3, v17;
	v18 =	vsel vm0, $0xFFFFFFFF, v18;
	[tilespmem:s13+$0xFFFFFFE0] =	vst v4;
	v5 =	vld.idx.msk [tilespmem:v12+s23+$0x0], $0xffff  }
0x199: {  	vm0 =	vgt.u32 v40, v9;
	v8 =	vadd.s32 s21, v33;
	v16 =	vadd.s32 s21, v39;
	v14 =	vld.idx.msk [tilespmem:v23+s23+$0x0], $0xffff  }
0x19a: {  	v6 =	vadd.s32 s21, v35;
	vm12 =	vgt.s32 v8, $0x0;
	v1 =	vadd.s32 s21, v32;
	v0 =	vld.idx.msk [tilespmem:v0+s23+$0x0], $0xffff  }
0x19b: {  	v10 =	vadd.s32 s21, v37;
	vm14 =	vgt.s32 v6, $0x0;
	v2 =	vld.idx.msk [tilespmem:v2+s23+$0x0], $0xffff;
	[tilespmem:$0x1FE20] =	vst v18;
	v18 =	vimm.s32 $0x0  }
0x19c: {  	v4 =	vadd.s32 s21, v38;
	vm10 =	vgt.s32 v1, $0x0;
	v18 =	vsel vm0, $0xFFFFFFFF, v18  }
0x19d: {  	v12 =	vadd.s32 s21, v36;
	vm0 =	vlt.u32 v40, v62;
	[tilespmem:$0x1FE30] =	vst v18;
	v18 =	vimm.s32 $0x0  }
0x19e: {  	vm15 =	vgt.s32 v12, $0x0;
	v18 =	vsel vm0, $0xFFFFFFFF, v18;
	v3 =	vnsel vm4, $0x3F800000, v5  }
0x19f: {  	vm4 =	vgt.u32 v40, v62;
	v5 =	vnsel vm13, $0x0, v7;
	vm13 =	vgt.s32 v4, $0x0  }
0x1a0: {  	v7 =	vshll.u32 v40, $0x8;
	v2 =	vsel vm5, v2, v3;
	vm5 =	vlt.u32 v40, v60  }
0x1a1: {  	v3 =	vnsel vm7, $0x3F800000, v14;
	vm7 =	vlt.u32 v40, v58;
	v4 =	vnsel vm13, $0x0, v4  }
0x1a2: {  	vm13 =	vgt.s32 v16, $0x0;
	v42 =	vand.u32 $0x7800, v7;
	v14 =	vand.u32 $0x7F, v5  }
0x1a3: {  	[tilespmem:$0x1FE40] =	vst v18;
	v5 =	vshll.u32 v5, $0x3;
	v18 =	vsel vm8, v0, v3;
	vm8 =	vgt.u32 v40, v58  }
0x1a4: {  	v0 =	vnsel vm10, $0x0, v1;
	vm10 =	vgt.u32 v40, v56;
	v1 =	vnsel vm14, $0x0, v6  }
0x1a5: {  	vm14 =	vgt.s32 v10, $0x0;
	v3 =	vshll.u32 v40, $0x7;
	v6 =	vnsel vm12, $0x0, v8  }
0x1a6: {  	vm12 =	vgt.u32 v40, v52;
	v49 =	vand.u32 $0x7F, v4;
	v4 =	vshll.u32 v4, $0x3  }
0x1a7: {  	s29 =	rddreg [dreg:$0xb];
	v5 =	vand.u32 $0xFFFFFC00, v5;
	v8 =	vnsel vm14, $0x0, v10;
	v10 =	vnsel vm15, $0x0, v12  }
0x1a8: {  	s22 =	sadd.s32 s29, s4;
	v41 =	vand.u32 $0x300, v3;
	v3 =	vnsel vm13, $0x0, v16;
	v7 =	vand.u32 $0x7F, v6  }
0x1a9: {  	s24 =	sadd.s32 $0x1FFE, s3;
	s26 =	sshrl.u32 s22, $0x1;
	v12 =	vand.u32 $0x7F, v0;
	v0 =	vshll.u32 v0, $0x3;
	v6 =	vshll.u32 v6, $0x3  }
0x1aa: {  	s0 =	ssub.s32 s24, s26;
	v20 =	vand.u32 $0x7F, v1;
	v1 =	vshll.u32 v1, $0x3;
	v4 =	vand.u32 $0xFFFFFC00, v4  }
0x1ab: {  	s31 =	sadd.s32 s0, s14;
	v5 =	vor.u32 v14, v5;
	v16 =	vand.u32 $0x7F, v10;
	v47 =	vand.u32 $0x7F, v8  }
0x1ac: {  	s2 =	sshra.s32 s31, $0x7;
	v8 =	vshll.u32 v8, $0x3;
	v10 =	vshll.u32 v10, $0x3;
	v48 =	vshll.u32 v3, $0x3  }
0x1ad: {  	p0 =	sgt.s32 s2, $0x0;
	v3 =	vand.u32 $0x7F, v3;
	v0 =	vand.u32 $0xFFFFFC00, v0;
	v6 =	vand.u32 $0xFFFFFC00, v6  }
0x1ae: {  	s2 =	simm.s32 @!p0 $0x0;
	v1 =	vand.u32 $0xFFFFFC00, v1;
	v4 =	vor.u32 v49, v4;
	v45 =	vadd.s32 v11, v5  }
0x1af: {  	s2 =	sshll.u32 s2, $0x7;
	v23 =	vand.u32 $0xFFFFFC00, v48;
	v8 =	vand.u32 $0xFFFFFC00, v8;
	v0 =	vor.u32 v12, v0  }
0x1b0: {  	s2 =	ssub.s32 s14, s2;
	v1 =	vor.u32 v20, v1;
	v6 =	vor.u32 v7, v6;
	v3 =	vor.u32 v3, v23  }
0x1b1: {  	s0 =	sadd.s32 s0, s2;
	v7 =	vor.u32 v47, v8;
	v44 =	vadd.s32 v15, v6;
	v43 =	vadd.s32 v19, v0  }
0x1b2: {  	v46 =	vadd.s32 v63, v1;
	v5 =	vadd.s32 s0, v13;
	v23 =	vadd.s32 v55, v3  }
0x1b3: {  	v8 =	vadd.s32 s0, v60;
	v6 =	vadd.s32 s0, v62;
	v0 =	vadd.s32 s0, v52  }
0x1b4: {  	[tilespmem:s13+$0x70] =	vst v2;
	v14 =	vadd.s32 s0, v56;
	v3 =	vand.u32 $0xFFFFFC00, v10;
	v48 =	vadd.s32 v59, v7  }
0x1b5: {  	s30 =	rddreg [dreg:$0xe];
	v7 =	vadd.s32 s0, v9;
	v10 =	vadd.s32 s0, v58;
	v3 =	vor.u32 v16, v3  }
0x1b6: {  	s25 =	sadd.s32 s30, s10;
	v47 =	vadd.s32 v61, v3;
	v3 =	vadd.s32 v57, v4;
	v4 =	vadd.s32 s0, v17  }
0x1b7: {  	s28 =	simm.s32 $0x4;
	s26 =	sadd.s32 $0x1FFE, s20;
	[tilespmem:s13+$0xFFFFFFF0] =	vst v18;
	vm14 =	vgt.s32 v5, $0x0;
	vm15 =	vgt.s32 v7, $0x0;
	s0 =	sshrl.u32 s25, $0x1;
	vm13 =	vgt.s32 v4, $0x0;
	v12 =	vld.idx.msk [tilespmem:v23+s23+$0x0], $0xffff  }
.LBB2_4:
0x1b8: {  	vm0 =	vgt.s32 v10, $0x0;
	vm1 =	vgt.s32 v8, $0x0  }
0x1b9: {  	s0 =	ssub.s32 s26, s0;
	vm2 =	vgt.s32 v6, $0x0;
	vm3 =	vgt.s32 v0, $0x0;
	v7 =	vnsel vm15, $0x0, v7  }
0x1ba: {  	v2 =	vnsel vm14, $0x0, v5;
	v1 =	vnsel vm13, $0x0, v4;
	s2 =	sadd.s32 s0, s14;
	v18 =	vnsel vm0, $0x0, v10  }
0x1bb: {  	s18 =	sadd.s32 $0x1, s21;
	v20 =	vnsel vm1, $0x0, v8;
	v5 =	vnsel vm3, $0x0, v0;
	v4 =	vshll.u32 v2, $0x3;
	s2 =	sshra.s32 s2, $0x7  }
0x1bc: {  	v49 =	vmov s18;
	v28 =	vadd.s32 s18, v38;
	v8 =	vshll.u32 v5, $0x3;
	p1 =	sgt.s32 s2, $0x0  }
0x1bd: {  	v22 =	vand.u32 $0x7F, v5;
	v24 =	vshll.u32 v49, $0x7;
	v10 =	vand.u32 $0xFFFFFC00, v8;
	s2 =	simm.s32 @!p1 $0x0  }
0x1be: {  	v8 =	vshll.u32 v7, $0x3;
	v16 =	vnsel vm12, $0x3F800000, v12;
	vm12 =	vgt.s32 v14, $0x0;
	s2 =	sshll.u32 s2, $0x7  }
0x1bf: {  	v12 =	vnsel vm2, $0x0, v6;
	v6 =	vand.u32 $0x7F, v2;
	v2 =	vand.u32 $0x7F, v7;
	s2 =	ssub.s32 s14, s2  }
0x1c0: {  	v23 =	vadd.s32 v42, v10;
	v7 =	vadd.s32 s18, v39;
	v14 =	vnsel vm12, $0x0, v14;
	s0 =	sadd.s32 s0, s2  }
0x1c1: {  	v10 =	vand.u32 $0x7F, v12;
	vm1 =	vgt.s32 v7, $0x0;
	v5 =	vadd.s32 s0, v52  }
0x1c2: {  	v22 =	vor.u32 v22, v23;
	v7 =	vnsel vm1, $0x0, v7;
	vm0 =	vgt.s32 v5, $0x0  }
0x1c3: {  	v12 =	vshll.u32 v12, $0x3;
	v27 =	vshll.u32 v7, $0x3;
	v25 =	vnsel vm0, $0x0, v5  }
0x1c4: {  	v7 =	vand.u32 $0x7F, v7;
	v5 =	vshll.u32 v49, $0x8;
	v26 =	vshll.u32 v25, $0x3  }
0x1c5: {  	v27 =	vand.u32 $0xFFFFFC00, v27;
	v5 =	vand.u32 $0x7800, v5;
	v26 =	vand.u32 $0xFFFFFC00, v26  }
0x1c6: {  	v27 =	vor.u32 v7, v27;
	v25 =	vand.u32 $0x7F, v25;
	v26 =	vadd.s32 v5, v26  }
0x1c7: {  	v7 =	vand.u32 $0x380, v24;
	v24 =	vor.u32 v25, v26;
	v25 =	vadd.s32 v55, v27  }
0x1c8: {  	v22 =	vor.u32 v41, v22;
	v29 =	vand.u32 $0x7F, v14;
	v23 =	vor.u32 v7, v24  }
0x1c9: {  	vm1 =	vgt.s32 v28, $0x0;
	v14 =	vshll.u32 v14, $0x3;
	v27 =	vadd.s32 s0, v56  }
0x1ca: {  	v28 =	vnsel vm1, $0x0, v28;
	v14 =	vand.u32 $0xFFFFFC00, v14;
	vm0 =	vgt.s32 v27, $0x0  }
0x1cb: {  	vm1 =	vlt.u32 v49, v52;
	v31 =	vshll.u32 v28, $0x3;
	v27 =	vnsel vm0, $0x0, v27  }
0x1cc: {  	v28 =	vand.u32 $0x7F, v28;
	v14 =	vadd.s32 v42, v14;
	v30 =	vshll.u32 v27, $0x3;
	v25 =	vld.idx.msk [tilespmem:v25+s23+$0x0], $0xffff  }
0x1cd: {  	v31 =	vand.u32 $0xFFFFFC00, v31;
	v14 =	vor.u32 v29, v14;
	v30 =	vand.u32 $0xFFFFFC00, v30;
	v23 =	vld.idx.msk [tilespmem:v23+s23+$0x0], $0xffff  }
0x1ce: {  	v28 =	vor.u32 v28, v31;
	v22 =	vld.idx.msk [tilespmem:v22+s23+$0x0], $0xffff;
	v27 =	vand.u32 $0x7F, v27;
	v30 =	vadd.s32 v5, v30  }
0x1cf: {  	v29 =	vadd.s32 s18, v37;
	v28 =	vadd.s32 v57, v28;
	v27 =	vor.u32 v27, v30  }
0x1d0: {  	v14 =	vor.u32 v41, v14;
	vm0 =	vgt.u32 v49, v52;
	v27 =	vor.u32 v7, v27  }
0x1d1: {  	v26 =	vand.u32 $0x7F, v18;
	v24 =	vand.u32 $0x7F, v20;
	v25 =	vnsel vm0, $0x3F800000, v25  }
0x1d2: {  	s13 =	sadd.s32 $0x100, s13;
	v20 =	vshll.u32 v20, $0x3;
	v23 =	vsel vm1, v23, v25;
	v25 =	vadd.s32 s0, v58  }
0x1d3: {  	v16 =	vsel vm11, v22, v16;
	vm1 =	vgt.s32 v29, $0x0;
	[tilespmem:s13+$0x0] =	vst v23;
	vm0 =	vgt.s32 v25, $0x0  }
0x1d4: {  	[tilespmem:s13+$0xFFFFFF80] =	vst v16;
	v16 =	vshll.u32 v18, $0x3;
	v23 =	vnsel vm1, $0x0, v29;
	v18 =	vld.idx.msk [tilespmem:v28+s23+$0x0], $0xffff;
	v22 =	vnsel vm0, $0x0, v25  }
0x1d5: {  	v16 =	vand.u32 $0xFFFFFC00, v16;
	v25 =	vld.idx.msk [tilespmem:v27+s23+$0x0], $0xffff;
	v28 =	vshll.u32 v23, $0x3;
	v27 =	vshll.u32 v22, $0x3  }
0x1d6: {  	v23 =	vand.u32 $0x7F, v23;
	v28 =	vand.u32 $0xFFFFFC00, v28;
	v27 =	vand.u32 $0xFFFFFC00, v27  }
0x1d7: {  	v3 =	vld.idx.msk [tilespmem:v3+s23+$0x0], $0xffff;
	v22 =	vand.u32 $0x7F, v22;
	v23 =	vor.u32 v23, v28;
	v27 =	vadd.s32 v5, v27  }
0x1d8: {  	v14 =	vld.idx.msk [tilespmem:v14+s23+$0x0], $0xffff;
	v16 =	vadd.s32 v42, v16;
	v23 =	vadd.s32 v59, v23;
	v22 =	vor.u32 v22, v27  }
0x1d9: {  	v16 =	vor.u32 v26, v16;
	vm0 =	vgt.u32 v49, v56;
	v22 =	vor.u32 v7, v22  }
0x1da: {  	v26 =	vadd.s32 s18, v36;
	vm1 =	vlt.u32 v49, v56;
	v18 =	vnsel vm0, $0x3F800000, v18  }
0x1db: {  	v16 =	vor.u32 v41, v16;
	v18 =	vsel vm1, v25, v18;
	v25 =	vadd.s32 s0, v60  }
0x1dc: {  	v3 =	vnsel vm10, $0x3F800000, v3;
	vm1 =	vgt.s32 v26, $0x0;
	[tilespmem:s13+$0x10] =	vst v18;
	vm0 =	vgt.s32 v25, $0x0  }
0x1dd: {  	v3 =	vsel vm9, v14, v3;
	v14 =	vld.idx.msk [tilespmem:v23+s23+$0x0], $0xffff;
	v18 =	vnsel vm0, $0x0, v25;
	v23 =	vnsel vm1, $0x0, v26  }
0x1de: {  	[tilespmem:s13+$0xFFFFFF90] =	vst v3;
	v3 =	vand.u32 $0xFFFFFC00, v20;
	v25 =	vshll.u32 v23, $0x3;
	v20 =	vld.idx.msk [tilespmem:v22+s23+$0x0], $0xffff;
	v22 =	vshll.u32 v18, $0x3  }
0x1df: {  	v23 =	vand.u32 $0x7F, v23;
	v25 =	vand.u32 $0xFFFFFC00, v25;
	v22 =	vand.u32 $0xFFFFFC00, v22  }
0x1e0: {  	v26 =	vld.idx.msk [tilespmem:v48+s23+$0x0], $0xffff;
	v18 =	vand.u32 $0x7F, v18;
	v23 =	vor.u32 v23, v25;
	v22 =	vadd.s32 v5, v22  }
0x1e1: {  	v16 =	vld.idx.msk [tilespmem:v16+s23+$0x0], $0xffff;
	v3 =	vadd.s32 v42, v3;
	v18 =	vor.u32 v18, v22;
	v22 =	vadd.s32 v61, v23  }
0x1e2: {  	v3 =	vor.u32 v24, v3;
	vm0 =	vgt.u32 v49, v58;
	v18 =	vor.u32 v7, v18  }
0x1e3: {  	v3 =	vor.u32 v41, v3;
	vm1 =	vlt.u32 v49, v58;
	v14 =	vnsel vm0, $0x3F800000, v14  }
0x1e4: {  	v48 =	vadd.s32 s18, v35;
	v14 =	vsel vm1, v20, v14;
	v20 =	vadd.s32 s0, v62  }
0x1e5: {  	v24 =	vnsel vm8, $0x3F800000, v26;
	vm1 =	vgt.s32 v48, $0x0;
	[tilespmem:s13+$0x20] =	vst v14;
	vm0 =	vgt.s32 v20, $0x0  }
0x1e6: {  	v14 =	vsel vm7, v16, v24;
	v48 =	vnsel vm1, $0x0, v48;
	v20 =	vnsel vm0, $0x0, v20;
	v16 =	vld.idx.msk [tilespmem:v22+s23+$0x0], $0xffff  }
0x1e7: {  	v12 =	vand.u32 $0xFFFFFC00, v12;
	[tilespmem:s13+$0xFFFFFFA0] =	vst v14;
	v23 =	vshll.u32 v48, $0x3;
	v14 =	vld.idx.msk [tilespmem:v18+s23+$0x0], $0xffff;
	v18 =	vshll.u32 v20, $0x3  }
0x1e8: {  	v26 =	vld [tilespmem:$0x1FF10];
	v22 =	vand.u32 $0x7F, v48;
	v23 =	vand.u32 $0xFFFFFC00, v23;
	v18 =	vand.u32 $0xFFFFFC00, v18  }
0x1e9: {  	v24 =	vld.idx.msk [tilespmem:v47+s23+$0x0], $0xffff;
	v20 =	vand.u32 $0x7F, v20;
	v22 =	vor.u32 v22, v23;
	v18 =	vadd.s32 v5, v18  }
0x1ea: {  	v12 =	vadd.s32 v42, v12;
	v3 =	vld.idx.msk [tilespmem:v3+s23+$0x0], $0xffff;
	v18 =	vor.u32 v20, v18;
	v20 =	vadd.s32 v63, v22  }
0x1eb: {  	v10 =	vor.u32 v10, v12;
	vm0 =	vgt.u32 v49, v60;
	v12 =	vor.u32 v7, v18  }
0x1ec: {  	vm1 =	vlt.u32 v49, v60;
	v16 =	vnsel vm0, $0x3F800000, v16  }
0x1ed: {  	v14 =	vsel vm1, v14, v16;
	v16 =	vadd.s32 s0, v26  }
0x1ee: {  	v10 =	vor.u32 v41, v10;
	v47 =	vnsel vm6, $0x3F800000, v24;
	[tilespmem:s13+$0x30] =	vst v14;
	vm0 =	vgt.s32 v16, $0x0  }
0x1ef: {  	v18 =	vadd.s32 s18, v34;
	v3 =	vsel vm5, v3, v47;
	v16 =	vnsel vm0, $0x0, v16;
	v14 =	vld.idx.msk [tilespmem:v20+s23+$0x0], $0xffff  }
0x1f0: {  	vm1 =	vgt.s32 v18, $0x0;
	[tilespmem:s13+$0xFFFFFFB0] =	vst v3;
	v3 =	vand.u32 $0xFFFFFC00, v8;
	v8 =	vld.idx.msk [tilespmem:v12+s23+$0x0], $0xffff;
	v12 =	vshll.u32 v16, $0x3  }
0x1f1: {  	v18 =	vnsel vm1, $0x0, v18;
	vm1 =	vlt.u32 v49, v62;
	v12 =	vand.u32 $0xFFFFFC00, v12  }
0x1f2: {  	v3 =	vadd.s32 v42, v3;
	v16 =	vand.u32 $0x7F, v16;
	v12 =	vadd.s32 v5, v12  }
0x1f3: {  	vm0 =	vgt.u32 v49, v62;
	v20 =	vshll.u32 v18, $0x3;
	v12 =	vor.u32 v16, v12  }
0x1f4: {  	v27 =	vld [tilespmem:$0x1FF30];
	v2 =	vor.u32 v2, v3;
	v3 =	vor.u32 v7, v12;
	v12 =	vnsel vm0, $0x3F800000, v14  }
0x1f5: {  	v48 =	vld.idx.msk [tilespmem:v46+s23+$0x0], $0xffff;
	v18 =	vand.u32 $0x7F, v18;
	v20 =	vand.u32 $0xFFFFFC00, v20;
	v8 =	vsel vm1, v8, v12  }
0x1f6: {  	v18 =	vor.u32 v18, v20;
	[tilespmem:s13+$0x40] =	vst v8;
	v8 =	vld [tilespmem:$0x1FE40]  }
0x1f7: {  	v10 =	vld.idx.msk [tilespmem:v10+s23+$0x0], $0xffff;
	v16 =	vadd.s32 v11, v18  }
0x1f8: {  	v4 =	vand.u32 $0xFFFFFC00, v4  }
0x1f9: {  	v0 =	vand.u32 $0x7F, v1;
	v1 =	vshll.u32 v1, $0x3;
	v4 =	vadd.s32 v42, v4  }
0x1fa: {  	v1 =	vand.u32 $0xFFFFFC00, v1;
	v4 =	vor.u32 v6, v4;
	v12 =	vadd.s32 s0, v27  }
0x1fb: {  	v18 =	vnsel vm4, $0x3F800000, v48;
	vm0 =	vgt.s32 v12, $0x0;
	vm2 =	vnez.u8 v8  }
0x1fc: {  	v14 =	vadd.s32 s18, v33;
	v12 =	vnsel vm0, $0x0, v12;
	v8 =	vsel vm2, v10, v18;
	v10 =	vld.idx.msk [tilespmem:v16+s23+$0x0], $0xffff  }
0x1fd: {  	v2 =	vor.u32 v41, v2;
	vm1 =	vgt.s32 v14, $0x0;
	v3 =	vld.idx.msk [tilespmem:v3+s23+$0x0], $0xffff;
	[tilespmem:s13+$0xFFFFFFC0] =	vst v8;
	v8 =	vshll.u32 v12, $0x3  }
0x1fe: {  	v14 =	vnsel vm1, $0x0, v14;
	vm1 =	vlt.u32 v49, v26;
	v8 =	vand.u32 $0xFFFFFC00, v8  }
0x1ff: {  	vm0 =	vgt.u32 v49, v26;
	v12 =	vand.u32 $0x7F, v12;
	v8 =	vadd.s32 v5, v8  }
0x200: {  	v9 =	vld [tilespmem:$0x1FE30];
	v16 =	vshll.u32 v14, $0x3;
	v14 =	vand.u32 $0x7F, v14;
	v8 =	vor.u32 v12, v8  }
0x201: {  	v28 =	vld [tilespmem:$0x1FF50];
	v16 =	vand.u32 $0xFFFFFC00, v16;
	v6 =	vor.u32 v7, v8;
	v8 =	vnsel vm0, $0x3F800000, v10  }
0x202: {  	v1 =	vadd.s32 v42, v1;
	v18 =	vld.idx.msk [tilespmem:v45+s23+$0x0], $0xffff;
	v14 =	vor.u32 v14, v16;
	v3 =	vsel vm1, v3, v8  }
0x203: {  	v0 =	vor.u32 v0, v1;
	v12 =	vadd.s32 v15, v14;
	[tilespmem:s13+$0x50] =	vst v3;
	v3 =	vld [tilespmem:$0x1FE20]  }
0x204: {  	v0 =	vor.u32 v41, v0;
	v2 =	vld.idx.msk [tilespmem:v2+s23+$0x0], $0xffff;
	v16 =	vadd.s32 s28, v39  }
0x205: {  	v4 =	vor.u32 v41, v4;
	vm4 =	vgt.s32 v16, $0x0;
	v10 =	vadd.s32 s18, v32  }
0x206: {  	vm0 =	vnez.u8 v9;
	v9 =	vimm.s32 $0x0;
	v8 =	vadd.s32 s0, v28  }
0x207: {  	vm1 =	vgt.s32 v10, $0x0;
	v14 =	vnsel vm0, $0x3F800000, v18;
	vm0 =	vgt.s32 v8, $0x0  }
0x208: {  	v10 =	vnsel vm1, $0x0, v10;
	vm1 =	vlt.u32 v49, v27;
	vm2 =	vnez.u8 v3;
	v3 =	vld.idx.msk [tilespmem:v12+s23+$0x0], $0xffff  }
0x209: {  	v8 =	vnsel vm0, $0x0, v8;
	vm0 =	vgt.u32 v49, v27;
	v2 =	vsel vm2, v2, v14  }
0x20a: {  	v12 =	vshll.u32 v10, $0x3;
	v10 =	vand.u32 $0x7F, v10;
	[tilespmem:s13+$0xFFFFFFD0] =	vst v2;
	v2 =	vld.idx.msk [tilespmem:v6+s23+$0x0], $0xffff;
	v6 =	vshll.u32 v8, $0x3  }
0x20b: {  	v12 =	vand.u32 $0xFFFFFC00, v12;
	v8 =	vand.u32 $0x7F, v8;
	v14 =	vld.idx.msk [tilespmem:v44+s23+$0x0], $0xffff;
	v6 =	vand.u32 $0xFFFFFC00, v6  }
0x20c: {  	v4 =	vld.idx.msk [tilespmem:v4+s23+$0x0], $0xffff;
	v5 =	vadd.s32 v5, v6;
	v6 =	vor.u32 v10, v12;
	v10 =	vadd.s32 s28, v36  }
0x20d: {  	v5 =	vor.u32 v8, v5;
	v6 =	vadd.s32 v19, v6;
	v1 =	vnsel vm0, $0x3F800000, v3  }
0x20e: {  	vm0 =	vgt.u32 v40, v27;
	v8 =	vadd.s32 s28, v37;
	v5 =	vor.u32 v7, v5  }
0x20f: {  	v7 =	vadd.s32 s28, v33;
	v1 =	vsel vm1, v2, v1;
	vm1 =	vlt.u32 v40, v27  }
0x210: {  	vm14 =	vgt.s32 v7, $0x0;
	v2 =	vnsel vm0, $0x3F800000, v14;
	v14 =	vmov s28  }
0x211: {  	[tilespmem:s13+$0x60] =	vst v1;
	v1 =	vadd.s32 s28, v32;
	v2 =	vsel vm1, v4, v2;
	vm1 =	vlt.u32 v14, v26  }
0x212: {  	vm0 =	vlt.u32 v40, v28;
	v4 =	vadd.s32 s28, v35;
	v9 =	vsel vm1, $0xFFFFFFFF, v9  }
0x213: {  	v3 =	vld.idx.msk [tilespmem:v6+s23+$0x0], $0xffff;
	v6 =	vadd.s32 s28, v34;
	vm1 =	vgt.s32 v1, $0x0;
	[tilespmem:$0x1FE20] =	vst v9;
	v9 =	vimm.s32 $0x0  }
0x214: {  	[tilespmem:s13+$0xFFFFFFE0] =	vst v2;
	v2 =	vld.idx.msk [tilespmem:v5+s23+$0x0], $0xffff;
	v5 =	vadd.s32 s28, v38;
	v9 =	vsel vm1, $0xFFFFFFFF, v9;
	vm1 =	vgt.u32 v40, v28;
	v40 =	vmovc v14  }
0x215: {  	vm15 =	vgt.s32 v5, $0x0;
	[tilespmem:$0x1FE00] =	vst v9;
	vm2 =	vgt.u32 v40, v26;
	v9 =	vimm.s32 $0x0  }
0x216: {  	vm3 =	vlt.u32 v40, v62;
	vm5 =	vlt.u32 v40, v60;
	vm6 =	vgt.u32 v40, v60  }
0x217: {  	v12 =	vld.idx.msk [tilespmem:v43+s23+$0x0], $0xffff;
	vm7 =	vlt.u32 v40, v58;
	vm9 =	vlt.u32 v40, v56;
	vm8 =	vgt.u32 v40, v58  }
0x218: {  	v0 =	vld.idx.msk [tilespmem:v0+s23+$0x0], $0xffff;
	vm11 =	vlt.u32 v40, v52;
	vm10 =	vgt.u32 v40, v56;
	vm12 =	vgt.u32 v40, v52  }
0x219: {  	v5 =	vnsel vm15, $0x0, v5;
	v9 =	vsel vm2, $0xFFFFFFFF, v9;
	vm2 =	vgt.u32 v49, v28  }
0x21a: {  	[tilespmem:$0x1FE30] =	vst v9;
	v9 =	vimm.s32 $0x0;
	v3 =	vnsel vm2, $0x3F800000, v3;
	vm2 =	vgt.u32 v40, v62  }
0x21b: {  	v9 =	vsel vm3, $0xFFFFFFFF, v9;
	vm3 =	vlt.u32 v49, v28;
	v49 =	vand.u32 $0x7F, v5  }
0x21c: {  	v5 =	vshll.u32 v5, $0x3;
	v2 =	vsel vm3, v2, v3;
	v3 =	vnsel vm1, $0x3F800000, v12  }
0x21d: {  	[tilespmem:$0x1FE40] =	vst v9;
	v9 =	vimm.s32 $0x0;
	vm1 =	vgt.s32 v4, $0x0;
	v0 =	vsel vm0, v0, v3;
	v3 =	vld [tilespmem:$0x1FE00]  }
0x21e: {  	vm3 =	vgt.s32 v8, $0x0;
	v5 =	vand.u32 $0xFFFFFC00, v5;
	v9 =	vsel vm2, $0xFFFFFFFF, v9  }
0x21f: {  	vm2 =	vgt.s32 v6, $0x0;
	vm0 =	vgt.s32 v10, $0x0;
	[tilespmem:s13+$0xFFFFFFF0] =	vst v0;
	v0 =	vshll.u32 v40, $0x7  }
0x220: {  	[tilespmem:s13+$0x70] =	vst v2;
	v2 =	vshll.u32 v40, $0x8;
	v41 =	vand.u32 $0x300, v0;
	v0 =	vnsel vm4, $0x0, v16  }
0x221: {  	v5 =	vor.u32 v49, v5;
	v42 =	vand.u32 $0x7800, v2;
	v20 =	vshll.u32 v0, $0x3  }
0x222: {  	[tilespmem:$0x1FE10] =	vst v9;
	v0 =	vand.u32 $0x7F, v0;
	v20 =	vand.u32 $0xFFFFFC00, v20;
	vm13 =	vnez.u8 v3  }
0x223: {  	v2 =	vld [tilespmem:$0x1FE10];
	v3 =	vnsel vm1, $0x0, v4;
	v4 =	vnsel vm2, $0x0, v6;
	v6 =	vnsel vm14, $0x0, v7  }
0x224: {  	s29 =	sadd.s32 $0x8, s29;
	v7 =	vnsel vm3, $0x0, v8;
	v8 =	vnsel vm0, $0x0, v10;
	v0 =	vor.u32 v0, v20  }
0x225: {  	s22 =	sadd.s32 s29, s22;
	v1 =	vnsel vm13, $0x0, v1;
	v12 =	vand.u32 $0x7F, v4;
	v4 =	vshll.u32 v4, $0x3  }
0x226: {  	s24 =	sadd.s32 $0x1FFE, s24;
	s20 =	sshrl.u32 s22, $0x1;
	v14 =	vand.u32 $0x7F, v8;
	v16 =	vand.u32 $0x7F, v3;
	v3 =	vshll.u32 v3, $0x3  }
0x227: {  	s0 =	ssub.s32 s24, s20;
	v18 =	vand.u32 $0x7F, v7;
	v7 =	vshll.u32 v7, $0x3;
	v8 =	vshll.u32 v8, $0x3  }
0x228: {  	s31 =	sadd.s32 s0, s14;
	v0 =	vadd.s32 v55, v0;
	vm4 =	vnez.u8 v2;
	v2 =	vand.u32 $0x7F, v6  }
0x229: {  	s2 =	sshra.s32 s31, $0x7;
	v10 =	vand.u32 $0x7F, v1;
	v1 =	vshll.u32 v1, $0x3;
	v6 =	vshll.u32 v6, $0x3  }
0x22a: {  	p1 =	sgt.s32 s2, $0x0;
	v4 =	vand.u32 $0xFFFFFC00, v4;
	v8 =	vand.u32 $0xFFFFFC00, v8;
	v3 =	vand.u32 $0xFFFFFC00, v3  }
0x22b: {  	s2 =	simm.s32 @!p1 $0x0;
	v7 =	vand.u32 $0xFFFFFC00, v7;
	v1 =	vand.u32 $0xFFFFFC00, v1;
	v6 =	vand.u32 $0xFFFFFC00, v6  }
0x22c: {  	s2 =	sshll.u32 s2, $0x7;
	v3 =	vor.u32 v16, v3;
	v4 =	vor.u32 v12, v4;
	v1 =	vor.u32 v10, v1  }
0x22d: {  	s2 =	ssub.s32 s14, s2;
	v2 =	vor.u32 v2, v6;
	v6 =	vor.u32 v18, v7;
	v7 =	vor.u32 v14, v8  }
0x22e: {  	p0 =	slt.u32 s28, $0x7E;
	s0 =	sadd.s32 s0, s2;
	v45 =	vadd.s32 v11, v4;
	v46 =	vadd.s32 v63, v3;
	v3 =	vadd.s32 v57, v5  }
.Ltmp3:
0x22f: {  	v5 =	vadd.s32 s0, v27;
	v4 =	vadd.s32 s0, v28;
	v8 =	vadd.s32 s0, v60;
	(pc) =	sbr.rel @p0 .LBB2_4-.Ltmp3, $4  }
0x230: {  	v14 =	vadd.s32 s0, v56;
	v10 =	vadd.s32 s0, v58;
	v44 =	vadd.s32 v15, v2  }
0x231: {  	s30 =	sadd.s32 $0x8, s30;
	v43 =	vadd.s32 v19, v1;
	v48 =	vadd.s32 v59, v6;
	v47 =	vadd.s32 v61, v7  }
0x232: {  	s21 =	smov.u32 s28;
	s25 =	sadd.s32 s30, s25;
	v6 =	vadd.s32 s0, v62;
	v7 =	vadd.s32 s0, v26;
	vm14 =	vgt.s32 v5, $0x0  }
0x233: {  	s26 =	sadd.s32 $0x1FFE, s26;
	s28 =	sadd.s32 $0x2, s28;
	vm13 =	vgt.s32 v4, $0x0;
	v12 =	vld.idx.msk [tilespmem:v0+s23+$0x0], $0xffff;
	v0 =	vadd.s32 s0, v52;
	s0 =	sshrl.u32 s25, $0x1;
	vm15 =	vgt.s32 v7, $0x0  }
0x234: {  	s0 =	ssub.s32 s26, s0  }
0x235: {  	s2 =	sadd.s32 s0, s14  }
0x236: {  	s2 =	sshra.s32 s2, $0x7  }
0x237: {  	p0 =	sgt.s32 s2, $0x0  }
0x238: {  	s2 =	simm.s32 @!p0 $0x0  }
0x239: {  	s2 =	sshll.u32 s2, $0x7  }
0x23a: {  	s2 =	ssub.s32 s14, s2  }
0x23b: {  	vm0 =	vgt.s32 v0, $0x0;
	s4 =	sadd.s32 $0x1, s21;
	s2 =	sadd.s32 s0, s2  }
0x23c: {  	v16 =	vnsel vm0, $0x0, v0;
	v2 =	vadd.s32 s4, v39;
	v1 =	vadd.s32 s2, v52  }
0x23d: {  	v0 =	vmov s4;
	v18 =	vshll.u32 v16, $0x3;
	vm0 =	vgt.s32 v1, $0x0  }
0x23e: {  	v22 =	vshll.u32 v0, $0x7;
	v20 =	vnsel vm0, $0x0, v1;
	vm0 =	vgt.s32 v2, $0x0  }
0x23f: {  	v18 =	vand.u32 $0xFFFFFC00, v18;
	v1 =	vshll.u32 v0, $0x8;
	v2 =	vnsel vm0, $0x0, v2  }
0x240: {  	v1 =	vand.u32 $0x7800, v1;
	v23 =	vshll.u32 v20, $0x3;
	v24 =	vshll.u32 v2, $0x3  }
0x241: {  	v23 =	vand.u32 $0xFFFFFC00, v23;
	v2 =	vand.u32 $0x7F, v2;
	v24 =	vand.u32 $0xFFFFFC00, v24  }
0x242: {  	v20 =	vand.u32 $0x7F, v20;
	v23 =	vadd.s32 v1, v23;
	v24 =	vor.u32 v2, v24  }
0x243: {  	v2 =	vand.u32 $0x380, v22;
	v20 =	vor.u32 v20, v23;
	v39 =	vadd.s32 v55, v24  }
0x244: {  	v16 =	vand.u32 $0x7F, v16;
	v18 =	vadd.s32 v42, v18;
	v20 =	vor.u32 v2, v20  }
0x245: {  	v12 =	vnsel vm12, $0x3F800000, v12;
	v49 =	vadd.s32 s2, v56;
	v24 =	vadd.s32 s4, v38  }
0x246: {  	vm12 =	vgt.s32 v10, $0x0;
	vm0 =	vgt.s32 v49, $0x0;
	vm1 =	vgt.s32 v24, $0x0  }
0x247: {  	v16 =	vor.u32 v16, v18;
	v23 =	vnsel vm0, $0x0, v49;
	v55 =	vnsel vm1, $0x0, v24  }
0x248: {  	v16 =	vor.u32 v41, v16;
	v24 =	vshll.u32 v23, $0x3;
	v25 =	vshll.u32 v55, $0x3;
	v22 =	vld.idx.msk [tilespmem:v39+s23+$0x0], $0xffff  }
0x249: {  	v24 =	vand.u32 $0xFFFFFC00, v24;
	v18 =	vand.u32 $0x7F, v55;
	v25 =	vand.u32 $0xFFFFFC00, v25;
	v20 =	vld.idx.msk [tilespmem:v20+s23+$0x0], $0xffff  }
0x24a: {  	v23 =	vand.u32 $0x7F, v23;
	v24 =	vadd.s32 v1, v24;
	v18 =	vor.u32 v18, v25  }
0x24b: {  	v10 =	vnsel vm12, $0x0, v10;
	v23 =	vor.u32 v23, v24;
	v18 =	vadd.s32 v57, v18  }
0x24c: {  	vm0 =	vgt.s32 v14, $0x0;
	vm1 =	vgt.u32 v0, v52;
	v23 =	vor.u32 v2, v23  }
0x24d: {  	v16 =	vld.idx.msk [tilespmem:v16+s23+$0x0], $0xffff;
	v14 =	vnsel vm0, $0x0, v14;
	vm0 =	vlt.u32 v0, v52;
	v22 =	vnsel vm1, $0x3F800000, v22  }
0x24e: {  	s25 =	sadd.s32 $0x100, s13;
	vm12 =	vgt.s32 v8, $0x0;
	v9 =	vshll.u32 v14, $0x3;
	v20 =	vsel vm0, v20, v22  }
0x24f: {  	v8 =	vnsel vm12, $0x0, v8;
	v22 =	vand.u32 $0xFFFFFC00, v9;
	[tilespmem:s25+$0x0] =	vst v20  }
0x250: {  	v49 =	vadd.s32 s2, v58;
	v14 =	vand.u32 $0x7F, v14;
	v38 =	vadd.s32 v42, v22;
	v18 =	vld.idx.msk [tilespmem:v18+s23+$0x0], $0xffff  }
0x251: {  	vm12 =	vgt.s32 v49, $0x0;
	v55 =	vadd.s32 s4, v37;
	v14 =	vor.u32 v14, v38;
	v39 =	vld.idx.msk [tilespmem:v23+s23+$0x0], $0xffff  }
0x252: {  	v12 =	vsel vm11, v16, v12;
	vm11 =	vgt.s32 v55, $0x0;
	v14 =	vor.u32 v41, v14  }
0x253: {  	v37 =	vnsel vm11, $0x0, v55;
	vm11 =	vlt.u32 v0, v56;
	v55 =	vadd.s32 s2, v60  }
0x254: {  	[tilespmem:s25+$0xFFFFFF80] =	vst v12;
	v57 =	vnsel vm12, $0x0, v49;
	vm12 =	vgt.u32 v0, v56;
	v24 =	vshll.u32 v37, $0x3  }
0x255: {  	v3 =	vld.idx.msk [tilespmem:v3+s23+$0x0], $0xffff;
	v24 =	vand.u32 $0xFFFFFC00, v24;
	v16 =	vand.u32 $0x7F, v57;
	v18 =	vnsel vm12, $0x3F800000, v18  }
0x256: {  	v22 =	vand.u32 $0x7F, v37;
	v18 =	vsel vm11, v39, v18;
	v39 =	vshll.u32 v57, $0x3  }
0x257: {  	v38 =	vand.u32 $0x7F, v10;
	v10 =	vshll.u32 v10, $0x3;
	v14 =	vld.idx.msk [tilespmem:v14+s23+$0x0], $0xffff;
	v12 =	vand.u32 $0xFFFFFC00, v39  }
0x258: {  	v22 =	vor.u32 v22, v24;
	v10 =	vand.u32 $0xFFFFFC00, v10;
	v12 =	vadd.s32 v1, v12  }
0x259: {  	v49 =	vadd.s32 v59, v22;
	v10 =	vadd.s32 v42, v10;
	v12 =	vor.u32 v16, v12  }
0x25a: {  	v3 =	vnsel vm10, $0x3F800000, v3;
	v10 =	vor.u32 v38, v10;
	v12 =	vor.u32 v2, v12  }
0x25b: {  	v20 =	vand.u32 $0x7F, v8;
	v10 =	vor.u32 v41, v10;
	v57 =	vadd.s32 s4, v36  }
0x25c: {  	vm12 =	vgt.s32 v55, $0x0;
	v3 =	vsel vm9, v14, v3;
	vm9 =	vgt.s32 v57, $0x0  }
0x25d: {  	v8 =	vshll.u32 v8, $0x3;
	v59 =	vnsel vm12, $0x0, v55;
	[tilespmem:s25+$0x10] =	vst v18;
	v13 =	vnsel vm9, $0x0, v57  }
0x25e: {  	v8 =	vand.u32 $0xFFFFFC00, v8;
	v22 =	vshll.u32 v59, $0x3;
	v16 =	vld.idx.msk [tilespmem:v49+s23+$0x0], $0xffff;
	v23 =	vshll.u32 v13, $0x3  }
0x25f: {  	v22 =	vand.u32 $0xFFFFFC00, v22;
	[tilespmem:s25+$0xFFFFFF90] =	vst v3;
	v18 =	vand.u32 $0x7F, v13;
	v36 =	vand.u32 $0xFFFFFC00, v23;
	v3 =	vld.idx.msk [tilespmem:v12+s23+$0x0], $0xffff  }
0x260: {  	v22 =	vadd.s32 v1, v22;
	v14 =	vand.u32 $0x7F, v59;
	v37 =	vld.idx.msk [tilespmem:v48+s23+$0x0], $0xffff;
	v12 =	vor.u32 v18, v36  }
0x261: {  	v8 =	vadd.s32 v42, v8;
	v14 =	vor.u32 v14, v22;
	v10 =	vld.idx.msk [tilespmem:v10+s23+$0x0], $0xffff;
	v12 =	vadd.s32 v61, v12  }
0x262: {  	vm10 =	vgt.u32 v0, v58;
	v8 =	vor.u32 v20, v8;
	v14 =	vor.u32 v2, v14  }
0x263: {  	v8 =	vor.u32 v41, v8;
	vm11 =	vlt.u32 v0, v58;
	v16 =	vnsel vm10, $0x3F800000, v16  }
0x264: {  	v38 =	vadd.s32 s2, v62;
	v39 =	vadd.s32 s4, v35;
	v3 =	vsel vm11, v3, v16  }
0x265: {  	vm12 =	vgt.s32 v38, $0x0;
	vm9 =	vgt.s32 v39, $0x0;
	v48 =	vnsel vm8, $0x3F800000, v37;
	[tilespmem:s25+$0x20] =	vst v3  }
0x266: {  	v20 =	vnsel vm9, $0x0, v39;
	v39 =	vadd.s32 s4, v34;
	v3 =	vsel vm7, v10, v48;
	v49 =	vld.idx.msk [tilespmem:v12+s23+$0x0], $0xffff  }
0x267: {  	v57 =	vshll.u32 v20, $0x3;
	v59 =	vand.u32 $0x7F, v20;
	vm10 =	vgt.u32 v0, v60;
	[tilespmem:s25+$0xFFFFFFA0] =	vst v3;
	v3 =	vld.idx.msk [tilespmem:v14+s23+$0x0], $0xffff  }
0x268: {  	v18 =	vnsel vm12, $0x0, v38;
	vm12 =	vgt.s32 v6, $0x0;
	v38 =	vadd.s32 s2, v26;
	v61 =	vld.idx.msk [tilespmem:v47+s23+$0x0], $0xffff  }
0x269: {  	v55 =	vshll.u32 v18, $0x3;
	v18 =	vand.u32 $0x7F, v18;
	v16 =	vand.u32 $0xFFFFFC00, v57;
	v8 =	vld.idx.msk [tilespmem:v8+s23+$0x0], $0xffff  }
0x26a: {  	v6 =	vnsel vm12, $0x0, v6;
	v12 =	vand.u32 $0xFFFFFC00, v55;
	v14 =	vor.u32 v59, v16  }
0x26b: {  	v35 =	vshll.u32 v6, $0x3;
	v12 =	vadd.s32 v1, v12;
	v14 =	vadd.s32 v63, v14  }
0x26c: {  	vm11 =	vlt.u32 v0, v60;
	v12 =	vor.u32 v18, v12;
	v10 =	vnsel vm10, $0x3F800000, v49  }
0x26d: {  	v12 =	vor.u32 v2, v12;
	v3 =	vsel vm11, v3, v10;
	v23 =	vnsel vm6, $0x3F800000, v61  }
0x26e: {  	v6 =	vand.u32 $0x7F, v6;
	[tilespmem:s25+$0x30] =	vst v3;
	v3 =	vsel vm5, v8, v23;
	v8 =	vand.u32 $0xFFFFFC00, v35  }
0x26f: {  	vm8 =	vgt.s32 v39, $0x0;
	vm6 =	vgt.s32 v38, $0x0;
	v8 =	vadd.s32 v42, v8  }
0x270: {  	v36 =	vld.idx.msk [tilespmem:v14+s23+$0x0], $0xffff;
	v14 =	vnsel vm8, $0x0, v39;
	v6 =	vor.u32 v6, v8;
	v8 =	vnsel vm6, $0x0, v38  }
0x271: {  	v49 =	vshll.u32 v14, $0x3;
	v14 =	vand.u32 $0x7F, v14;
	v48 =	vshll.u32 v8, $0x3  }
0x272: {  	[tilespmem:s25+$0xFFFFFFB0] =	vst v3;
	v3 =	vld.idx.msk [tilespmem:v12+s23+$0x0], $0xffff;
	v6 =	vor.u32 v41, v6;
	v18 =	vand.u32 $0xFFFFFC00, v49;
	v16 =	vand.u32 $0xFFFFFC00, v48  }
0x273: {  	v8 =	vand.u32 $0x7F, v8;
	v14 =	vor.u32 v14, v18;
	v16 =	vadd.s32 v1, v16  }
0x274: {  	v14 =	vadd.s32 v11, v14;
	v8 =	vor.u32 v8, v16  }
0x275: {  	v7 =	vnsel vm15, $0x0, v7;
	vm7 =	vgt.u32 v0, v62;
	v8 =	vor.u32 v2, v8  }
0x276: {  	v5 =	vnsel vm14, $0x0, v5;
	vm9 =	vlt.u32 v0, v62;
	v37 =	vld.idx.msk [tilespmem:v46+s23+$0x0], $0xffff;
	v10 =	vnsel vm7, $0x3F800000, v36  }
0x277: {  	v4 =	vnsel vm13, $0x0, v4;
	vm13 =	vgt.u32 v0, v26;
	v9 =	vld [tilespmem:$0x1FE40];
	v3 =	vsel vm9, v3, v10  }
0x278: {  	vm14 =	vlt.u32 v0, v26;
	v34 =	vadd.s32 s2, v28;
	v57 =	vadd.s32 s2, v27;
	v6 =	vld.idx.msk [tilespmem:v6+s23+$0x0], $0xffff;
	[tilespmem:s25+$0x40] =	vst v3  }
0x279: {  	v55 =	vand.u32 $0x7F, v5;
	v59 =	vadd.s32 s4, v33;
	v47 =	vshll.u32 v7, $0x3;
	v61 =	vld.idx.msk [tilespmem:v14+s23+$0x0], $0xffff  }
0x27a: {  	v5 =	vshll.u32 v5, $0x3;
	v7 =	vand.u32 $0x7F, v7;
	v12 =	vand.u32 $0xFFFFFC00, v47;
	v21 =	vld.idx.msk [tilespmem:v8+s23+$0x0], $0xffff  }
0x27b: {  	vm12 =	vgt.s32 v59, $0x0;
	v5 =	vand.u32 $0xFFFFFC00, v5;
	v12 =	vadd.s32 v42, v12  }
0x27c: {  	v7 =	vor.u32 v7, v12;
	v46 =	vnsel vm4, $0x3F800000, v37;
	vm10 =	vnez.u8 v9  }
0x27d: {  	vm11 =	vgt.s32 v57, $0x0;
	v7 =	vor.u32 v41, v7;
	v6 =	vsel vm10, v6, v46  }
0x27e: {  	v63 =	vnsel vm12, $0x0, v59;
	v3 =	vnsel vm11, $0x0, v57;
	[tilespmem:s25+$0xFFFFFFC0] =	vst v6;
	v10 =	vnsel vm13, $0x3F800000, v61  }
0x27f: {  	v22 =	vshll.u32 v63, $0x3;
	v20 =	vshll.u32 v3, $0x3;
	v23 =	vld.idx.msk [tilespmem:v45+s23+$0x0], $0xffff;
	v6 =	vsel vm14, v21, v10  }
0x280: {  	v12 =	vand.u32 $0x7F, v63;
	v14 =	vand.u32 $0xFFFFFC00, v20;
	v8 =	vand.u32 $0xFFFFFC00, v22;
	v35 =	vld [tilespmem:$0x1FE30];
	[tilespmem:s25+$0x50] =	vst v6  }
0x281: {  	v3 =	vand.u32 $0x7F, v3;
	v14 =	vadd.s32 v1, v14;
	v8 =	vor.u32 v12, v8;
	v38 =	vld [tilespmem:$0x1FE20]  }
0x282: {  	v5 =	vadd.s32 v42, v5;
	v3 =	vor.u32 v3, v14;
	v8 =	vadd.s32 v15, v8;
	v7 =	vld.idx.msk [tilespmem:v7+s23+$0x0], $0xffff  }
0x283: {  	v5 =	vor.u32 v55, v5;
	vm5 =	vgt.s32 v34, $0x0;
	v3 =	vor.u32 v2, v3  }
0x284: {  	v33 =	vadd.s32 s4, v32;
	v5 =	vor.u32 v41, v5;
	v39 =	vnsel vm5, $0x0, v34  }
0x285: {  	v47 =	vshll.u32 v4, $0x3;
	vm8 =	vlt.u32 v0, v27;
	vm15 =	vnez.u8 v35  }
0x286: {  	v4 =	vand.u32 $0x7F, v4;
	v36 =	vnsel vm15, $0x3F800000, v23;
	vm6 =	vnez.u8 v38  }
0x287: {  	vm4 =	vgt.s32 v33, $0x0;
	v46 =	vshll.u32 v39, $0x3;
	v8 =	vld.idx.msk [tilespmem:v8+s23+$0x0], $0xffff;
	v7 =	vsel vm6, v7, v36  }
0x288: {  	vm7 =	vgt.u32 v0, v27;
	v37 =	vnsel vm4, $0x0, v33;
	v14 =	vand.u32 $0xFFFFFC00, v46;
	v3 =	vld.idx.msk [tilespmem:v3+s23+$0x0], $0xffff;
	[tilespmem:s25+$0xFFFFFFD0] =	vst v7  }
0x289: {  	v45 =	vshll.u32 v37, $0x3;
	v1 =	vadd.s32 v1, v14;
	v10 =	vand.u32 $0x7F, v39;
	v48 =	vld.idx.msk [tilespmem:v44+s23+$0x0], $0xffff  }
0x28a: {  	v12 =	vand.u32 $0xFFFFFC00, v45;
	v6 =	vand.u32 $0x7F, v37;
	v1 =	vor.u32 v10, v1;
	v5 =	vld.idx.msk [tilespmem:v5+s23+$0x0], $0xffff  }
0x28b: {  	v6 =	vor.u32 v6, v12;
	v1 =	vor.u32 v2, v1;
	v7 =	vand.u32 $0xFFFFFC00, v47  }
0x28c: {  	v6 =	vadd.s32 v19, v6;
	v2 =	vnsel vm7, $0x3F800000, v8;
	v7 =	vadd.s32 v42, v7  }
0x28d: {  	vm9 =	vgt.u32 v40, v27;
	v2 =	vsel vm8, v3, v2;
	v3 =	vor.u32 v4, v7  }
0x28e: {  	vm10 =	vlt.u32 v40, v27;
	[tilespmem:s25+$0x60] =	vst v2;
	v2 =	vor.u32 v41, v3;
	v3 =	vnsel vm9, $0x3F800000, v48  }
0x28f: {  	v3 =	vsel vm10, v5, v3  }
0x290: {  	[tilespmem:s25+$0xFFFFFFE0] =	vst v3  }
0x291: {  	v49 =	vld.idx.msk [tilespmem:v6+s23+$0x0], $0xffff;
	s3 =	rddreg [dreg:$0xf]  }
0x292: {  	v1 =	vld.idx.msk [tilespmem:v1+s23+$0x0], $0xffff;
	v55 =	vor.u32 s3, v52;
	v57 =	vadd.s32 s3, v53  }
0x293: {  	v3 =	vld.idx.msk [tilespmem:v43+s23+$0x0], $0xffff;
	v6 =	vmul.u32 v57, v55  }
0x294: {  	vm12 =	vlt.u32 v0, v28;
	vm11 =	vgt.u32 v0, v28;
	v2 =	vld.idx.msk [tilespmem:v2+s23+$0x0], $0xffff;
	s26 =	ssub.s32 s8, s3;
	v5 =	vshll.u32 v55, $0xC  }
0x295: {  	vm13 =	vgt.u32 v40, v28;
	v5 =	vadd.s32 s26, v5;
	v0 =	vshrl.u32 v6, $0x1  }
0x296: {  	vm14 =	vlt.u32 v40, v28;
	v4 =	vnsel vm11, $0x3F800000, v49;
	s28 =	sadd.s32 $0x10, s3;
	v0 =	vsub.s32 v5, v0  }
0x297: {  	v1 =	vsel vm12, v1, v4;
	v61 =	vor.u32 s28, v52;
	v59 =	vadd.s32 v54, v0  }
0x298: {  	v3 =	vnsel vm13, $0x3F800000, v3;
	v0 =	vadd.s32 s28, v53;
	v63 =	vshra.s32 v59, $0x7  }
0x299: {  	[tilespmem:s25+$0x70] =	vst v1;
	v1 =	vsel vm14, v2, v3;
	v2 =	vmul.u32 v0, v61;
	vm15 =	vgt.s32 v63, $0x0  }
0x29a: {  	s29 =	ssub.s32 s8, s28;
	[tilespmem:s25+$0xFFFFFFF0] =	vst v1;
	v1 =	vshll.u32 v61, $0xC;
	v0 =	vnsel vm15, $0x0, v63  }
0x29b: {  	s31 =	simm.s32 $0x10200;
	s7 =	simm.s32 $0x0;
	s30 =	rddreg [dreg:$0x4];
	v1 =	vadd.s32 s29, v1;
	v2 =	vshrl.u32 v2, $0x1;
	v3 =	vmin.u32 v0, $0xFFEE  }
0x29c: {  	[hbm4b:s30+s11] =	stream.strided.scatter [tilespmem:s31], [sflag:$0x3], $0x4000, s19, s11, $0x38;
	v1 =	vsub.s32 v1, v2;
	v2 =	vshll.u32 v0, $0x7;
	v3 =	vadd.s32 $0x1, v3;
	[tilespmem:$0x18300] =	vst v63  }
0x29d: {  	s0 =	simm.s32 $0x40;
	s2 =	simm.s32 $0x80;
	s4 =	sadd.s32 $0x10, s28;
	v1 =	vadd.s32 v54, v1;
	v2 =	vsub.s32 v59, v2;
	[tilespmem:s7+$0x80] =	vst v3  }
.LBB2_6:
0x29e: {  	v3 =	vor.u32 s4, v52;
	v4 =	vadd.s32 s4, v53;
	p0 =	sne.s32 s2, $0x1C0;
	v5 =	vshra.s32 v1, $0x7;
	[tilespmem:s7+$0x18200] =	vst v2;
	s10 =	smov.u32 s2;
	s2 =	sadd.s32 $0x40, s2  }
.Ltmp4:
0x29f: {  	v2 =	vmul.u32 v4, v3;
	vm0 =	vgt.s32 v5, $0x0;
	[tilespmem:s7+$0x0] =	vst v0;
	(pc) =	sbr.rel @p0 .LBB2_6-.Ltmp4, $4  }
0x2a0: {  	v3 =	vshll.u32 v3, $0xC;
	s7 =	ssub.s32 s8, s4;
	v0 =	vnsel vm0, $0x0, v5  }
0x2a1: {  	v3 =	vadd.s32 s7, v3;
	v2 =	vshrl.u32 v2, $0x1;
	v4 =	vmin.u32 v0, $0xFFEE  }
0x2a2: {  	s7 =	sshra.s32 s0, $0x2;
	s0 =	smov.u32 s10;
	v3 =	vsub.s32 v3, v2;
	v2 =	vshll.u32 v0, $0x7;
	v4 =	vadd.s32 $0x1, v4  }
0x2a3: {  	s4 =	sadd.s32 $0x10, s4;
	v2 =	vsub.s32 v1, v2;
	v1 =	vadd.s32 v54, v3;
	[tilespmem:s7+$0x80] =	vst v4  }
0x2a4: {  	v3 =	vshra.s32 v1, $0x7  }
0x2a5: {  	vm0 =	vgt.s32 v3, $0x0  }
0x2a6: {  	[tilespmem:s7+$0x18200] =	vst v2;
	v3 =	vnsel vm0, $0x0, v3  }
0x2a7: {  	[tilespmem:s7+$0x0] =	vst v0;
	s0 =	sshra.s32 s0, $0x2;
	v2 =	vmin.u32 v3, $0xFFEE  }
0x2a8: {  	v0 =	vshll.u32 v3, $0x7;
	[tilespmem:s0+$0x0] =	vst v3;
	v2 =	vadd.s32 $0x1, v2  }
0x2a9: {  	v0 =	vsub.s32 v1, v0;
	[tilespmem:s0+$0x80] =	vst v2  }
0x2aa: {  	[tilespmem:s0+$0x18200] =	vst v0;
	v2 =	vld [tilespmem:$0x1FE50]  }
0x2ab: {  	v0 =	vld [tilespmem:$0x0]  }
0x2ac: {  	v4 =	vld [tilespmem:$0x1FE60]  }
0x2ad: {  	v5 =	vld [tilespmem:$0x1FE70];
	_ =	sdelay $0x2  }
0x2ae: {  	v1 =	vperm.xlane v0, v2  }
0x2af: {  	v3 =	vld [tilespmem:$0x1FEB0]  }
0x2b0: {  	v0 =	vperm.xlane v0, v5;
	v1 =	vadd.s32 v4, v1;
	_ =	sdelay $0x1  }
0x2b1: {  	v0 =	vadd.s32 v4, v0;
	_ =	sdelay $0x1  }
0x2b2: {  	s0 =	simm.s32 $0x0;
	vm2 =	vnez.u8 v3  }
0x2b3: {  	[tilespmem:s23], [sflag:$0x1] =	stream.indirect_vreg.gather [hbm4b:s1+s0], $0x80, v1, vm2, $0xb8;
	[tilespmem:$0x18300] =	vst v63  }
0x2b4: {  	s2 =	simm.s32 $0xA00  }
0x2b5: {  	[tilespmem:s2], [sflag:$0x1] =	stream.indirect_vreg.gather [hbm4b:s1+s0], $0x80, v0, vm2, $0xb8;
	[tilespmem:$0x18300] =	vst v63  }
0x2b6: {  	v0 =	vld [tilespmem:$0x10];
	_ =	sdelay $0x4  }
0x2b7: {  	v1 =	vperm.xlane v0, v2;
	_ =	sdelay $0x1  }
0x2b8: {  	v0 =	vperm.xlane v0, v5;
	v1 =	vadd.s32 v4, v1;
	_ =	sdelay $0x1  }
0x2b9: {  	v0 =	vadd.s32 v4, v0;
	_ =	sdelay $0x1  }
0x2ba: {  	s11 =	simm.s32 $0x1200  }
0x2bb: {  	[tilespmem:s11], [sflag:$0x1] =	stream.indirect_vreg.gather [hbm4b:s1+s0], $0x80, v1, vm2, $0xb8;
	[tilespmem:$0x18300] =	vst v63  }
0x2bc: {  	s13 =	simm.s32 $0x1A00  }
0x2bd: {  	[tilespmem:s13], [sflag:$0x1] =	stream.indirect_vreg.gather [hbm4b:s1+s0], $0x80, v0, vm2, $0xb8;
	[tilespmem:$0x18300] =	vst v63  }
0x2be: {  	v0 =	vld [tilespmem:$0x20];
	_ =	sdelay $0x4  }
0x2bf: {  	v1 =	vperm.xlane v0, v2;
	_ =	sdelay $0x1  }
0x2c0: {  	v0 =	vperm.xlane v0, v5;
	v1 =	vadd.s32 v4, v1;
	_ =	sdelay $0x1  }
0x2c1: {  	v0 =	vadd.s32 v4, v0;
	_ =	sdelay $0x1  }
0x2c2: {  	s18 =	smov.u32 s16;
	s16 =	simm.s32 $0x2200  }
0x2c3: {  	[tilespmem:s16], [sflag:$0x1] =	stream.indirect_vreg.gather [hbm4b:s1+s0], $0x80, v1, vm2, $0xb8;
	[tilespmem:$0x18300] =	vst v63  }
0x2c4: {  	s19 =	simm.s32 $0x2A00  }
0x2c5: {  	[tilespmem:s19], [sflag:$0x1] =	stream.indirect_vreg.gather [hbm4b:s1+s0], $0x80, v0, vm2, $0xb8;
	[tilespmem:$0x18300] =	vst v63  }
0x2c6: {  	v0 =	vld [tilespmem:$0x30];
	_ =	sdelay $0x4  }
0x2c7: {  	v1 =	vperm.xlane v0, v2;
	_ =	sdelay $0x1  }
0x2c8: {  	v0 =	vperm.xlane v0, v5;
	v1 =	vadd.s32 v4, v1;
	_ =	sdelay $0x1  }
0x2c9: {  	v0 =	vadd.s32 v4, v0;
	_ =	sdelay $0x1  }
0x2ca: {  	s20 =	simm.s32 $0x3200  }
0x2cb: {  	[tilespmem:s20], [sflag:$0x1] =	stream.indirect_vreg.gather [hbm4b:s1+s0], $0x80, v1, vm2, $0xb8;
	[tilespmem:$0x18300] =	vst v63  }
0x2cc: {  	s21 =	simm.s32 $0x3A00  }
0x2cd: {  	[tilespmem:s21], [sflag:$0x1] =	stream.indirect_vreg.gather [hbm4b:s1+s0], $0x80, v0, vm2, $0xb8;
	[tilespmem:$0x18300] =	vst v63  }
0x2ce: {  	v0 =	vld [tilespmem:$0x40];
	_ =	sdelay $0x4  }
0x2cf: {  	v1 =	vperm.xlane v0, v2;
	_ =	sdelay $0x1  }
0x2d0: {  	v0 =	vperm.xlane v0, v5;
	v1 =	vadd.s32 v4, v1;
	_ =	sdelay $0x1  }
0x2d1: {  	v0 =	vadd.s32 v4, v0;
	_ =	sdelay $0x1  }
0x2d2: {  	s22 =	simm.s32 $0x4200  }
0x2d3: {  	[tilespmem:s22], [sflag:$0x1] =	stream.indirect_vreg.gather [hbm4b:s1+s0], $0x80, v1, vm2, $0xb8;
	[tilespmem:$0x18300] =	vst v63  }
0x2d4: {  	s24 =	simm.s32 $0x4A00  }
0x2d5: {  	[tilespmem:s24], [sflag:$0x1] =	stream.indirect_vreg.gather [hbm4b:s1+s0], $0x80, v0, vm2, $0xb8;
	[tilespmem:$0x18300] =	vst v63  }
0x2d6: {  	v0 =	vld [tilespmem:$0x50];
	_ =	sdelay $0x4  }
0x2d7: {  	v1 =	vperm.xlane v0, v2;
	_ =	sdelay $0x1  }
0x2d8: {  	v0 =	vperm.xlane v0, v5;
	v1 =	vadd.s32 v4, v1;
	_ =	sdelay $0x1  }
0x2d9: {  	v0 =	vadd.s32 v4, v0;
	_ =	sdelay $0x1  }
0x2da: {  	s25 =	simm.s32 $0x5200  }
0x2db: {  	[tilespmem:s25], [sflag:$0x1] =	stream.indirect_vreg.gather [hbm4b:s1+s0], $0x80, v1, vm2, $0xb8;
	[tilespmem:$0x18300] =	vst v63  }
0x2dc: {  	s26 =	simm.s32 $0x5A00  }
0x2dd: {  	[tilespmem:s26], [sflag:$0x1] =	stream.indirect_vreg.gather [hbm4b:s1+s0], $0x80, v0, vm2, $0xb8;
	[tilespmem:$0x18300] =	vst v63  }
0x2de: {  	v0 =	vld [tilespmem:$0x60];
	_ =	sdelay $0x4  }
0x2df: {  	v1 =	vperm.xlane v0, v2;
	_ =	sdelay $0x1  }
0x2e0: {  	v0 =	vperm.xlane v0, v5;
	v1 =	vadd.s32 v4, v1;
	_ =	sdelay $0x1  }
0x2e1: {  	v0 =	vadd.s32 v4, v0;
	_ =	sdelay $0x1  }
0x2e2: {  	s28 =	simm.s32 $0x6200  }
0x2e3: {  	[tilespmem:s28], [sflag:$0x1] =	stream.indirect_vreg.gather [hbm4b:s1+s0], $0x80, v1, vm2, $0xb8;
	[tilespmem:$0x18300] =	vst v63  }
0x2e4: {  	s29 =	simm.s32 $0x6A00  }
0x2e5: {  	[tilespmem:s29], [sflag:$0x1] =	stream.indirect_vreg.gather [hbm4b:s1+s0], $0x80, v0, vm2, $0xb8;
	[tilespmem:$0x18300] =	vst v63  }
0x2e6: {  	v0 =	vld [tilespmem:$0x70];
	_ =	sdelay $0x4  }
0x2e7: {  	v1 =	vperm.xlane v0, v2;
	_ =	sdelay $0x1  }
0x2e8: {  	v0 =	vperm.xlane v0, v5;
	v1 =	vadd.s32 v4, v1;
	_ =	sdelay $0x1  }
0x2e9: {  	v0 =	vadd.s32 v4, v0;
	_ =	sdelay $0x1  }
0x2ea: {  	s30 =	simm.s32 $0x7200  }
0x2eb: {  	[tilespmem:s30], [sflag:$0x1] =	stream.indirect_vreg.gather [hbm4b:s1+s0], $0x80, v1, vm2, $0xb8;
	[tilespmem:$0x18300] =	vst v63  }
0x2ec: {  	s31 =	simm.s32 $0x7A00  }
0x2ed: {  	[tilespmem:s31], [sflag:$0x1] =	stream.indirect_vreg.gather [hbm4b:s1+s0], $0x80, v0, vm2, $0xb8;
	[tilespmem:$0x18300] =	vst v63  }
0x2ee: {  	v0 =	vld [tilespmem:$0x80];
	_ =	sdelay $0x4  }
0x2ef: {  	v1 =	vperm.xlane v0, v2;
	_ =	sdelay $0x1  }
0x2f0: {  	v0 =	vperm.xlane v0, v5;
	v1 =	vadd.s32 v4, v1;
	_ =	sdelay $0x1  }
0x2f1: {  	v0 =	vadd.s32 v4, v0;
	_ =	sdelay $0x1  }
0x2f2: {  	s3 =	simm.s32 $0x600  }
0x2f3: {  	[tilespmem:s3], [sflag:$0x1] =	stream.indirect_vreg.gather [hbm4b:s1+s0], $0x80, v1, vm2, $0xb8;
	[tilespmem:$0x18300] =	vst v63  }
0x2f4: {  	s4 =	simm.s32 $0xE00  }
0x2f5: {  	[tilespmem:s4], [sflag:$0x1] =	stream.indirect_vreg.gather [hbm4b:s1+s0], $0x80, v0, vm2, $0xb8;
	[tilespmem:$0x18300] =	vst v63  }
0x2f6: {  	v0 =	vld [tilespmem:$0x90];
	_ =	sdelay $0x4  }
0x2f7: {  	v1 =	vperm.xlane v0, v2;
	_ =	sdelay $0x1  }
0x2f8: {  	v0 =	vperm.xlane v0, v5;
	v1 =	vadd.s32 v4, v1;
	_ =	sdelay $0x1  }
0x2f9: {  	v0 =	vadd.s32 v4, v0;
	_ =	sdelay $0x1  }
0x2fa: {  	s7 =	simm.s32 $0x1600  }
0x2fb: {  	[tilespmem:s7], [sflag:$0x1] =	stream.indirect_vreg.gather [hbm4b:s1+s0], $0x80, v1, vm2, $0xb8;
	[tilespmem:$0x18300] =	vst v63  }
0x2fc: {  	s10 =	simm.s32 $0x1E00  }
0x2fd: {  	[tilespmem:s10], [sflag:$0x1] =	stream.indirect_vreg.gather [hbm4b:s1+s0], $0x80, v0, vm2, $0xb8;
	[tilespmem:$0x18300] =	vst v63  }
0x2fe: {  	v0 =	vld [tilespmem:$0xA0];
	_ =	sdelay $0x4  }
0x2ff: {  	v1 =	vperm.xlane v0, v2;
	_ =	sdelay $0x1  }
0x300: {  	v0 =	vperm.xlane v0, v5;
	v1 =	vadd.s32 v4, v1;
	_ =	sdelay $0x1  }
0x301: {  	v0 =	vadd.s32 v4, v0;
	_ =	sdelay $0x1  }
0x302: {  	s11 =	simm.s32 $0x2600  }
0x303: {  	[tilespmem:s11], [sflag:$0x1] =	stream.indirect_vreg.gather [hbm4b:s1+s0], $0x80, v1, vm2, $0xb8;
	[tilespmem:$0x18300] =	vst v63  }
0x304: {  	s13 =	simm.s32 $0x2E00  }
0x305: {  	[tilespmem:s13], [sflag:$0x1] =	stream.indirect_vreg.gather [hbm4b:s1+s0], $0x80, v0, vm2, $0xb8;
	[tilespmem:$0x18300] =	vst v63  }
0x306: {  	v0 =	vld [tilespmem:$0xB0];
	_ =	sdelay $0x4  }
0x307: {  	v1 =	vperm.xlane v0, v2;
	_ =	sdelay $0x1  }
0x308: {  	v0 =	vperm.xlane v0, v5;
	v1 =	vadd.s32 v4, v1;
	_ =	sdelay $0x1  }
0x309: {  	v0 =	vadd.s32 v4, v0;
	_ =	sdelay $0x1  }
0x30a: {  	s16 =	simm.s32 $0x3600  }
0x30b: {  	[tilespmem:s16], [sflag:$0x1] =	stream.indirect_vreg.gather [hbm4b:s1+s0], $0x80, v1, vm2, $0xb8;
	[tilespmem:$0x18300] =	vst v63  }
0x30c: {  	s19 =	simm.s32 $0x3E00  }
0x30d: {  	[tilespmem:s19], [sflag:$0x1] =	stream.indirect_vreg.gather [hbm4b:s1+s0], $0x80, v0, vm2, $0xb8;
	[tilespmem:$0x18300] =	vst v63  }
0x30e: {  	v0 =	vld [tilespmem:$0xC0];
	_ =	sdelay $0x4  }
0x30f: {  	v1 =	vperm.xlane v0, v2;
	_ =	sdelay $0x1  }
0x310: {  	v0 =	vperm.xlane v0, v5;
	v1 =	vadd.s32 v4, v1;
	_ =	sdelay $0x1  }
0x311: {  	v0 =	vadd.s32 v4, v0;
	_ =	sdelay $0x1  }
0x312: {  	s20 =	simm.s32 $0x4600  }
0x313: {  	[tilespmem:s20], [sflag:$0x1] =	stream.indirect_vreg.gather [hbm4b:s1+s0], $0x80, v1, vm2, $0xb8;
	[tilespmem:$0x18300] =	vst v63  }
0x314: {  	s21 =	simm.s32 $0x4E00  }
0x315: {  	[tilespmem:s21], [sflag:$0x1] =	stream.indirect_vreg.gather [hbm4b:s1+s0], $0x80, v0, vm2, $0xb8;
	[tilespmem:$0x18300] =	vst v63  }
0x316: {  	v0 =	vld [tilespmem:$0xD0];
	_ =	sdelay $0x4  }
0x317: {  	v1 =	vperm.xlane v0, v2;
	_ =	sdelay $0x1  }
0x318: {  	v0 =	vperm.xlane v0, v5;
	v1 =	vadd.s32 v4, v1;
	_ =	sdelay $0x1  }
0x319: {  	v0 =	vadd.s32 v4, v0;
	_ =	sdelay $0x1  }
0x31a: {  	s22 =	simm.s32 $0x5600  }
0x31b: {  	[tilespmem:s22], [sflag:$0x1] =	stream.indirect_vreg.gather [hbm4b:s1+s0], $0x80, v1, vm2, $0xb8;
	[tilespmem:$0x18300] =	vst v63  }
0x31c: {  	s24 =	simm.s32 $0x5E00  }
0x31d: {  	[tilespmem:s24], [sflag:$0x1] =	stream.indirect_vreg.gather [hbm4b:s1+s0], $0x80, v0, vm2, $0xb8;
	[tilespmem:$0x18300] =	vst v63  }
0x31e: {  	v0 =	vld [tilespmem:$0xE0];
	_ =	sdelay $0x4  }
0x31f: {  	v1 =	vperm.xlane v0, v2;
	_ =	sdelay $0x1  }
0x320: {  	v0 =	vperm.xlane v0, v5;
	v1 =	vadd.s32 v4, v1;
	_ =	sdelay $0x1  }
0x321: {  	v0 =	vadd.s32 v4, v0;
	_ =	sdelay $0x1  }
0x322: {  	s25 =	simm.s32 $0x6600  }
0x323: {  	[tilespmem:s25], [sflag:$0x1] =	stream.indirect_vreg.gather [hbm4b:s1+s0], $0x80, v1, vm2, $0xb8;
	[tilespmem:$0x18300] =	vst v63  }
0x324: {  	s26 =	simm.s32 $0x6E00  }
0x325: {  	[tilespmem:s26], [sflag:$0x1] =	stream.indirect_vreg.gather [hbm4b:s1+s0], $0x80, v0, vm2, $0xb8;
	[tilespmem:$0x18300] =	vst v63  }
0x326: {  	v0 =	vld [tilespmem:$0xF0];
	_ =	sdelay $0x3  }
0x327: {  	s3 =	rddreg [dreg:$0x10]  }
0x328: {  	v3 =	vadd.s32 s3, v53;
	v1 =	vperm.xlane v0, v2;
	v2 =	vor.u32 s3, v52  }
0x329: {  	v3 =	vmul.u32 v3, v2  }
0x32a: {  	s28 =	ssub.s32 s9, s3;
	v0 =	vperm.xlane v0, v5;
	v2 =	vshll.u32 v2, $0xC;
	v1 =	vadd.s32 v4, v1  }
0x32b: {  	v2 =	vadd.s32 s28, v2;
	v3 =	vshrl.u32 v3, $0x1  }
0x32c: {  	v4 =	vadd.s32 v4, v0;
	v0 =	vsub.s32 v2, v3  }
0x32d: {  	s4 =	sadd.s32 $0x10, s3;
	v2 =	vadd.s32 v54, v0  }
0x32e: {  	s29 =	simm.s32 $0x7600;
	v3 =	vor.u32 s4, v52;
	v0 =	vadd.s32 s4, v53;
	v61 =	vshra.s32 v2, $0x7  }
0x32f: {  	[tilespmem:s29], [sflag:$0x1] =	stream.indirect_vreg.gather [hbm4b:s1+s0], $0x80, v1, vm2, $0xb8;
	v1 =	vmul.u32 v0, v3;
	vm0 =	vgt.s32 v61, $0x0;
	[tilespmem:$0x18300] =	vst v63  }
0x330: {  	s30 =	ssub.s32 s9, s4;
	v3 =	vshll.u32 v3, $0xC;
	v0 =	vnsel vm0, $0x0, v61  }
0x331: {  	s31 =	simm.s32 $0x7E00;
	s7 =	simm.s32 $0x0;
	v3 =	vadd.s32 s30, v3;
	v1 =	vshrl.u32 v1, $0x1;
	v63 =	vmin.u32 v0, $0xFFEE  }
0x332: {  	[tilespmem:s31], [sflag:$0x1] =	stream.indirect_vreg.gather [hbm4b:s1+s0], $0x80, v4, vm2, $0xb8;
	v1 =	vsub.s32 v3, v1;
	v3 =	vshll.u32 v0, $0x7;
	v4 =	vadd.s32 $0x1, v63;
	[tilespmem:$0x18300] =	vst v63  }
0x333: {  	v29 =	vld [tilespmem:$0x1FF70];
	s2 =	simm.s32 $0x80;
	s4 =	sadd.s32 $0x10, s4;
	s0 =	simm.s32 $0x40;
	v1 =	vadd.s32 v54, v1;
	v2 =	vsub.s32 v2, v3;
	[tilespmem:s7+$0x180] =	vst v4  }
.LBB2_8:
0x334: {  	v3 =	vor.u32 s4, v52;
	v4 =	vadd.s32 s4, v53;
	p0 =	sne.s32 s2, $0x1C0;
	v5 =	vshra.s32 v1, $0x7;
	[tilespmem:s7+$0x18280] =	vst v2;
	s10 =	smov.u32 s2;
	s2 =	sadd.s32 $0x40, s2  }
.Ltmp5:
0x335: {  	v2 =	vmul.u32 v4, v3;
	vm0 =	vgt.s32 v5, $0x0;
	[tilespmem:s7+$0x100] =	vst v0;
	(pc) =	sbr.rel @p0 .LBB2_8-.Ltmp5, $4  }
0x336: {  	v3 =	vshll.u32 v3, $0xC;
	s7 =	ssub.s32 s9, s4;
	v0 =	vnsel vm0, $0x0, v5  }
0x337: {  	v3 =	vadd.s32 s7, v3;
	v2 =	vshrl.u32 v2, $0x1;
	v4 =	vmin.u32 v0, $0xFFEE  }
0x338: {  	s7 =	sshra.s32 s0, $0x2;
	s0 =	smov.u32 s10;
	v3 =	vsub.s32 v3, v2;
	v2 =	vshll.u32 v0, $0x7;
	v4 =	vadd.s32 $0x1, v4  }
0x339: {  	s4 =	sadd.s32 $0x10, s4;
	v2 =	vsub.s32 v1, v2;
	v1 =	vadd.s32 v54, v3;
	[tilespmem:s7+$0x180] =	vst v4  }
0x33a: {  	v3 =	vshra.s32 v1, $0x7  }
0x33b: {  	vm0 =	vgt.s32 v3, $0x0  }
0x33c: {  	[tilespmem:s7+$0x18280] =	vst v2;
	v3 =	vnsel vm0, $0x0, v3  }
0x33d: {  	[tilespmem:s7+$0x100] =	vst v0;
	s0 =	sshra.s32 s0, $0x2;
	v37 =	vmin.u32 v3, $0xFFEE  }
0x33e: {  	v38 =	vshll.u32 v3, $0x7;
	[tilespmem:s0+$0x100] =	vst v3;
	v2 =	vadd.s32 $0x1, v37  }
0x33f: {  	v0 =	vsub.s32 v1, v38;
	[tilespmem:s0+$0x180] =	vst v2  }
0x340: {  	v39 =	vld [tilespmem:$0x1FE50];
	[tilespmem:s0+$0x18280] =	vst v0  }
0x341: {  	v0 =	vld [tilespmem:$0x100]  }
0x342: {  	v41 =	vld [tilespmem:$0x1FE60]  }
0x343: {  	v4 =	vld [tilespmem:$0x1FE70];
	_ =	sdelay $0x2  }
0x344: {  	v40 =	vperm.xlane v0, v39;
	_ =	sdelay $0x1  }
0x345: {  	v0 =	vperm.xlane v0, v4;
	v1 =	vadd.s32 v41, v40;
	_ =	sdelay $0x1  }
0x346: {  	v0 =	vadd.s32 v41, v0;
	_ =	sdelay $0x1  }
0x347: {  	s2 =	simm.s32 $0x0;
	s11 =	simm.s32 $0x8200  }
0x348: {  	[tilespmem:s11], [sflag:$0x2] =	stream.indirect_vreg.gather [hbm4b:s1+s2], $0x80, v1, vm2, $0xb8;
	[tilespmem:$0x18300] =	vst v63  }
0x349: {  	s13 =	simm.s32 $0x8A00  }
0x34a: {  	[tilespmem:s13], [sflag:$0x2] =	stream.indirect_vreg.gather [hbm4b:s1+s2], $0x80, v0, vm2, $0xb8;
	[tilespmem:$0x18300] =	vst v63  }
0x34b: {  	v0 =	vld [tilespmem:$0x110];
	_ =	sdelay $0x4  }
0x34c: {  	v42 =	vperm.xlane v0, v39;
	_ =	sdelay $0x1  }
0x34d: {  	v0 =	vperm.xlane v0, v4;
	v1 =	vadd.s32 v41, v42;
	_ =	sdelay $0x1  }
0x34e: {  	v0 =	vadd.s32 v41, v0;
	_ =	sdelay $0x1  }
0x34f: {  	s16 =	simm.s32 $0x9200  }
0x350: {  	[tilespmem:s16], [sflag:$0x2] =	stream.indirect_vreg.gather [hbm4b:s1+s2], $0x80, v1, vm2, $0xb8;
	[tilespmem:$0x18300] =	vst v63  }
0x351: {  	s19 =	simm.s32 $0x9A00  }
0x352: {  	[tilespmem:s19], [sflag:$0x2] =	stream.indirect_vreg.gather [hbm4b:s1+s2], $0x80, v0, vm2, $0xb8;
	[tilespmem:$0x18300] =	vst v63  }
0x353: {  	v0 =	vld [tilespmem:$0x120];
	_ =	sdelay $0x4  }
0x354: {  	v43 =	vperm.xlane v0, v39;
	_ =	sdelay $0x1  }
0x355: {  	v0 =	vperm.xlane v0, v4;
	v1 =	vadd.s32 v41, v43;
	_ =	sdelay $0x1  }
0x356: {  	v0 =	vadd.s32 v41, v0;
	_ =	sdelay $0x1  }
0x357: {  	s20 =	simm.s32 $0xA200  }
0x358: {  	[tilespmem:s20], [sflag:$0x2] =	stream.indirect_vreg.gather [hbm4b:s1+s2], $0x80, v1, vm2, $0xb8;
	[tilespmem:$0x18300] =	vst v63  }
0x359: {  	s21 =	simm.s32 $0xAA00  }
0x35a: {  	[tilespmem:s21], [sflag:$0x2] =	stream.indirect_vreg.gather [hbm4b:s1+s2], $0x80, v0, vm2, $0xb8;
	[tilespmem:$0x18300] =	vst v63  }
0x35b: {  	v0 =	vld [tilespmem:$0x130];
	_ =	sdelay $0x4  }
0x35c: {  	v44 =	vperm.xlane v0, v39;
	_ =	sdelay $0x1  }
0x35d: {  	v0 =	vperm.xlane v0, v4;
	v1 =	vadd.s32 v41, v44;
	_ =	sdelay $0x1  }
0x35e: {  	v0 =	vadd.s32 v41, v0;
	_ =	sdelay $0x1  }
0x35f: {  	s22 =	simm.s32 $0xB200  }
0x360: {  	[tilespmem:s22], [sflag:$0x2] =	stream.indirect_vreg.gather [hbm4b:s1+s2], $0x80, v1, vm2, $0xb8;
	[tilespmem:$0x18300] =	vst v63  }
0x361: {  	s24 =	simm.s32 $0xBA00  }
0x362: {  	[tilespmem:s24], [sflag:$0x2] =	stream.indirect_vreg.gather [hbm4b:s1+s2], $0x80, v0, vm2, $0xb8;
	[tilespmem:$0x18300] =	vst v63  }
0x363: {  	v0 =	vld [tilespmem:$0x140];
	_ =	sdelay $0x4  }
0x364: {  	v45 =	vperm.xlane v0, v39;
	_ =	sdelay $0x1  }
0x365: {  	v0 =	vperm.xlane v0, v4;
	v1 =	vadd.s32 v41, v45;
	_ =	sdelay $0x1  }
0x366: {  	v0 =	vadd.s32 v41, v0;
	_ =	sdelay $0x1  }
0x367: {  	s25 =	simm.s32 $0xC200  }
0x368: {  	[tilespmem:s25], [sflag:$0x2] =	stream.indirect_vreg.gather [hbm4b:s1+s2], $0x80, v1, vm2, $0xb8;
	[tilespmem:$0x18300] =	vst v63  }
0x369: {  	s26 =	simm.s32 $0xCA00  }
0x36a: {  	[tilespmem:s26], [sflag:$0x2] =	stream.indirect_vreg.gather [hbm4b:s1+s2], $0x80, v0, vm2, $0xb8;
	[tilespmem:$0x18300] =	vst v63  }
0x36b: {  	v0 =	vld [tilespmem:$0x150];
	_ =	sdelay $0x4  }
0x36c: {  	v46 =	vperm.xlane v0, v39;
	_ =	sdelay $0x1  }
0x36d: {  	v0 =	vperm.xlane v0, v4;
	v1 =	vadd.s32 v41, v46;
	_ =	sdelay $0x1  }
0x36e: {  	v0 =	vadd.s32 v41, v0;
	_ =	sdelay $0x1  }
0x36f: {  	s28 =	simm.s32 $0xD200  }
0x370: {  	[tilespmem:s28], [sflag:$0x2] =	stream.indirect_vreg.gather [hbm4b:s1+s2], $0x80, v1, vm2, $0xb8;
	[tilespmem:$0x18300] =	vst v63  }
0x371: {  	s29 =	simm.s32 $0xDA00  }
0x372: {  	[tilespmem:s29], [sflag:$0x2] =	stream.indirect_vreg.gather [hbm4b:s1+s2], $0x80, v0, vm2, $0xb8;
	[tilespmem:$0x18300] =	vst v63  }
0x373: {  	v0 =	vld [tilespmem:$0x160];
	_ =	sdelay $0x4  }
0x374: {  	v47 =	vperm.xlane v0, v39;
	_ =	sdelay $0x1  }
0x375: {  	v0 =	vperm.xlane v0, v4;
	v1 =	vadd.s32 v41, v47;
	_ =	sdelay $0x1  }
0x376: {  	v0 =	vadd.s32 v41, v0;
	_ =	sdelay $0x1  }
0x377: {  	s30 =	simm.s32 $0xE200  }
0x378: {  	[tilespmem:s30], [sflag:$0x2] =	stream.indirect_vreg.gather [hbm4b:s1+s2], $0x80, v1, vm2, $0xb8;
	[tilespmem:$0x18300] =	vst v63  }
0x379: {  	s31 =	simm.s32 $0xEA00  }
0x37a: {  	[tilespmem:s31], [sflag:$0x2] =	stream.indirect_vreg.gather [hbm4b:s1+s2], $0x80, v0, vm2, $0xb8;
	[tilespmem:$0x18300] =	vst v63  }
0x37b: {  	v0 =	vld [tilespmem:$0x170];
	_ =	sdelay $0x4  }
0x37c: {  	v48 =	vperm.xlane v0, v39;
	_ =	sdelay $0x1  }
0x37d: {  	v0 =	vperm.xlane v0, v4;
	v1 =	vadd.s32 v41, v48;
	_ =	sdelay $0x1  }
0x37e: {  	v0 =	vadd.s32 v41, v0;
	_ =	sdelay $0x1  }
0x37f: {  	s3 =	simm.s32 $0xF200  }
0x380: {  	[tilespmem:s3], [sflag:$0x2] =	stream.indirect_vreg.gather [hbm4b:s1+s2], $0x80, v1, vm2, $0xb8;
	[tilespmem:$0x18300] =	vst v63  }
0x381: {  	s4 =	simm.s32 $0xFA00  }
0x382: {  	[tilespmem:s4], [sflag:$0x2] =	stream.indirect_vreg.gather [hbm4b:s1+s2], $0x80, v0, vm2, $0xb8;
	[tilespmem:$0x18300] =	vst v63  }
0x383: {  	v0 =	vld [tilespmem:$0x180];
	_ =	sdelay $0x4  }
0x384: {  	v49 =	vperm.xlane v0, v39;
	_ =	sdelay $0x1  }
0x385: {  	v0 =	vperm.xlane v0, v4;
	v1 =	vadd.s32 v41, v49;
	_ =	sdelay $0x1  }
0x386: {  	v0 =	vadd.s32 v41, v0;
	_ =	sdelay $0x1  }
0x387: {  	s7 =	simm.s32 $0x8600  }
0x388: {  	[tilespmem:s7], [sflag:$0x2] =	stream.indirect_vreg.gather [hbm4b:s1+s2], $0x80, v1, vm2, $0xb8;
	[tilespmem:$0x18300] =	vst v63  }
0x389: {  	s10 =	simm.s32 $0x8E00  }
0x38a: {  	[tilespmem:s10], [sflag:$0x2] =	stream.indirect_vreg.gather [hbm4b:s1+s2], $0x80, v0, vm2, $0xb8;
	[tilespmem:$0x18300] =	vst v63  }
0x38b: {  	v0 =	vld [tilespmem:$0x190];
	_ =	sdelay $0x4  }
0x38c: {  	v53 =	vperm.xlane v0, v39;
	_ =	sdelay $0x1  }
0x38d: {  	v0 =	vperm.xlane v0, v4;
	v1 =	vadd.s32 v41, v53;
	_ =	sdelay $0x1  }
0x38e: {  	v0 =	vadd.s32 v41, v0;
	_ =	sdelay $0x1  }
0x38f: {  	s11 =	simm.s32 $0x9600  }
0x390: {  	[tilespmem:s11], [sflag:$0x2] =	stream.indirect_vreg.gather [hbm4b:s1+s2], $0x80, v1, vm2, $0xb8;
	[tilespmem:$0x18300] =	vst v63  }
0x391: {  	s13 =	simm.s32 $0x9E00  }
0x392: {  	[tilespmem:s13], [sflag:$0x2] =	stream.indirect_vreg.gather [hbm4b:s1+s2], $0x80, v0, vm2, $0xb8;
	[tilespmem:$0x18300] =	vst v63  }
0x393: {  	v0 =	vld [tilespmem:$0x1A0];
	_ =	sdelay $0x4  }
0x394: {  	v54 =	vperm.xlane v0, v39;
	_ =	sdelay $0x1  }
0x395: {  	v0 =	vperm.xlane v0, v4;
	v1 =	vadd.s32 v41, v54;
	_ =	sdelay $0x1  }
0x396: {  	v0 =	vadd.s32 v41, v0;
	_ =	sdelay $0x1  }
0x397: {  	s16 =	simm.s32 $0xA600  }
0x398: {  	[tilespmem:s16], [sflag:$0x2] =	stream.indirect_vreg.gather [hbm4b:s1+s2], $0x80, v1, vm2, $0xb8;
	[tilespmem:$0x18300] =	vst v63  }
0x399: {  	s19 =	simm.s32 $0xAE00  }
0x39a: {  	[tilespmem:s19], [sflag:$0x2] =	stream.indirect_vreg.gather [hbm4b:s1+s2], $0x80, v0, vm2, $0xb8;
	[tilespmem:$0x18300] =	vst v63  }
0x39b: {  	v0 =	vld [tilespmem:$0x1B0];
	_ =	sdelay $0x4  }
0x39c: {  	v55 =	vperm.xlane v0, v39;
	_ =	sdelay $0x1  }
0x39d: {  	v0 =	vperm.xlane v0, v4;
	v1 =	vadd.s32 v41, v55;
	_ =	sdelay $0x1  }
0x39e: {  	v0 =	vadd.s32 v41, v0;
	_ =	sdelay $0x1  }
0x39f: {  	s20 =	simm.s32 $0xB600  }
0x3a0: {  	[tilespmem:s20], [sflag:$0x2] =	stream.indirect_vreg.gather [hbm4b:s1+s2], $0x80, v1, vm2, $0xb8;
	[tilespmem:$0x18300] =	vst v63  }
0x3a1: {  	s21 =	simm.s32 $0xBE00  }
0x3a2: {  	[tilespmem:s21], [sflag:$0x2] =	stream.indirect_vreg.gather [hbm4b:s1+s2], $0x80, v0, vm2, $0xb8;
	[tilespmem:$0x18300] =	vst v63  }
0x3a3: {  	v0 =	vld [tilespmem:$0x1C0];
	_ =	sdelay $0x4  }
0x3a4: {  	v57 =	vperm.xlane v0, v39;
	_ =	sdelay $0x1  }
0x3a5: {  	v0 =	vperm.xlane v0, v4;
	v1 =	vadd.s32 v41, v57;
	_ =	sdelay $0x1  }
0x3a6: {  	v0 =	vadd.s32 v41, v0;
	_ =	sdelay $0x1  }
0x3a7: {  	s22 =	simm.s32 $0xC600  }
0x3a8: {  	[tilespmem:s22], [sflag:$0x2] =	stream.indirect_vreg.gather [hbm4b:s1+s2], $0x80, v1, vm2, $0xb8;
	[tilespmem:$0x18300] =	vst v63  }
0x3a9: {  	s24 =	simm.s32 $0xCE00  }
0x3aa: {  	[tilespmem:s24], [sflag:$0x2] =	stream.indirect_vreg.gather [hbm4b:s1+s2], $0x80, v0, vm2, $0xb8;
	[tilespmem:$0x18300] =	vst v63  }
0x3ab: {  	v0 =	vld [tilespmem:$0x1D0];
	_ =	sdelay $0x4  }
0x3ac: {  	v59 =	vperm.xlane v0, v39;
	_ =	sdelay $0x1  }
0x3ad: {  	v0 =	vperm.xlane v0, v4;
	v1 =	vadd.s32 v41, v59;
	_ =	sdelay $0x1  }
0x3ae: {  	v0 =	vadd.s32 v41, v0;
	_ =	sdelay $0x1  }
0x3af: {  	s25 =	simm.s32 $0xD600  }
0x3b0: {  	[tilespmem:s25], [sflag:$0x2] =	stream.indirect_vreg.gather [hbm4b:s1+s2], $0x80, v1, vm2, $0xb8;
	[tilespmem:$0x18300] =	vst v63  }
0x3b1: {  	s26 =	simm.s32 $0xDE00  }
0x3b2: {  	[tilespmem:s26], [sflag:$0x2] =	stream.indirect_vreg.gather [hbm4b:s1+s2], $0x80, v0, vm2, $0xb8;
	[tilespmem:$0x18300] =	vst v63  }
0x3b3: {  	v0 =	vld [tilespmem:$0x1E0];
	_ =	sdelay $0x4  }
0x3b4: {  	v61 =	vperm.xlane v0, v39;
	_ =	sdelay $0x1  }
0x3b5: {  	v0 =	vperm.xlane v0, v4;
	v1 =	vadd.s32 v41, v61;
	_ =	sdelay $0x1  }
0x3b6: {  	v0 =	vadd.s32 v41, v0;
	_ =	sdelay $0x1  }
0x3b7: {  	s28 =	simm.s32 $0xE600  }
0x3b8: {  	[tilespmem:s28], [sflag:$0x2] =	stream.indirect_vreg.gather [hbm4b:s1+s2], $0x80, v1, vm2, $0xb8;
	[tilespmem:$0x18300] =	vst v63  }
0x3b9: {  	s29 =	simm.s32 $0xEE00  }
0x3ba: {  	[tilespmem:s29], [sflag:$0x2] =	stream.indirect_vreg.gather [hbm4b:s1+s2], $0x80, v0, vm2, $0xb8;
	[tilespmem:$0x18300] =	vst v63  }
0x3bb: {  	v0 =	vld [tilespmem:$0x1F0];
	_ =	sdelay $0x4  }
0x3bc: {  	v63 =	vperm.xlane v0, v39;
	_ =	sdelay $0x1  }
0x3bd: {  	v0 =	vperm.xlane v0, v4;
	v1 =	vadd.s32 v41, v63;
	_ =	sdelay $0x1  }
0x3be: {  	v0 =	vadd.s32 v41, v0;
	_ =	sdelay $0x1  }
0x3bf: {  	s30 =	simm.s32 $0xF600  }
0x3c0: {  	[tilespmem:s30], [sflag:$0x2] =	stream.indirect_vreg.gather [hbm4b:s1+s2], $0x80, v1, vm2, $0xb8;
	[tilespmem:$0x18300] =	vst v63  }
0x3c1: {  	s31 =	simm.s32 $0xFE00;
	s22 =	simm.s32 $0x0  }
0x3c2: {  	[tilespmem:s31], [sflag:$0x2] =	stream.indirect_vreg.gather [hbm4b:s1+s2], $0x80, v0, vm2, $0xb8;
	[tilespmem:$0x18300] =	vst v63  }
.LBB2_10:
0x3c3: {  	s13 =	sshll.u32 s22, $0x6;
	s0 =	rddreg [dreg:$0x3]  }
0x3c4: {  	s24 =	sor.u32 s0, s13  }
0x3c5: {  	v0 =	vmov s24  }
0x3c6: {  	vm0 =	vgt.s32 v0, v50  }
0x3c7: {  	v1 =	vsel vm0, $0x1, v51;
	vm0 =	vgt.u32 v0, v29  }
0x3c8: {  	(xrf0) =	vadd.scan.msk.s32 $0xffff, v1;
	v0 =	vsel vm0, $0x1, v51  }
0x3c9: {  	(xrf0) =	vadd.scan.msk.s32 $0xffff, v0;
	_ =	sdelay $0x4  }
0x3ca: {  	v0, _, _ =	vpop (xrf0)  }
0x3cb: {  	(v2sf) =	vpush v0, $0xF;
	v0, _, _ =	vpop (xrf0)  }
0x3cc: {  	(v2sf) =	vpush v0, $0xF;
	_ =	sdelay $0xd  }
0x3cd: {  	s10 =	spop (v2sf)  }
0x3ce: {  	s2 =	spop (v2sf)  }
0x3cf: {  	s26 =	sadd.s32 s10, s2  }
0x3d0: {  	s7 =	sshll.u32 s26, $0x7  }
0x3d1: {  	s11 =	sadd.s32 $0xFFFFFF81, s7;
	s16 =	sadd.s32 $0xFFFFFF80, s7  }
0x3d2: {  	s4 =	sadd.s32 $0xFFFFFF82, s7;
	s2 =	smul.u32 s16, s11  }
0x3d3: {  	s20 =	simm.s32 $0x2;
	s10 =	sadd.s32 $0xFFFFFF83, s7;
	s0 =	smul.u32 s11, s4  }
0x3d4: {  	v3 =	vmov s20;
	s4 =	smul.u32 s4, s10  }
0x3d5: {  	s3 =	simm.s32 $0x0;
	v21 =	vlaneseq.u32;
	v6 =	vshll.u32 v3, $0x7;
	v3 =	vshll.u32 v3, $0x8  }
0x3d6: {  	v23 =	vand.u32 $0x300, v6;
	v7 =	vand.u32 $0x7800, v3;
	v0 =	vmov s3;
	s11 =	simm.s32 $0x1;
	s19 =	sshrl.u32 s2, $0x1;
	s21 =	sshrl.u32 s4, $0x1  }
0x3d7: {  	v1 =	vshll.u32 v0, $0x8;
	v0 =	vshll.u32 v0, $0x7;
	s7 =	sadd.s32 $0xFFFFFF84, s7;
	v2 =	vmov s11;
	s19 =	sadd.s32 $0x0, s19;
	s3 =	sadd.s32 $0x2, s21  }
0x3d8: {  	v1 =	vand.u32 $0x7800, v1;
	s10 =	smul.u32 s10, s7;
	v4 =	vshll.u32 v2, $0x7;
	v2 =	vshll.u32 v2, $0x8;
	s11 =	sand.u32 $0x7E, s19;
	s20 =	sxor.u32 $0xFFFFFFFF, s3  }
0x3d9: {  	v8 =	vand.u32 $0x200, v0;
	v5 =	vand.u32 $0x280, v4;
	v6 =	vand.u32 $0x7800, v2;
	s11 =	sxor.u32 $0x7F, s11;
	s20 =	sand.u32 $0x7F, s20  }
0x3da: {  	s25 =	sshrl.u32 s0, $0x1;
	s7 =	sshrl.u32 s10, $0x1;
	v10 =	vadd.s32 s11, v28;
	v18 =	vadd.s32 s11, v27;
	v3 =	vadd.s32 s20, v28  }
0x3db: {  	v35 =	vmovc v26;
	s7 =	sadd.s32 $0x3, s7;
	s19 =	sadd.s32 $0x1, s25;
	v25 =	vadd.s32 s11, v26;
	v2 =	vadd.s32 s20, v27;
	v26 =	vadd.s32 s11, v62  }
0x3dc: {  	s7 =	sxor.u32 $0xFFFFFFFF, s7;
	s19 =	sxor.u32 $0xFFFFFFFF, s19;
	v49 =	vadd.s32 s20, v62;
	v29 =	vadd.s32 s11, v58;
	v31 =	vadd.s32 s11, v56  }
0x3dd: {  	s7 =	sand.u32 $0x7F, s7;
	s19 =	sand.u32 $0x7F, s19;
	v33 =	vadd.s32 s20, v58;
	v34 =	vadd.s32 s11, v52;
	v9 =	vadd.s32 s20, v56  }
0x3de: {  	v38 =	vadd.s32 s20, v52;
	v43 =	vadd.s32 s7, v21;
	v4 =	vadd.s32 s19, v28  }
0x3df: {  	v17 =	vmovc v28;
	v12 =	vadd.s32 s19, v27;
	v28 =	vadd.s32 s11, v60;
	v20 =	vadd.s32 s19, v62  }
0x3e0: {  	v19 =	vmovc v27;
	v30 =	vadd.s32 s19, v60;
	v27 =	vadd.s32 s20, v60;
	v32 =	vadd.s32 s19, v58  }
0x3e1: {  	v0 =	vadd.s32 s19, v56;
	v11 =	vadd.s32 s19, v52;
	v13 =	vand.u32 $0x7F, v3  }
0x3e2: {  	v57 =	vand.u32 $0x7F, v9;
	v44 =	vand.u32 $0x7F, v34;
	v59 =	vand.u32 $0x7F, v38  }
0x3e3: {  	v34 =	vshll.u32 v34, $0x3;
	v38 =	vshll.u32 v38, $0x3;
	v61 =	vshll.u32 v43, $0x3  }
0x3e4: {  	v36 =	vmovc v56;
	v39 =	vmovc v62;
	v62 =	vand.u32 $0x7F, v43;
	v9 =	vshll.u32 v9, $0x3;
	v56 =	vand.u32 $0x7F, v0  }
0x3e5: {  	v37 =	vmovc v58;
	v58 =	vand.u32 $0x7F, v11;
	v11 =	vshll.u32 v11, $0x3;
	v34 =	vand.u32 $0x400, v34  }
0x3e6: {  	[tilespmem:$0x1FDF0] =	vst v13;
	v13 =	vand.u32 $0x400, v38;
	v61 =	vand.u32 $0x400, v61;
	v0 =	vshll.u32 v0, $0x3  }
0x3e7: {  	v63 =	vand.u32 $0x400, v9;
	v11 =	vand.u32 $0x400, v11;
	v61 =	vor.u32 v61, v62  }
0x3e8: {  	s16 =	simm.s32 $0x3;
	_ =	swait.ge [sflag:s15], $0x4000;
	v34 =	vor.u32 v34, v44;
	v62 =	vadd.s32 s7, v36;
	v0 =	vand.u32 $0x400, v0  }
0x3e9: {  	v57 =	vor.u32 v63, v57;
	v38 =	vmovc v60;
	v60 =	vmov s16;
	[sflag:s15] =	ssyncset.done $0x0;
	v34 =	vor.u32 v1, v34  }
0x3ea: {  	v58 =	vor.u32 v11, v58;
	v11 =	vshll.u32 v62, $0x3;
	v56 =	vor.u32 v0, v56;
	[sflag:s15] =	ssyncadd.s32 $0xFFFFC000  }
0x3eb: {  	v0 =	vadd.s32 s7, v37;
	v43 =	vshll.u32 v60, $0x8;
	v60 =	vshll.u32 v60, $0x7;
	_ =	swait.ge [sflag:s15], $0x4000  }
0x3ec: {  	v11 =	vand.u32 $0x400, v11;
	v43 =	vand.u32 $0x7800, v43;
	v44 =	vand.u32 $0x380, v60;
	[sflag:s15] =	ssyncset.done $0x0  }
0x3ed: {  	v60 =	vor.u32 v43, v61;
	v61 =	vor.u32 v8, v34;
	v34 =	vand.u32 $0x7F, v62;
	[sflag:s15] =	ssyncadd.s32 $0xFFFFC000  }
0x3ee: {  	v63 =	vand.u32 $0x7F, v0;
	v62 =	vor.u32 v11, v34;
	v34 =	vshll.u32 v0, $0x3;
	v0 =	vld [tilespmem:$0x18230]  }
0x3ef: {  	v24 =	vadd.s32 s20, v35;
	v46 =	vadd.s32 s19, v35  }
0x3f0: {  	v40 =	vand.u32 $0x7F, v10;
	v10 =	vshll.u32 v10, $0x3;
	v42 =	vand.u32 $0x7F, v18  }
0x3f1: {  	v14 =	vand.u32 $0x7F, v2;
	v47 =	vand.u32 $0x7F, v25;
	v45 =	vshll.u32 v18, $0x3  }
0x3f2: {  	v22 =	vand.u32 $0x7F, v26;
	v18 =	vshll.u32 v25, $0x3;
	v25 =	vand.u32 $0x7F, v24;
	v9 =	vld [tilespmem:$0x18210]  }
0x3f3: {  	v50 =	vshll.u32 v26, $0x3;
	v53 =	vand.u32 $0x7F, v29;
	v15 =	vand.u32 $0x7F, v31;
	[tilespmem:$0x1FDA0] =	vst v0;
	v0 =	vld [tilespmem:$0x18240]  }
0x3f4: {  	v29 =	vshll.u32 v29, $0x3;
	v55 =	vand.u32 $0x7F, v33;
	v31 =	vshll.u32 v31, $0x3  }
0x3f5: {  	v33 =	vshll.u32 v33, $0x3;
	v24 =	vshll.u32 v24, $0x3;
	v3 =	vshll.u32 v3, $0x3  }
0x3f6: {  	v41 =	vand.u32 $0x7F, v4;
	v16 =	vand.u32 $0x7F, v12;
	v48 =	vand.u32 $0x7F, v46  }
0x3f7: {  	v26 =	vand.u32 $0x7F, v20;
	v51 =	vand.u32 $0x7F, v28;
	v52 =	vand.u32 $0x7F, v30;
	[tilespmem:$0x1FD80] =	vst v9;
	v9 =	vld [tilespmem:$0x18220]  }
0x3f8: {  	v28 =	vshll.u32 v28, $0x3;
	v54 =	vand.u32 $0x7F, v32;
	v31 =	vand.u32 $0x400, v31;
	[tilespmem:$0x1FDB0] =	vst v0;
	v0 =	vld [tilespmem:$0x18250]  }
0x3f9: {  	v32 =	vshll.u32 v32, $0x3;
	v29 =	vand.u32 $0x400, v29;
	v30 =	vshll.u32 v30, $0x3  }
0x3fa: {  	v20 =	vshll.u32 v20, $0x3;
	v50 =	vand.u32 $0x400, v50;
	v46 =	vshll.u32 v46, $0x3  }
0x3fb: {  	v18 =	vand.u32 $0x400, v18;
	v24 =	vand.u32 $0x400, v24;
	v12 =	vshll.u32 v12, $0x3;
	v11 =	vld [tilespmem:$0x18200]  }
0x3fc: {  	v45 =	vand.u32 $0x400, v45;
	v4 =	vshll.u32 v4, $0x3;
	v10 =	vand.u32 $0x400, v10;
	[tilespmem:$0x1FD90] =	vst v9;
	v9 =	vld [tilespmem:$0x18270]  }
0x3fd: {  	v59 =	vor.u32 v13, v59;
	v31 =	vor.u32 v31, v15;
	v29 =	vor.u32 v29, v53;
	[tilespmem:$0x1FDC0] =	vst v0;
	v0 =	vld [tilespmem:$0x18260]  }
0x3fe: {  	v32 =	vand.u32 $0x400, v32;
	v28 =	vand.u32 $0x400, v28;
	v30 =	vand.u32 $0x400, v30  }
0x3ff: {  	v20 =	vand.u32 $0x400, v20;
	v22 =	vor.u32 v50, v22;
	v46 =	vand.u32 $0x400, v46  }
0x400: {  	v18 =	vor.u32 v18, v47;
	v24 =	vor.u32 v24, v25;
	v12 =	vand.u32 $0x400, v12;
	[tilespmem:$0x1FD70] =	vst v11  }
0x401: {  	v42 =	vor.u32 v45, v42;
	v10 =	vor.u32 v10, v40;
	v60 =	vor.u32 v44, v60;
	[tilespmem:$0x1FDE0] =	vst v9  }
0x402: {  	v4 =	vand.u32 $0x400, v4;
	v54 =	vor.u32 v32, v54;
	v28 =	vor.u32 v28, v51;
	[tilespmem:$0x1FDD0] =	vst v0  }
0x403: {  	v30 =	vor.u32 v30, v52;
	v59 =	vor.u32 v7, v59;
	v31 =	vor.u32 v1, v31;
	_ =	swait.ge [sflag:s12], $0x4000  }
0x404: {  	v57 =	vor.u32 v7, v57;
	v29 =	vor.u32 v1, v29;
	v58 =	vor.u32 v6, v58;
	[sflag:s12] =	ssyncset.done $0x0  }
0x405: {  	v20 =	vor.u32 v20, v26;
	v22 =	vor.u32 v1, v22;
	v58 =	vor.u32 v5, v58;
	[sflag:s12] =	ssyncadd.s32 $0xFFFFC000  }
0x406: {  	v46 =	vor.u32 v46, v48;
	v59 =	vor.u32 v23, v59;
	v62 =	vor.u32 v43, v62;
	v60 =	vld.idx.msk [tilespmem:v60+s23+$0x0], $0xffff  }
0x407: {  	v18 =	vor.u32 v1, v18;
	v24 =	vor.u32 v7, v24;
	v62 =	vor.u32 v44, v62;
	v61 =	vld.idx.msk [tilespmem:v61+s23+$0x0], $0xffff  }
0x408: {  	v12 =	vor.u32 v12, v16;
	v4 =	vor.u32 v4, v41;
	v31 =	vor.u32 v8, v31  }
0x409: {  	v56 =	vor.u32 v6, v56;
	v57 =	vor.u32 v23, v57;
	v54 =	vor.u32 v6, v54  }
0x40a: {  	s28 =	simm.s32 $0x10300;
	v29 =	vor.u32 v8, v29;
	v28 =	vor.u32 v1, v28;
	v34 =	vand.u32 $0x400, v34;
	v58 =	vld.idx.msk [tilespmem:v58+s23+$0x0], $0xffff  }
0x40b: {  	v3 =	vand.u32 $0x400, v3;
	v56 =	vor.u32 v5, v56;
	v53 =	vor.u32 v34, v63;
	v59 =	vld.idx.msk [tilespmem:v59+s23+$0x0], $0xffff;
	[tilespmem:s28+$0x80] =	vst v60  }
0x40c: {  	v63 =	vand.u32 $0x400, v33;
	v34 =	vadd.s32 s7, v38;
	v53 =	vor.u32 v43, v53;
	[tilespmem:s28+$0xFFFFFF00] =	vst v61;
	v60 =	vld.idx.msk [tilespmem:v62+s23+$0x0], $0xffff  }
0x40d: {  	v33 =	vand.u32 $0x7F, v34;
	v53 =	vor.u32 v44, v53;
	v0 =	vshll.u32 v34, $0x3;
	v31 =	vld.idx.msk [tilespmem:v31+s23+$0x0], $0xffff  }
0x40e: {  	v34 =	vand.u32 $0x7F, v27;
	v27 =	vshll.u32 v27, $0x3;
	v0 =	vand.u32 $0x400, v0  }
0x40f: {  	v27 =	vand.u32 $0x400, v27;
	v0 =	vor.u32 v0, v33;
	v33 =	vadd.s32 s7, v39;
	[tilespmem:s28+$0xFFFFFF80] =	vst v58  }
0x410: {  	v55 =	vor.u32 v63, v55;
	v27 =	vor.u32 v27, v34;
	v34 =	vshll.u32 v33, $0x3;
	[tilespmem:s28+$0x0] =	vst v59;
	v26 =	vld.idx.msk [tilespmem:v56+s23+$0x0], $0xffff  }
0x411: {  	v54 =	vor.u32 v5, v54;
	v55 =	vor.u32 v7, v55;
	v32 =	vand.u32 $0x400, v34;
	v34 =	vld.idx.msk [tilespmem:v57+s23+$0x0], $0xffff;
	[tilespmem:s28+$0x90] =	vst v60  }
0x412: {  	v51 =	vand.u32 $0x7F, v49;
	v55 =	vor.u32 v23, v55;
	v0 =	vor.u32 v43, v0;
	[tilespmem:s28+$0xFFFFFF10] =	vst v31;
	v57 =	vld.idx.msk [tilespmem:v53+s23+$0x0], $0xffff  }
0x413: {  	v30 =	vor.u32 v6, v30;
	v20 =	vor.u32 v6, v20;
	v0 =	vor.u32 v44, v0;
	v29 =	vld.idx.msk [tilespmem:v29+s23+$0x0], $0xffff  }
0x414: {  	v22 =	vor.u32 v8, v22;
	v18 =	vor.u32 v8, v18;
	v28 =	vor.u32 v8, v28  }
0x415: {  	v24 =	vor.u32 v23, v24;
	v12 =	vor.u32 v6, v12;
	v4 =	vor.u32 v6, v4;
	[tilespmem:s28+$0xFFFFFF90] =	vst v26  }
0x416: {  	v30 =	vor.u32 v5, v30;
	v20 =	vor.u32 v5, v20;
	v52 =	vand.u32 $0x7F, v33;
	[tilespmem:s28+$0x10] =	vst v34;
	v61 =	vld.idx.msk [tilespmem:v54+s23+$0x0], $0xffff  }
0x417: {  	v49 =	vshll.u32 v49, $0x3;
	v27 =	vor.u32 v7, v27;
	v33 =	vor.u32 v32, v52;
	v62 =	vld.idx.msk [tilespmem:v55+s23+$0x0], $0xffff;
	[tilespmem:s28+$0xA0] =	vst v57  }
0x418: {  	v27 =	vor.u32 v23, v27;
	v50 =	vor.u32 v43, v33;
	v58 =	vadd.s32 s7, v35;
	[tilespmem:s28+$0xFFFFFF20] =	vst v29;
	v0 =	vld.idx.msk [tilespmem:v0+s23+$0x0], $0xffff  }
0x419: {  	v12 =	vor.u32 v5, v12;
	v56 =	vor.u32 v44, v50;
	v59 =	vshll.u32 v58, $0x3;
	v28 =	vld.idx.msk [tilespmem:v28+s23+$0x0], $0xffff  }
0x41a: {  	v31 =	vand.u32 $0x400, v49;
	v26 =	vand.u32 $0x7F, v58;
	v29 =	vor.u32 v6, v46  }
0x41b: {  	v31 =	vor.u32 v31, v51;
	[tilespmem:s28+$0xFFFFFFA0] =	vst v61;
	v25 =	vor.u32 v5, v29;
	v29 =	vadd.s32 s7, v19  }
0x41c: {  	v60 =	vand.u32 $0x400, v59;
	v31 =	vor.u32 v7, v31;
	[tilespmem:s28+$0x20] =	vst v62;
	v16 =	vld.idx.msk [tilespmem:v30+s23+$0x0], $0xffff;
	v63 =	vshll.u32 v29, $0x3  }
0x41d: {  	v27 =	vld.idx.msk [tilespmem:v27+s23+$0x0], $0xffff;
	v29 =	vand.u32 $0x7F, v29;
	v46 =	vand.u32 $0x400, v63;
	[tilespmem:s28+$0xB0] =	vst v0;
	v0 =	vshll.u32 v2, $0x3  }
0x41e: {  	v31 =	vor.u32 v23, v31;
	v29 =	vor.u32 v46, v29;
	[tilespmem:s28+$0xFFFFFF30] =	vst v28;
	v0 =	vand.u32 $0x400, v0;
	v28 =	vld.idx.msk [tilespmem:v56+s23+$0x0], $0xffff  }
0x41f: {  	s11 =	sshll.u32 s26, $0xA;
	v26 =	vor.u32 v60, v26;
	v2 =	vor.u32 v43, v29;
	v0 =	vor.u32 v0, v14;
	v14 =	vld.idx.msk [tilespmem:v22+s23+$0x0], $0xffff  }
0x420: {  	s29 =	sadd.s32 $0xFFFFFC14, s11;
	s30 =	sadd.s32 $0xFFFFFC1C, s11;
	v29 =	vor.u32 v1, v42;
	v22 =	vadd.s32 s7, v17;
	v0 =	vor.u32 v7, v0  }
0x421: {  	s20 =	simm.s32 $0x5;
	s2 =	sadd.s32 s29, s2;
	s0 =	sadd.s32 s30, s0;
	[tilespmem:s28+$0xFFFFFFB0] =	vst v16;
	v1 =	vor.u32 v1, v10;
	v30 =	vor.u32 v23, v0;
	v0 =	vshll.u32 v22, $0x3  }
0x422: {  	s31 =	sadd.s32 $0xFFFFFC24, s11;
	s25 =	sshrl.u32 s2, $0x1;
	s3 =	sshrl.u32 s0, $0x1;
	[tilespmem:s28+$0x30] =	vst v27;
	v29 =	vor.u32 v8, v29;
	v20 =	vld.idx.msk [tilespmem:v20+s23+$0x0], $0xffff;
	v16 =	vand.u32 $0x7F, v22;
	v0 =	vand.u32 $0x400, v0  }
0x423: {  	v1 =	vor.u32 v8, v1;
	v8 =	vmov s20;
	s20 =	sadd.s32 $0x4, s25;
	s7 =	sadd.s32 s31, s4;
	s4 =	sadd.s32 $0x5, s3;
	v0 =	vor.u32 v0, v16;
	v16 =	vld.idx.msk [tilespmem:v31+s23+$0x0], $0xffff;
	[tilespmem:s28+$0xC0] =	vst v28  }
0x424: {  	s19 =	simm.s32 $0x4;
	v4 =	vor.u32 v5, v4;
	v26 =	vor.u32 v43, v26;
	s20 =	sand.u32 $0x7E, s20;
	s4 =	sxor.u32 $0xFFFFFFFF, s4;
	v0 =	vor.u32 v43, v0;
	[tilespmem:s28+$0xFFFFFF40] =	vst v14  }
0x425: {  	v26 =	vor.u32 v44, v26;
	v5 =	vmov s19;
	s16 =	sshrl.u32 s7, $0x1;
	s19 =	sxor.u32 $0x7F, s20;
	s4 =	sand.u32 $0x7F, s4;
	v10 =	vor.u32 v44, v0;
	v0 =	vld [tilespmem:$0x1FDF0]  }
0x426: {  	v2 =	vor.u32 v44, v2;
	s25 =	sadd.s32 $0x6, s16;
	v9 =	vadd.s32 s19, v37;
	v47 =	vadd.s32 s4, v17  }
0x427: {  	s20 =	sxor.u32 $0xFFFFFFFF, s25;
	v54 =	vadd.s32 s4, v19;
	v58 =	vadd.s32 s4, v35;
	v22 =	vadd.s32 s4, v36;
	v6 =	vld.idx.msk [tilespmem:v18+s23+$0x0], $0xffff;
	[tilespmem:s28+$0xFFFFFFC0] =	vst v20  }
0x428: {  	s20 =	sand.u32 $0x7F, s20;
	v49 =	vand.u32 $0x7F, v47;
	v55 =	vand.u32 $0x7F, v54;
	v61 =	vand.u32 $0x7F, v58;
	v14 =	vld.idx.msk [tilespmem:v25+s23+$0x0], $0xffff;
	[tilespmem:s28+$0x40] =	vst v16  }
0x429: {  	v46 =	vadd.s32 s20, v17;
	v51 =	vadd.s32 s20, v19;
	v56 =	vadd.s32 s20, v35;
	v18 =	vld.idx.msk [tilespmem:v24+s23+$0x0], $0xffff  }
0x42a: {  	v62 =	vadd.s32 s20, v39;
	v48 =	vand.u32 $0x7F, v46;
	v0 =	vor.u32 v3, v0;
	v3 =	vld.idx.msk [tilespmem:v26+s23+$0x0], $0xffff  }
0x42b: {  	v53 =	vand.u32 $0x7F, v51;
	v60 =	vand.u32 $0x7F, v56;
	v25 =	vadd.s32 s19, v39  }
0x42c: {  	[tilespmem:s28+$0xFFFFFF50] =	vst v6;
	v6 =	vadd.s32 s19, v17;
	v26 =	vadd.s32 s19, v38;
	v0 =	vor.u32 v7, v0  }
0x42d: {  	v20 =	vld.idx.msk [tilespmem:v29+s23+$0x0], $0xffff;
	[tilespmem:s28+$0xFFFFFFD0] =	vst v14;
	v14 =	vadd.s32 s19, v35;
	v29 =	vadd.s32 s19, v36;
	v50 =	vand.u32 $0x7F, v6  }
0x42e: {  	v52 =	vshll.u32 v6, $0x3;
	v6 =	vand.u32 $0x7F, v25;
	v7 =	vor.u32 v23, v0;
	v24 =	vld.idx.msk [tilespmem:v12+s23+$0x0], $0xffff;
	[tilespmem:s28+$0x50] =	vst v18  }
0x42f: {  	v0 =	vshll.u32 v5, $0x8;
	v5 =	vshll.u32 v5, $0x7;
	v23 =	vadd.s32 s19, v19;
	[tilespmem:s28+$0xD0] =	vst v3;
	v27 =	vld.idx.msk [tilespmem:v30+s23+$0x0], $0xffff  }
0x430: {  	s21 =	simm.s32 $0x6;
	v12 =	vadd.s32 s20, v37;
	v63 =	vand.u32 $0x7F, v14;
	v41 =	vand.u32 $0x7800, v0;
	v2 =	vld.idx.msk [tilespmem:v2+s23+$0x0], $0xffff  }
0x431: {  	v40 =	vand.u32 $0x200, v5;
	v0 =	vmov s21;
	v5 =	vshll.u32 v8, $0x8  }
0x432: {  	v8 =	vshll.u32 v8, $0x7;
	v57 =	vand.u32 $0x7F, v23;
	v59 =	vshll.u32 v23, $0x3;
	[tilespmem:s28+$0xFFFFFF60] =	vst v20  }
0x433: {  	v23 =	vand.u32 $0x7F, v62;
	v16 =	vshll.u32 v0, $0x7;
	v43 =	vand.u32 $0x280, v8;
	v20 =	vld.idx.msk [tilespmem:v1+s23+$0x0], $0xffff;
	[tilespmem:s28+$0xFFFFFFE0] =	vst v24  }
0x434: {  	v0 =	vshll.u32 v0, $0x8;
	v45 =	vand.u32 $0x7800, v5;
	v5 =	vadd.s32 s20, v38;
	v31 =	vld.idx.msk [tilespmem:v4+s23+$0x0], $0xffff;
	[tilespmem:s28+$0x60] =	vst v27  }
0x435: {  	v8 =	vadd.s32 s19, v21;
	v18 =	vadd.s32 s20, v36;
	v42 =	vand.u32 $0x300, v16;
	[tilespmem:s28+$0xE0] =	vst v2;
	v28 =	vld.idx.msk [tilespmem:v7+s23+$0x0], $0xffff  }
0x436: {  	v44 =	vand.u32 $0x7800, v0;
	v0 =	vadd.s32 s4, v39;
	v3 =	vadd.s32 s4, v38;
	v2 =	vld.idx.msk [tilespmem:v10+s23+$0x0], $0xffff  }
0x437: {  	v16 =	vadd.s32 s4, v37;
	v30 =	vadd.s32 s4, v21;
	v1 =	vshll.u32 v14, $0x3  }
0x438: {  	v24 =	vand.u32 $0x7F, v26;
	v14 =	vand.u32 $0x7F, v3;
	v4 =	vshll.u32 v25, $0x3;
	[tilespmem:s28+$0xFFFFFF70] =	vst v20  }
0x439: {  	s4 =	sadd.s32 $0xFFFFFC2C, s11;
	v25 =	vshll.u32 v26, $0x3;
	v26 =	vand.u32 $0x7F, v16;
	v27 =	vand.u32 $0x7F, v9;
	[tilespmem:s28+$0xFFFFFFF0] =	vst v31  }
0x43a: {  	s25 =	sadd.s32 $0xFFFFFFFF, s26;
	s11 =	sadd.s32 s4, s10;
	v7 =	vand.u32 $0x7F, v0;
	v10 =	vadd.s32 s20, v21;
	v20 =	vand.u32 $0x7F, v12;
	[tilespmem:s28+$0x70] =	vst v28  }
0x43b: {  	s10 =	simm.s32 $0x8;
	s19 =	sshrl.u32 s11, $0x1;
	s20 =	simm.s32 $0x7;
	v31 =	vand.u32 $0x7F, v29;
	v28 =	vshll.u32 v9, $0x3;
	[tilespmem:s28+$0xF0] =	vst v2;
	v2 =	vand.u32 $0x7F, v5  }
.LBB2_11:
0x43c: {  	v29 =	vshll.u32 v29, $0x3;
	v9 =	vand.u32 $0x7F, v22;
	v11 =	vand.u32 $0x7F, v18  }
0x43d: {  	v13 =	vand.u32 $0x7F, v8;
	v15 =	vand.u32 $0x7F, v30;
	v17 =	vand.u32 $0x7F, v10  }
0x43e: {  	v8 =	vshll.u32 v8, $0x3;
	v30 =	vshll.u32 v30, $0x3;
	v10 =	vshll.u32 v10, $0x3  }
0x43f: {  	v35 =	vlaneseq.u32;
	v32 =	vmov s20;
	v22 =	vshll.u32 v22, $0x3  }
0x440: {  	v18 =	vshll.u32 v18, $0x3;
	v16 =	vshll.u32 v16, $0x3;
	v28 =	vand.u32 $0x400, v28  }
0x441: {  	s19 =	sadd.s32 s19, s20;
	v12 =	vshll.u32 v12, $0x3;
	v3 =	vshll.u32 v3, $0x3;
	v5 =	vshll.u32 v5, $0x3  }
0x442: {  	v0 =	vshll.u32 v0, $0x3;
	v4 =	vand.u32 $0x400, v4;
	v1 =	vand.u32 $0x400, v1;
	s19 =	sxor.u32 $0xFFFFFFFF, s19  }
0x443: {  	v8 =	vand.u32 $0x400, v8;
	v30 =	vand.u32 $0x400, v30;
	v21 =	vand.u32 $0x400, v10;
	s19 =	sand.u32 $0x7F, s19  }
0x444: {  	v33 =	vshll.u32 v32, $0x8;
	v32 =	vshll.u32 v32, $0x7;
	v19 =	vadd.s32 s19, v35  }
0x445: {  	v29 =	vand.u32 $0x400, v29;
	v13 =	vor.u32 v8, v13;
	v10 =	vshll.u32 v19, $0x3  }
0x446: {  	v15 =	vor.u32 v30, v15;
	v19 =	vand.u32 $0x7F, v19;
	v34 =	vand.u32 $0x400, v10  }
0x447: {  	v15 =	vor.u32 v45, v15;
	v10 =	vand.u32 $0x7800, v33;
	v19 =	vor.u32 v34, v19  }
0x448: {  	v8 =	vand.u32 $0x380, v32;
	v15 =	vor.u32 v43, v15;
	v19 =	vor.u32 v10, v19  }
0x449: {  	v22 =	vand.u32 $0x400, v22;
	v18 =	vand.u32 $0x400, v18;
	v19 =	vor.u32 v8, v19  }
0x44a: {  	v16 =	vand.u32 $0x400, v16;
	v17 =	vor.u32 v21, v17;
	v13 =	vor.u32 v41, v13  }
0x44b: {  	v9 =	vor.u32 v22, v9;
	v21 =	vadd.s32 s19, v36;
	v13 =	vor.u32 v40, v13  }
0x44c: {  	v17 =	vor.u32 v44, v17;
	v9 =	vor.u32 v45, v9;
	v30 =	vshll.u32 v21, $0x3  }
0x44d: {  	v17 =	vor.u32 v42, v17;
	v21 =	vand.u32 $0x7F, v21;
	v30 =	vand.u32 $0x400, v30;
	v15 =	vld.idx.msk [tilespmem:v15+s23+$0x0], $0xffff  }
0x44e: {  	v12 =	vand.u32 $0x400, v12;
	v9 =	vor.u32 v43, v9;
	v21 =	vor.u32 v30, v21;
	v19 =	vld.idx.msk [tilespmem:v19+s23+$0x0], $0xffff  }
0x44f: {  	v3 =	vand.u32 $0x400, v3;
	v29 =	vor.u32 v29, v31;
	v21 =	vor.u32 v10, v21  }
0x450: {  	v11 =	vor.u32 v18, v11;
	v29 =	vor.u32 v41, v29;
	v21 =	vor.u32 v8, v21;
	v13 =	vld.idx.msk [tilespmem:v13+s23+$0x0], $0xffff  }
0x451: {  	s28 =	sadd.s32 $0x200, s28;
	v11 =	vor.u32 v44, v11;
	v18 =	vadd.s32 s19, v37;
	v22 =	vor.u32 v40, v29  }
0x452: {  	v11 =	vor.u32 v42, v11;
	v29 =	vshll.u32 v18, $0x3;
	v17 =	vld.idx.msk [tilespmem:v17+s23+$0x0], $0xffff;
	[tilespmem:s28+$0xFFFFFF80] =	vst v15;
	v15 =	vor.u32 v16, v26  }
0x453: {  	v18 =	vand.u32 $0x7F, v18;
	v9 =	vld.idx.msk [tilespmem:v9+s23+$0x0], $0xffff;
	v15 =	vor.u32 v45, v15;
	[tilespmem:s28+$0x80] =	vst v19;
	v19 =	vand.u32 $0x400, v29  }
0x454: {  	v4 =	vor.u32 v4, v6;
	v15 =	vor.u32 v43, v15;
	v18 =	vor.u32 v19, v18  }
0x455: {  	v5 =	vand.u32 $0x400, v5;
	[tilespmem:s28+$0xFFFFFF00] =	vst v13;
	v13 =	vor.u32 v28, v27;
	v21 =	vld.idx.msk [tilespmem:v21+s23+$0x0], $0xffff;
	v16 =	vor.u32 v10, v18  }
0x456: {  	v12 =	vor.u32 v12, v20;
	v13 =	vor.u32 v41, v13;
	v19 =	vld.idx.msk [tilespmem:v22+s23+$0x0], $0xffff;
	v16 =	vor.u32 v8, v16  }
0x457: {  	v3 =	vor.u32 v3, v14;
	[tilespmem:s28+$0x0] =	vst v17;
	v17 =	vadd.s32 s19, v38;
	v13 =	vor.u32 v40, v13  }
0x458: {  	v12 =	vor.u32 v44, v12;
	v3 =	vor.u32 v45, v3;
	v11 =	vld.idx.msk [tilespmem:v11+s23+$0x0], $0xffff;
	v18 =	vshll.u32 v17, $0x3;
	[tilespmem:s28+$0xFFFFFF90] =	vst v9  }
0x459: {  	v12 =	vor.u32 v42, v12;
	v17 =	vand.u32 $0x7F, v17;
	v18 =	vand.u32 $0x400, v18;
	v15 =	vld.idx.msk [tilespmem:v15+s23+$0x0], $0xffff  }
0x45a: {  	v20 =	vand.u32 $0x400, v25;
	v3 =	vor.u32 v43, v3;
	v17 =	vor.u32 v18, v17;
	[tilespmem:s28+$0x90] =	vst v21  }
0x45b: {  	v0 =	vand.u32 $0x400, v0;
	v9 =	vor.u32 v10, v17;
	[tilespmem:s28+$0xFFFFFF10] =	vst v19;
	v19 =	vor.u32 v20, v24;
	v16 =	vld.idx.msk [tilespmem:v16+s23+$0x0], $0xffff  }
0x45c: {  	v1 =	vor.u32 v1, v63;
	v9 =	vor.u32 v8, v9;
	v13 =	vld.idx.msk [tilespmem:v13+s23+$0x0], $0xffff;
	v14 =	vor.u32 v41, v19  }
0x45d: {  	v2 =	vor.u32 v5, v2;
	v0 =	vor.u32 v0, v7;
	[tilespmem:s28+$0x10] =	vst v11;
	v11 =	vor.u32 v40, v14  }
0x45e: {  	s29 =	sadd.s32 $0x20, s29;
	s31 =	sadd.s32 $0x20, s31;
	v7 =	vshll.u32 v62, $0x3;
	v4 =	vor.u32 v41, v4;
	v1 =	vor.u32 v41, v1;
	v12 =	vld.idx.msk [tilespmem:v12+s23+$0x0], $0xffff;
	[tilespmem:s28+$0xFFFFFFA0] =	vst v15  }
0x45f: {  	s2 =	sadd.s32 s29, s2;
	s7 =	sadd.s32 s31, s7;
	v2 =	vor.u32 v44, v2;
	v5 =	vadd.s32 s19, v39;
	v7 =	vand.u32 $0x400, v7;
	v3 =	vld.idx.msk [tilespmem:v3+s23+$0x0], $0xffff  }
0x460: {  	s20 =	sadd.s32 $0x2, s10;
	s21 =	sshrl.u32 s2, $0x1;
	s16 =	sshrl.u32 s7, $0x1;
	v4 =	vor.u32 v40, v4;
	v0 =	vor.u32 v45, v0;
	v2 =	vor.u32 v42, v2;
	[tilespmem:s28+$0xA0] =	vst v16;
	v16 =	vld [tilespmem:$0x1FF10]  }
0x461: {  	v1 =	vor.u32 v40, v1;
	s21 =	sadd.s32 s21, s10;
	s16 =	sadd.s32 s16, s20;
	v7 =	vor.u32 v7, v23;
	v14 =	vshll.u32 v5, $0x3;
	[tilespmem:s28+$0xFFFFFF20] =	vst v13;
	v6 =	vld.idx.msk [tilespmem:v9+s23+$0x0], $0xffff  }
0x462: {  	s21 =	sand.u32 $0x7E, s21;
	s16 =	sxor.u32 $0xFFFFFFFF, s16;
	v7 =	vor.u32 v44, v7;
	v5 =	vand.u32 $0x7F, v5;
	v14 =	vand.u32 $0x400, v14;
	v9 =	vld.idx.msk [tilespmem:v11+s23+$0x0], $0xffff  }
0x463: {  	v0 =	vor.u32 v43, v0;
	s21 =	sxor.u32 $0x7F, s21;
	s16 =	sand.u32 $0x7F, s16;
	v7 =	vor.u32 v42, v7;
	v5 =	vor.u32 v14, v5  }
0x464: {  	v62 =	vadd.s32 s16, v39;
	v29 =	vadd.s32 s21, v36;
	[tilespmem:s28+$0x20] =	vst v12;
	v5 =	vor.u32 v10, v5  }
0x465: {  	v23 =	vand.u32 $0x7F, v62;
	v31 =	vand.u32 $0x7F, v29;
	v2 =	vld.idx.msk [tilespmem:v2+s23+$0x0], $0xffff;
	v5 =	vor.u32 v8, v5  }
0x466: {  	v18 =	vadd.s32 s16, v36;
	v12 =	vshll.u32 v58, $0x3;
	v15 =	vld [tilespmem:$0x1FF30];
	[tilespmem:s28+$0xFFFFFFB0] =	vst v3;
	v11 =	vadd.s32 s19, v16  }
0x467: {  	v17 =	vlaneseq.u32;
	v13 =	vshll.u32 v11, $0x3;
	[tilespmem:s28+$0xFFFFFF30] =	vst v9;
	v9 =	vand.u32 $0x400, v12  }
0x468: {  	[tilespmem:s28+$0xB0] =	vst v6;
	v6 =	vand.u32 $0x7F, v11;
	v11 =	vand.u32 $0x400, v13;
	v3 =	vor.u32 v9, v61  }
0x469: {  	v0 =	vld.idx.msk [tilespmem:v0+s23+$0x0], $0xffff;
	v9 =	vshll.u32 v56, $0x3;
	v13 =	vand.u32 $0x400, v59;
	v56 =	vadd.s32 s16, v16  }
0x46a: {  	[tilespmem:s28+$0x30] =	vst v2;
	v5 =	vld.idx.msk [tilespmem:v5+s23+$0x0], $0xffff;
	v6 =	vor.u32 v11, v6;
	v2 =	vand.u32 $0x400, v9;
	v3 =	vor.u32 v45, v3  }
0x46b: {  	v4 =	vld.idx.msk [tilespmem:v4+s23+$0x0], $0xffff;
	v9 =	vadd.s32 s19, v15;
	v11 =	vshll.u32 v54, $0x3;
	v6 =	vor.u32 v10, v6  }
0x46c: {  	v14 =	vld [tilespmem:$0x1FF50];
	v2 =	vor.u32 v2, v60;
	v3 =	vor.u32 v43, v3;
	v12 =	vshll.u32 v9, $0x3  }
0x46d: {  	v7 =	vld.idx.msk [tilespmem:v7+s23+$0x0], $0xffff;
	v11 =	vand.u32 $0x400, v11;
	v60 =	vand.u32 $0x7F, v56;
	v6 =	vor.u32 v8, v6  }
0x46e: {  	[tilespmem:s28+$0xFFFFFFC0] =	vst v0;
	v2 =	vor.u32 v44, v2;
	v0 =	vor.u32 v11, v55;
	v11 =	vshll.u32 v47, $0x3  }
0x46f: {  	v2 =	vor.u32 v42, v2;
	v0 =	vor.u32 v45, v0;
	v11 =	vand.u32 $0x400, v11;
	[tilespmem:s28+$0xC0] =	vst v5  }
0x470: {  	s30 =	sadd.s32 $0x20, s30;
	v5 =	vand.u32 $0x7F, v9;
	v9 =	vand.u32 $0x400, v12;
	[tilespmem:s28+$0xFFFFFF40] =	vst v4;
	v4 =	vor.u32 v13, v57  }
0x471: {  	s0 =	sadd.s32 s30, s0;
	v0 =	vor.u32 v43, v0;
	v5 =	vor.u32 v9, v5;
	v1 =	vld.idx.msk [tilespmem:v1+s23+$0x0], $0xffff;
	v9 =	vshll.u32 v51, $0x3  }
0x472: {  	s3 =	sshrl.u32 s0, $0x1;
	[tilespmem:s28+$0x40] =	vst v7;
	v13 =	vand.u32 $0x400, v52;
	v7 =	vand.u32 $0x400, v9;
	v9 =	vadd.s32 s19, v14;
	s19 =	sadd.s32 $0x1, s10  }
0x473: {  	v4 =	vor.u32 v41, v4;
	v51 =	vadd.s32 s16, v15;
	v5 =	vor.u32 v10, v5;
	v3 =	vld.idx.msk [tilespmem:v3+s23+$0x0], $0xffff;
	s3 =	sadd.s32 s3, s19  }
0x474: {  	v4 =	vor.u32 v40, v4;
	v5 =	vor.u32 v8, v5;
	v7 =	vor.u32 v7, v53;
	s3 =	sxor.u32 $0xFFFFFFFF, s3  }
0x475: {  	v12 =	vshll.u32 v9, $0x3;
	v53 =	vand.u32 $0x7F, v51;
	v7 =	vor.u32 v44, v7;
	s3 =	sand.u32 $0x7F, s3  }
0x476: {  	v6 =	vld.idx.msk [tilespmem:v6+s23+$0x0], $0xffff;
	v7 =	vor.u32 v42, v7;
	[tilespmem:s28+$0xFFFFFF50] =	vst v1;
	v1 =	vor.u32 v13, v50;
	v47 =	vadd.s32 s3, v14  }
0x477: {  	v54 =	vadd.s32 s3, v15;
	v58 =	vadd.s32 s3, v16;
	v13 =	vadd.s32 s21, v38  }
0x478: {  	v22 =	vadd.s32 s3, v36;
	v30 =	vadd.s32 s3, v35;
	[tilespmem:s28+$0xFFFFFFD0] =	vst v3;
	v3 =	vor.u32 v11, v49  }
0x479: {  	v1 =	vor.u32 v41, v1;
	v11 =	vadd.s32 s21, v39;
	v49 =	vand.u32 $0x7F, v47  }
0x47a: {  	v2 =	vld.idx.msk [tilespmem:v2+s23+$0x0], $0xffff;
	v55 =	vand.u32 $0x7F, v54;
	v61 =	vand.u32 $0x7F, v58;
	v24 =	vand.u32 $0x7F, v13  }
0x47b: {  	v25 =	vshll.u32 v13, $0x3;
	[tilespmem:s28+$0xD0] =	vst v6;
	v6 =	vand.u32 $0x7F, v9;
	v9 =	vand.u32 $0x400, v12  }
0x47c: {  	v1 =	vor.u32 v40, v1;
	v3 =	vor.u32 v45, v3;
	v12 =	vadd.s32 s16, v37  }
0x47d: {  	v0 =	vld.idx.msk [tilespmem:v0+s23+$0x0], $0xffff;
	v6 =	vor.u32 v9, v6;
	v9 =	vshll.u32 v46, $0x3;
	v3 =	vor.u32 v43, v3  }
0x47e: {  	v5 =	vld.idx.msk [tilespmem:v5+s23+$0x0], $0xffff;
	v46 =	vadd.s32 s16, v14;
	v20 =	vand.u32 $0x7F, v12;
	v6 =	vor.u32 v10, v6  }
0x47f: {  	v4 =	vld.idx.msk [tilespmem:v4+s23+$0x0], $0xffff;
	[tilespmem:s28+$0x50] =	vst v2;
	v2 =	vand.u32 $0x400, v9;
	v10 =	vmov s19;
	v6 =	vor.u32 v8, v6  }
0x480: {  	v7 =	vld.idx.msk [tilespmem:v7+s23+$0x0], $0xffff;
	v2 =	vor.u32 v2, v48;
	v8 =	vmov s10;
	v48 =	vand.u32 $0x7F, v46  }
0x481: {  	v2 =	vor.u32 v44, v2;
	v9 =	vshll.u32 v8, $0x8;
	v8 =	vshll.u32 v8, $0x7  }
0x482: {  	v2 =	vor.u32 v42, v2;
	v40 =	vand.u32 $0x200, v8;
	v8 =	vshll.u32 v10, $0x7;
	[tilespmem:s28+$0xFFFFFFE0] =	vst v0  }
0x483: {  	v41 =	vand.u32 $0x7800, v9;
	[tilespmem:s28+$0xE0] =	vst v5;
	v5 =	vmov s20;
	v43 =	vand.u32 $0x280, v8  }
0x484: {  	[tilespmem:s28+$0xFFFFFF60] =	vst v4;
	v8 =	vld.idx.msk [tilespmem:v3+s23+$0x0], $0xffff;
	v3 =	vadd.s32 s3, v38;
	v9 =	vshll.u32 v5, $0x7;
	v0 =	vshll.u32 v5, $0x8  }
0x485: {  	v1 =	vld.idx.msk [tilespmem:v1+s23+$0x0], $0xffff;
	[tilespmem:s28+$0x60] =	vst v7;
	v7 =	vadd.s32 s21, v14;
	v5 =	vadd.s32 s16, v38;
	v14 =	vand.u32 $0x7F, v3  }
0x486: {  	v4 =	vld.idx.msk [tilespmem:v6+s23+$0x0], $0xffff;
	v6 =	vshll.u32 v10, $0x8;
	v42 =	vand.u32 $0x300, v9;
	v44 =	vand.u32 $0x7800, v0  }
0x487: {  	v9 =	vadd.s32 s21, v16;
	v0 =	vadd.s32 s3, v39;
	v16 =	vadd.s32 s3, v37  }
0x488: {  	p0 =	slt.u32 s10, $0x7C;
	v50 =	vand.u32 $0x7F, v7;
	v10 =	vadd.s32 s16, v35;
	v52 =	vshll.u32 v7, $0x3;
	v2 =	vld.idx.msk [tilespmem:v2+s23+$0x0], $0xffff  }
.Ltmp6:
0x489: {  	v45 =	vand.u32 $0x7800, v6;
	v6 =	vadd.s32 s21, v15;
	v15 =	vadd.s32 s21, v37;
	(pc) =	sbr.rel @p0 .LBB2_11-.Ltmp6, $4  }
0x48a: {  	v63 =	vand.u32 $0x7F, v9;
	v7 =	vand.u32 $0x7F, v0;
	v26 =	vand.u32 $0x7F, v16;
	[tilespmem:s28+$0xFFFFFF70] =	vst v1  }
0x48b: {  	s4 =	sadd.s32 $0x20, s4;
	v57 =	vand.u32 $0x7F, v6;
	v59 =	vshll.u32 v6, $0x3;
	v6 =	vand.u32 $0x7F, v11;
	[tilespmem:s28+$0xFFFFFFF0] =	vst v8  }
0x48c: {  	s11 =	sadd.s32 s4, s11;
	v1 =	vshll.u32 v9, $0x3;
	v27 =	vand.u32 $0x7F, v15;
	v28 =	vshll.u32 v15, $0x3;
	[tilespmem:s28+$0xF0] =	vst v4  }
0x48d: {  	s19 =	sshrl.u32 s11, $0x1;
	s20 =	sadd.s32 $0x3, s10;
	s10 =	sadd.s32 $0x4, s10;
	v8 =	vadd.s32 s21, v35;
	v4 =	vshll.u32 v11, $0x3;
	[tilespmem:s28+$0x70] =	vst v2;
	v2 =	vand.u32 $0x7F, v5  }
0x48e: {  	s0 =	sadd.s32 s19, s20  }
0x48f: {  	v15 =	vand.u32 $0x7F, v8;
	v8 =	vshll.u32 v8, $0x3;
	v19 =	vshll.u32 v30, $0x3;
	s0 =	sxor.u32 $0xFFFFFFFF, s0  }
0x490: {  	v11 =	vshll.u32 v29, $0x3;
	v8 =	vand.u32 $0x400, v8;
	v19 =	vand.u32 $0x400, v19;
	s0 =	sand.u32 $0x7F, s0  }
0x491: {  	v15 =	vor.u32 v8, v15;
	v9 =	vadd.s32 s0, v17;
	v17 =	vand.u32 $0x7F, v30  }
0x492: {  	v8 =	vadd.s32 s0, v36;
	v13 =	vshll.u32 v9, $0x3;
	v9 =	vand.u32 $0x7F, v9  }
0x493: {  	v17 =	vor.u32 v19, v17;
	v19 =	vshll.u32 v8, $0x3;
	v13 =	vand.u32 $0x400, v13  }
0x494: {  	v9 =	vor.u32 v13, v9;
	v13 =	vand.u32 $0x7F, v10;
	v10 =	vshll.u32 v10, $0x3  }
0x495: {  	v8 =	vand.u32 $0x7F, v8;
	v19 =	vand.u32 $0x400, v19;
	v10 =	vand.u32 $0x400, v10  }
0x496: {  	v13 =	vor.u32 v10, v13;
	v10 =	vand.u32 $0x400, v11;
	v11 =	vor.u32 v19, v8  }
0x497: {  	v8 =	vand.u32 $0x7F, v22;
	v19 =	vshll.u32 v22, $0x3;
	v21 =	vor.u32 v10, v31  }
0x498: {  	v10 =	vand.u32 $0x7F, v18;
	v18 =	vshll.u32 v18, $0x3;
	v19 =	vand.u32 $0x400, v19  }
0x499: {  	v22 =	vand.u32 $0x400, v28;
	v18 =	vand.u32 $0x400, v18;
	v19 =	vor.u32 v19, v8  }
0x49a: {  	v8 =	vadd.s32 s0, v37;
	v18 =	vor.u32 v18, v10;
	v10 =	vshll.u32 v16, $0x3  }
0x49b: {  	v16 =	vshll.u32 v8, $0x3;
	v8 =	vand.u32 $0x7F, v8;
	v10 =	vand.u32 $0x400, v10  }
0x49c: {  	v16 =	vand.u32 $0x400, v16;
	v26 =	vor.u32 v10, v26;
	v10 =	vshll.u32 v12, $0x3  }
0x49d: {  	v16 =	vor.u32 v16, v8;
	v12 =	vadd.s32 s0, v38;
	v10 =	vand.u32 $0x400, v10  }
0x49e: {  	v8 =	vmov s20;
	v20 =	vor.u32 v10, v20;
	v10 =	vshll.u32 v12, $0x3  }
0x49f: {  	v28 =	vmovc v38;
	v38 =	vshll.u32 v8, $0x8;
	v12 =	vand.u32 $0x7F, v12;
	v10 =	vand.u32 $0x400, v10  }
0x4a0: {  	v8 =	vshll.u32 v8, $0x7;
	v12 =	vor.u32 v10, v12;
	v10 =	vand.u32 $0x7800, v38  }
0x4a1: {  	v8 =	vand.u32 $0x380, v8;
	v9 =	vor.u32 v10, v9  }
0x4a2: {  	v9 =	vor.u32 v8, v9;
	_ =	sdelay $0x1  }
0x4a3: {  	v3 =	vshll.u32 v3, $0x3;
	v5 =	vshll.u32 v5, $0x3;
	v4 =	vand.u32 $0x400, v4  }
0x4a4: {  	v0 =	vshll.u32 v0, $0x3;
	v3 =	vand.u32 $0x400, v3;
	v15 =	vor.u32 v41, v15  }
0x4a5: {  	v3 =	vor.u32 v3, v14;
	v14 =	vor.u32 v40, v15;
	v13 =	vor.u32 v44, v13  }
0x4a6: {  	v5 =	vand.u32 $0x400, v5;
	v4 =	vor.u32 v4, v6;
	v13 =	vor.u32 v42, v13;
	v9 =	vld.idx.msk [tilespmem:v9+s23+$0x0], $0xffff  }
0x4a7: {  	v2 =	vor.u32 v5, v2;
	v5 =	vadd.s32 s0, v39;
	v15 =	vor.u32 v45, v17  }
0x4a8: {  	v0 =	vand.u32 $0x400, v0;
	v6 =	vshll.u32 v5, $0x3;
	v15 =	vor.u32 v43, v15  }
0x4a9: {  	v5 =	vand.u32 $0x7F, v5;
	v6 =	vand.u32 $0x400, v6;
	v11 =	vor.u32 v10, v11  }
0x4aa: {  	s2 =	sadd.s32 $0x200, s28;
	v0 =	vor.u32 v0, v7;
	v5 =	vor.u32 v6, v5;
	v7 =	vld.idx.msk [tilespmem:v14+s23+$0x0], $0xffff;
	v11 =	vor.u32 v8, v11  }
0x4ab: {  	v6 =	vor.u32 v41, v21;
	v17 =	vor.u32 v44, v18;
	v18 =	vshll.u32 v62, $0x3;
	[tilespmem:s2+$0x80] =	vst v9;
	v9 =	vld.idx.msk [tilespmem:v13+s23+$0x0], $0xffff  }
0x4ac: {  	v6 =	vor.u32 v40, v6;
	v13 =	vor.u32 v42, v17;
	v17 =	vand.u32 $0x400, v18;
	v18 =	vld [tilespmem:$0x1FF10]  }
0x4ad: {  	v14 =	vor.u32 v45, v19;
	v15 =	vld.idx.msk [tilespmem:v15+s23+$0x0], $0xffff  }
0x4ae: {  	v14 =	vor.u32 v43, v14  }
0x4af: {  	v16 =	vor.u32 v10, v16;
	v11 =	vld.idx.msk [tilespmem:v11+s23+$0x0], $0xffff  }
0x4b0: {  	v25 =	vand.u32 $0x400, v25;
	v22 =	vor.u32 v22, v27;
	v16 =	vor.u32 v8, v16;
	[tilespmem:s2+$0xFFFFFF00] =	vst v7  }
0x4b1: {  	v24 =	vor.u32 v25, v24;
	v7 =	vor.u32 v41, v22;
	v6 =	vld.idx.msk [tilespmem:v6+s23+$0x0], $0xffff;
	[tilespmem:s2+$0x0] =	vst v9;
	v18 =	vadd.s32 s0, v18  }
0x4b2: {  	v20 =	vor.u32 v44, v20;
	[tilespmem:s2+$0xFFFFFF80] =	vst v15;
	v7 =	vor.u32 v40, v7;
	v13 =	vld.idx.msk [tilespmem:v13+s23+$0x0], $0xffff;
	v19 =	vshll.u32 v18, $0x3  }
0x4b3: {  	v9 =	vld.idx.msk [tilespmem:v14+s23+$0x0], $0xffff;
	v14 =	vor.u32 v45, v26;
	v18 =	vand.u32 $0x7F, v18;
	v19 =	vand.u32 $0x400, v19  }
0x4b4: {  	[tilespmem:s2+$0x90] =	vst v11;
	v14 =	vor.u32 v43, v14;
	v15 =	vor.u32 v19, v18;
	v18 =	vshll.u32 v58, $0x3  }
0x4b5: {  	v12 =	vor.u32 v10, v12;
	v16 =	vld.idx.msk [tilespmem:v16+s23+$0x0], $0xffff;
	v19 =	vshll.u32 v56, $0x3;
	v18 =	vand.u32 $0x400, v18  }
0x4b6: {  	v12 =	vor.u32 v8, v12;
	v11 =	vor.u32 v18, v61;
	v18 =	vand.u32 $0x400, v19;
	v19 =	vld [tilespmem:$0x1FF30];
	[tilespmem:s2+$0xFFFFFF10] =	vst v6  }
0x4b7: {  	v6 =	vor.u32 v42, v20;
	[tilespmem:s2+$0x10] =	vst v13;
	v13 =	vor.u32 v41, v24;
	v7 =	vld.idx.msk [tilespmem:v7+s23+$0x0], $0xffff  }
0x4b8: {  	[tilespmem:s2+$0xFFFFFF90] =	vst v9;
	v13 =	vor.u32 v40, v13  }
0x4b9: {  	v3 =	vor.u32 v45, v3;
	v14 =	vld.idx.msk [tilespmem:v14+s23+$0x0], $0xffff  }
0x4ba: {  	v3 =	vor.u32 v43, v3;
	[tilespmem:s2+$0xA0] =	vst v16  }
0x4bb: {  	v5 =	vor.u32 v10, v5;
	v12 =	vld.idx.msk [tilespmem:v12+s23+$0x0], $0xffff  }
0x4bc: {  	v2 =	vor.u32 v44, v2;
	v5 =	vor.u32 v8, v5;
	v19 =	vadd.s32 s0, v19;
	v6 =	vld.idx.msk [tilespmem:v6+s23+$0x0], $0xffff;
	[tilespmem:s2+$0xFFFFFF20] =	vst v7  }
0x4bd: {  	v4 =	vor.u32 v41, v4;
	v2 =	vor.u32 v42, v2;
	v22 =	vshll.u32 v19, $0x3;
	v13 =	vld.idx.msk [tilespmem:v13+s23+$0x0], $0xffff  }
0x4be: {  	v4 =	vor.u32 v40, v4;
	v19 =	vand.u32 $0x7F, v19;
	[tilespmem:s2+$0xFFFFFFA0] =	vst v14;
	v20 =	vand.u32 $0x400, v22  }
0x4bf: {  	v0 =	vor.u32 v45, v0;
	v3 =	vld.idx.msk [tilespmem:v3+s23+$0x0], $0xffff;
	v9 =	vor.u32 v20, v19;
	v19 =	vshll.u32 v54, $0x3  }
0x4c0: {  	v0 =	vor.u32 v43, v0;
	[tilespmem:s2+$0xB0] =	vst v12;
	v19 =	vand.u32 $0x400, v19  }
0x4c1: {  	v5 =	vld.idx.msk [tilespmem:v5+s23+$0x0], $0xffff;
	v16 =	vor.u32 v19, v55;
	[tilespmem:s2+$0x20] =	vst v6  }
0x4c2: {  	v2 =	vld.idx.msk [tilespmem:v2+s23+$0x0], $0xffff;
	v16 =	vor.u32 v45, v16;
	[tilespmem:s2+$0xFFFFFF30] =	vst v13  }
0x4c3: {  	v17 =	vor.u32 v17, v23;
	v13 =	vor.u32 v43, v16;
	v16 =	vld [tilespmem:$0x1FF50]  }
0x4c4: {  	v7 =	vor.u32 v44, v17;
	v4 =	vld.idx.msk [tilespmem:v4+s23+$0x0], $0xffff;
	[tilespmem:s2+$0xFFFFFFB0] =	vst v3  }
0x4c5: {  	v7 =	vor.u32 v42, v7;
	v0 =	vld.idx.msk [tilespmem:v0+s23+$0x0], $0xffff;
	_ =	sdelay $0x1  }
0x4c6: {  	v1 =	vand.u32 $0x400, v1;
	[tilespmem:s2+$0xC0] =	vst v5  }
0x4c7: {  	v1 =	vor.u32 v1, v63;
	v11 =	vor.u32 v45, v11;
	[tilespmem:s2+$0x30] =	vst v2  }
0x4c8: {  	v1 =	vor.u32 v41, v1;
	v15 =	vor.u32 v10, v15;
	v11 =	vor.u32 v43, v11;
	[tilespmem:s2+$0xFFFFFF40] =	vst v4  }
0x4c9: {  	v15 =	vor.u32 v8, v15;
	v18 =	vor.u32 v18, v60;
	v7 =	vld.idx.msk [tilespmem:v7+s23+$0x0], $0xffff;
	v16 =	vadd.s32 s0, v16;
	[tilespmem:s2+$0xFFFFFFC0] =	vst v0  }
0x4ca: {  	v1 =	vor.u32 v40, v1;
	v14 =	vor.u32 v44, v18;
	v18 =	vshll.u32 v16, $0x3;
	v32 =	vld [tilespmem:$0x1FDE0]  }
0x4cb: {  	v16 =	vand.u32 $0x7F, v16;
	v18 =	vand.u32 $0x400, v18;
	v34 =	vld [tilespmem:$0x1FDC0]  }
0x4cc: {  	v33 =	vld [tilespmem:$0x1FDD0];
	v16 =	vor.u32 v18, v16  }
0x4cd: {  	v21 =	vand.u32 $0x400, v59;
	v11 =	vld.idx.msk [tilespmem:v11+s23+$0x0], $0xffff;
	v5 =	vor.u32 v10, v16  }
0x4ce: {  	v9 =	vor.u32 v10, v9;
	v6 =	vor.u32 v42, v14;
	v16 =	vor.u32 v8, v5;
	v5 =	vld.idx.msk [tilespmem:v15+s23+$0x0], $0xffff  }
0x4cf: {  	v21 =	vor.u32 v21, v57;
	v9 =	vor.u32 v8, v9;
	[tilespmem:s2+$0x40] =	vst v7;
	v8 =	vld.idx.msk [tilespmem:v1+s23+$0x0], $0xffff  }
0x4d0: {  	v30 =	vmov v37;
	v17 =	vor.u32 v41, v21;
	v14 =	vshll.u32 v51, $0x3;
	v37 =	vld [tilespmem:$0x1FD90]  }
0x4d1: {  	v29 =	vmov v36;
	v12 =	vor.u32 v40, v17;
	v14 =	vand.u32 $0x400, v14;
	v36 =	vld [tilespmem:$0x1FDA0]  }
0x4d2: {  	v17 =	vshll.u32 v47, $0x3;
	v14 =	vor.u32 v14, v53;
	v3 =	vand.u32 $0x400, v52;
	v35 =	vld [tilespmem:$0x1FDB0]  }
0x4d3: {  	v14 =	vor.u32 v44, v14;
	v2 =	vor.u32 v3, v50;
	v3 =	vand.u32 $0x400, v17;
	v21 =	vld.idx.msk [tilespmem:v6+s23+$0x0], $0xffff  }
0x4d4: {  	v31 =	vmovc v39;
	v14 =	vor.u32 v42, v14;
	v17 =	vshll.u32 v46, $0x3;
	v3 =	vor.u32 v3, v49;
	v39 =	vld [tilespmem:$0x1FD70]  }
0x4d5: {  	v17 =	vand.u32 $0x400, v17;
	v2 =	vor.u32 v41, v2;
	v3 =	vor.u32 v45, v3;
	v38 =	vld [tilespmem:$0x1FD80];
	[tilespmem:s2+$0xFFFFFFD0] =	vst v11  }
0x4d6: {  	s20 =	simm.s32 $0x0;
	v10 =	vor.u32 v17, v48;
	v17 =	vor.u32 v43, v3;
	v13 =	vld.idx.msk [tilespmem:v13+s23+$0x0], $0xffff;
	[tilespmem:s2+$0xD0] =	vst v5  }
0x4d7: {  	v4 =	vor.u32 v44, v10;
	v15 =	vor.u32 v40, v2;
	v10 =	vadd.s32 s20, v34;
	[tilespmem:s2+$0xFFFFFF50] =	vst v8;
	v9 =	vld.idx.msk [tilespmem:v9+s23+$0x0], $0xffff  }
0x4d8: {  	v18 =	vor.u32 v42, v4;
	v1 =	vadd.s32 s20, v32;
	v4 =	vand.u32 $0x7F, v10;
	v12 =	vld.idx.msk [tilespmem:v12+s23+$0x0], $0xffff  }
0x4d9: {  	v19 =	vadd.s32 s20, v37;
	v7 =	vadd.s32 s20, v36;
	v20 =	vadd.s32 s20, v35;
	[tilespmem:s2+$0x50] =	vst v21  }
0x4da: {  	s21 =	simm.s32 $0x3;
	s4 =	simm.s32 $0x1;
	s7 =	simm.s32 $0x2;
	v22 =	vadd.s32 s20, v39;
	v23 =	vadd.s32 s20, v38;
	v5 =	vshll.u32 v10, $0x3;
	v14 =	vld.idx.msk [tilespmem:v14+s23+$0x0], $0xffff  }
0x4db: {  	v46 =	vadd.s32 s21, v39;
	v47 =	vadd.s32 s4, v39;
	v27 =	vadd.s32 s7, v39;
	[tilespmem:s2+$0xFFFFFFE0] =	vst v13  }
0x4dc: {  	v53 =	vadd.s32 s21, v38;
	v62 =	vadd.s32 s21, v36;
	v6 =	vand.u32 $0x7F, v20;
	v17 =	vld.idx.msk [tilespmem:v17+s23+$0x0], $0xffff;
	[tilespmem:s2+$0xE0] =	vst v9  }
0x4dd: {  	s3 =	smul.u32 $0x1FFFFE1, s25;
	s10 =	sadd.s32 $0xFFFFFFFE, s26;
	v8 =	vand.u32 $0x7F, v7;
	v10 =	vshll.u32 v7, $0x3;
	v7 =	vshll.u32 v20, $0x3;
	[tilespmem:s2+$0xFFFFFF60] =	vst v12;
	v12 =	vld.idx.msk [tilespmem:v16+s23+$0x0], $0xffff  }
0x4de: {  	s10 =	smul.u32 s25, s10;
	v11 =	vand.u32 $0x7F, v23;
	v20 =	vand.u32 $0x7F, v19;
	v19 =	vshll.u32 v19, $0x3;
	v15 =	vld.idx.msk [tilespmem:v15+s23+$0x0], $0xffff  }
0x4df: {  	s11 =	sadd.s32 s24, s26;
	v21 =	vand.u32 $0x7F, v22;
	v22 =	vshll.u32 v22, $0x3;
	v23 =	vshll.u32 v23, $0x3;
	v55 =	vld [tilespmem:$0x1FEC0];
	[tilespmem:s2+$0x60] =	vst v14  }
0x4e0: {  	s3 =	sadd.s32 s3, s11;
	s10 =	sshrl.u32 s10, $0x1;
	v48 =	vshll.u32 v46, $0x3;
	v24 =	vand.u32 $0x7F, v46;
	v49 =	vand.u32 $0x7F, v47;
	v18 =	vld.idx.msk [tilespmem:v18+s23+$0x0], $0xffff  }
0x4e1: {  	s26 =	sadd.s32 s10, s3;
	v25 =	vshll.u32 v47, $0x3;
	v50 =	vshll.u32 v27, $0x3;
	v59 =	vshll.u32 v53, $0x3  }
0x4e2: {  	s29 =	sshll.u32 s25, $0x13;
	s10 =	sshll.u32 s26, $0xA;
	v26 =	vand.u32 $0xFFFFFC00, v48;
	v25 =	vand.u32 $0xFFFFFC00, v25;
	v51 =	vand.u32 $0xFFFFFC00, v50;
	[tilespmem:s2+$0xFFFFFFF0] =	vst v17  }
0x4e3: {  	s16 =	simm.s32 $0x10200;
	s3 =	sadd.s32 s29, s10;
	v60 =	vand.u32 $0xFFFFFC00, v59;
	v19 =	vand.u32 $0xFFFFFC00, v19;
	v10 =	vand.u32 $0xFFFFFC00, v10;
	[tilespmem:s2+$0xF0] =	vst v12  }
0x4e4: {  	p0 =	seq.s32 s22, $0x0;
	s11 =	simm.s32 $0x8000;
	s3 =	sshrl.u32 s3, $0x3;
	v7 =	vand.u32 $0xFFFFFC00, v7;
	v13 =	vor.u32 v49, v25;
	v9 =	vor.u32 v24, v26;
	[tilespmem:s2+$0xFFFFFF70] =	vst v15  }
0x4e5: {  	s30 =	sadd.s32 s18, s3;
	s3 =	simm.s32 $0x400;
	v19 =	vor.u32 v20, v19;
	v16 =	vand.u32 $0x7F, v27;
	v9 =	vadd.s32 v55, v9;
	[tilespmem:s2+$0x70] =	vst v18;
	s2 =	simm.s32 @!p0 $0x4  }
0x4e6: {  	v14 =	vand.u32 $0xFFFFFC00, v22;
	v16 =	vor.u32 v16, v51;
	v13 =	vadd.s32 v55, v13;
	v57 =	vld [tilespmem:$0x1FED0];
	[hbm4b:s30+s3] =	stream.strided.scatter [tilespmem:s16], [sflag:$0x3], $0x4000, s11, s3, $0x38  }
0x4e7: {  	v22 =	vadd.s32 s7, v38;
	v14 =	vor.u32 v21, v14;
	v16 =	vadd.s32 v55, v16;
	_ =	swait.ge @!p0 [sflag:s2], $0x4000  }
0x4e8: {  	v21 =	vadd.s32 s4, v38;
	v54 =	vand.u32 $0x7F, v22;
	v14 =	vadd.s32 v55, v14;
	[sflag:s2] =	ssyncset.done @!p0 $0x0  }
0x4e9: {  	v12 =	vand.u32 $0x7F, v21;
	v15 =	vshll.u32 v21, $0x3;
	v21 =	vand.u32 $0x7F, v53;
	[sflag:s2] =	ssyncadd.s32 @!p0 $0xFFFFC000  }
0x4ea: {  	v17 =	vshll.u32 v22, $0x3;
	v15 =	vand.u32 $0xFFFFFC00, v15;
	v21 =	vor.u32 v21, v60;
	v9 =	vld.idx.msk [tilespmem:v9+s23+$0x0], $0xffff  }
0x4eb: {  	v12 =	vor.u32 v12, v15;
	v15 =	vand.u32 $0xFFFFFC00, v17;
	v13 =	vld.idx.msk [tilespmem:v13+s23+$0x0], $0xffff;
	v17 =	vadd.s32 v57, v21  }
0x4ec: {  	v18 =	vand.u32 $0xFFFFFC00, v23;
	v23 =	vadd.s32 s7, v37;
	v16 =	vld.idx.msk [tilespmem:v16+s23+$0x0], $0xffff;
	v12 =	vadd.s32 v57, v12  }
0x4ed: {  	v11 =	vor.u32 v11, v18;
	v18 =	vadd.s32 s4, v37;
	v15 =	vor.u32 v54, v15;
	v59 =	vld [tilespmem:$0x1FEE0]  }
0x4ee: {  	s28 =	simm.s32 $0x14200;
	v61 =	vand.u32 $0x7F, v18;
	v14 =	vld.idx.msk [tilespmem:v14+s23+$0x0], $0xffff;
	v21 =	vadd.s32 s21, v37;
	v15 =	vadd.s32 v57, v15  }
0x4ef: {  	v18 =	vshll.u32 v18, $0x3;
	v11 =	vadd.s32 v57, v11;
	v22 =	vshll.u32 v21, $0x3;
	[tilespmem:s28+$0x180] =	vst v9  }
0x4f0: {  	v18 =	vand.u32 $0xFFFFFC00, v18;
	v21 =	vand.u32 $0x7F, v21;
	v22 =	vand.u32 $0xFFFFFC00, v22;
	[tilespmem:s28+$0x80] =	vst v13;
	v13 =	vld.idx.msk [tilespmem:v17+s23+$0x0], $0xffff  }
0x4f1: {  	v21 =	vor.u32 v21, v22;
	v22 =	vand.u32 $0x7F, v23;
	v23 =	vshll.u32 v23, $0x3;
	[tilespmem:s28+$0x100] =	vst v16;
	v12 =	vld.idx.msk [tilespmem:v12+s23+$0x0], $0xffff  }
0x4f2: {  	v18 =	vor.u32 v61, v18;
	v23 =	vand.u32 $0xFFFFFC00, v23;
	v21 =	vadd.s32 v59, v21;
	v61 =	vld [tilespmem:$0x1FEF0]  }
0x4f3: {  	v20 =	vshll.u32 v62, $0x3;
	v18 =	vadd.s32 v59, v18;
	v22 =	vor.u32 v22, v23;
	[tilespmem:s28+$0x0] =	vst v14;
	v14 =	vld.idx.msk [tilespmem:v15+s23+$0x0], $0xffff  }
0x4f4: {  	v8 =	vor.u32 v8, v10;
	v10 =	vadd.s32 s4, v35;
	v22 =	vadd.s32 v59, v22;
	v11 =	vld.idx.msk [tilespmem:v11+s23+$0x0], $0xffff  }
0x4f5: {  	v20 =	vand.u32 $0xFFFFFC00, v20;
	v24 =	vand.u32 $0x7F, v62;
	v23 =	vadd.s32 s4, v36  }
0x4f6: {  	v20 =	vor.u32 v24, v20;
	v17 =	vadd.s32 v59, v19;
	v63 =	vshll.u32 v23, $0x3;
	[tilespmem:s28+$0x190] =	vst v13  }
0x4f7: {  	v9 =	vadd.s32 s7, v36;
	v23 =	vand.u32 $0x7F, v23;
	v24 =	vand.u32 $0xFFFFFC00, v63;
	[tilespmem:s28+$0x90] =	vst v12;
	v12 =	vld.idx.msk [tilespmem:v21+s23+$0x0], $0xffff  }
0x4f8: {  	v6 =	vor.u32 v6, v7;
	v19 =	vor.u32 v23, v24;
	v23 =	vshll.u32 v9, $0x3;
	[tilespmem:s28+$0x110] =	vst v14;
	v18 =	vld.idx.msk [tilespmem:v18+s23+$0x0], $0xffff  }
0x4f9: {  	v7 =	vadd.s32 s4, v34;
	v9 =	vand.u32 $0x7F, v9;
	v16 =	vand.u32 $0xFFFFFC00, v23;
	[tilespmem:s28+$0x10] =	vst v11;
	v11 =	vld.idx.msk [tilespmem:v22+s23+$0x0], $0xffff  }
0x4fa: {  	v20 =	vadd.s32 v61, v20;
	v9 =	vor.u32 v9, v16;
	v16 =	vadd.s32 s21, v35;
	v63 =	vld [tilespmem:$0x1FF00]  }
0x4fb: {  	v15 =	vadd.s32 v61, v19;
	v13 =	vadd.s32 s7, v35;
	v19 =	vshll.u32 v16, $0x3;
	v17 =	vld.idx.msk [tilespmem:v17+s23+$0x0], $0xffff  }
0x4fc: {  	v9 =	vadd.s32 v61, v9;
	v16 =	vand.u32 $0x7F, v16;
	v19 =	vand.u32 $0xFFFFFC00, v19  }
0x4fd: {  	v16 =	vor.u32 v16, v19;
	v19 =	vand.u32 $0x7F, v10;
	v10 =	vshll.u32 v10, $0x3;
	[tilespmem:s28+$0x1A0] =	vst v12  }
0x4fe: {  	v8 =	vadd.s32 v61, v8;
	v14 =	vand.u32 $0x7F, v13;
	v10 =	vand.u32 $0xFFFFFC00, v10;
	[tilespmem:s28+$0xA0] =	vst v18  }
0x4ff: {  	v10 =	vor.u32 v19, v10;
	v19 =	vand.u32 $0x7F, v7;
	v7 =	vshll.u32 v7, $0x3;
	[tilespmem:s28+$0x120] =	vst v11;
	v18 =	vld.idx.msk [tilespmem:v20+s23+$0x0], $0xffff  }
0x500: {  	v13 =	vshll.u32 v13, $0x3;
	v7 =	vand.u32 $0xFFFFFC00, v7;
	v16 =	vadd.s32 v63, v16;
	v11 =	vld.idx.msk [tilespmem:v15+s23+$0x0], $0xffff;
	[tilespmem:s28+$0x20] =	vst v17  }
0x501: {  	v13 =	vand.u32 $0xFFFFFC00, v13;
	v10 =	vadd.s32 v63, v10;
	v7 =	vor.u32 v19, v7;
	v19 =	vld [tilespmem:$0x1FF20]  }
0x502: {  	v3 =	vadd.s32 s20, v33;
	v13 =	vor.u32 v14, v13;
	v14 =	vadd.s32 s21, v34;
	v9 =	vld.idx.msk [tilespmem:v9+s23+$0x0], $0xffff  }
0x503: {  	v0 =	vand.u32 $0x7F, v1;
	v21 =	vshll.u32 v14, $0x3;
	v13 =	vadd.s32 v63, v13;
	v8 =	vld.idx.msk [tilespmem:v8+s23+$0x0], $0xffff  }
0x504: {  	v14 =	vand.u32 $0x7F, v14;
	v6 =	vadd.s32 v63, v6;
	v15 =	vand.u32 $0xFFFFFC00, v21;
	[tilespmem:s28+$0x1B0] =	vst v18  }
0x505: {  	v2 =	vand.u32 $0x7F, v3;
	v3 =	vshll.u32 v3, $0x3;
	v14 =	vor.u32 v14, v15;
	[tilespmem:s28+$0xB0] =	vst v11;
	v11 =	vld.idx.msk [tilespmem:v16+s23+$0x0], $0xffff  }
0x506: {  	v1 =	vshll.u32 v1, $0x3;
	v12 =	vadd.s32 s7, v34;
	v14 =	vadd.s32 v19, v14;
	v10 =	vld.idx.msk [tilespmem:v10+s23+$0x0], $0xffff  }
0x507: {  	v3 =	vand.u32 $0xFFFFFC00, v3;
	v20 =	vand.u32 $0x7F, v12;
	v12 =	vshll.u32 v12, $0x3;
	[tilespmem:s28+$0x130] =	vst v9  }
0x508: {  	v1 =	vand.u32 $0xFFFFFC00, v1;
	v12 =	vand.u32 $0xFFFFFC00, v12;
	v16 =	vadd.s32 s21, v33;
	[tilespmem:s28+$0x30] =	vst v8;
	v8 =	vld.idx.msk [tilespmem:v13+s23+$0x0], $0xffff  }
0x509: {  	v2 =	vor.u32 v2, v3;
	v12 =	vor.u32 v20, v12;
	v18 =	vshll.u32 v16, $0x3;
	v6 =	vld.idx.msk [tilespmem:v6+s23+$0x0], $0xffff  }
0x50a: {  	v7 =	vadd.s32 v19, v7;
	v13 =	vand.u32 $0x7F, v16;
	v16 =	vand.u32 $0xFFFFFC00, v18;
	v18 =	vld [tilespmem:$0x1FF40];
	[tilespmem:s28+$0x1C0] =	vst v11  }
0x50b: {  	v0 =	vor.u32 v0, v1;
	v5 =	vand.u32 $0xFFFFFC00, v5;
	v12 =	vadd.s32 v19, v12;
	[tilespmem:s28+$0xC0] =	vst v10;
	v10 =	vld.idx.msk [tilespmem:v14+s23+$0x0], $0xffff  }
0x50c: {  	v4 =	vor.u32 v4, v5;
	v5 =	vadd.s32 s4, v33;
	v15 =	vadd.s32 s7, v33  }
0x50d: {  	v9 =	vand.u32 $0x7F, v5;
	v5 =	vshll.u32 v5, $0x3;
	v4 =	vadd.s32 v19, v4  }
0x50e: {  	v17 =	vand.u32 $0x7F, v15;
	v15 =	vshll.u32 v15, $0x3;
	v5 =	vand.u32 $0xFFFFFC00, v5;
	[tilespmem:s28+$0x140] =	vst v8  }
0x50f: {  	v5 =	vor.u32 v9, v5;
	v9 =	vand.u32 $0xFFFFFC00, v15;
	v13 =	vor.u32 v13, v16;
	v7 =	vld.idx.msk [tilespmem:v7+s23+$0x0], $0xffff;
	[tilespmem:s28+$0x40] =	vst v6  }
0x510: {  	s31 =	simm.s32 $0x4;
	v3 =	vadd.s32 s4, v32;
	v9 =	vor.u32 v17, v9;
	v6 =	vld.idx.msk [tilespmem:v12+s23+$0x0], $0xffff;
	v13 =	vadd.s32 v18, v13;
	[tilespmem:s28+$0x1D0] =	vst v10  }
0x511: {  	v17 =	vadd.s32 s31, v38;
	v8 =	vadd.s32 s7, v32;
	v5 =	vadd.s32 v18, v5;
	v20 =	vld [tilespmem:$0x1FF60]  }
0x512: {  	v11 =	vadd.s32 s21, v32;
	v12 =	vand.u32 $0x7F, v3;
	v9 =	vadd.s32 v18, v9;
	v4 =	vld.idx.msk [tilespmem:v4+s23+$0x0], $0xffff  }
0x513: {  	v14 =	vand.u32 $0x7F, v8;
	v15 =	vshll.u32 v11, $0x3;
	v2 =	vadd.s32 v18, v2  }
0x514: {  	v3 =	vshll.u32 v3, $0x3;
	v11 =	vand.u32 $0x7F, v11;
	v15 =	vand.u32 $0xFFFFFC00, v15  }
0x515: {  	v8 =	vshll.u32 v8, $0x3;
	v3 =	vand.u32 $0xFFFFFC00, v3;
	v11 =	vor.u32 v11, v15;
	[tilespmem:s28+$0xD0] =	vst v7;
	v7 =	vld.idx.msk [tilespmem:v13+s23+$0x0], $0xffff  }
0x516: {  	v8 =	vand.u32 $0xFFFFFC00, v8;
	v3 =	vor.u32 v12, v3;
	[tilespmem:s28+$0x150] =	vst v6;
	v5 =	vld.idx.msk [tilespmem:v5+s23+$0x0], $0xffff;
	v10 =	vadd.s32 v20, v11  }
0x517: {  	v8 =	vor.u32 v14, v8;
	v12 =	vadd.s32 s31, v37;
	[tilespmem:s28+$0x50] =	vst v4;
	v1 =	vld.idx.msk [tilespmem:v9+s23+$0x0], $0xffff;
	v3 =	vadd.s32 v20, v3  }
0x518: {  	v14 =	vadd.s32 s31, v35;
	v15 =	vadd.s32 s31, v39;
	v2 =	vld.idx.msk [tilespmem:v2+s23+$0x0], $0xffff;
	v8 =	vadd.s32 v20, v8  }
0x519: {  	v16 =	vshll.u32 v15, $0x3;
	v6 =	vadd.s32 s31, v32;
	v11 =	vadd.s32 v20, v0  }
0x51a: {  	v4 =	vadd.s32 s31, v33;
	v13 =	vadd.s32 s31, v36;
	v9 =	vadd.s32 s31, v34;
	[tilespmem:s28+$0x1E0] =	vst v7  }
0x51b: {  	v40 =	vand.u32 $0x7F, v6;
	v42 =	vand.u32 $0x7F, v4;
	v43 =	vshll.u32 v4, $0x3;
	[tilespmem:s28+$0xE0] =	vst v5;
	v4 =	vld.idx.msk [tilespmem:v10+s23+$0x0], $0xffff  }
0x51c: {  	v41 =	vshll.u32 v6, $0x3;
	v6 =	vand.u32 $0x7F, v13;
	v23 =	vshll.u32 v13, $0x3;
	[tilespmem:s28+$0x160] =	vst v1;
	v5 =	vld.idx.msk [tilespmem:v3+s23+$0x0], $0xffff  }
0x51d: {  	v44 =	vand.u32 $0x7F, v9;
	v45 =	vshll.u32 v9, $0x3;
	v0 =	vand.u32 $0x7F, v14;
	[tilespmem:s28+$0x60] =	vst v2;
	v3 =	vld.idx.msk [tilespmem:v8+s23+$0x0], $0xffff  }
0x51e: {  	s10 =	smov.u32 s18;
	s0 =	simm.s32 $0x6;
	v1 =	vshll.u32 v14, $0x3;
	v2 =	vand.u32 $0x7F, v12;
	v14 =	vand.u32 $0x7F, v15;
	v7 =	vld.idx.msk [tilespmem:v11+s23+$0x0], $0xffff  }
0x51f: {  	s2 =	simm.s32 $0x7;
	s4 =	simm.s32 $0x8;
	s7 =	simm.s32 $0x5;
	v10 =	vand.u32 $0x7F, v17;
	v8 =	vshll.u32 v12, $0x3;
	v12 =	vshll.u32 v17, $0x3  }
.LBB2_13:
0x520: {  	p0 =	slt.u32 s4, $0x7C;
	v9 =	vadd.s32 s7, v39;
	v11 =	vadd.s32 s0, v39;
	v13 =	vadd.s32 s2, v39;
	[tilespmem:s28+$0x1F0] =	vst v4  }
0x521: {  	v4 =	vand.u32 $0x7F, v9;
	v15 =	vand.u32 $0x7F, v11;
	v17 =	vshll.u32 v13, $0x3;
	[tilespmem:s28+$0xF0] =	vst v5  }
0x522: {  	v5 =	vshll.u32 v9, $0x3;
	v9 =	vand.u32 $0x7F, v13;
	v13 =	vand.u32 $0xFFFFFC00, v17;
	[tilespmem:s28+$0x170] =	vst v3  }
0x523: {  	v3 =	vand.u32 $0xFFFFFC00, v5;
	v5 =	vshll.u32 v11, $0x3;
	v9 =	vor.u32 v9, v13;
	[tilespmem:s28+$0x70] =	vst v7  }
0x524: {  	v3 =	vor.u32 v4, v3;
	v4 =	vand.u32 $0xFFFFFC00, v5;
	v5 =	vadd.s32 v55, v9  }
0x525: {  	v7 =	vand.u32 $0xFFFFFC00, v16;
	v3 =	vadd.s32 v55, v3;
	v4 =	vor.u32 v15, v4  }
0x526: {  	v7 =	vor.u32 v14, v7;
	v9 =	vadd.s32 s7, v38;
	v4 =	vadd.s32 v55, v4  }
0x527: {  	v11 =	vadd.s32 s0, v38;
	v13 =	vadd.s32 s2, v38;
	v7 =	vadd.s32 v55, v7  }
0x528: {  	v15 =	vand.u32 $0x7F, v11;
	v16 =	vshll.u32 v13, $0x3;
	v14 =	vand.u32 $0x7F, v9  }
0x529: {  	v13 =	vand.u32 $0x7F, v13;
	v9 =	vshll.u32 v9, $0x3;
	v16 =	vand.u32 $0xFFFFFC00, v16;
	v5 =	vld.idx.msk [tilespmem:v5+s23+$0x0], $0xffff  }
0x52a: {  	v11 =	vshll.u32 v11, $0x3;
	v9 =	vand.u32 $0xFFFFFC00, v9;
	v13 =	vor.u32 v13, v16;
	v3 =	vld.idx.msk [tilespmem:v3+s23+$0x0], $0xffff  }
0x52b: {  	v11 =	vand.u32 $0xFFFFFC00, v11;
	v9 =	vor.u32 v14, v9;
	v13 =	vadd.s32 v57, v13;
	v4 =	vld.idx.msk [tilespmem:v4+s23+$0x0], $0xffff  }
0x52c: {  	v12 =	vand.u32 $0xFFFFFC00, v12;
	v11 =	vor.u32 v15, v11;
	v9 =	vadd.s32 v57, v9;
	v7 =	vld.idx.msk [tilespmem:v7+s23+$0x0], $0xffff  }
0x52d: {  	v10 =	vor.u32 v10, v12;
	v12 =	vadd.s32 s7, v37;
	v11 =	vadd.s32 v57, v11  }
0x52e: {  	v10 =	vadd.s32 v57, v10;
	s28 =	sadd.s32 $0x200, s28;
	v15 =	vadd.s32 s2, v37;
	v14 =	vadd.s32 s0, v37  }
0x52f: {  	v16 =	vand.u32 $0x7F, v12;
	v17 =	vand.u32 $0x7F, v14;
	[tilespmem:s28+$0x180] =	vst v5;
	v5 =	vshll.u32 v15, $0x3  }
0x530: {  	[tilespmem:s28+$0x80] =	vst v3;
	v3 =	vshll.u32 v12, $0x3;
	v12 =	vld.idx.msk [tilespmem:v13+s23+$0x0], $0xffff;
	v13 =	vand.u32 $0x7F, v15;
	v5 =	vand.u32 $0xFFFFFC00, v5  }
0x531: {  	v9 =	vld.idx.msk [tilespmem:v9+s23+$0x0], $0xffff;
	v3 =	vand.u32 $0xFFFFFC00, v3;
	[tilespmem:s28+$0x100] =	vst v4;
	v4 =	vshll.u32 v14, $0x3;
	v5 =	vor.u32 v13, v5  }
0x532: {  	[tilespmem:s28+$0x0] =	vst v7;
	v3 =	vor.u32 v16, v3;
	v7 =	vld.idx.msk [tilespmem:v11+s23+$0x0], $0xffff;
	v4 =	vand.u32 $0xFFFFFC00, v4;
	v5 =	vadd.s32 v59, v5  }
0x533: {  	v8 =	vand.u32 $0xFFFFFC00, v8;
	v10 =	vld.idx.msk [tilespmem:v10+s23+$0x0], $0xffff;
	v3 =	vadd.s32 v59, v3;
	v4 =	vor.u32 v17, v4  }
0x534: {  	v2 =	vor.u32 v2, v8;
	v8 =	vadd.s32 s7, v36;
	v4 =	vadd.s32 v59, v4  }
0x535: {  	v2 =	vadd.s32 v59, v2;
	v13 =	vadd.s32 s2, v36;
	v11 =	vadd.s32 s0, v36  }
0x536: {  	v14 =	vand.u32 $0x7F, v8;
	v15 =	vand.u32 $0x7F, v11;
	[tilespmem:s28+$0x190] =	vst v12;
	v12 =	vshll.u32 v13, $0x3  }
0x537: {  	v8 =	vshll.u32 v8, $0x3;
	[tilespmem:s28+$0x90] =	vst v9;
	v5 =	vld.idx.msk [tilespmem:v5+s23+$0x0], $0xffff;
	v9 =	vand.u32 $0x7F, v13;
	v12 =	vand.u32 $0xFFFFFC00, v12  }
0x538: {  	v8 =	vand.u32 $0xFFFFFC00, v8;
	v3 =	vld.idx.msk [tilespmem:v3+s23+$0x0], $0xffff;
	[tilespmem:s28+$0x110] =	vst v7;
	v7 =	vshll.u32 v11, $0x3;
	v9 =	vor.u32 v9, v12  }
0x539: {  	v8 =	vor.u32 v14, v8;
	[tilespmem:s28+$0x10] =	vst v10;
	v4 =	vld.idx.msk [tilespmem:v4+s23+$0x0], $0xffff;
	v7 =	vand.u32 $0xFFFFFC00, v7;
	v9 =	vadd.s32 v61, v9  }
0x53a: {  	v8 =	vadd.s32 v61, v8;
	v10 =	vand.u32 $0xFFFFFC00, v23;
	v2 =	vld.idx.msk [tilespmem:v2+s23+$0x0], $0xffff;
	v7 =	vor.u32 v15, v7  }
0x53b: {  	v6 =	vor.u32 v6, v10;
	v10 =	vadd.s32 s7, v35;
	v7 =	vadd.s32 v61, v7  }
0x53c: {  	v11 =	vadd.s32 s0, v35;
	v12 =	vadd.s32 s2, v35;
	v6 =	vadd.s32 v61, v6  }
0x53d: {  	v14 =	vand.u32 $0x7F, v11;
	v13 =	vand.u32 $0x7F, v10;
	[tilespmem:s28+$0x1A0] =	vst v5;
	v5 =	vshll.u32 v12, $0x3  }
0x53e: {  	[tilespmem:s28+$0xA0] =	vst v3;
	v3 =	vshll.u32 v10, $0x3;
	v9 =	vld.idx.msk [tilespmem:v9+s23+$0x0], $0xffff;
	v10 =	vand.u32 $0x7F, v12;
	v5 =	vand.u32 $0xFFFFFC00, v5  }
0x53f: {  	v8 =	vld.idx.msk [tilespmem:v8+s23+$0x0], $0xffff;
	v3 =	vand.u32 $0xFFFFFC00, v3;
	[tilespmem:s28+$0x120] =	vst v4;
	v4 =	vshll.u32 v11, $0x3;
	v5 =	vor.u32 v10, v5  }
0x540: {  	[tilespmem:s28+$0x20] =	vst v2;
	v2 =	vor.u32 v13, v3;
	v3 =	vld.idx.msk [tilespmem:v7+s23+$0x0], $0xffff;
	v4 =	vand.u32 $0xFFFFFC00, v4;
	v5 =	vadd.s32 v63, v5  }
0x541: {  	v1 =	vand.u32 $0xFFFFFC00, v1;
	v6 =	vld.idx.msk [tilespmem:v6+s23+$0x0], $0xffff;
	v2 =	vadd.s32 v63, v2;
	v4 =	vor.u32 v14, v4  }
0x542: {  	v0 =	vor.u32 v0, v1;
	v1 =	vadd.s32 s7, v34;
	v4 =	vadd.s32 v63, v4  }
0x543: {  	v0 =	vadd.s32 v63, v0;
	v10 =	vadd.s32 s2, v34;
	v7 =	vadd.s32 s0, v34  }
0x544: {  	v11 =	vand.u32 $0x7F, v1;
	v12 =	vand.u32 $0x7F, v7;
	[tilespmem:s28+$0x1B0] =	vst v9;
	v9 =	vshll.u32 v10, $0x3  }
0x545: {  	v1 =	vshll.u32 v1, $0x3;
	[tilespmem:s28+$0xB0] =	vst v8;
	v5 =	vld.idx.msk [tilespmem:v5+s23+$0x0], $0xffff;
	v8 =	vand.u32 $0x7F, v10;
	v9 =	vand.u32 $0xFFFFFC00, v9  }
0x546: {  	v1 =	vand.u32 $0xFFFFFC00, v1;
	v2 =	vld.idx.msk [tilespmem:v2+s23+$0x0], $0xffff;
	[tilespmem:s28+$0x130] =	vst v3;
	v3 =	vshll.u32 v7, $0x3;
	v7 =	vor.u32 v8, v9  }
0x547: {  	v1 =	vor.u32 v11, v1;
	[tilespmem:s28+$0x30] =	vst v6;
	v4 =	vld.idx.msk [tilespmem:v4+s23+$0x0], $0xffff;
	v3 =	vand.u32 $0xFFFFFC00, v3;
	v6 =	vadd.s32 v19, v7  }
0x548: {  	v1 =	vadd.s32 v19, v1;
	v7 =	vand.u32 $0xFFFFFC00, v45;
	v0 =	vld.idx.msk [tilespmem:v0+s23+$0x0], $0xffff;
	v3 =	vor.u32 v12, v3  }
0x549: {  	v8 =	vadd.s32 s7, v33;
	v7 =	vor.u32 v44, v7;
	v3 =	vadd.s32 v19, v3  }
0x54a: {  	v10 =	vadd.s32 s2, v33;
	v9 =	vadd.s32 s0, v33;
	v7 =	vadd.s32 v19, v7  }
0x54b: {  	v11 =	vand.u32 $0x7F, v8;
	v12 =	vand.u32 $0x7F, v9;
	[tilespmem:s28+$0x1C0] =	vst v5;
	v5 =	vshll.u32 v10, $0x3  }
0x54c: {  	[tilespmem:s28+$0xC0] =	vst v2;
	v2 =	vshll.u32 v8, $0x3;
	v6 =	vld.idx.msk [tilespmem:v6+s23+$0x0], $0xffff;
	v8 =	vand.u32 $0x7F, v10;
	v5 =	vand.u32 $0xFFFFFC00, v5  }
0x54d: {  	v1 =	vld.idx.msk [tilespmem:v1+s23+$0x0], $0xffff;
	v2 =	vand.u32 $0xFFFFFC00, v2;
	[tilespmem:s28+$0x140] =	vst v4;
	v4 =	vshll.u32 v9, $0x3;
	v5 =	vor.u32 v8, v5  }
0x54e: {  	[tilespmem:s28+$0x40] =	vst v0;
	v0 =	vor.u32 v11, v2;
	v2 =	vld.idx.msk [tilespmem:v3+s23+$0x0], $0xffff;
	v3 =	vand.u32 $0xFFFFFC00, v4;
	v4 =	vadd.s32 v18, v5  }
0x54f: {  	v5 =	vld.idx.msk [tilespmem:v7+s23+$0x0], $0xffff;
	v7 =	vand.u32 $0xFFFFFC00, v43;
	v0 =	vadd.s32 v18, v0;
	v3 =	vor.u32 v12, v3  }
0x550: {  	v8 =	vadd.s32 s7, v32;
	v7 =	vor.u32 v42, v7;
	v3 =	vadd.s32 v18, v3  }
0x551: {  	v10 =	vadd.s32 s2, v32;
	v9 =	vadd.s32 s0, v32;
	v7 =	vadd.s32 v18, v7  }
0x552: {  	v11 =	vand.u32 $0x7F, v8;
	v12 =	vand.u32 $0x7F, v9;
	[tilespmem:s28+$0x1D0] =	vst v6;
	v6 =	vshll.u32 v10, $0x3  }
0x553: {  	[tilespmem:s28+$0xD0] =	vst v1;
	v1 =	vshll.u32 v8, $0x3;
	v4 =	vld.idx.msk [tilespmem:v4+s23+$0x0], $0xffff;
	v8 =	vand.u32 $0x7F, v10;
	v6 =	vand.u32 $0xFFFFFC00, v6  }
0x554: {  	v0 =	vld.idx.msk [tilespmem:v0+s23+$0x0], $0xffff;
	v1 =	vand.u32 $0xFFFFFC00, v1;
	[tilespmem:s28+$0x150] =	vst v2;
	v2 =	vshll.u32 v9, $0x3;
	v6 =	vor.u32 v8, v6  }
0x555: {  	[tilespmem:s28+$0x50] =	vst v5;
	v1 =	vor.u32 v11, v1;
	v3 =	vld.idx.msk [tilespmem:v3+s23+$0x0], $0xffff;
	v2 =	vand.u32 $0xFFFFFC00, v2;
	v5 =	vadd.s32 v20, v6  }
0x556: {  	v6 =	vld.idx.msk [tilespmem:v7+s23+$0x0], $0xffff;
	v7 =	vand.u32 $0xFFFFFC00, v41;
	v1 =	vadd.s32 v20, v1;
	v2 =	vor.u32 v12, v2  }
0x557: {  	v8 =	vadd.s32 s4, v32;
	v7 =	vor.u32 v40, v7;
	v2 =	vadd.s32 v20, v2  }
0x558: {  	v10 =	vadd.s32 s4, v33;
	v9 =	vadd.s32 s4, v34;
	v7 =	vadd.s32 v20, v7  }
0x559: {  	v13 =	vadd.s32 s4, v35;
	v11 =	vadd.s32 s4, v37;
	v12 =	vadd.s32 s4, v36;
	[tilespmem:s28+$0x1E0] =	vst v4  }
0x55a: {  	v17 =	vadd.s32 s4, v38;
	v15 =	vadd.s32 s4, v39;
	v40 =	vand.u32 $0x7F, v8;
	[tilespmem:s28+$0xE0] =	vst v0;
	v4 =	vld.idx.msk [tilespmem:v5+s23+$0x0], $0xffff  }
.Ltmp7:
0x55b: {  	v42 =	vand.u32 $0x7F, v10;
	v43 =	vshll.u32 v10, $0x3;
	v41 =	vshll.u32 v8, $0x3;
	v5 =	vld.idx.msk [tilespmem:v1+s23+$0x0], $0xffff;
	[tilespmem:s28+$0x160] =	vst v3;
	(pc) =	sbr.rel @p0 .LBB2_13-.Ltmp7, $4  }
0x55c: {  	v44 =	vand.u32 $0x7F, v9;
	v45 =	vshll.u32 v9, $0x3;
	v0 =	vand.u32 $0x7F, v13;
	[tilespmem:s28+$0x60] =	vst v6;
	v3 =	vld.idx.msk [tilespmem:v2+s23+$0x0], $0xffff  }
0x55d: {  	v23 =	vshll.u32 v12, $0x3;
	v1 =	vshll.u32 v13, $0x3;
	v6 =	vand.u32 $0x7F, v12;
	v7 =	vld.idx.msk [tilespmem:v7+s23+$0x0], $0xffff  }
0x55e: {  	s7 =	sadd.s32 $0x1, s4;
	v10 =	vand.u32 $0x7F, v17;
	v8 =	vshll.u32 v11, $0x3;
	v2 =	vand.u32 $0x7F, v11  }
0x55f: {  	v16 =	vshll.u32 v15, $0x3;
	v14 =	vand.u32 $0x7F, v15;
	s2 =	sadd.s32 $0x3, s4;
	s0 =	sadd.s32 $0x2, s4;
	s4 =	sadd.s32 $0x4, s4;
	v12 =	vshll.u32 v17, $0x3  }
0x560: {  	v9 =	vadd.s32 s7, v39;
	v11 =	vadd.s32 s0, v39;
	v13 =	vadd.s32 s2, v39  }
0x561: {  	v58 =	vand.u32 $0xFFFFFC00, v16;
	v60 =	vadd.s32 s7, v38;
	v62 =	vadd.s32 s0, v38  }
0x562: {  	v38 =	vadd.s32 s2, v38;
	v12 =	vand.u32 $0xFFFFFC00, v12;
	v46 =	vadd.s32 s7, v37  }
0x563: {  	v47 =	vadd.s32 s2, v37;
	v21 =	vadd.s32 s7, v36;
	v22 =	vadd.s32 s7, v35  }
0x564: {  	v24 =	vadd.s32 s7, v34;
	v25 =	vadd.s32 s7, v33;
	v51 =	vadd.s32 s0, v37  }
0x565: {  	v8 =	vand.u32 $0xFFFFFC00, v8;
	v1 =	vand.u32 $0xFFFFFC00, v1;
	v18 =	vshll.u32 v13, $0x3  }
0x566: {  	v15 =	vand.u32 $0x7F, v9;
	v13 =	vand.u32 $0x7F, v13;
	v18 =	vand.u32 $0xFFFFFC00, v18  }
0x567: {  	v17 =	vand.u32 $0x7F, v11;
	v9 =	vshll.u32 v9, $0x3;
	v13 =	vor.u32 v13, v18  }
0x568: {  	v11 =	vshll.u32 v11, $0x3;
	v14 =	vor.u32 v14, v58;
	v13 =	vadd.s32 v55, v13  }
0x569: {  	v39 =	vand.u32 $0x7F, v60;
	v19 =	vand.u32 $0x7F, v62;
	v9 =	vand.u32 $0xFFFFFC00, v9  }
0x56a: {  	v20 =	vshll.u32 v38, $0x3;
	v16 =	vshll.u32 v62, $0x3;
	v9 =	vor.u32 v15, v9  }
0x56b: {  	v11 =	vand.u32 $0xFFFFFC00, v11;
	v14 =	vadd.s32 v55, v14;
	v9 =	vadd.s32 v55, v9  }
0x56c: {  	v20 =	vand.u32 $0xFFFFFC00, v20;
	v11 =	vor.u32 v17, v11;
	v17 =	vand.u32 $0x7F, v38  }
0x56d: {  	v12 =	vor.u32 v10, v12;
	v11 =	vadd.s32 v55, v11;
	v17 =	vor.u32 v17, v20;
	v13 =	vld.idx.msk [tilespmem:v13+s23+$0x0], $0xffff  }
0x56e: {  	v48 =	vshll.u32 v47, $0x3;
	v15 =	vshll.u32 v60, $0x3;
	v17 =	vadd.s32 v57, v17  }
0x56f: {  	v10 =	vadd.s32 s7, v32;
	v50 =	vshll.u32 v46, $0x3;
	v15 =	vand.u32 $0xFFFFFC00, v15  }
0x570: {  	v53 =	vand.u32 $0x7F, v51;
	v2 =	vor.u32 v2, v8;
	v15 =	vor.u32 v39, v15;
	v9 =	vld.idx.msk [tilespmem:v9+s23+$0x0], $0xffff  }
0x571: {  	s4 =	sadd.s32 $0x200, s28;
	v58 =	vadd.s32 s2, v36;
	v16 =	vand.u32 $0xFFFFFC00, v16;
	v15 =	vadd.s32 v57, v15;
	v14 =	vld.idx.msk [tilespmem:v14+s23+$0x0], $0xffff  }
0x572: {  	v62 =	vand.u32 $0x7F, v21;
	v12 =	vadd.s32 v57, v12;
	v16 =	vor.u32 v19, v16;
	v11 =	vld.idx.msk [tilespmem:v11+s23+$0x0], $0xffff;
	[tilespmem:s4+$0x180] =	vst v13  }
0x573: {  	v37 =	vshll.u32 v21, $0x3;
	v0 =	vor.u32 v0, v1;
	v16 =	vadd.s32 v57, v16;
	v17 =	vld.idx.msk [tilespmem:v17+s23+$0x0], $0xffff  }
0x574: {  	v2 =	vadd.s32 v59, v2;
	v19 =	vand.u32 $0x7F, v47;
	v20 =	vand.u32 $0xFFFFFC00, v48  }
0x575: {  	v0 =	vadd.s32 v63, v0;
	v18 =	vand.u32 $0x7F, v46;
	v49 =	vor.u32 v19, v20;
	[tilespmem:s4+$0x80] =	vst v9  }
0x576: {  	v19 =	vand.u32 $0xFFFFFC00, v50;
	[tilespmem:s4+$0x0] =	vst v14;
	v9 =	vshll.u32 v51, $0x3;
	v13 =	vadd.s32 v59, v49;
	v15 =	vld.idx.msk [tilespmem:v15+s23+$0x0], $0xffff  }
0x577: {  	v60 =	vadd.s32 s0, v36;
	v52 =	vor.u32 v18, v19;
	v56 =	vld.idx.msk [tilespmem:v12+s23+$0x0], $0xffff;
	[tilespmem:s4+$0x100] =	vst v11;
	v9 =	vand.u32 $0xFFFFFC00, v9  }
0x578: {  	v36 =	vshll.u32 v58, $0x3;
	v11 =	vadd.s32 v59, v52;
	v54 =	vld.idx.msk [tilespmem:v16+s23+$0x0], $0xffff;
	v9 =	vor.u32 v53, v9;
	[tilespmem:s4+$0x190] =	vst v17  }
0x579: {  	v38 =	vand.u32 $0xFFFFFC00, v37;
	v46 =	vand.u32 $0x7F, v60;
	v9 =	vadd.s32 v59, v9;
	v21 =	vld [tilespmem:$0x1FF60]  }
0x57a: {  	v39 =	vshll.u32 v60, $0x3;
	v50 =	vand.u32 $0xFFFFFC00, v23;
	v60 =	vshll.u32 v22, $0x3;
	v20 =	vld [tilespmem:$0x1FF40]  }
0x57b: {  	v19 =	vand.u32 $0xFFFFFC00, v36;
	v6 =	vor.u32 v6, v50;
	v12 =	vand.u32 $0x7F, v58;
	[tilespmem:s4+$0x90] =	vst v15;
	v13 =	vld.idx.msk [tilespmem:v13+s23+$0x0], $0xffff  }
0x57c: {  	v47 =	vand.u32 $0xFFFFFC00, v39;
	v6 =	vadd.s32 v61, v6;
	v12 =	vor.u32 v12, v19;
	v19 =	vld [tilespmem:$0x1FF20]  }
0x57d: {  	v39 =	vadd.s32 s0, v34;
	v49 =	vadd.s32 v61, v12;
	v15 =	vor.u32 v62, v38;
	[tilespmem:s4+$0x110] =	vst v54;
	v11 =	vld.idx.msk [tilespmem:v11+s23+$0x0], $0xffff  }
0x57e: {  	v50 =	vshll.u32 v24, $0x3;
	v14 =	vor.u32 v46, v47;
	[tilespmem:s4+$0x10] =	vst v56;
	v15 =	vadd.s32 v61, v15;
	v48 =	vld.idx.msk [tilespmem:v9+s23+$0x0], $0xffff  }
0x57f: {  	v46 =	vadd.s32 s2, v34;
	v51 =	vadd.s32 v61, v14;
	v53 =	vadd.s32 s2, v35;
	v2 =	vld.idx.msk [tilespmem:v2+s23+$0x0], $0xffff  }
0x580: {  	v52 =	vadd.s32 s0, v35;
	v58 =	vshll.u32 v53, $0x3;
	v16 =	vand.u32 $0x7F, v53  }
0x581: {  	v62 =	vshll.u32 v52, $0x3;
	v54 =	vand.u32 $0x7F, v22;
	[tilespmem:s4+$0x1A0] =	vst v13;
	v13 =	vand.u32 $0xFFFFFC00, v58  }
0x582: {  	v56 =	vand.u32 $0x7F, v52;
	[tilespmem:s4+$0xA0] =	vst v11;
	v9 =	vld.idx.msk [tilespmem:v49+s23+$0x0], $0xffff;
	v11 =	vand.u32 $0xFFFFFC00, v60;
	v13 =	vor.u32 v16, v13  }
0x583: {  	v8 =	vand.u32 $0xFFFFFC00, v62;
	[tilespmem:s4+$0x120] =	vst v48;
	v22 =	vld.idx.msk [tilespmem:v15+s23+$0x0], $0xffff;
	v23 =	vor.u32 v54, v11;
	v36 =	vadd.s32 v63, v13  }
0x584: {  	v47 =	vand.u32 $0x7F, v24;
	v8 =	vor.u32 v56, v8;
	[tilespmem:s4+$0x20] =	vst v2;
	v35 =	vld.idx.msk [tilespmem:v51+s23+$0x0], $0xffff;
	v2 =	vadd.s32 v63, v23  }
0x585: {  	v62 =	vand.u32 $0x7F, v25;
	v56 =	vand.u32 $0xFFFFFC00, v45;
	v38 =	vadd.s32 v63, v8;
	v37 =	vld.idx.msk [tilespmem:v6+s23+$0x0], $0xffff  }
0x586: {  	v45 =	vand.u32 $0x7F, v10;
	v8 =	vshll.u32 v39, $0x3;
	v49 =	vshll.u32 v46, $0x3  }
0x587: {  	v53 =	vand.u32 $0xFFFFFC00, v8;
	v13 =	vand.u32 $0x7F, v46;
	[tilespmem:s4+$0x1B0] =	vst v9;
	v9 =	vand.u32 $0xFFFFFC00, v49  }
0x588: {  	v58 =	vadd.s32 s0, v33;
	v51 =	vand.u32 $0xFFFFFC00, v50;
	[tilespmem:s4+$0xB0] =	vst v22;
	v12 =	vld.idx.msk [tilespmem:v36+s23+$0x0], $0xffff;
	v9 =	vor.u32 v13, v9  }
0x589: {  	v48 =	vand.u32 $0x7F, v39;
	v52 =	vor.u32 v47, v51;
	[tilespmem:s4+$0x130] =	vst v35;
	v2 =	vld.idx.msk [tilespmem:v2+s23+$0x0], $0xffff;
	v54 =	vadd.s32 v19, v9  }
0x58a: {  	v60 =	vadd.s32 s2, v33;
	v1 =	vor.u32 v48, v53;
	v11 =	vadd.s32 v19, v52;
	[tilespmem:s4+$0x30] =	vst v37;
	v6 =	vld.idx.msk [tilespmem:v38+s23+$0x0], $0xffff  }
0x58b: {  	v33 =	vshll.u32 v25, $0x3;
	v1 =	vadd.s32 v19, v1;
	v9 =	vor.u32 v44, v56;
	v0 =	vld.idx.msk [tilespmem:v0+s23+$0x0], $0xffff  }
0x58c: {  	v14 =	vand.u32 $0x7F, v60;
	v23 =	vshll.u32 v60, $0x3;
	v9 =	vadd.s32 v19, v9  }
0x58d: {  	v39 =	vand.u32 $0xFFFFFC00, v43;
	v34 =	vand.u32 $0xFFFFFC00, v23;
	v22 =	vand.u32 $0x7F, v58;
	[tilespmem:s4+$0x1C0] =	vst v12  }
0x58e: {  	v13 =	vshll.u32 v58, $0x3;
	v35 =	vand.u32 $0xFFFFFC00, v33;
	[tilespmem:s4+$0xC0] =	vst v2;
	v8 =	vld.idx.msk [tilespmem:v54+s23+$0x0], $0xffff;
	v2 =	vor.u32 v14, v34  }
0x58f: {  	v37 =	vand.u32 $0xFFFFFC00, v13;
	v36 =	vor.u32 v62, v35;
	[tilespmem:s4+$0x140] =	vst v6;
	v11 =	vld.idx.msk [tilespmem:v11+s23+$0x0], $0xffff;
	v38 =	vadd.s32 v20, v2  }
0x590: {  	v43 =	vadd.s32 s0, v32;
	v12 =	vor.u32 v22, v37;
	[tilespmem:s4+$0x40] =	vst v0;
	v6 =	vadd.s32 v20, v36;
	v1 =	vld.idx.msk [tilespmem:v1+s23+$0x0], $0xffff  }
0x591: {  	v44 =	vadd.s32 s2, v32;
	v12 =	vadd.s32 v20, v12;
	v2 =	vor.u32 v42, v39;
	v9 =	vld.idx.msk [tilespmem:v9+s23+$0x0], $0xffff  }
0x592: {  	v46 =	vand.u32 $0x7F, v43;
	v47 =	vshll.u32 v44, $0x3;
	v2 =	vadd.s32 v20, v2  }
0x593: {  	v48 =	vshll.u32 v10, $0x3;
	v49 =	vand.u32 $0x7F, v44;
	v50 =	vand.u32 $0xFFFFFC00, v47;
	[tilespmem:s4+$0x1D0] =	vst v8  }
0x594: {  	v51 =	vshll.u32 v43, $0x3;
	v10 =	vor.u32 v49, v50;
	v8 =	vand.u32 $0xFFFFFC00, v48;
	[tilespmem:s4+$0xD0] =	vst v11;
	v0 =	vld.idx.msk [tilespmem:v38+s23+$0x0], $0xffff  }
0x595: {  	v53 =	vand.u32 $0xFFFFFC00, v51;
	v10 =	vadd.s32 v21, v10;
	v52 =	vor.u32 v45, v8;
	v6 =	vld.idx.msk [tilespmem:v6+s23+$0x0], $0xffff;
	[tilespmem:s4+$0x150] =	vst v1  }
0x596: {  	v56 =	vand.u32 $0xFFFFFC00, v41;
	v8 =	vor.u32 v46, v53;
	[tilespmem:s4+$0x50] =	vst v9;
	v1 =	vadd.s32 v21, v52;
	v54 =	vld.idx.msk [tilespmem:v12+s23+$0x0], $0xffff  }
0x597: {  	[tilespmem:s28+$0x1F0] =	vst v4;
	v58 =	vor.u32 v40, v56;
	v8 =	vadd.s32 v21, v8;
	v2 =	vld.idx.msk [tilespmem:v2+s23+$0x0], $0xffff  }
0x598: {  	[tilespmem:s28+$0xF0] =	vst v5;
	v4 =	vadd.s32 v21, v58  }
0x599: {  	[tilespmem:s4+$0x1E0] =	vst v0  }
0x59a: {  	[tilespmem:s4+$0xE0] =	vst v6;
	v0 =	vld.idx.msk [tilespmem:v10+s23+$0x0], $0xffff  }
0x59b: {  	v1 =	vld.idx.msk [tilespmem:v1+s23+$0x0], $0xffff;
	[tilespmem:s4+$0x160] =	vst v54  }
0x59c: {  	[tilespmem:s4+$0x60] =	vst v2;
	v60 =	vld.idx.msk [tilespmem:v8+s23+$0x0], $0xffff  }
0x59d: {  	[tilespmem:s28+$0x170] =	vst v3;
	v62 =	vld.idx.msk [tilespmem:v4+s23+$0x0], $0xffff  }
0x59e: {  	[tilespmem:s28+$0x70] =	vst v7  }
0x59f: {  	[tilespmem:s4+$0x1F0] =	vst v0  }
0x5a0: {  	[tilespmem:s4+$0xF0] =	vst v1  }
0x5a1: {  	[tilespmem:s4+$0x170] =	vst v60  }
0x5a2: {  	[tilespmem:s4+$0x70] =	vst v62  }
0x5a3: {  	v50 =	vld [tilespmem:$0x1FE80]  }
0x5a4: {  	v53 =	vld [tilespmem:$0x1FE90]  }
0x5a5: {  	v54 =	vld [tilespmem:$0x1FEA0]  }
0x5a6: {  	v26 =	vld [tilespmem:$0x1FF10]  }
0x5a7: {  	v27 =	vld [tilespmem:$0x1FF30]  }
0x5a8: {  	v60 =	vmov v28;
	v28 =	vld [tilespmem:$0x1FF50]  }
0x5a9: {  	v56 =	vmov v29;
	v29 =	vld [tilespmem:$0x1FF70]  }
0x5aa: {  	p0 =	seq.s32 s22, $0x7;
	v58 =	vmov v30;
	v30 =	vld [tilespmem:$0x1FF80]  }
.Ltmp8:
0x5ab: {  	s29 =	sshll.u32 s26, $0x13;
	s30 =	sshll.u32 s25, $0xA;
	v62 =	vmov v31;
	v31 =	vld [tilespmem:$0x1FF90];
	(pc) =	sbr.rel @p0 .LBB2_18-.Ltmp8, $4  }
0x5ac: {  	s0 =	sadd.s32 s30, s29;
	v46 =	vld [tilespmem:$0x1FFA0]  }
0x5ad: {  	s0 =	sshrl.u32 s0, $0x3;
	v47 =	vld [tilespmem:$0x1FFB0]  }
0x5ae: {  	s31 =	simm.s32 $0x14200;
	s0 =	sadd.s32 s10, s0;
	v48 =	vld [tilespmem:$0x1FFC0]  }
0x5af: {  	v51 =	vimm.s32 $0x0;
	v52 =	vlaneseq.u32;
	[hbm4b:s0+s3] =	stream.strided.scatter [tilespmem:s31], [sflag:$0x4], $0x4000, s11, s3, $0x38;
	v49 =	vld [tilespmem:$0x1FFD0]  }
0x5b0: {  	s0 =	rddreg [dreg:$0x5]  }
0x5b1: {  	s0 =	sadd.s32 s0, s13  }
0x5b2: {  	s0 =	smin.u32 s0, $0x1EF  }
0x5b3: {  	v0 =	vmov s0  }
0x5b4: {  	vm0 =	vgt.s32 v0, v50  }
0x5b5: {  	v1 =	vsel vm0, $0x1, v51;
	vm0 =	vgt.u32 v0, v29  }
0x5b6: {  	(xrf0) =	vadd.scan.msk.s32 $0xffff, v1;
	v0 =	vsel vm0, $0x1, v51  }
0x5b7: {  	(xrf0) =	vadd.scan.msk.s32 $0xffff, v0;
	_ =	sdelay $0x4  }
0x5b8: {  	v0, _, _ =	vpop (xrf0)  }
0x5b9: {  	(v2sf) =	vpush v0, $0xF;
	v0, _, _ =	vpop (xrf0)  }
0x5ba: {  	(v2sf) =	vpush v0, $0xF;
	_ =	sdelay $0xd  }
0x5bb: {  	s2 =	spop (v2sf)  }
0x5bc: {  	s3 =	spop (v2sf)  }
0x5bd: {  	s2 =	sadd.s32 s2, s3  }
0x5be: {  	s3 =	sadd.s32 $0xFFFFFFFF, s2  }
0x5bf: {  	s7 =	sadd.s32 $0x3FFFFFE, s2;
	s4 =	smul.u32 $0x1FFFFE1, s3  }
0x5c0: {  	s3 =	smul.u32 s3, s7  }
0x5c1: {  	s0 =	sadd.s32 s0, s2  }
0x5c2: {  	s2 =	sshll.u32 s2, $0x7;
	s3 =	sshrl.u32 s3, $0x1;
	s0 =	sadd.s32 s4, s0  }
0x5c3: {  	s2 =	sadd.s32 $0xFFFFFF80, s2;
	s0 =	sadd.s32 s3, s0  }
0x5c4: {  	v0 =	vor.u32 s2, v52;
	v1 =	vadd.s32 s2, v53;
	s0 =	sshll.u32 s0, $0x7  }
0x5c5: {  	v1 =	vmul.u32 v1, v0;
	s0 =	sadd.s32 $0xFFFFFFFF, s0  }
0x5c6: {  	v0 =	vshll.u32 v0, $0xC;
	s30 =	ssub.s32 s0, s2  }
0x5c7: {  	v1 =	vshrl.u32 v1, $0x1;
	v0 =	vadd.s32 s30, v0  }
0x5c8: {  	v0 =	vsub.s32 v0, v1  }
0x5c9: {  	s31 =	sadd.s32 $0x10, s2;
	v2 =	vadd.s32 v54, v0  }
0x5ca: {  	v1 =	vadd.s32 s31, v53;
	v0 =	vor.u32 s31, v52;
	v3 =	vshra.s32 v2, $0x7  }
0x5cb: {  	v1 =	vmul.u32 v1, v0;
	vm0 =	vgt.s32 v3, $0x0  }
0x5cc: {  	s2 =	ssub.s32 s0, s31;
	v4 =	vshll.u32 v0, $0xC;
	v0 =	vnsel vm0, $0x0, v3  }
0x5cd: {  	v1 =	vshrl.u32 v1, $0x1;
	v3 =	vadd.s32 s2, v4;
	v45 =	vmin.u32 v0, $0xFFEE  }
0x5ce: {  	s10 =	simm.s32 $0x0;
	v1 =	vsub.s32 v3, v1;
	v3 =	vshll.u32 v0, $0x7;
	v4 =	vadd.s32 $0x1, v45  }
0x5cf: {  	s4 =	simm.s32 $0x80;
	s7 =	sadd.s32 $0x10, s31;
	s2 =	simm.s32 $0x40;
	v1 =	vadd.s32 v54, v1;
	v2 =	vsub.s32 v2, v3;
	[tilespmem:s10+$0x80] =	vst v4  }
.LBB2_16:
0x5d0: {  	v3 =	vor.u32 s7, v52;
	v4 =	vadd.s32 s7, v53;
	p1 =	sne.s32 s4, $0x1C0;
	v5 =	vshra.s32 v1, $0x7;
	[tilespmem:s10+$0x18200] =	vst v2;
	s3 =	smov.u32 s4;
	s4 =	sadd.s32 $0x40, s4  }
.Ltmp9:
0x5d1: {  	v2 =	vmul.u32 v4, v3;
	vm0 =	vgt.s32 v5, $0x0;
	[tilespmem:s10+$0x0] =	vst v0;
	(pc) =	sbr.rel @p1 .LBB2_16-.Ltmp9, $4  }
0x5d2: {  	v3 =	vshll.u32 v3, $0xC;
	s10 =	ssub.s32 s0, s7;
	v0 =	vnsel vm0, $0x0, v5  }
0x5d3: {  	v3 =	vadd.s32 s10, v3;
	v2 =	vshrl.u32 v2, $0x1;
	v4 =	vmin.u32 v0, $0xFFEE  }
0x5d4: {  	s10 =	sshra.s32 s2, $0x2;
	s2 =	smov.u32 s3;
	v3 =	vsub.s32 v3, v2;
	v2 =	vshll.u32 v0, $0x7;
	v4 =	vadd.s32 $0x1, v4  }
0x5d5: {  	s7 =	sadd.s32 $0x10, s7;
	v2 =	vsub.s32 v1, v2;
	v1 =	vadd.s32 v54, v3;
	[tilespmem:s10+$0x80] =	vst v4  }
0x5d6: {  	v3 =	vshra.s32 v1, $0x7  }
0x5d7: {  	vm0 =	vgt.s32 v3, $0x0  }
0x5d8: {  	[tilespmem:s10+$0x18200] =	vst v2;
	v3 =	vnsel vm0, $0x0, v3  }
0x5d9: {  	[tilespmem:s10+$0x0] =	vst v0;
	s0 =	sshra.s32 s2, $0x2;
	v18 =	vmin.u32 v3, $0xFFEE  }
0x5da: {  	v19 =	vshll.u32 v3, $0x7;
	[tilespmem:s0+$0x0] =	vst v3;
	v2 =	vadd.s32 $0x1, v18  }
0x5db: {  	v0 =	vsub.s32 v1, v19;
	[tilespmem:s0+$0x80] =	vst v2  }
0x5dc: {  	v20 =	vld [tilespmem:$0x1FE50];
	[tilespmem:s0+$0x18200] =	vst v0  }
0x5dd: {  	v0 =	vld [tilespmem:$0x0]  }
0x5de: {  	v22 =	vld [tilespmem:$0x1FE60]  }
0x5df: {  	v4 =	vld [tilespmem:$0x1FE70];
	_ =	sdelay $0x2  }
0x5e0: {  	v21 =	vperm.xlane v0, v20;
	_ =	sdelay $0x1  }
0x5e1: {  	v0 =	vperm.xlane v0, v4;
	v1 =	vadd.s32 v22, v21;
	_ =	sdelay $0x1  }
0x5e2: {  	v0 =	vadd.s32 v22, v0;
	_ =	sdelay $0x2  }
0x5e3: {  	[tilespmem:s23], [sflag:$0x1] =	stream.indirect_vreg.gather [hbm4b:s1+s5], $0x80, v1, vm2, $0xb8;
	[tilespmem:$0x18300] =	vst v63  }
0x5e4: {  	s3 =	simm.s32 $0xA00  }
0x5e5: {  	[tilespmem:s3], [sflag:$0x1] =	stream.indirect_vreg.gather [hbm4b:s1+s5], $0x80, v0, vm2, $0xb8;
	[tilespmem:$0x18300] =	vst v63  }
0x5e6: {  	v0 =	vld [tilespmem:$0x10];
	_ =	sdelay $0x4  }
0x5e7: {  	v23 =	vperm.xlane v0, v20;
	_ =	sdelay $0x1  }
0x5e8: {  	v0 =	vperm.xlane v0, v4;
	v1 =	vadd.s32 v22, v23;
	_ =	sdelay $0x1  }
0x5e9: {  	v0 =	vadd.s32 v22, v0;
	_ =	sdelay $0x1  }
0x5ea: {  	s4 =	simm.s32 $0x1200  }
0x5eb: {  	[tilespmem:s4], [sflag:$0x1] =	stream.indirect_vreg.gather [hbm4b:s1+s5], $0x80, v1, vm2, $0xb8;
	[tilespmem:$0x18300] =	vst v63  }
0x5ec: {  	s7 =	simm.s32 $0x1A00  }
0x5ed: {  	[tilespmem:s7], [sflag:$0x1] =	stream.indirect_vreg.gather [hbm4b:s1+s5], $0x80, v0, vm2, $0xb8;
	[tilespmem:$0x18300] =	vst v63  }
0x5ee: {  	v0 =	vld [tilespmem:$0x20];
	_ =	sdelay $0x4  }
0x5ef: {  	v32 =	vperm.xlane v0, v20;
	_ =	sdelay $0x1  }
0x5f0: {  	v0 =	vperm.xlane v0, v4;
	v1 =	vadd.s32 v22, v32;
	_ =	sdelay $0x1  }
0x5f1: {  	v0 =	vadd.s32 v22, v0;
	_ =	sdelay $0x1  }
0x5f2: {  	s10 =	simm.s32 $0x2200  }
0x5f3: {  	[tilespmem:s10], [sflag:$0x1] =	stream.indirect_vreg.gather [hbm4b:s1+s5], $0x80, v1, vm2, $0xb8;
	[tilespmem:$0x18300] =	vst v63  }
0x5f4: {  	s11 =	simm.s32 $0x2A00  }
0x5f5: {  	[tilespmem:s11], [sflag:$0x1] =	stream.indirect_vreg.gather [hbm4b:s1+s5], $0x80, v0, vm2, $0xb8;
	[tilespmem:$0x18300] =	vst v63  }
0x5f6: {  	v0 =	vld [tilespmem:$0x30];
	_ =	sdelay $0x4  }
0x5f7: {  	v33 =	vperm.xlane v0, v20;
	_ =	sdelay $0x1  }
0x5f8: {  	v0 =	vperm.xlane v0, v4;
	v1 =	vadd.s32 v22, v33;
	_ =	sdelay $0x1  }
0x5f9: {  	v0 =	vadd.s32 v22, v0;
	_ =	sdelay $0x1  }
0x5fa: {  	s16 =	simm.s32 $0x3200  }
0x5fb: {  	[tilespmem:s16], [sflag:$0x1] =	stream.indirect_vreg.gather [hbm4b:s1+s5], $0x80, v1, vm2, $0xb8;
	[tilespmem:$0x18300] =	vst v63  }
0x5fc: {  	s19 =	simm.s32 $0x3A00  }
0x5fd: {  	[tilespmem:s19], [sflag:$0x1] =	stream.indirect_vreg.gather [hbm4b:s1+s5], $0x80, v0, vm2, $0xb8;
	[tilespmem:$0x18300] =	vst v63  }
0x5fe: {  	v0 =	vld [tilespmem:$0x40];
	_ =	sdelay $0x4  }
0x5ff: {  	v34 =	vperm.xlane v0, v20;
	_ =	sdelay $0x1  }
0x600: {  	v0 =	vperm.xlane v0, v4;
	v1 =	vadd.s32 v22, v34;
	_ =	sdelay $0x1  }
0x601: {  	v0 =	vadd.s32 v22, v0;
	_ =	sdelay $0x1  }
0x602: {  	s20 =	simm.s32 $0x4200  }
0x603: {  	[tilespmem:s20], [sflag:$0x1] =	stream.indirect_vreg.gather [hbm4b:s1+s5], $0x80, v1, vm2, $0xb8;
	[tilespmem:$0x18300] =	vst v63  }
0x604: {  	s21 =	simm.s32 $0x4A00  }
0x605: {  	[tilespmem:s21], [sflag:$0x1] =	stream.indirect_vreg.gather [hbm4b:s1+s5], $0x80, v0, vm2, $0xb8;
	[tilespmem:$0x18300] =	vst v63  }
0x606: {  	v0 =	vld [tilespmem:$0x50];
	_ =	sdelay $0x4  }
0x607: {  	v35 =	vperm.xlane v0, v20;
	_ =	sdelay $0x1  }
0x608: {  	v0 =	vperm.xlane v0, v4;
	v1 =	vadd.s32 v22, v35;
	_ =	sdelay $0x1  }
0x609: {  	v0 =	vadd.s32 v22, v0;
	_ =	sdelay $0x1  }
0x60a: {  	s25 =	simm.s32 $0x5200  }
0x60b: {  	[tilespmem:s25], [sflag:$0x1] =	stream.indirect_vreg.gather [hbm4b:s1+s5], $0x80, v1, vm2, $0xb8;
	[tilespmem:$0x18300] =	vst v63  }
0x60c: {  	s26 =	simm.s32 $0x5A00  }
0x60d: {  	[tilespmem:s26], [sflag:$0x1] =	stream.indirect_vreg.gather [hbm4b:s1+s5], $0x80, v0, vm2, $0xb8;
	[tilespmem:$0x18300] =	vst v63  }
0x60e: {  	v0 =	vld [tilespmem:$0x60];
	_ =	sdelay $0x4  }
0x60f: {  	v36 =	vperm.xlane v0, v20;
	_ =	sdelay $0x1  }
0x610: {  	v0 =	vperm.xlane v0, v4;
	v1 =	vadd.s32 v22, v36;
	_ =	sdelay $0x1  }
0x611: {  	v0 =	vadd.s32 v22, v0;
	_ =	sdelay $0x1  }
0x612: {  	s28 =	simm.s32 $0x6200  }
0x613: {  	[tilespmem:s28], [sflag:$0x1] =	stream.indirect_vreg.gather [hbm4b:s1+s5], $0x80, v1, vm2, $0xb8;
	[tilespmem:$0x18300] =	vst v63  }
0x614: {  	s29 =	simm.s32 $0x6A00  }
0x615: {  	[tilespmem:s29], [sflag:$0x1] =	stream.indirect_vreg.gather [hbm4b:s1+s5], $0x80, v0, vm2, $0xb8;
	[tilespmem:$0x18300] =	vst v63  }
0x616: {  	v0 =	vld [tilespmem:$0x70];
	_ =	sdelay $0x4  }
0x617: {  	v37 =	vperm.xlane v0, v20;
	_ =	sdelay $0x1  }
0x618: {  	v0 =	vperm.xlane v0, v4;
	v1 =	vadd.s32 v22, v37;
	_ =	sdelay $0x1  }
0x619: {  	v0 =	vadd.s32 v22, v0;
	_ =	sdelay $0x1  }
0x61a: {  	s30 =	simm.s32 $0x7200  }
0x61b: {  	[tilespmem:s30], [sflag:$0x1] =	stream.indirect_vreg.gather [hbm4b:s1+s5], $0x80, v1, vm2, $0xb8;
	[tilespmem:$0x18300] =	vst v63  }
0x61c: {  	s31 =	simm.s32 $0x7A00  }
0x61d: {  	[tilespmem:s31], [sflag:$0x1] =	stream.indirect_vreg.gather [hbm4b:s1+s5], $0x80, v0, vm2, $0xb8;
	[tilespmem:$0x18300] =	vst v63  }
0x61e: {  	v0 =	vld [tilespmem:$0x80];
	_ =	sdelay $0x4  }
0x61f: {  	v38 =	vperm.xlane v0, v20;
	_ =	sdelay $0x1  }
0x620: {  	v0 =	vperm.xlane v0, v4;
	v1 =	vadd.s32 v22, v38;
	_ =	sdelay $0x1  }
0x621: {  	v0 =	vadd.s32 v22, v0;
	_ =	sdelay $0x1  }
0x622: {  	s2 =	simm.s32 $0x600  }
0x623: {  	[tilespmem:s2], [sflag:$0x1] =	stream.indirect_vreg.gather [hbm4b:s1+s5], $0x80, v1, vm2, $0xb8;
	[tilespmem:$0x18300] =	vst v63  }
0x624: {  	s3 =	simm.s32 $0xE00  }
0x625: {  	[tilespmem:s3], [sflag:$0x1] =	stream.indirect_vreg.gather [hbm4b:s1+s5], $0x80, v0, vm2, $0xb8;
	[tilespmem:$0x18300] =	vst v63  }
0x626: {  	v0 =	vld [tilespmem:$0x90];
	_ =	sdelay $0x4  }
0x627: {  	v39 =	vperm.xlane v0, v20;
	_ =	sdelay $0x1  }
0x628: {  	v0 =	vperm.xlane v0, v4;
	v1 =	vadd.s32 v22, v39;
	_ =	sdelay $0x1  }
0x629: {  	v0 =	vadd.s32 v22, v0;
	_ =	sdelay $0x1  }
0x62a: {  	s4 =	simm.s32 $0x1600  }
0x62b: {  	[tilespmem:s4], [sflag:$0x1] =	stream.indirect_vreg.gather [hbm4b:s1+s5], $0x80, v1, vm2, $0xb8;
	[tilespmem:$0x18300] =	vst v63  }
0x62c: {  	s7 =	simm.s32 $0x1E00  }
0x62d: {  	[tilespmem:s7], [sflag:$0x1] =	stream.indirect_vreg.gather [hbm4b:s1+s5], $0x80, v0, vm2, $0xb8;
	[tilespmem:$0x18300] =	vst v63  }
0x62e: {  	v0 =	vld [tilespmem:$0xA0];
	_ =	sdelay $0x4  }
0x62f: {  	v40 =	vperm.xlane v0, v20;
	_ =	sdelay $0x1  }
0x630: {  	v0 =	vperm.xlane v0, v4;
	v1 =	vadd.s32 v22, v40;
	_ =	sdelay $0x1  }
0x631: {  	v0 =	vadd.s32 v22, v0;
	_ =	sdelay $0x1  }
0x632: {  	s10 =	simm.s32 $0x2600  }
0x633: {  	[tilespmem:s10], [sflag:$0x1] =	stream.indirect_vreg.gather [hbm4b:s1+s5], $0x80, v1, vm2, $0xb8;
	[tilespmem:$0x18300] =	vst v63  }
0x634: {  	s11 =	simm.s32 $0x2E00  }
0x635: {  	[tilespmem:s11], [sflag:$0x1] =	stream.indirect_vreg.gather [hbm4b:s1+s5], $0x80, v0, vm2, $0xb8;
	[tilespmem:$0x18300] =	vst v63  }
0x636: {  	v0 =	vld [tilespmem:$0xB0];
	_ =	sdelay $0x4  }
0x637: {  	v41 =	vperm.xlane v0, v20;
	_ =	sdelay $0x1  }
0x638: {  	v0 =	vperm.xlane v0, v4;
	v1 =	vadd.s32 v22, v41;
	_ =	sdelay $0x1  }
0x639: {  	v0 =	vadd.s32 v22, v0;
	_ =	sdelay $0x1  }
0x63a: {  	s16 =	simm.s32 $0x3600  }
0x63b: {  	[tilespmem:s16], [sflag:$0x1] =	stream.indirect_vreg.gather [hbm4b:s1+s5], $0x80, v1, vm2, $0xb8;
	[tilespmem:$0x18300] =	vst v63  }
0x63c: {  	s19 =	simm.s32 $0x3E00  }
0x63d: {  	[tilespmem:s19], [sflag:$0x1] =	stream.indirect_vreg.gather [hbm4b:s1+s5], $0x80, v0, vm2, $0xb8;
	[tilespmem:$0x18300] =	vst v63  }
0x63e: {  	v0 =	vld [tilespmem:$0xC0];
	_ =	sdelay $0x4  }
0x63f: {  	v42 =	vperm.xlane v0, v20;
	_ =	sdelay $0x1  }
0x640: {  	v0 =	vperm.xlane v0, v4;
	v1 =	vadd.s32 v22, v42;
	_ =	sdelay $0x1  }
0x641: {  	v0 =	vadd.s32 v22, v0;
	_ =	sdelay $0x1  }
0x642: {  	s20 =	simm.s32 $0x4600  }
0x643: {  	[tilespmem:s20], [sflag:$0x1] =	stream.indirect_vreg.gather [hbm4b:s1+s5], $0x80, v1, vm2, $0xb8;
	[tilespmem:$0x18300] =	vst v63  }
0x644: {  	s21 =	simm.s32 $0x4E00  }
0x645: {  	[tilespmem:s21], [sflag:$0x1] =	stream.indirect_vreg.gather [hbm4b:s1+s5], $0x80, v0, vm2, $0xb8;
	[tilespmem:$0x18300] =	vst v63  }
0x646: {  	v0 =	vld [tilespmem:$0xD0];
	_ =	sdelay $0x4  }
0x647: {  	v43 =	vperm.xlane v0, v20;
	_ =	sdelay $0x1  }
0x648: {  	v0 =	vperm.xlane v0, v4;
	v1 =	vadd.s32 v22, v43;
	_ =	sdelay $0x1  }
0x649: {  	v0 =	vadd.s32 v22, v0;
	_ =	sdelay $0x1  }
0x64a: {  	s25 =	simm.s32 $0x5600  }
0x64b: {  	[tilespmem:s25], [sflag:$0x1] =	stream.indirect_vreg.gather [hbm4b:s1+s5], $0x80, v1, vm2, $0xb8;
	[tilespmem:$0x18300] =	vst v63  }
0x64c: {  	s26 =	simm.s32 $0x5E00  }
0x64d: {  	[tilespmem:s26], [sflag:$0x1] =	stream.indirect_vreg.gather [hbm4b:s1+s5], $0x80, v0, vm2, $0xb8;
	[tilespmem:$0x18300] =	vst v63  }
0x64e: {  	v0 =	vld [tilespmem:$0xE0];
	_ =	sdelay $0x4  }
0x64f: {  	v44 =	vperm.xlane v0, v20;
	_ =	sdelay $0x1  }
0x650: {  	v0 =	vperm.xlane v0, v4;
	v1 =	vadd.s32 v22, v44;
	_ =	sdelay $0x1  }
0x651: {  	v0 =	vadd.s32 v22, v0;
	_ =	sdelay $0x1  }
0x652: {  	s28 =	simm.s32 $0x6600  }
0x653: {  	[tilespmem:s28], [sflag:$0x1] =	stream.indirect_vreg.gather [hbm4b:s1+s5], $0x80, v1, vm2, $0xb8;
	[tilespmem:$0x18300] =	vst v63  }
0x654: {  	s29 =	simm.s32 $0x6E00  }
0x655: {  	[tilespmem:s29], [sflag:$0x1] =	stream.indirect_vreg.gather [hbm4b:s1+s5], $0x80, v0, vm2, $0xb8;
	[tilespmem:$0x18300] =	vst v63  }
0x656: {  	v0 =	vld [tilespmem:$0xF0];
	_ =	sdelay $0x4  }
0x657: {  	v45 =	vperm.xlane v0, v20;
	_ =	sdelay $0x1  }
0x658: {  	v0 =	vperm.xlane v0, v4;
	v1 =	vadd.s32 v22, v45;
	_ =	sdelay $0x1  }
0x659: {  	v0 =	vadd.s32 v22, v0;
	_ =	sdelay $0x1  }
0x65a: {  	s30 =	simm.s32 $0x7600  }
0x65b: {  	[tilespmem:s30], [sflag:$0x1] =	stream.indirect_vreg.gather [hbm4b:s1+s5], $0x80, v1, vm2, $0xb8;
	[tilespmem:$0x18300] =	vst v63  }
0x65c: {  	s31 =	simm.s32 $0x7E00  }
0x65d: {  	[tilespmem:s31], [sflag:$0x1] =	stream.indirect_vreg.gather [hbm4b:s1+s5], $0x80, v0, vm2, $0xb8;
	[tilespmem:$0x18300] =	vst v63  }
.LBB2_18:
0x65e: {  	s0 =	sor.u32 $0x20, s24  }
0x65f: {  	s0 =	smin.u32 s0, $0x1EF  }
0x660: {  	v0 =	vmov s0  }
0x661: {  	vm0 =	vgt.s32 v0, v50  }
0x662: {  	v1 =	vsel vm0, $0x1, v51;
	vm0 =	vgt.u32 v0, v29  }
0x663: {  	(xrf0) =	vadd.scan.msk.s32 $0xffff, v1;
	v0 =	vsel vm0, $0x1, v51  }
0x664: {  	(xrf0) =	vadd.scan.msk.s32 $0xffff, v0;
	_ =	sdelay $0x4  }
0x665: {  	v44, _, _ =	vpop (xrf0)  }
0x666: {  	(v2sf) =	vpush v44, $0xF;
	v45, _, _ =	vpop (xrf0)  }
0x667: {  	(v2sf) =	vpush v45, $0xF;
	_ =	sdelay $0xd  }
0x668: {  	s2 =	spop (v2sf)  }
0x669: {  	s3 =	spop (v2sf)  }
0x66a: {  	_ =	swait.ge [sflag:s17], $0x4000  }
0x66b: {  	[sflag:s17] =	ssyncset.done $0x0  }
0x66c: {  	[sflag:s17] =	ssyncadd.s32 $0xFFFFC000  }
0x66d: {  	_ =	swait.ge [sflag:s17], $0x4000  }
0x66e: {  	[sflag:s17] =	ssyncset.done $0x0  }
0x66f: {  	[sflag:s17] =	ssyncadd.s32 $0xFFFFC000  }
0x670: {  	v39 =	vld [tilespmem:$0x18280]  }
0x671: {  	v38 =	vld [tilespmem:$0x18290]  }
0x672: {  	s2 =	sadd.s32 s2, s3;
	v37 =	vld [tilespmem:$0x182A0]  }
0x673: {  	s30 =	simm.s32 $0x0;
	s25 =	simm.s32 $0x10300;
	s3 =	sshll.u32 s2, $0x7;
	v36 =	vld [tilespmem:$0x182B0]  }
0x674: {  	s24 =	sadd.s32 $0xFFFFFFFF, s2;
	s16 =	sshll.u32 s2, $0xA;
	s7 =	sadd.s32 $0xFFFFFF81, s3;
	v35 =	vld [tilespmem:$0x182C0]  }
0x675: {  	s4 =	sadd.s32 $0xFFFFFF80, s3;
	s11 =	sadd.s32 $0xFFFFFF82, s3;
	s10 =	sadd.s32 $0xFFFFFF84, s3;
	v34 =	vld [tilespmem:$0x182D0]  }
0x676: {  	s3 =	sadd.s32 $0xFFFFFF83, s3;
	s31 =	sadd.s32 $0xFFFFFC14, s16;
	s4 =	smul.u32 s4, s7;
	v33 =	vld [tilespmem:$0x182E0]  }
0x677: {  	s29 =	sadd.s32 $0xFFFFFC1C, s16;
	s7 =	smul.u32 s7, s11;
	v32 =	vld [tilespmem:$0x182F0];
	_ =	swait.ge [sflag:s12], $0x4000  }
0x678: {  	s28 =	sadd.s32 $0xFFFFFC2C, s16;
	s10 =	smul.u32 s3, s10;
	[sflag:s12] =	ssyncset.done $0x0  }
0x679: {  	s26 =	sadd.s32 $0xFFFFFC24, s16;
	s11 =	smul.u32 s11, s3;
	[sflag:s12] =	ssyncadd.s32 $0xFFFFC000  }
.LBB2_19:
0x67a: {  	s3 =	sshrl.u32 s4, $0x1  }
0x67b: {  	s16 =	sadd.s32 $0x80, s30;
	s3 =	sadd.s32 s3, s30  }
0x67c: {  	v0 =	vmov s16;
	s3 =	sand.u32 $0x7E, s3  }
0x67d: {  	v2 =	vshll.u32 v0, $0x8;
	v0 =	vshll.u32 v0, $0x7;
	s3 =	sxor.u32 $0x7F, s3  }
0x67e: {  	v2 =	vand.u32 $0xF800, v2;
	v0 =	vand.u32 $0x200, v0;
	v1 =	vadd.s32 s3, v52  }
0x67f: {  	v4 =	vadd.s32 s3, v56;
	v44 =	vadd.s32 s3, v58;
	v5 =	vadd.s32 s3, v60  }
0x680: {  	v13 =	vadd.s32 s3, v62;
	v17 =	vadd.s32 s3, v26;
	v22 =	vadd.s32 s3, v27  }
0x681: {  	s19 =	sshrl.u32 s7, $0x1;
	v7 =	vadd.s32 s3, v28;
	v3 =	vand.u32 $0x7F, v1;
	v1 =	vshll.u32 v1, $0x3  }
0x682: {  	s16 =	sadd.s32 s30, s19;
	v42 =	vshll.u32 v4, $0x3;
	v4 =	vand.u32 $0x7F, v4;
	v45 =	vshll.u32 v44, $0x3  }
0x683: {  	s20 =	sadd.s32 $0x1, s16;
	v6 =	vshll.u32 v5, $0x3;
	v8 =	vand.u32 $0x7F, v5;
	v15 =	vshll.u32 v13, $0x3  }
0x684: {  	s3 =	sxor.u32 $0xFFFFFFFF, s20;
	v19 =	vshll.u32 v17, $0x3;
	v20 =	vand.u32 $0x7F, v17;
	v40 =	vshll.u32 v22, $0x3  }
0x685: {  	v41 =	vand.u32 $0x7F, v22;
	s19 =	sand.u32 $0x7F, s3;
	v1 =	vand.u32 $0x400, v1;
	v9 =	vand.u32 $0x400, v6  }
0x686: {  	v21 =	vand.u32 $0x400, v19;
	v19 =	vadd.s32 s19, v56;
	v22 =	vadd.s32 s19, v60  }
0x687: {  	v1 =	vor.u32 v1, v3;
	v3 =	vand.u32 $0x400, v42;
	v11 =	vor.u32 v9, v8  }
0x688: {  	v6 =	vand.u32 $0x7F, v19;
	v1 =	vor.u32 v2, v1;
	v43 =	vor.u32 v3, v4  }
0x689: {  	s21 =	sadd.s32 $0x81, s30;
	v3 =	vand.u32 $0x7F, v44;
	v4 =	vand.u32 $0x400, v45;
	v12 =	vor.u32 v2, v11  }
0x68a: {  	v44 =	vand.u32 $0x7F, v7;
	v45 =	vmov s21;
	v18 =	vor.u32 v0, v1  }
0x68b: {  	v1 =	vor.u32 v2, v43;
	v3 =	vor.u32 v4, v3;
	v8 =	vor.u32 v0, v12  }
0x68c: {  	v43 =	vshll.u32 v7, $0x3;
	v17 =	vshll.u32 v45, $0x7;
	v16 =	vor.u32 v0, v1  }
0x68d: {  	v10 =	vor.u32 v2, v3;
	v3 =	vand.u32 $0x7F, v13;
	v1 =	vand.u32 $0x400, v15  }
0x68e: {  	v13 =	vadd.s32 s19, v52;
	v15 =	vshll.u32 v45, $0x8;
	v14 =	vor.u32 v0, v10  }
0x68f: {  	s20 =	sshrl.u32 s11, $0x1;
	v1 =	vor.u32 v1, v3;
	v3 =	vor.u32 v21, v20;
	v9 =	vand.u32 $0x7F, v13  }
0x690: {  	s3 =	sadd.s32 s30, s20;
	v20 =	vshll.u32 v19, $0x3;
	v21 =	vadd.s32 s19, v58;
	v1 =	vor.u32 v2, v1  }
0x691: {  	s3 =	sadd.s32 $0x2, s3;
	v23 =	vor.u32 v2, v3;
	v3 =	vand.u32 $0x400, v40;
	v11 =	vand.u32 $0x7F, v21  }
0x692: {  	s3 =	sxor.u32 $0xFFFFFFFF, s3;
	s21 =	sshrl.u32 s10, $0x1;
	v7 =	vshll.u32 v21, $0x3;
	v5 =	vor.u32 v0, v1;
	v4 =	vor.u32 v0, v23  }
0x693: {  	s16 =	sadd.s32 s30, s21;
	s21 =	sand.u32 $0x7F, s3;
	v42 =	vor.u32 v3, v41;
	v3 =	vand.u32 $0x400, v43;
	v7 =	vand.u32 $0x400, v7  }
0x694: {  	v41 =	vadd.s32 s19, v62;
	v43 =	vadd.s32 s21, v52;
	v1 =	vor.u32 v2, v42  }
0x695: {  	s20 =	sadd.s32 $0x82, s30;
	v3 =	vor.u32 v3, v44;
	v23 =	vor.u32 v7, v11;
	v19 =	vshll.u32 v41, $0x3  }
0x696: {  	v42 =	vmov s20;
	v44 =	vand.u32 $0x7F, v43;
	v1 =	vor.u32 v0, v1  }
0x697: {  	s20 =	sadd.s32 $0x3, s16;
	s16 =	sadd.s32 $0x83, s30;
	v12 =	vor.u32 v2, v3;
	v2 =	vand.u32 $0xF800, v15;
	v3 =	vshll.u32 v13, $0x3  }
0x698: {  	v45 =	vshll.u32 v42, $0x8;
	v21 =	vmov s16;
	v10 =	vand.u32 $0x400, v3  }
0x699: {  	s3 =	sxor.u32 $0xFFFFFFFF, s20;
	v3 =	vand.u32 $0x280, v17;
	v0 =	vor.u32 v0, v12;
	v12 =	vshll.u32 v22, $0x3  }
0x69a: {  	v17 =	vand.u32 $0x7F, v41;
	s20 =	sand.u32 $0x7F, s3;
	v9 =	vor.u32 v10, v9;
	v10 =	vand.u32 $0x400, v20  }
0x69b: {  	v12 =	vand.u32 $0x400, v12;
	v20 =	vshll.u32 v43, $0x3;
	v41 =	vadd.s32 s20, v52  }
0x69c: {  	v9 =	vor.u32 v2, v9;
	v6 =	vor.u32 v10, v6;
	v10 =	vand.u32 $0x7F, v22  }
0x69d: {  	v43 =	vshll.u32 v41, $0x3;
	v22 =	vshll.u32 v21, $0x8;
	v21 =	vshll.u32 v21, $0x7  }
0x69e: {  	v9 =	vor.u32 v3, v9;
	v6 =	vor.u32 v2, v6;
	v40 =	vor.u32 v12, v10  }
0x69f: {  	v12 =	vand.u32 $0x7F, v41;
	v13 =	vor.u32 v3, v6;
	v6 =	vor.u32 v2, v23  }
0x6a0: {  	v7 =	vor.u32 v2, v40;
	v40 =	vand.u32 $0x400, v20;
	v23 =	vand.u32 $0x400, v43  }
0x6a1: {  	v11 =	vor.u32 v3, v6;
	v15 =	vor.u32 v3, v7;
	v6 =	vand.u32 $0xF800, v45  }
0x6a2: {  	v7 =	vshll.u32 v42, $0x7;
	v10 =	vor.u32 v40, v44;
	v44 =	vor.u32 v23, v12  }
0x6a3: {  	v7 =	vand.u32 $0x300, v7;
	v42 =	vor.u32 v6, v10;
	v10 =	vand.u32 $0xF800, v22  }
0x6a4: {  	v12 =	vand.u32 $0x380, v21;
	v20 =	vor.u32 v7, v42;
	v45 =	vor.u32 v10, v44  }
0x6a5: {  	v19 =	vand.u32 $0x400, v19;
	v40 =	vadd.s32 s21, v56;
	v21 =	vor.u32 v12, v45  }
0x6a6: {  	v17 =	vor.u32 v19, v17;
	v41 =	vshll.u32 v40, $0x3;
	v42 =	vadd.s32 s20, v56  }
0x6a7: {  	v18 =	vld.idx.msk [tilespmem:v18+s23+$0x0], $0xffff;
	v22 =	vand.u32 $0x7F, v40;
	v19 =	vand.u32 $0x400, v41;
	v24 =	vshll.u32 v42, $0x3  }
0x6a8: {  	v9 =	vld.idx.msk [tilespmem:v9+s23+$0x0], $0xffff;
	v19 =	vor.u32 v19, v22;
	v43 =	vand.u32 $0x7F, v42;
	v44 =	vand.u32 $0x400, v24  }
0x6a9: {  	v19 =	vor.u32 v6, v19;
	v22 =	vor.u32 v44, v43;
	v20 =	vld.idx.msk [tilespmem:v20+s23+$0x0], $0xffff  }
0x6aa: {  	v45 =	vadd.s32 s21, v58;
	v19 =	vor.u32 v7, v19;
	v22 =	vor.u32 v10, v22;
	v21 =	vld.idx.msk [tilespmem:v21+s23+$0x0], $0xffff  }
0x6ab: {  	v17 =	vor.u32 v2, v17;
	v24 =	vshll.u32 v45, $0x3;
	v22 =	vor.u32 v12, v22  }
0x6ac: {  	v17 =	vor.u32 v3, v17;
	[tilespmem:s25+$0xFFFFFF00] =	vst v18;
	v41 =	vand.u32 $0x400, v24;
	v24 =	vadd.s32 s20, v58  }
0x6ad: {  	v16 =	vld.idx.msk [tilespmem:v16+s23+$0x0], $0xffff;
	v42 =	vadd.s32 s19, v26;
	v40 =	vand.u32 $0x7F, v45;
	v43 =	vshll.u32 v24, $0x3;
	[tilespmem:s25+$0xFFFFFF80] =	vst v9  }
0x6ae: {  	v18 =	vor.u32 v41, v40;
	v24 =	vand.u32 $0x7F, v24;
	v23 =	vand.u32 $0x400, v43;
	v13 =	vld.idx.msk [tilespmem:v13+s23+$0x0], $0xffff;
	[tilespmem:s25+$0x0] =	vst v20  }
0x6af: {  	v44 =	vand.u32 $0x7F, v42;
	v18 =	vor.u32 v6, v18;
	v45 =	vor.u32 v23, v24;
	[tilespmem:s25+$0x80] =	vst v21;
	v19 =	vld.idx.msk [tilespmem:v19+s23+$0x0], $0xffff  }
0x6b0: {  	v40 =	vadd.s32 s21, v60;
	v18 =	vor.u32 v7, v18;
	v21 =	vor.u32 v10, v45;
	v22 =	vld.idx.msk [tilespmem:v22+s23+$0x0], $0xffff  }
0x6b1: {  	v41 =	vshll.u32 v40, $0x3;
	v9 =	vshll.u32 v42, $0x3;
	v21 =	vor.u32 v12, v21  }
0x6b2: {  	[tilespmem:s25+$0xFFFFFF10] =	vst v16;
	v43 =	vand.u32 $0x7F, v40;
	v42 =	vadd.s32 s20, v60;
	v9 =	vand.u32 $0x400, v9  }
0x6b3: {  	v14 =	vld.idx.msk [tilespmem:v14+s23+$0x0], $0xffff;
	v16 =	vand.u32 $0x400, v41;
	v9 =	vor.u32 v9, v44;
	v44 =	vshll.u32 v42, $0x3;
	[tilespmem:s25+$0xFFFFFF90] =	vst v13  }
0x6b4: {  	v23 =	vand.u32 $0x400, v44;
	v45 =	vand.u32 $0x7F, v42;
	v13 =	vor.u32 v16, v43;
	v11 =	vld.idx.msk [tilespmem:v11+s23+$0x0], $0xffff;
	[tilespmem:s25+$0x10] =	vst v19  }
0x6b5: {  	v40 =	vadd.s32 s21, v62;
	v16 =	vor.u32 v23, v45;
	v13 =	vor.u32 v6, v13;
	v18 =	vld.idx.msk [tilespmem:v18+s23+$0x0], $0xffff;
	[tilespmem:s25+$0x90] =	vst v22  }
0x6b6: {  	v41 =	vshll.u32 v40, $0x3;
	v16 =	vor.u32 v10, v16;
	v13 =	vor.u32 v7, v13;
	v20 =	vld.idx.msk [tilespmem:v21+s23+$0x0], $0xffff  }
0x6b7: {  	v9 =	vor.u32 v2, v9;
	v44 =	vadd.s32 s20, v62;
	v16 =	vor.u32 v12, v16  }
0x6b8: {  	[tilespmem:s25+$0xFFFFFF20] =	vst v14;
	v9 =	vor.u32 v3, v9;
	v42 =	vand.u32 $0x7F, v40;
	v43 =	vand.u32 $0x400, v41  }
0x6b9: {  	v8 =	vld.idx.msk [tilespmem:v8+s23+$0x0], $0xffff;
	v40 =	vshll.u32 v44, $0x3;
	v14 =	vor.u32 v43, v42;
	v42 =	vand.u32 $0x7F, v44;
	[tilespmem:s25+$0xFFFFFFA0] =	vst v11  }
0x6ba: {  	v43 =	vadd.s32 s21, v26;
	v14 =	vor.u32 v6, v14;
	v19 =	vand.u32 $0x400, v40;
	v15 =	vld.idx.msk [tilespmem:v15+s23+$0x0], $0xffff;
	[tilespmem:s25+$0x20] =	vst v18  }
0x6bb: {  	v44 =	vshll.u32 v43, $0x3;
	v14 =	vor.u32 v7, v14;
	v19 =	vor.u32 v19, v42;
	[tilespmem:s25+$0xA0] =	vst v20;
	v13 =	vld.idx.msk [tilespmem:v13+s23+$0x0], $0xffff  }
0x6bc: {  	v40 =	vadd.s32 s20, v26;
	v21 =	vadd.s32 s19, v27;
	v19 =	vor.u32 v10, v19;
	v16 =	vld.idx.msk [tilespmem:v16+s23+$0x0], $0xffff  }
0x6bd: {  	v42 =	vand.u32 $0x7F, v40;
	v41 =	vshll.u32 v21, $0x3;
	v19 =	vor.u32 v12, v19  }
0x6be: {  	[tilespmem:s25+$0xFFFFFF30] =	vst v8;
	v45 =	vand.u32 $0x7F, v21;
	v18 =	vand.u32 $0x400, v41;
	v41 =	vshll.u32 v40, $0x3  }
0x6bf: {  	v5 =	vld.idx.msk [tilespmem:v5+s23+$0x0], $0xffff;
	v11 =	vor.u32 v18, v45;
	v45 =	vand.u32 $0x7F, v43;
	v18 =	vand.u32 $0x400, v44;
	[tilespmem:s25+$0xFFFFFFB0] =	vst v15  }
0x6c0: {  	v22 =	vadd.s32 s20, v27;
	v8 =	vor.u32 v18, v45;
	v15 =	vand.u32 $0x400, v41;
	v17 =	vld.idx.msk [tilespmem:v17+s23+$0x0], $0xffff;
	[tilespmem:s25+$0x30] =	vst v13  }
0x6c1: {  	v43 =	vadd.s32 s21, v27;
	v8 =	vor.u32 v6, v8;
	v13 =	vor.u32 v15, v42;
	v14 =	vld.idx.msk [tilespmem:v14+s23+$0x0], $0xffff;
	[tilespmem:s25+$0xB0] =	vst v16  }
0x6c2: {  	v44 =	vand.u32 $0x7F, v43;
	v8 =	vor.u32 v7, v8;
	v13 =	vor.u32 v10, v13;
	v21 =	vld.idx.msk [tilespmem:v19+s23+$0x0], $0xffff  }
0x6c3: {  	v45 =	vshll.u32 v43, $0x3;
	v23 =	vor.u32 v2, v11;
	v13 =	vor.u32 v12, v13  }
0x6c4: {  	[tilespmem:s25+$0xFFFFFF40] =	vst v5;
	v41 =	vshll.u32 v22, $0x3;
	v43 =	vand.u32 $0x7F, v22;
	v5 =	vor.u32 v3, v23  }
0x6c5: {  	v4 =	vld.idx.msk [tilespmem:v4+s23+$0x0], $0xffff;
	v42 =	vadd.s32 s19, v28;
	v15 =	vand.u32 $0x400, v41;
	v16 =	vand.u32 $0x400, v45;
	[tilespmem:s25+$0xFFFFFFC0] =	vst v17  }
0x6c6: {  	v45 =	vshll.u32 v42, $0x3;
	v40 =	vor.u32 v16, v44;
	v44 =	vor.u32 v15, v43;
	v9 =	vld.idx.msk [tilespmem:v9+s23+$0x0], $0xffff;
	[tilespmem:s25+$0x40] =	vst v14  }
0x6c7: {  	v16 =	vand.u32 $0x7F, v42;
	v15 =	vand.u32 $0x400, v45;
	v11 =	vor.u32 v6, v40;
	[tilespmem:s25+$0xC0] =	vst v21;
	v8 =	vld.idx.msk [tilespmem:v8+s23+$0x0], $0xffff  }
0x6c8: {  	v19 =	vadd.s32 s21, v28;
	v11 =	vor.u32 v7, v11;
	v14 =	vor.u32 v10, v44;
	v13 =	vld.idx.msk [tilespmem:v13+s23+$0x0], $0xffff  }
0x6c9: {  	v15 =	vor.u32 v15, v16;
	v20 =	vshll.u32 v19, $0x3;
	v14 =	vor.u32 v12, v14  }
0x6ca: {  	[tilespmem:s25+$0xFFFFFF50] =	vst v4;
	v22 =	vand.u32 $0x7F, v19;
	v2 =	vor.u32 v2, v15;
	v21 =	vadd.s32 s20, v28  }
0x6cb: {  	v1 =	vld.idx.msk [tilespmem:v1+s23+$0x0], $0xffff;
	v2 =	vor.u32 v3, v2;
	v3 =	vand.u32 $0x400, v20;
	[tilespmem:s25+$0xFFFFFFD0] =	vst v9;
	v23 =	vshll.u32 v21, $0x3  }
0x6cc: {  	v3 =	vor.u32 v3, v22;
	v4 =	vand.u32 $0x7F, v21;
	v5 =	vld.idx.msk [tilespmem:v5+s23+$0x0], $0xffff;
	v40 =	vand.u32 $0x400, v23;
	[tilespmem:s25+$0x50] =	vst v8  }
0x6cd: {  	v3 =	vor.u32 v6, v3;
	v4 =	vor.u32 v40, v4;
	[tilespmem:s25+$0xD0] =	vst v13;
	v41 =	vld.idx.msk [tilespmem:v11+s23+$0x0], $0xffff  }
0x6ce: {  	v3 =	vor.u32 v7, v3;
	v4 =	vor.u32 v10, v4;
	v42 =	vld.idx.msk [tilespmem:v14+s23+$0x0], $0xffff  }
0x6cf: {  	v4 =	vor.u32 v12, v4  }
0x6d0: {  	[tilespmem:s25+$0xFFFFFF60] =	vst v1  }
0x6d1: {  	v0 =	vld.idx.msk [tilespmem:v0+s23+$0x0], $0xffff;
	[tilespmem:s25+$0xFFFFFFE0] =	vst v5  }
0x6d2: {  	v43 =	vld.idx.msk [tilespmem:v2+s23+$0x0], $0xffff;
	[tilespmem:s25+$0x60] =	vst v41  }
0x6d3: {  	[tilespmem:s25+$0xE0] =	vst v42;
	v44 =	vld.idx.msk [tilespmem:v3+s23+$0x0], $0xffff  }
0x6d4: {  	s4 =	sadd.s32 s31, s4;
	p1 =	slt.u32 s30, $0x7C;
	v45 =	vld.idx.msk [tilespmem:v4+s23+$0x0], $0xffff  }
.Ltmp10:
0x6d5: {  	s7 =	sadd.s32 s29, s7;
	s11 =	sadd.s32 s26, s11;
	(pc) =	sbr.rel @p1 .LBB2_19-.Ltmp10, $4  }
0x6d6: {  	s10 =	sadd.s32 s28, s10;
	s16 =	sadd.s32 $0x20, s31;
	s3 =	sadd.s32 $0x4, s30;
	[tilespmem:s25+$0xFFFFFF70] =	vst v0  }
0x6d7: {  	s31 =	smov.u32 s16;
	s30 =	smov.u32 s3;
	s19 =	sadd.s32 $0x20, s29;
	[tilespmem:s25+$0xFFFFFFF0] =	vst v43  }
0x6d8: {  	s29 =	smov.u32 s19;
	s21 =	sadd.s32 $0x20, s26;
	s20 =	sadd.s32 $0x20, s28;
	[tilespmem:s25+$0x70] =	vst v44  }
0x6d9: {  	s26 =	smov.u32 s21;
	s28 =	smov.u32 s20;
	[tilespmem:s25+$0xF0] =	vst v45;
	s25 =	sadd.s32 $0x200, s25  }
0x6da: {  	s3 =	simm.s32 $0x0  }
0x6db: {  	v1 =	vadd.s32 s3, v32;
	v5 =	vadd.s32 s3, v34;
	v3 =	vadd.s32 s3, v33  }
0x6dc: {  	s10 =	simm.s32 $0x1;
	v8 =	vadd.s32 s3, v37;
	v7 =	vadd.s32 s3, v36;
	v9 =	vadd.s32 s3, v35  }
0x6dd: {  	s4 =	simm.s32 $0x2;
	s7 =	simm.s32 $0x3;
	v10 =	vadd.s32 s3, v39;
	v11 =	vadd.s32 s3, v38;
	v16 =	vadd.s32 s10, v39  }
0x6de: {  	v17 =	vadd.s32 s4, v39;
	v18 =	vadd.s32 s7, v39;
	v0 =	vand.u32 $0x7F, v1  }
0x6df: {  	v2 =	vand.u32 $0x7F, v3;
	v3 =	vshll.u32 v3, $0x3;
	v1 =	vshll.u32 v1, $0x3  }
0x6e0: {  	v6 =	vand.u32 $0x7F, v9;
	v4 =	vand.u32 $0x7F, v5;
	v5 =	vshll.u32 v5, $0x3  }
0x6e1: {  	v12 =	vand.u32 $0x7F, v7;
	v13 =	vshll.u32 v7, $0x3;
	v7 =	vshll.u32 v9, $0x3  }
0x6e2: {  	v9 =	vand.u32 $0x7F, v11;
	v14 =	vand.u32 $0x7F, v8;
	v8 =	vshll.u32 v8, $0x3  }
0x6e3: {  	s25 =	smul.u32 $0x1FFFFE1, s24;
	s11 =	sadd.s32 $0xFFFFFFFE, s2;
	v15 =	vand.u32 $0x7F, v10;
	v10 =	vshll.u32 v10, $0x3;
	v11 =	vshll.u32 v11, $0x3  }
0x6e4: {  	s11 =	smul.u32 s24, s11;
	v19 =	vand.u32 $0x7F, v16;
	v20 =	vand.u32 $0x7F, v17;
	v21 =	vshll.u32 v18, $0x3  }
0x6e5: {  	s0 =	sadd.s32 s0, s2;
	v16 =	vshll.u32 v16, $0x3;
	v18 =	vand.u32 $0x7F, v18;
	v17 =	vshll.u32 v17, $0x3  }
0x6e6: {  	s0 =	sadd.s32 s25, s0;
	v21 =	vand.u32 $0xFFFFFC00, v21;
	v16 =	vand.u32 $0xFFFFFC00, v16;
	v17 =	vand.u32 $0xFFFFFC00, v17;
	s26 =	sshrl.u32 s11, $0x1  }
0x6e7: {  	v10 =	vand.u32 $0xFFFFFC00, v10;
	v11 =	vand.u32 $0xFFFFFC00, v11;
	v8 =	vand.u32 $0xFFFFFC00, v8;
	s25 =	sadd.s32 s26, s0  }
0x6e8: {  	s28 =	sshll.u32 s24, $0x13;
	v13 =	vand.u32 $0xFFFFFC00, v13;
	v18 =	vor.u32 v18, v21;
	v16 =	vor.u32 v19, v16;
	s2 =	sshll.u32 s25, $0xA  }
0x6e9: {  	v17 =	vor.u32 v20, v17;
	v10 =	vor.u32 v15, v10;
	v15 =	vadd.s32 s10, v38;
	s0 =	sadd.s32 s28, s2  }
0x6ea: {  	s19 =	simm.s32 $0x8000;
	s29 =	simm.s32 $0x10200;
	v19 =	vadd.s32 s4, v38;
	v20 =	vadd.s32 s7, v38;
	v9 =	vor.u32 v9, v11;
	s0 =	sshrl.u32 s0, $0x3  }
0x6eb: {  	s30 =	simm.s32 $0x4;
	s11 =	simm.s32 $0x400;
	v11 =	vadd.s32 s10, v37;
	v8 =	vor.u32 v14, v8;
	v18 =	vadd.s32 v30, v18;
	s0 =	sadd.s32 s18, s0  }
0x6ec: {  	v14 =	vadd.s32 s10, v36;
	v12 =	vor.u32 v12, v13;
	v16 =	vadd.s32 v30, v16;
	[hbm4b:s0+s11] =	stream.strided.scatter [tilespmem:s29], [sflag:$0x3], $0x4000, s19, s11, $0x38;
	[tilespmem:$0x18300] =	vst v63  }
0x6ed: {  	v13 =	vadd.s32 s10, v35;
	v17 =	vadd.s32 v30, v17;
	v10 =	vadd.s32 v30, v10;
	_ =	swait.ge [sflag:s30], $0x4000  }
0x6ee: {  	v21 =	vand.u32 $0x7F, v15;
	v22 =	vand.u32 $0x7F, v19;
	v23 =	vshll.u32 v20, $0x3;
	[sflag:s30] =	ssyncset.done $0x0  }
0x6ef: {  	v15 =	vshll.u32 v15, $0x3;
	v20 =	vand.u32 $0x7F, v20;
	v23 =	vand.u32 $0xFFFFFC00, v23;
	[sflag:s30] =	ssyncadd.s32 $0xFFFFC000  }
0x6f0: {  	v19 =	vshll.u32 v19, $0x3;
	v15 =	vand.u32 $0xFFFFFC00, v15;
	v20 =	vor.u32 v20, v23;
	v18 =	vld.idx.msk [tilespmem:v18+s23+$0x0], $0xffff  }
0x6f1: {  	v9 =	vadd.s32 v31, v9;
	v15 =	vor.u32 v21, v15;
	v20 =	vadd.s32 v31, v20;
	v16 =	vld.idx.msk [tilespmem:v16+s23+$0x0], $0xffff  }
0x6f2: {  	v8 =	vadd.s32 v46, v8;
	v19 =	vand.u32 $0xFFFFFC00, v19;
	v15 =	vadd.s32 v31, v15  }
0x6f3: {  	v19 =	vor.u32 v22, v19;
	v21 =	vadd.s32 s4, v37;
	v22 =	vadd.s32 s7, v37;
	v17 =	vld.idx.msk [tilespmem:v17+s23+$0x0], $0xffff  }
0x6f4: {  	s26 =	simm.s32 $0x14200;
	v23 =	vand.u32 $0x7F, v11;
	v19 =	vadd.s32 v31, v19;
	v25 =	vshll.u32 v22, $0x3;
	v10 =	vld.idx.msk [tilespmem:v10+s23+$0x0], $0xffff  }
0x6f5: {  	v11 =	vshll.u32 v11, $0x3;
	v22 =	vand.u32 $0x7F, v22;
	v25 =	vand.u32 $0xFFFFFC00, v25;
	[tilespmem:s26+$0x180] =	vst v18  }
0x6f6: {  	v24 =	vand.u32 $0x7F, v21;
	v11 =	vand.u32 $0xFFFFFC00, v11;
	v22 =	vor.u32 v22, v25;
	[tilespmem:s26+$0x80] =	vst v16;
	v16 =	vld.idx.msk [tilespmem:v20+s23+$0x0], $0xffff  }
0x6f7: {  	v21 =	vshll.u32 v21, $0x3;
	v11 =	vor.u32 v23, v11;
	v22 =	vadd.s32 v46, v22;
	v15 =	vld.idx.msk [tilespmem:v15+s23+$0x0], $0xffff  }
0x6f8: {  	v21 =	vand.u32 $0xFFFFFC00, v21;
	v23 =	vadd.s32 s7, v36;
	v11 =	vadd.s32 v46, v11;
	[tilespmem:s26+$0x100] =	vst v17  }
0x6f9: {  	v21 =	vor.u32 v24, v21;
	v24 =	vshll.u32 v23, $0x3;
	v25 =	vadd.s32 s4, v36;
	[tilespmem:s26+$0x0] =	vst v10;
	v10 =	vld.idx.msk [tilespmem:v19+s23+$0x0], $0xffff  }
0x6fa: {  	v23 =	vand.u32 $0x7F, v23;
	v21 =	vadd.s32 v46, v21;
	v24 =	vand.u32 $0xFFFFFC00, v24;
	v9 =	vld.idx.msk [tilespmem:v9+s23+$0x0], $0xffff  }
0x6fb: {  	v18 =	vor.u32 v23, v24;
	v23 =	vand.u32 $0x7F, v14;
	v14 =	vshll.u32 v14, $0x3;
	[tilespmem:s26+$0x190] =	vst v16  }
0x6fc: {  	v12 =	vadd.s32 v47, v12;
	v24 =	vshll.u32 v25, $0x3;
	v14 =	vand.u32 $0xFFFFFC00, v14;
	[tilespmem:s26+$0x90] =	vst v15;
	v15 =	vld.idx.msk [tilespmem:v22+s23+$0x0], $0xffff  }
0x6fd: {  	v20 =	vand.u32 $0x7F, v25;
	v18 =	vadd.s32 v47, v18;
	v14 =	vor.u32 v23, v14;
	v11 =	vld.idx.msk [tilespmem:v11+s23+$0x0], $0xffff  }
0x6fe: {  	v17 =	vand.u32 $0xFFFFFC00, v24;
	v19 =	vadd.s32 s4, v35;
	v14 =	vadd.s32 v47, v14;
	[tilespmem:s26+$0x110] =	vst v10  }
0x6ff: {  	v17 =	vor.u32 v20, v17;
	v20 =	vadd.s32 s7, v35;
	v23 =	vand.u32 $0x7F, v19;
	[tilespmem:s26+$0x10] =	vst v9;
	v9 =	vld.idx.msk [tilespmem:v21+s23+$0x0], $0xffff  }
0x700: {  	v17 =	vadd.s32 v47, v17;
	v24 =	vshll.u32 v20, $0x3;
	v20 =	vand.u32 $0x7F, v20;
	v8 =	vld.idx.msk [tilespmem:v8+s23+$0x0], $0xffff  }
0x701: {  	v16 =	vand.u32 $0x7F, v13;
	v13 =	vshll.u32 v13, $0x3;
	v22 =	vand.u32 $0xFFFFFC00, v24;
	[tilespmem:s26+$0x1A0] =	vst v15  }
0x702: {  	v10 =	vand.u32 $0xFFFFFC00, v13;
	v13 =	vshll.u32 v19, $0x3;
	v19 =	vor.u32 v20, v22;
	[tilespmem:s26+$0xA0] =	vst v11;
	v11 =	vld.idx.msk [tilespmem:v18+s23+$0x0], $0xffff  }
0x703: {  	v7 =	vand.u32 $0xFFFFFC00, v7;
	v10 =	vor.u32 v16, v10;
	v16 =	vadd.s32 v48, v19;
	v14 =	vld.idx.msk [tilespmem:v14+s23+$0x0], $0xffff  }
0x704: {  	v5 =	vand.u32 $0xFFFFFC00, v5;
	v3 =	vand.u32 $0xFFFFFC00, v3;
	v13 =	vand.u32 $0xFFFFFC00, v13;
	[tilespmem:s26+$0x120] =	vst v9  }
0x705: {  	v10 =	vadd.s32 v48, v10;
	v13 =	vor.u32 v23, v13;
	v19 =	vadd.s32 s7, v34;
	[tilespmem:s26+$0x20] =	vst v8;
	v8 =	vld.idx.msk [tilespmem:v17+s23+$0x0], $0xffff  }
0x706: {  	v6 =	vor.u32 v6, v7;
	v13 =	vadd.s32 v48, v13;
	v21 =	vshll.u32 v19, $0x3;
	v12 =	vld.idx.msk [tilespmem:v12+s23+$0x0], $0xffff  }
0x707: {  	v6 =	vadd.s32 v48, v6;
	v9 =	vand.u32 $0x7F, v19;
	v19 =	vand.u32 $0xFFFFFC00, v21;
	[tilespmem:s26+$0x1B0] =	vst v11  }
0x708: {  	v1 =	vand.u32 $0xFFFFFC00, v1;
	v7 =	vadd.s32 s10, v34;
	v9 =	vor.u32 v9, v19;
	[tilespmem:s26+$0xB0] =	vst v14;
	v14 =	vld.idx.msk [tilespmem:v16+s23+$0x0], $0xffff  }
0x709: {  	v15 =	vadd.s32 s4, v34;
	v18 =	vand.u32 $0x7F, v7;
	v9 =	vadd.s32 v49, v9  }
0x70a: {  	v20 =	vand.u32 $0x7F, v15;
	v7 =	vshll.u32 v7, $0x3;
	v15 =	vshll.u32 v15, $0x3;
	[tilespmem:s26+$0x130] =	vst v8;
	v10 =	vld.idx.msk [tilespmem:v10+s23+$0x0], $0xffff  }
0x70b: {  	v7 =	vand.u32 $0xFFFFFC00, v7;
	v15 =	vand.u32 $0xFFFFFC00, v15;
	[tilespmem:s26+$0x30] =	vst v12;
	v16 =	vadd.s32 s7, v33;
	v12 =	vld.idx.msk [tilespmem:v13+s23+$0x0], $0xffff  }
0x70c: {  	v7 =	vor.u32 v18, v7;
	v15 =	vor.u32 v20, v15;
	v6 =	vld.idx.msk [tilespmem:v6+s23+$0x0], $0xffff;
	v18 =	vshll.u32 v16, $0x3  }
0x70d: {  	v7 =	vadd.s32 v49, v7;
	v13 =	vand.u32 $0x7F, v16;
	v16 =	vand.u32 $0xFFFFFC00, v18;
	v18 =	vld [tilespmem:$0x1FFE0];
	[tilespmem:s26+$0x1C0] =	vst v14  }
0x70e: {  	v4 =	vor.u32 v4, v5;
	v5 =	vadd.s32 s10, v33;
	v11 =	vadd.s32 v49, v15;
	v9 =	vld.idx.msk [tilespmem:v9+s23+$0x0], $0xffff  }
0x70f: {  	v2 =	vor.u32 v2, v3;
	v0 =	vor.u32 v0, v1;
	v4 =	vadd.s32 v49, v4  }
0x710: {  	v15 =	vadd.s32 s4, v33;
	v8 =	vand.u32 $0x7F, v5;
	v5 =	vshll.u32 v5, $0x3;
	[tilespmem:s26+$0xC0] =	vst v10  }
0x711: {  	v17 =	vand.u32 $0x7F, v15;
	v5 =	vand.u32 $0xFFFFFC00, v5;
	v15 =	vshll.u32 v15, $0x3;
	[tilespmem:s26+$0x140] =	vst v12  }
0x712: {  	v5 =	vor.u32 v8, v5;
	v8 =	vand.u32 $0xFFFFFC00, v15;
	v13 =	vor.u32 v13, v16;
	[tilespmem:s26+$0x40] =	vst v6;
	v7 =	vld.idx.msk [tilespmem:v7+s23+$0x0], $0xffff  }
0x713: {  	s31 =	simm.s32 $0x4;
	v3 =	vadd.s32 s10, v32;
	v8 =	vor.u32 v17, v8;
	v6 =	vld.idx.msk [tilespmem:v11+s23+$0x0], $0xffff;
	v13 =	vadd.s32 v18, v13;
	[tilespmem:s26+$0x1D0] =	vst v9  }
0x714: {  	v17 =	vadd.s32 s31, v38;
	v10 =	vadd.s32 s4, v32;
	v5 =	vadd.s32 v18, v5;
	v19 =	vld [tilespmem:$0x1FFF0]  }
0x715: {  	v12 =	vadd.s32 s7, v32;
	v11 =	vand.u32 $0x7F, v3;
	v4 =	vld.idx.msk [tilespmem:v4+s23+$0x0], $0xffff;
	v8 =	vadd.s32 v18, v8  }
0x716: {  	v14 =	vand.u32 $0x7F, v10;
	v15 =	vshll.u32 v12, $0x3;
	v2 =	vadd.s32 v18, v2  }
0x717: {  	v3 =	vshll.u32 v3, $0x3;
	v12 =	vand.u32 $0x7F, v12;
	v15 =	vand.u32 $0xFFFFFC00, v15  }
0x718: {  	v10 =	vshll.u32 v10, $0x3;
	v3 =	vand.u32 $0xFFFFFC00, v3;
	v12 =	vor.u32 v12, v15;
	[tilespmem:s26+$0xD0] =	vst v7;
	v7 =	vld.idx.msk [tilespmem:v13+s23+$0x0], $0xffff  }
0x719: {  	v3 =	vor.u32 v11, v3;
	v9 =	vand.u32 $0xFFFFFC00, v10;
	[tilespmem:s26+$0x150] =	vst v6;
	v5 =	vld.idx.msk [tilespmem:v5+s23+$0x0], $0xffff;
	v10 =	vadd.s32 v19, v12  }
0x71a: {  	v15 =	vadd.s32 s31, v39;
	v9 =	vor.u32 v14, v9;
	[tilespmem:s26+$0x50] =	vst v4;
	v1 =	vld.idx.msk [tilespmem:v8+s23+$0x0], $0xffff;
	v3 =	vadd.s32 v19, v3  }
0x71b: {  	v16 =	vshll.u32 v15, $0x3;
	v6 =	vadd.s32 s31, v32;
	v2 =	vld.idx.msk [tilespmem:v2+s23+$0x0], $0xffff;
	v9 =	vadd.s32 v19, v9  }
0x71c: {  	v4 =	vadd.s32 s31, v33;
	v13 =	vadd.s32 s31, v36;
	v11 =	vadd.s32 v19, v0  }
0x71d: {  	v14 =	vadd.s32 s31, v35;
	v8 =	vadd.s32 s31, v34;
	v40 =	vand.u32 $0x7F, v6;
	[tilespmem:s26+$0x1E0] =	vst v7  }
0x71e: {  	v42 =	vand.u32 $0x7F, v4;
	v43 =	vshll.u32 v4, $0x3;
	v41 =	vshll.u32 v6, $0x3;
	[tilespmem:s26+$0xE0] =	vst v5;
	v4 =	vld.idx.msk [tilespmem:v10+s23+$0x0], $0xffff  }
0x71f: {  	v6 =	vand.u32 $0x7F, v13;
	v23 =	vshll.u32 v13, $0x3;
	v44 =	vand.u32 $0x7F, v8;
	[tilespmem:s26+$0x160] =	vst v1;
	v5 =	vld.idx.msk [tilespmem:v3+s23+$0x0], $0xffff  }
0x720: {  	v45 =	vshll.u32 v8, $0x3;
	v12 =	vadd.s32 s31, v37;
	v0 =	vand.u32 $0x7F, v14;
	[tilespmem:s26+$0x60] =	vst v2;
	v3 =	vld.idx.msk [tilespmem:v9+s23+$0x0], $0xffff  }
0x721: {  	s16 =	smov.u32 s18;
	s2 =	simm.s32 $0x7;
	v1 =	vshll.u32 v14, $0x3;
	v2 =	vand.u32 $0x7F, v12;
	v8 =	vshll.u32 v12, $0x3;
	v7 =	vld.idx.msk [tilespmem:v11+s23+$0x0], $0xffff  }
0x722: {  	s0 =	simm.s32 $0x6;
	s7 =	simm.s32 $0x5;
	s4 =	simm.s32 $0x8;
	v14 =	vand.u32 $0x7F, v15;
	v12 =	vshll.u32 v17, $0x3;
	v10 =	vand.u32 $0x7F, v17  }
.LBB2_21:
0x723: {  	p1 =	slt.u32 s4, $0x7C;
	v9 =	vadd.s32 s7, v39;
	v11 =	vadd.s32 s0, v39;
	v13 =	vadd.s32 s2, v39;
	[tilespmem:s26+$0x1F0] =	vst v4  }
0x724: {  	v4 =	vand.u32 $0x7F, v9;
	v15 =	vand.u32 $0x7F, v11;
	v17 =	vshll.u32 v13, $0x3;
	[tilespmem:s26+$0xF0] =	vst v5  }
0x725: {  	v5 =	vshll.u32 v9, $0x3;
	v9 =	vand.u32 $0x7F, v13;
	v13 =	vand.u32 $0xFFFFFC00, v17;
	[tilespmem:s26+$0x170] =	vst v3  }
0x726: {  	v3 =	vand.u32 $0xFFFFFC00, v5;
	v5 =	vshll.u32 v11, $0x3;
	v9 =	vor.u32 v9, v13;
	[tilespmem:s26+$0x70] =	vst v7  }
0x727: {  	v3 =	vor.u32 v4, v3;
	v4 =	vand.u32 $0xFFFFFC00, v5;
	v5 =	vadd.s32 v30, v9  }
0x728: {  	v7 =	vand.u32 $0xFFFFFC00, v16;
	v3 =	vadd.s32 v30, v3;
	v4 =	vor.u32 v15, v4  }
0x729: {  	v7 =	vor.u32 v14, v7;
	v9 =	vadd.s32 s7, v38;
	v4 =	vadd.s32 v30, v4  }
0x72a: {  	v11 =	vadd.s32 s0, v38;
	v13 =	vadd.s32 s2, v38;
	v7 =	vadd.s32 v30, v7  }
0x72b: {  	v15 =	vand.u32 $0x7F, v11;
	v16 =	vshll.u32 v13, $0x3;
	v14 =	vand.u32 $0x7F, v9  }
0x72c: {  	v13 =	vand.u32 $0x7F, v13;
	v9 =	vshll.u32 v9, $0x3;
	v16 =	vand.u32 $0xFFFFFC00, v16;
	v5 =	vld.idx.msk [tilespmem:v5+s23+$0x0], $0xffff  }
0x72d: {  	v11 =	vshll.u32 v11, $0x3;
	v9 =	vand.u32 $0xFFFFFC00, v9;
	v13 =	vor.u32 v13, v16;
	v3 =	vld.idx.msk [tilespmem:v3+s23+$0x0], $0xffff  }
0x72e: {  	v11 =	vand.u32 $0xFFFFFC00, v11;
	v9 =	vor.u32 v14, v9;
	v13 =	vadd.s32 v31, v13;
	v4 =	vld.idx.msk [tilespmem:v4+s23+$0x0], $0xffff  }
0x72f: {  	v12 =	vand.u32 $0xFFFFFC00, v12;
	v11 =	vor.u32 v15, v11;
	v9 =	vadd.s32 v31, v9;
	v7 =	vld.idx.msk [tilespmem:v7+s23+$0x0], $0xffff  }
0x730: {  	v10 =	vor.u32 v10, v12;
	v12 =	vadd.s32 s7, v37;
	v11 =	vadd.s32 v31, v11  }
0x731: {  	v10 =	vadd.s32 v31, v10;
	s26 =	sadd.s32 $0x200, s26;
	v15 =	vadd.s32 s2, v37;
	v14 =	vadd.s32 s0, v37  }
0x732: {  	v16 =	vand.u32 $0x7F, v12;
	v17 =	vand.u32 $0x7F, v14;
	[tilespmem:s26+$0x180] =	vst v5;
	v5 =	vshll.u32 v15, $0x3  }
0x733: {  	[tilespmem:s26+$0x80] =	vst v3;
	v3 =	vshll.u32 v12, $0x3;
	v12 =	vld.idx.msk [tilespmem:v13+s23+$0x0], $0xffff;
	v13 =	vand.u32 $0x7F, v15;
	v5 =	vand.u32 $0xFFFFFC00, v5  }
0x734: {  	v9 =	vld.idx.msk [tilespmem:v9+s23+$0x0], $0xffff;
	v3 =	vand.u32 $0xFFFFFC00, v3;
	[tilespmem:s26+$0x100] =	vst v4;
	v4 =	vshll.u32 v14, $0x3;
	v5 =	vor.u32 v13, v5  }
0x735: {  	[tilespmem:s26+$0x0] =	vst v7;
	v3 =	vor.u32 v16, v3;
	v7 =	vld.idx.msk [tilespmem:v11+s23+$0x0], $0xffff;
	v4 =	vand.u32 $0xFFFFFC00, v4;
	v5 =	vadd.s32 v46, v5  }
0x736: {  	v8 =	vand.u32 $0xFFFFFC00, v8;
	v10 =	vld.idx.msk [tilespmem:v10+s23+$0x0], $0xffff;
	v3 =	vadd.s32 v46, v3;
	v4 =	vor.u32 v17, v4  }
0x737: {  	v2 =	vor.u32 v2, v8;
	v8 =	vadd.s32 s7, v36;
	v4 =	vadd.s32 v46, v4  }
0x738: {  	v2 =	vadd.s32 v46, v2;
	v13 =	vadd.s32 s2, v36;
	v11 =	vadd.s32 s0, v36  }
0x739: {  	v14 =	vand.u32 $0x7F, v8;
	v15 =	vand.u32 $0x7F, v11;
	[tilespmem:s26+$0x190] =	vst v12;
	v12 =	vshll.u32 v13, $0x3  }
0x73a: {  	v8 =	vshll.u32 v8, $0x3;
	[tilespmem:s26+$0x90] =	vst v9;
	v5 =	vld.idx.msk [tilespmem:v5+s23+$0x0], $0xffff;
	v9 =	vand.u32 $0x7F, v13;
	v12 =	vand.u32 $0xFFFFFC00, v12  }
0x73b: {  	v8 =	vand.u32 $0xFFFFFC00, v8;
	v3 =	vld.idx.msk [tilespmem:v3+s23+$0x0], $0xffff;
	[tilespmem:s26+$0x110] =	vst v7;
	v7 =	vshll.u32 v11, $0x3;
	v9 =	vor.u32 v9, v12  }
0x73c: {  	v8 =	vor.u32 v14, v8;
	[tilespmem:s26+$0x10] =	vst v10;
	v4 =	vld.idx.msk [tilespmem:v4+s23+$0x0], $0xffff;
	v7 =	vand.u32 $0xFFFFFC00, v7;
	v9 =	vadd.s32 v47, v9  }
0x73d: {  	v8 =	vadd.s32 v47, v8;
	v10 =	vand.u32 $0xFFFFFC00, v23;
	v2 =	vld.idx.msk [tilespmem:v2+s23+$0x0], $0xffff;
	v7 =	vor.u32 v15, v7  }
0x73e: {  	v6 =	vor.u32 v6, v10;
	v10 =	vadd.s32 s7, v35;
	v7 =	vadd.s32 v47, v7  }
0x73f: {  	v11 =	vadd.s32 s0, v35;
	v12 =	vadd.s32 s2, v35;
	v6 =	vadd.s32 v47, v6  }
0x740: {  	v14 =	vand.u32 $0x7F, v11;
	v13 =	vand.u32 $0x7F, v10;
	[tilespmem:s26+$0x1A0] =	vst v5;
	v5 =	vshll.u32 v12, $0x3  }
0x741: {  	[tilespmem:s26+$0xA0] =	vst v3;
	v3 =	vshll.u32 v10, $0x3;
	v9 =	vld.idx.msk [tilespmem:v9+s23+$0x0], $0xffff;
	v10 =	vand.u32 $0x7F, v12;
	v5 =	vand.u32 $0xFFFFFC00, v5  }
0x742: {  	v8 =	vld.idx.msk [tilespmem:v8+s23+$0x0], $0xffff;
	v3 =	vand.u32 $0xFFFFFC00, v3;
	[tilespmem:s26+$0x120] =	vst v4;
	v4 =	vshll.u32 v11, $0x3;
	v5 =	vor.u32 v10, v5  }
0x743: {  	[tilespmem:s26+$0x20] =	vst v2;
	v2 =	vor.u32 v13, v3;
	v3 =	vld.idx.msk [tilespmem:v7+s23+$0x0], $0xffff;
	v4 =	vand.u32 $0xFFFFFC00, v4;
	v5 =	vadd.s32 v48, v5  }
0x744: {  	v1 =	vand.u32 $0xFFFFFC00, v1;
	v6 =	vld.idx.msk [tilespmem:v6+s23+$0x0], $0xffff;
	v2 =	vadd.s32 v48, v2;
	v4 =	vor.u32 v14, v4  }
0x745: {  	v0 =	vor.u32 v0, v1;
	v1 =	vadd.s32 s7, v34;
	v4 =	vadd.s32 v48, v4  }
0x746: {  	v0 =	vadd.s32 v48, v0;
	v10 =	vadd.s32 s2, v34;
	v7 =	vadd.s32 s0, v34  }
0x747: {  	v11 =	vand.u32 $0x7F, v1;
	v12 =	vand.u32 $0x7F, v7;
	[tilespmem:s26+$0x1B0] =	vst v9;
	v9 =	vshll.u32 v10, $0x3  }
0x748: {  	v1 =	vshll.u32 v1, $0x3;
	[tilespmem:s26+$0xB0] =	vst v8;
	v5 =	vld.idx.msk [tilespmem:v5+s23+$0x0], $0xffff;
	v8 =	vand.u32 $0x7F, v10;
	v9 =	vand.u32 $0xFFFFFC00, v9  }
0x749: {  	v1 =	vand.u32 $0xFFFFFC00, v1;
	v2 =	vld.idx.msk [tilespmem:v2+s23+$0x0], $0xffff;
	[tilespmem:s26+$0x130] =	vst v3;
	v3 =	vshll.u32 v7, $0x3;
	v7 =	vor.u32 v8, v9  }
0x74a: {  	v1 =	vor.u32 v11, v1;
	[tilespmem:s26+$0x30] =	vst v6;
	v4 =	vld.idx.msk [tilespmem:v4+s23+$0x0], $0xffff;
	v3 =	vand.u32 $0xFFFFFC00, v3;
	v6 =	vadd.s32 v49, v7  }
0x74b: {  	v1 =	vadd.s32 v49, v1;
	v7 =	vand.u32 $0xFFFFFC00, v45;
	v0 =	vld.idx.msk [tilespmem:v0+s23+$0x0], $0xffff;
	v3 =	vor.u32 v12, v3  }
0x74c: {  	v8 =	vadd.s32 s7, v33;
	v7 =	vor.u32 v44, v7;
	v3 =	vadd.s32 v49, v3  }
0x74d: {  	v10 =	vadd.s32 s2, v33;
	v9 =	vadd.s32 s0, v33;
	v7 =	vadd.s32 v49, v7  }
0x74e: {  	v11 =	vand.u32 $0x7F, v8;
	v12 =	vand.u32 $0x7F, v9;
	[tilespmem:s26+$0x1C0] =	vst v5;
	v5 =	vshll.u32 v10, $0x3  }
0x74f: {  	[tilespmem:s26+$0xC0] =	vst v2;
	v2 =	vshll.u32 v8, $0x3;
	v6 =	vld.idx.msk [tilespmem:v6+s23+$0x0], $0xffff;
	v8 =	vand.u32 $0x7F, v10;
	v5 =	vand.u32 $0xFFFFFC00, v5  }
0x750: {  	v1 =	vld.idx.msk [tilespmem:v1+s23+$0x0], $0xffff;
	v2 =	vand.u32 $0xFFFFFC00, v2;
	[tilespmem:s26+$0x140] =	vst v4;
	v4 =	vshll.u32 v9, $0x3;
	v5 =	vor.u32 v8, v5  }
0x751: {  	[tilespmem:s26+$0x40] =	vst v0;
	v0 =	vor.u32 v11, v2;
	v2 =	vld.idx.msk [tilespmem:v3+s23+$0x0], $0xffff;
	v3 =	vand.u32 $0xFFFFFC00, v4;
	v4 =	vadd.s32 v18, v5  }
0x752: {  	v5 =	vld.idx.msk [tilespmem:v7+s23+$0x0], $0xffff;
	v7 =	vand.u32 $0xFFFFFC00, v43;
	v0 =	vadd.s32 v18, v0;
	v3 =	vor.u32 v12, v3  }
0x753: {  	v8 =	vadd.s32 s7, v32;
	v7 =	vor.u32 v42, v7;
	v3 =	vadd.s32 v18, v3  }
0x754: {  	v10 =	vadd.s32 s2, v32;
	v9 =	vadd.s32 s0, v32;
	v7 =	vadd.s32 v18, v7  }
0x755: {  	v11 =	vand.u32 $0x7F, v8;
	v12 =	vand.u32 $0x7F, v9;
	[tilespmem:s26+$0x1D0] =	vst v6;
	v6 =	vshll.u32 v10, $0x3  }
0x756: {  	[tilespmem:s26+$0xD0] =	vst v1;
	v1 =	vshll.u32 v8, $0x3;
	v4 =	vld.idx.msk [tilespmem:v4+s23+$0x0], $0xffff;
	v8 =	vand.u32 $0x7F, v10;
	v6 =	vand.u32 $0xFFFFFC00, v6  }
0x757: {  	v0 =	vld.idx.msk [tilespmem:v0+s23+$0x0], $0xffff;
	v1 =	vand.u32 $0xFFFFFC00, v1;
	[tilespmem:s26+$0x150] =	vst v2;
	v2 =	vshll.u32 v9, $0x3;
	v6 =	vor.u32 v8, v6  }
0x758: {  	[tilespmem:s26+$0x50] =	vst v5;
	v1 =	vor.u32 v11, v1;
	v3 =	vld.idx.msk [tilespmem:v3+s23+$0x0], $0xffff;
	v2 =	vand.u32 $0xFFFFFC00, v2;
	v5 =	vadd.s32 v19, v6  }
0x759: {  	v6 =	vld.idx.msk [tilespmem:v7+s23+$0x0], $0xffff;
	v7 =	vand.u32 $0xFFFFFC00, v41;
	v1 =	vadd.s32 v19, v1;
	v2 =	vor.u32 v12, v2  }
0x75a: {  	v8 =	vadd.s32 s4, v32;
	v7 =	vor.u32 v40, v7;
	v2 =	vadd.s32 v19, v2  }
0x75b: {  	v10 =	vadd.s32 s4, v33;
	v9 =	vadd.s32 s4, v34;
	v7 =	vadd.s32 v19, v7  }
0x75c: {  	v13 =	vadd.s32 s4, v35;
	v11 =	vadd.s32 s4, v37;
	v12 =	vadd.s32 s4, v36;
	[tilespmem:s26+$0x1E0] =	vst v4  }
0x75d: {  	v17 =	vadd.s32 s4, v38;
	v15 =	vadd.s32 s4, v39;
	v40 =	vand.u32 $0x7F, v8;
	[tilespmem:s26+$0xE0] =	vst v0;
	v4 =	vld.idx.msk [tilespmem:v5+s23+$0x0], $0xffff  }
.Ltmp11:
0x75e: {  	v42 =	vand.u32 $0x7F, v10;
	v43 =	vshll.u32 v10, $0x3;
	v41 =	vshll.u32 v8, $0x3;
	v5 =	vld.idx.msk [tilespmem:v1+s23+$0x0], $0xffff;
	[tilespmem:s26+$0x160] =	vst v3;
	(pc) =	sbr.rel @p1 .LBB2_21-.Ltmp11, $4  }
0x75f: {  	v44 =	vand.u32 $0x7F, v9;
	v45 =	vshll.u32 v9, $0x3;
	v0 =	vand.u32 $0x7F, v13;
	[tilespmem:s26+$0x60] =	vst v6;
	v3 =	vld.idx.msk [tilespmem:v2+s23+$0x0], $0xffff  }
0x760: {  	v23 =	vshll.u32 v12, $0x3;
	v1 =	vshll.u32 v13, $0x3;
	v6 =	vand.u32 $0x7F, v12;
	v7 =	vld.idx.msk [tilespmem:v7+s23+$0x0], $0xffff  }
0x761: {  	s7 =	sadd.s32 $0x1, s4;
	v10 =	vand.u32 $0x7F, v17;
	v8 =	vshll.u32 v11, $0x3;
	v2 =	vand.u32 $0x7F, v11  }
0x762: {  	v16 =	vshll.u32 v15, $0x3;
	v14 =	vand.u32 $0x7F, v15;
	s2 =	sadd.s32 $0x3, s4;
	s0 =	sadd.s32 $0x2, s4;
	s4 =	sadd.s32 $0x4, s4;
	v12 =	vshll.u32 v17, $0x3  }
0x763: {  	v9 =	vadd.s32 s7, v39;
	v11 =	vadd.s32 s0, v39;
	v13 =	vadd.s32 s2, v39  }
0x764: {  	v22 =	vand.u32 $0xFFFFFC00, v16;
	v16 =	vadd.s32 s0, v38;
	v12 =	vand.u32 $0xFFFFFC00, v12  }
0x765: {  	v21 =	vadd.s32 s7, v36;
	v24 =	vadd.s32 s7, v34;
	v25 =	vadd.s32 s7, v33  }
0x766: {  	v8 =	vand.u32 $0xFFFFFC00, v8;
	v23 =	vand.u32 $0xFFFFFC00, v23;
	v1 =	vand.u32 $0xFFFFFC00, v1  }
0x767: {  	v15 =	vand.u32 $0x7F, v9;
	v17 =	vand.u32 $0x7F, v11;
	v18 =	vshll.u32 v13, $0x3  }
0x768: {  	v9 =	vshll.u32 v9, $0x3;
	v13 =	vand.u32 $0x7F, v13;
	v11 =	vshll.u32 v11, $0x3  }
0x769: {  	v14 =	vor.u32 v14, v22;
	v19 =	vand.u32 $0x7F, v16;
	v18 =	vand.u32 $0xFFFFFC00, v18  }
0x76a: {  	v16 =	vshll.u32 v16, $0x3;
	v12 =	vor.u32 v10, v12;
	v13 =	vor.u32 v13, v18  }
0x76b: {  	v22 =	vadd.s32 s7, v35;
	v9 =	vand.u32 $0xFFFFFC00, v9;
	v13 =	vadd.s32 v30, v13  }
0x76c: {  	v2 =	vor.u32 v2, v8;
	v11 =	vand.u32 $0xFFFFFC00, v11;
	v9 =	vor.u32 v15, v9  }
0x76d: {  	v6 =	vor.u32 v6, v23;
	v11 =	vor.u32 v17, v11;
	v9 =	vadd.s32 v30, v9  }
0x76e: {  	v15 =	vadd.s32 s7, v38;
	v38 =	vadd.s32 s2, v38;
	v11 =	vadd.s32 v30, v11  }
0x76f: {  	v14 =	vadd.s32 v30, v14;
	v39 =	vand.u32 $0x7F, v15;
	v20 =	vshll.u32 v38, $0x3  }
0x770: {  	v15 =	vshll.u32 v15, $0x3;
	v17 =	vand.u32 $0x7F, v38;
	v20 =	vand.u32 $0xFFFFFC00, v20;
	v13 =	vld.idx.msk [tilespmem:v13+s23+$0x0], $0xffff  }
0x771: {  	v16 =	vand.u32 $0xFFFFFC00, v16;
	v15 =	vand.u32 $0xFFFFFC00, v15;
	v17 =	vor.u32 v17, v20  }
0x772: {  	v12 =	vadd.s32 v31, v12;
	v15 =	vor.u32 v39, v15;
	v17 =	vadd.s32 v31, v17;
	v9 =	vld.idx.msk [tilespmem:v9+s23+$0x0], $0xffff  }
0x773: {  	v16 =	vor.u32 v19, v16;
	v38 =	vadd.s32 s2, v37;
	v15 =	vadd.s32 v31, v15;
	v11 =	vld.idx.msk [tilespmem:v11+s23+$0x0], $0xffff  }
0x774: {  	s4 =	sadd.s32 $0x200, s26;
	v18 =	vadd.s32 s7, v37;
	v16 =	vadd.s32 v31, v16;
	v39 =	vshll.u32 v38, $0x3;
	v14 =	vld.idx.msk [tilespmem:v14+s23+$0x0], $0xffff  }
0x775: {  	v19 =	vand.u32 $0x7F, v38;
	v38 =	vshll.u32 v18, $0x3;
	v20 =	vand.u32 $0xFFFFFC00, v39;
	[tilespmem:s4+$0x180] =	vst v13  }
0x776: {  	v18 =	vand.u32 $0x7F, v18;
	v39 =	vadd.s32 s0, v37;
	v13 =	vor.u32 v19, v20;
	v20 =	vld [tilespmem:$0x1FFF0]  }
0x777: {  	v19 =	vand.u32 $0xFFFFFC00, v38;
	v38 =	vand.u32 $0x7F, v39;
	[tilespmem:s4+$0x80] =	vst v9;
	v17 =	vld.idx.msk [tilespmem:v17+s23+$0x0], $0xffff;
	v9 =	vshll.u32 v39, $0x3  }
0x778: {  	[tilespmem:s4+$0x100] =	vst v11;
	v37 =	vor.u32 v18, v19;
	v13 =	vadd.s32 v46, v13;
	v15 =	vld.idx.msk [tilespmem:v15+s23+$0x0], $0xffff;
	v9 =	vand.u32 $0xFFFFFC00, v9  }
0x779: {  	v10 =	vadd.s32 s7, v32;
	[tilespmem:s4+$0x0] =	vst v14;
	v14 =	vld.idx.msk [tilespmem:v16+s23+$0x0], $0xffff;
	v11 =	vadd.s32 v46, v37;
	v9 =	vor.u32 v38, v9  }
0x77a: {  	v0 =	vor.u32 v0, v1;
	v2 =	vadd.s32 v46, v2;
	v8 =	vld.idx.msk [tilespmem:v12+s23+$0x0], $0xffff;
	v9 =	vadd.s32 v46, v9  }
0x77b: {  	v6 =	vadd.s32 v47, v6;
	v39 =	vadd.s32 s2, v36;
	v18 =	vand.u32 $0x7F, v21  }
0x77c: {  	v37 =	vshll.u32 v21, $0x3;
	v46 =	vadd.s32 s0, v36;
	v36 =	vshll.u32 v39, $0x3;
	[tilespmem:s4+$0x190] =	vst v17  }
0x77d: {  	v12 =	vand.u32 $0x7F, v39;
	v38 =	vand.u32 $0xFFFFFC00, v37;
	v19 =	vand.u32 $0xFFFFFC00, v36;
	[tilespmem:s4+$0x90] =	vst v15;
	v13 =	vld.idx.msk [tilespmem:v13+s23+$0x0], $0xffff  }
0x77e: {  	v39 =	vshll.u32 v46, $0x3;
	v46 =	vand.u32 $0x7F, v46;
	v12 =	vor.u32 v12, v19;
	[tilespmem:s4+$0x110] =	vst v14;
	v11 =	vld.idx.msk [tilespmem:v11+s23+$0x0], $0xffff  }
0x77f: {  	v21 =	vand.u32 $0xFFFFFC00, v39;
	v15 =	vor.u32 v18, v38;
	[tilespmem:s4+$0x10] =	vst v8;
	v8 =	vld.idx.msk [tilespmem:v9+s23+$0x0], $0xffff;
	v9 =	vadd.s32 v47, v12  }
0x780: {  	v0 =	vadd.s32 v48, v0;
	v14 =	vor.u32 v46, v21;
	v15 =	vadd.s32 v47, v15  }
0x781: {  	v37 =	vadd.s32 s0, v35;
	v39 =	vand.u32 $0x7F, v22;
	v36 =	vadd.s32 v47, v14  }
0x782: {  	v38 =	vadd.s32 s2, v35;
	v46 =	vand.u32 $0x7F, v37;
	v21 =	vshll.u32 v22, $0x3;
	v2 =	vld.idx.msk [tilespmem:v2+s23+$0x0], $0xffff  }
0x783: {  	v22 =	vshll.u32 v37, $0x3;
	v16 =	vand.u32 $0x7F, v38;
	v47 =	vshll.u32 v38, $0x3;
	[tilespmem:s4+$0x1A0] =	vst v13  }
0x784: {  	v13 =	vand.u32 $0xFFFFFC00, v47;
	v47 =	vand.u32 $0x7F, v24;
	[tilespmem:s4+$0xA0] =	vst v11;
	v11 =	vand.u32 $0xFFFFFC00, v21;
	v9 =	vld.idx.msk [tilespmem:v9+s23+$0x0], $0xffff  }
0x785: {  	v13 =	vor.u32 v16, v13;
	[tilespmem:s4+$0x120] =	vst v8;
	v14 =	vld.idx.msk [tilespmem:v15+s23+$0x0], $0xffff;
	v23 =	vor.u32 v39, v11;
	v8 =	vand.u32 $0xFFFFFC00, v22  }
0x786: {  	v39 =	vadd.s32 s0, v34;
	v22 =	vshll.u32 v24, $0x3;
	v35 =	vld.idx.msk [tilespmem:v36+s23+$0x0], $0xffff;
	v36 =	vadd.s32 v48, v13  }
0x787: {  	[tilespmem:s4+$0x20] =	vst v2;
	v8 =	vor.u32 v46, v8;
	v2 =	vadd.s32 v48, v23;
	v46 =	vadd.s32 s2, v34  }
0x788: {  	v37 =	vld.idx.msk [tilespmem:v6+s23+$0x0], $0xffff;
	v23 =	vand.u32 $0xFFFFFC00, v22;
	v22 =	vand.u32 $0xFFFFFC00, v43;
	v38 =	vadd.s32 v48, v8  }
0x789: {  	v48 =	vand.u32 $0x7F, v39;
	v21 =	vshll.u32 v46, $0x3;
	v13 =	vand.u32 $0x7F, v46  }
0x78a: {  	v18 =	vld [tilespmem:$0x1FFE0];
	v8 =	vshll.u32 v39, $0x3;
	v34 =	vor.u32 v47, v23;
	[tilespmem:s4+$0x1B0] =	vst v9;
	v9 =	vand.u32 $0xFFFFFC00, v21  }
0x78b: {  	v39 =	vadd.s32 s2, v33;
	v47 =	vshll.u32 v25, $0x3;
	[tilespmem:s4+$0xB0] =	vst v14;
	v12 =	vld.idx.msk [tilespmem:v36+s23+$0x0], $0xffff;
	v9 =	vor.u32 v13, v9  }
0x78c: {  	v23 =	vadd.s32 s0, v32;
	[tilespmem:s4+$0x130] =	vst v35;
	v2 =	vld.idx.msk [tilespmem:v2+s23+$0x0], $0xffff;
	v35 =	vand.u32 $0xFFFFFC00, v8;
	v36 =	vadd.s32 v49, v9  }
0x78d: {  	v11 =	vadd.s32 v49, v34;
	[tilespmem:s4+$0x30] =	vst v37;
	v37 =	vand.u32 $0xFFFFFC00, v45;
	v6 =	vld.idx.msk [tilespmem:v38+s23+$0x0], $0xffff;
	v1 =	vor.u32 v48, v35  }
0x78e: {  	v46 =	vshll.u32 v39, $0x3;
	v0 =	vld.idx.msk [tilespmem:v0+s23+$0x0], $0xffff;
	v9 =	vor.u32 v44, v37;
	v1 =	vadd.s32 v49, v1  }
0x78f: {  	v14 =	vand.u32 $0x7F, v39;
	v38 =	vadd.s32 s0, v33;
	v9 =	vadd.s32 v49, v9  }
0x790: {  	v44 =	vand.u32 $0x7F, v25;
	v48 =	vand.u32 $0xFFFFFC00, v46;
	v45 =	vand.u32 $0x7F, v38;
	[tilespmem:s4+$0x1C0] =	vst v12  }
0x791: {  	v49 =	vand.u32 $0xFFFFFC00, v47;
	v13 =	vshll.u32 v38, $0x3;
	[tilespmem:s4+$0xC0] =	vst v2;
	v2 =	vor.u32 v14, v48;
	v8 =	vld.idx.msk [tilespmem:v36+s23+$0x0], $0xffff  }
0x792: {  	v17 =	vor.u32 v44, v49;
	v19 =	vand.u32 $0xFFFFFC00, v13;
	[tilespmem:s4+$0x140] =	vst v6;
	v11 =	vld.idx.msk [tilespmem:v11+s23+$0x0], $0xffff;
	v21 =	vadd.s32 v18, v2  }
0x793: {  	v34 =	vand.u32 $0x7F, v10;
	[tilespmem:s4+$0x40] =	vst v0;
	v12 =	vor.u32 v45, v19;
	v6 =	vadd.s32 v18, v17;
	v1 =	vld.idx.msk [tilespmem:v1+s23+$0x0], $0xffff  }
0x794: {  	v33 =	vadd.s32 s2, v32;
	v2 =	vor.u32 v42, v22;
	v12 =	vadd.s32 v18, v12;
	v9 =	vld.idx.msk [tilespmem:v9+s23+$0x0], $0xffff  }
0x795: {  	v35 =	vand.u32 $0x7F, v23;
	v36 =	vshll.u32 v33, $0x3;
	v2 =	vadd.s32 v18, v2  }
0x796: {  	v37 =	vshll.u32 v10, $0x3;
	v38 =	vand.u32 $0x7F, v33;
	v39 =	vand.u32 $0xFFFFFC00, v36;
	[tilespmem:s4+$0x1D0] =	vst v8  }
0x797: {  	v42 =	vshll.u32 v23, $0x3;
	v10 =	vor.u32 v38, v39;
	[tilespmem:s4+$0xD0] =	vst v11;
	v8 =	vand.u32 $0xFFFFFC00, v37;
	v0 =	vld.idx.msk [tilespmem:v21+s23+$0x0], $0xffff  }
0x798: {  	v44 =	vand.u32 $0xFFFFFC00, v42;
	v10 =	vadd.s32 v20, v10;
	v6 =	vld.idx.msk [tilespmem:v6+s23+$0x0], $0xffff;
	[tilespmem:s4+$0x150] =	vst v1;
	v43 =	vor.u32 v34, v8  }
0x799: {  	v46 =	vand.u32 $0xFFFFFC00, v41;
	[tilespmem:s4+$0x50] =	vst v9;
	v8 =	vor.u32 v35, v44;
	v45 =	vld.idx.msk [tilespmem:v12+s23+$0x0], $0xffff;
	v1 =	vadd.s32 v20, v43  }
0x79a: {  	[tilespmem:s26+$0x1F0] =	vst v4;
	v47 =	vor.u32 v40, v46;
	v2 =	vld.idx.msk [tilespmem:v2+s23+$0x0], $0xffff;
	v8 =	vadd.s32 v20, v8  }
0x79b: {  	[tilespmem:s26+$0xF0] =	vst v5;
	v4 =	vadd.s32 v20, v47  }
0x79c: {  	[tilespmem:s4+$0x1E0] =	vst v0  }
0x79d: {  	[tilespmem:s4+$0xE0] =	vst v6;
	v0 =	vld.idx.msk [tilespmem:v10+s23+$0x0], $0xffff  }
0x79e: {  	v1 =	vld.idx.msk [tilespmem:v1+s23+$0x0], $0xffff;
	[tilespmem:s4+$0x160] =	vst v45  }
0x79f: {  	[tilespmem:s4+$0x60] =	vst v2;
	v48 =	vld.idx.msk [tilespmem:v8+s23+$0x0], $0xffff  }
0x7a0: {  	[tilespmem:s26+$0x170] =	vst v3;
	v49 =	vld.idx.msk [tilespmem:v4+s23+$0x0], $0xffff  }
0x7a1: {  	[tilespmem:s26+$0x70] =	vst v7  }
.Ltmp12:
0x7a2: {  	s29 =	sshll.u32 s25, $0x13;
	s30 =	sshll.u32 s24, $0xA;
	[tilespmem:s4+$0x1F0] =	vst v0;
	(pc) =	sbr.rel @p0 .LBB2_26-.Ltmp12, $4  }
0x7a3: {  	s0 =	sadd.s32 s30, s29;
	[tilespmem:s4+$0xF0] =	vst v1  }
0x7a4: {  	s0 =	sshrl.u32 s0, $0x3;
	[tilespmem:s4+$0x170] =	vst v48  }
0x7a5: {  	s31 =	simm.s32 $0x14200;
	s0 =	sadd.s32 s16, s0;
	[tilespmem:s4+$0x70] =	vst v49  }
0x7a6: {  	[hbm4b:s0+s11] =	stream.strided.scatter [tilespmem:s31], [sflag:$0x4], $0x4000, s19, s11, $0x38;
	[tilespmem:$0x18300] =	vst v63  }
0x7a7: {  	s0 =	rddreg [dreg:$0x6]  }
0x7a8: {  	s0 =	sadd.s32 s0, s13  }
0x7a9: {  	s0 =	smin.u32 s0, $0x1EF  }
0x7aa: {  	v0 =	vmov s0  }
0x7ab: {  	vm0 =	vgt.s32 v0, v50  }
0x7ac: {  	v1 =	vsel vm0, $0x1, v51;
	vm0 =	vgt.u32 v0, v29  }
0x7ad: {  	(xrf0) =	vadd.scan.msk.s32 $0xffff, v1;
	v0 =	vsel vm0, $0x1, v51  }
0x7ae: {  	(xrf0) =	vadd.scan.msk.s32 $0xffff, v0;
	_ =	sdelay $0x4  }
0x7af: {  	v0, _, _ =	vpop (xrf0)  }
0x7b0: {  	(v2sf) =	vpush v0, $0xF;
	v0, _, _ =	vpop (xrf0)  }
0x7b1: {  	(v2sf) =	vpush v0, $0xF;
	_ =	sdelay $0xd  }
0x7b2: {  	s2 =	spop (v2sf)  }
0x7b3: {  	s3 =	spop (v2sf)  }
0x7b4: {  	s2 =	sadd.s32 s2, s3  }
0x7b5: {  	s3 =	sadd.s32 $0xFFFFFFFF, s2  }
0x7b6: {  	s7 =	sadd.s32 $0x3FFFFFE, s2;
	s4 =	smul.u32 $0x1FFFFE1, s3  }
0x7b7: {  	s3 =	smul.u32 s3, s7  }
0x7b8: {  	s0 =	sadd.s32 s0, s2  }
0x7b9: {  	s2 =	sshll.u32 s2, $0x7;
	s3 =	sshrl.u32 s3, $0x1;
	s0 =	sadd.s32 s4, s0  }
0x7ba: {  	s2 =	sadd.s32 $0xFFFFFF80, s2;
	s0 =	sadd.s32 s3, s0  }
0x7bb: {  	v0 =	vor.u32 s2, v52;
	v1 =	vadd.s32 s2, v53;
	s0 =	sshll.u32 s0, $0x7  }
0x7bc: {  	v1 =	vmul.u32 v1, v0;
	s0 =	sadd.s32 $0xFFFFFFFF, s0  }
0x7bd: {  	v0 =	vshll.u32 v0, $0xC;
	s30 =	ssub.s32 s0, s2  }
0x7be: {  	v1 =	vshrl.u32 v1, $0x1;
	v0 =	vadd.s32 s30, v0  }
0x7bf: {  	v0 =	vsub.s32 v0, v1  }
0x7c0: {  	s31 =	sadd.s32 $0x10, s2;
	v2 =	vadd.s32 v54, v0  }
0x7c1: {  	v1 =	vadd.s32 s31, v53;
	v0 =	vor.u32 s31, v52;
	v3 =	vshra.s32 v2, $0x7  }
0x7c2: {  	v1 =	vmul.u32 v1, v0;
	vm0 =	vgt.s32 v3, $0x0  }
0x7c3: {  	s2 =	ssub.s32 s0, s31;
	v4 =	vshll.u32 v0, $0xC;
	v0 =	vnsel vm0, $0x0, v3  }
0x7c4: {  	v1 =	vshrl.u32 v1, $0x1;
	v3 =	vadd.s32 s2, v4;
	v63 =	vmin.u32 v0, $0xFFEE  }
0x7c5: {  	s10 =	simm.s32 $0x0;
	v1 =	vsub.s32 v3, v1;
	v3 =	vshll.u32 v0, $0x7;
	v4 =	vadd.s32 $0x1, v63  }
0x7c6: {  	s4 =	simm.s32 $0x80;
	s7 =	sadd.s32 $0x10, s31;
	s2 =	simm.s32 $0x40;
	v1 =	vadd.s32 v54, v1;
	v2 =	vsub.s32 v2, v3;
	[tilespmem:s10+$0x180] =	vst v4  }
.LBB2_24:
0x7c7: {  	v3 =	vor.u32 s7, v52;
	v4 =	vadd.s32 s7, v53;
	p0 =	sne.s32 s4, $0x1C0;
	v5 =	vshra.s32 v1, $0x7;
	[tilespmem:s10+$0x18280] =	vst v2;
	s3 =	smov.u32 s4;
	s4 =	sadd.s32 $0x40, s4  }
.Ltmp13:
0x7c8: {  	v2 =	vmul.u32 v4, v3;
	vm0 =	vgt.s32 v5, $0x0;
	[tilespmem:s10+$0x100] =	vst v0;
	(pc) =	sbr.rel @p0 .LBB2_24-.Ltmp13, $4  }
0x7c9: {  	v3 =	vshll.u32 v3, $0xC;
	s10 =	ssub.s32 s0, s7;
	v0 =	vnsel vm0, $0x0, v5  }
0x7ca: {  	v3 =	vadd.s32 s10, v3;
	v2 =	vshrl.u32 v2, $0x1;
	v4 =	vmin.u32 v0, $0xFFEE  }
0x7cb: {  	s10 =	sshra.s32 s2, $0x2;
	s2 =	smov.u32 s3;
	v3 =	vsub.s32 v3, v2;
	v2 =	vshll.u32 v0, $0x7;
	v4 =	vadd.s32 $0x1, v4  }
0x7cc: {  	s7 =	sadd.s32 $0x10, s7;
	v2 =	vsub.s32 v1, v2;
	v1 =	vadd.s32 v54, v3;
	[tilespmem:s10+$0x180] =	vst v4  }
0x7cd: {  	v3 =	vshra.s32 v1, $0x7  }
0x7ce: {  	vm0 =	vgt.s32 v3, $0x0  }
0x7cf: {  	[tilespmem:s10+$0x18280] =	vst v2;
	v3 =	vnsel vm0, $0x0, v3  }
0x7d0: {  	[tilespmem:s10+$0x100] =	vst v0;
	s0 =	sshra.s32 s2, $0x2;
	v37 =	vmin.u32 v3, $0xFFEE  }
0x7d1: {  	v38 =	vshll.u32 v3, $0x7;
	[tilespmem:s0+$0x100] =	vst v3;
	v2 =	vadd.s32 $0x1, v37  }
0x7d2: {  	v0 =	vsub.s32 v1, v38;
	[tilespmem:s0+$0x180] =	vst v2  }
0x7d3: {  	v39 =	vld [tilespmem:$0x1FE50];
	[tilespmem:s0+$0x18280] =	vst v0  }
0x7d4: {  	v0 =	vld [tilespmem:$0x100]  }
0x7d5: {  	v41 =	vld [tilespmem:$0x1FE60]  }
0x7d6: {  	v4 =	vld [tilespmem:$0x1FE70];
	_ =	sdelay $0x2  }
0x7d7: {  	v40 =	vperm.xlane v0, v39;
	_ =	sdelay $0x1  }
0x7d8: {  	v0 =	vperm.xlane v0, v4;
	v1 =	vadd.s32 v41, v40;
	_ =	sdelay $0x1  }
0x7d9: {  	v0 =	vadd.s32 v41, v0;
	_ =	sdelay $0x1  }
0x7da: {  	s10 =	simm.s32 $0x8200  }
0x7db: {  	[tilespmem:s10], [sflag:$0x2] =	stream.indirect_vreg.gather [hbm4b:s1+s5], $0x80, v1, vm2, $0xb8;
	[tilespmem:$0x18300] =	vst v63  }
0x7dc: {  	s11 =	simm.s32 $0x8A00  }
0x7dd: {  	[tilespmem:s11], [sflag:$0x2] =	stream.indirect_vreg.gather [hbm4b:s1+s5], $0x80, v0, vm2, $0xb8;
	[tilespmem:$0x18300] =	vst v63  }
0x7de: {  	v0 =	vld [tilespmem:$0x110];
	_ =	sdelay $0x4  }
0x7df: {  	v42 =	vperm.xlane v0, v39;
	_ =	sdelay $0x1  }
0x7e0: {  	v0 =	vperm.xlane v0, v4;
	v1 =	vadd.s32 v41, v42;
	_ =	sdelay $0x1  }
0x7e1: {  	v0 =	vadd.s32 v41, v0;
	_ =	sdelay $0x1  }
0x7e2: {  	s13 =	simm.s32 $0x9200  }
0x7e3: {  	[tilespmem:s13], [sflag:$0x2] =	stream.indirect_vreg.gather [hbm4b:s1+s5], $0x80, v1, vm2, $0xb8;
	[tilespmem:$0x18300] =	vst v63  }
0x7e4: {  	s16 =	simm.s32 $0x9A00  }
0x7e5: {  	[tilespmem:s16], [sflag:$0x2] =	stream.indirect_vreg.gather [hbm4b:s1+s5], $0x80, v0, vm2, $0xb8;
	[tilespmem:$0x18300] =	vst v63  }
0x7e6: {  	v0 =	vld [tilespmem:$0x120];
	_ =	sdelay $0x4  }
0x7e7: {  	v43 =	vperm.xlane v0, v39;
	_ =	sdelay $0x1  }
0x7e8: {  	v0 =	vperm.xlane v0, v4;
	v1 =	vadd.s32 v41, v43;
	_ =	sdelay $0x1  }
0x7e9: {  	v0 =	vadd.s32 v41, v0;
	_ =	sdelay $0x1  }
0x7ea: {  	s19 =	simm.s32 $0xA200  }
0x7eb: {  	[tilespmem:s19], [sflag:$0x2] =	stream.indirect_vreg.gather [hbm4b:s1+s5], $0x80, v1, vm2, $0xb8;
	[tilespmem:$0x18300] =	vst v63  }
0x7ec: {  	s20 =	simm.s32 $0xAA00  }
0x7ed: {  	[tilespmem:s20], [sflag:$0x2] =	stream.indirect_vreg.gather [hbm4b:s1+s5], $0x80, v0, vm2, $0xb8;
	[tilespmem:$0x18300] =	vst v63  }
0x7ee: {  	v0 =	vld [tilespmem:$0x130];
	_ =	sdelay $0x4  }
0x7ef: {  	v44 =	vperm.xlane v0, v39;
	_ =	sdelay $0x1  }
0x7f0: {  	v0 =	vperm.xlane v0, v4;
	v1 =	vadd.s32 v41, v44;
	_ =	sdelay $0x1  }
0x7f1: {  	v0 =	vadd.s32 v41, v0;
	_ =	sdelay $0x1  }
0x7f2: {  	s21 =	simm.s32 $0xB200  }
0x7f3: {  	[tilespmem:s21], [sflag:$0x2] =	stream.indirect_vreg.gather [hbm4b:s1+s5], $0x80, v1, vm2, $0xb8;
	[tilespmem:$0x18300] =	vst v63  }
0x7f4: {  	s24 =	simm.s32 $0xBA00  }
0x7f5: {  	[tilespmem:s24], [sflag:$0x2] =	stream.indirect_vreg.gather [hbm4b:s1+s5], $0x80, v0, vm2, $0xb8;
	[tilespmem:$0x18300] =	vst v63  }
0x7f6: {  	v0 =	vld [tilespmem:$0x140];
	_ =	sdelay $0x4  }
0x7f7: {  	v45 =	vperm.xlane v0, v39;
	_ =	sdelay $0x1  }
0x7f8: {  	v0 =	vperm.xlane v0, v4;
	v1 =	vadd.s32 v41, v45;
	_ =	sdelay $0x1  }
0x7f9: {  	v0 =	vadd.s32 v41, v0;
	_ =	sdelay $0x1  }
0x7fa: {  	s25 =	simm.s32 $0xC200  }
0x7fb: {  	[tilespmem:s25], [sflag:$0x2] =	stream.indirect_vreg.gather [hbm4b:s1+s5], $0x80, v1, vm2, $0xb8;
	[tilespmem:$0x18300] =	vst v63  }
0x7fc: {  	s26 =	simm.s32 $0xCA00  }
0x7fd: {  	[tilespmem:s26], [sflag:$0x2] =	stream.indirect_vreg.gather [hbm4b:s1+s5], $0x80, v0, vm2, $0xb8;
	[tilespmem:$0x18300] =	vst v63  }
0x7fe: {  	v0 =	vld [tilespmem:$0x150];
	_ =	sdelay $0x4  }
0x7ff: {  	v46 =	vperm.xlane v0, v39;
	_ =	sdelay $0x1  }
0x800: {  	v0 =	vperm.xlane v0, v4;
	v1 =	vadd.s32 v41, v46;
	_ =	sdelay $0x1  }
0x801: {  	v0 =	vadd.s32 v41, v0;
	_ =	sdelay $0x1  }
0x802: {  	s28 =	simm.s32 $0xD200  }
0x803: {  	[tilespmem:s28], [sflag:$0x2] =	stream.indirect_vreg.gather [hbm4b:s1+s5], $0x80, v1, vm2, $0xb8;
	[tilespmem:$0x18300] =	vst v63  }
0x804: {  	s29 =	simm.s32 $0xDA00  }
0x805: {  	[tilespmem:s29], [sflag:$0x2] =	stream.indirect_vreg.gather [hbm4b:s1+s5], $0x80, v0, vm2, $0xb8;
	[tilespmem:$0x18300] =	vst v63  }
0x806: {  	v0 =	vld [tilespmem:$0x160];
	_ =	sdelay $0x4  }
0x807: {  	v47 =	vperm.xlane v0, v39;
	_ =	sdelay $0x1  }
0x808: {  	v0 =	vperm.xlane v0, v4;
	v1 =	vadd.s32 v41, v47;
	_ =	sdelay $0x1  }
0x809: {  	v0 =	vadd.s32 v41, v0;
	_ =	sdelay $0x1  }
0x80a: {  	s30 =	simm.s32 $0xE200  }
0x80b: {  	[tilespmem:s30], [sflag:$0x2] =	stream.indirect_vreg.gather [hbm4b:s1+s5], $0x80, v1, vm2, $0xb8;
	[tilespmem:$0x18300] =	vst v63  }
0x80c: {  	s31 =	simm.s32 $0xEA00  }
0x80d: {  	[tilespmem:s31], [sflag:$0x2] =	stream.indirect_vreg.gather [hbm4b:s1+s5], $0x80, v0, vm2, $0xb8;
	[tilespmem:$0x18300] =	vst v63  }
0x80e: {  	v0 =	vld [tilespmem:$0x170];
	_ =	sdelay $0x4  }
0x80f: {  	v48 =	vperm.xlane v0, v39;
	_ =	sdelay $0x1  }
0x810: {  	v0 =	vperm.xlane v0, v4;
	v1 =	vadd.s32 v41, v48;
	_ =	sdelay $0x1  }
0x811: {  	v0 =	vadd.s32 v41, v0;
	_ =	sdelay $0x1  }
0x812: {  	s2 =	simm.s32 $0xF200  }
0x813: {  	[tilespmem:s2], [sflag:$0x2] =	stream.indirect_vreg.gather [hbm4b:s1+s5], $0x80, v1, vm2, $0xb8;
	[tilespmem:$0x18300] =	vst v63  }
0x814: {  	s3 =	simm.s32 $0xFA00  }
0x815: {  	[tilespmem:s3], [sflag:$0x2] =	stream.indirect_vreg.gather [hbm4b:s1+s5], $0x80, v0, vm2, $0xb8;
	[tilespmem:$0x18300] =	vst v63  }
0x816: {  	v0 =	vld [tilespmem:$0x180];
	_ =	sdelay $0x4  }
0x817: {  	v49 =	vperm.xlane v0, v39;
	_ =	sdelay $0x1  }
0x818: {  	v0 =	vperm.xlane v0, v4;
	v1 =	vadd.s32 v41, v49;
	_ =	sdelay $0x1  }
0x819: {  	v0 =	vadd.s32 v41, v0;
	_ =	sdelay $0x1  }
0x81a: {  	s4 =	simm.s32 $0x8600  }
0x81b: {  	[tilespmem:s4], [sflag:$0x2] =	stream.indirect_vreg.gather [hbm4b:s1+s5], $0x80, v1, vm2, $0xb8;
	[tilespmem:$0x18300] =	vst v63  }
0x81c: {  	s7 =	simm.s32 $0x8E00  }
0x81d: {  	[tilespmem:s7], [sflag:$0x2] =	stream.indirect_vreg.gather [hbm4b:s1+s5], $0x80, v0, vm2, $0xb8;
	[tilespmem:$0x18300] =	vst v63  }
0x81e: {  	v0 =	vld [tilespmem:$0x190];
	_ =	sdelay $0x4  }
0x81f: {  	v53 =	vperm.xlane v0, v39;
	_ =	sdelay $0x1  }
0x820: {  	v0 =	vperm.xlane v0, v4;
	v1 =	vadd.s32 v41, v53;
	_ =	sdelay $0x1  }
0x821: {  	v0 =	vadd.s32 v41, v0;
	_ =	sdelay $0x1  }
0x822: {  	s10 =	simm.s32 $0x9600  }
0x823: {  	[tilespmem:s10], [sflag:$0x2] =	stream.indirect_vreg.gather [hbm4b:s1+s5], $0x80, v1, vm2, $0xb8;
	[tilespmem:$0x18300] =	vst v63  }
0x824: {  	s11 =	simm.s32 $0x9E00  }
0x825: {  	[tilespmem:s11], [sflag:$0x2] =	stream.indirect_vreg.gather [hbm4b:s1+s5], $0x80, v0, vm2, $0xb8;
	[tilespmem:$0x18300] =	vst v63  }
0x826: {  	v0 =	vld [tilespmem:$0x1A0];
	_ =	sdelay $0x4  }
0x827: {  	v54 =	vperm.xlane v0, v39;
	_ =	sdelay $0x1  }
0x828: {  	v0 =	vperm.xlane v0, v4;
	v1 =	vadd.s32 v41, v54;
	_ =	sdelay $0x1  }
0x829: {  	v0 =	vadd.s32 v41, v0;
	_ =	sdelay $0x1  }
0x82a: {  	s13 =	simm.s32 $0xA600  }
0x82b: {  	[tilespmem:s13], [sflag:$0x2] =	stream.indirect_vreg.gather [hbm4b:s1+s5], $0x80, v1, vm2, $0xb8;
	[tilespmem:$0x18300] =	vst v63  }
0x82c: {  	s16 =	simm.s32 $0xAE00  }
0x82d: {  	[tilespmem:s16], [sflag:$0x2] =	stream.indirect_vreg.gather [hbm4b:s1+s5], $0x80, v0, vm2, $0xb8;
	[tilespmem:$0x18300] =	vst v63  }
0x82e: {  	v0 =	vld [tilespmem:$0x1B0];
	_ =	sdelay $0x4  }
0x82f: {  	v55 =	vperm.xlane v0, v39;
	_ =	sdelay $0x1  }
0x830: {  	v0 =	vperm.xlane v0, v4;
	v1 =	vadd.s32 v41, v55;
	_ =	sdelay $0x1  }
0x831: {  	v0 =	vadd.s32 v41, v0;
	_ =	sdelay $0x1  }
0x832: {  	s19 =	simm.s32 $0xB600  }
0x833: {  	[tilespmem:s19], [sflag:$0x2] =	stream.indirect_vreg.gather [hbm4b:s1+s5], $0x80, v1, vm2, $0xb8;
	[tilespmem:$0x18300] =	vst v63  }
0x834: {  	s20 =	simm.s32 $0xBE00  }
0x835: {  	[tilespmem:s20], [sflag:$0x2] =	stream.indirect_vreg.gather [hbm4b:s1+s5], $0x80, v0, vm2, $0xb8;
	[tilespmem:$0x18300] =	vst v63  }
0x836: {  	v0 =	vld [tilespmem:$0x1C0];
	_ =	sdelay $0x4  }
0x837: {  	v57 =	vperm.xlane v0, v39;
	_ =	sdelay $0x1  }
0x838: {  	v0 =	vperm.xlane v0, v4;
	v1 =	vadd.s32 v41, v57;
	_ =	sdelay $0x1  }
0x839: {  	v0 =	vadd.s32 v41, v0;
	_ =	sdelay $0x1  }
0x83a: {  	s21 =	simm.s32 $0xC600  }
0x83b: {  	[tilespmem:s21], [sflag:$0x2] =	stream.indirect_vreg.gather [hbm4b:s1+s5], $0x80, v1, vm2, $0xb8;
	[tilespmem:$0x18300] =	vst v63  }
0x83c: {  	s24 =	simm.s32 $0xCE00  }
0x83d: {  	[tilespmem:s24], [sflag:$0x2] =	stream.indirect_vreg.gather [hbm4b:s1+s5], $0x80, v0, vm2, $0xb8;
	[tilespmem:$0x18300] =	vst v63  }
0x83e: {  	v0 =	vld [tilespmem:$0x1D0];
	_ =	sdelay $0x4  }
0x83f: {  	v59 =	vperm.xlane v0, v39;
	_ =	sdelay $0x1  }
0x840: {  	v0 =	vperm.xlane v0, v4;
	v1 =	vadd.s32 v41, v59;
	_ =	sdelay $0x1  }
0x841: {  	v0 =	vadd.s32 v41, v0;
	_ =	sdelay $0x1  }
0x842: {  	s25 =	simm.s32 $0xD600  }
0x843: {  	[tilespmem:s25], [sflag:$0x2] =	stream.indirect_vreg.gather [hbm4b:s1+s5], $0x80, v1, vm2, $0xb8;
	[tilespmem:$0x18300] =	vst v63  }
0x844: {  	s26 =	simm.s32 $0xDE00  }
0x845: {  	[tilespmem:s26], [sflag:$0x2] =	stream.indirect_vreg.gather [hbm4b:s1+s5], $0x80, v0, vm2, $0xb8;
	[tilespmem:$0x18300] =	vst v63  }
0x846: {  	v0 =	vld [tilespmem:$0x1E0];
	_ =	sdelay $0x4  }
0x847: {  	v61 =	vperm.xlane v0, v39;
	_ =	sdelay $0x1  }
0x848: {  	v0 =	vperm.xlane v0, v4;
	v1 =	vadd.s32 v41, v61;
	_ =	sdelay $0x1  }
0x849: {  	v0 =	vadd.s32 v41, v0;
	_ =	sdelay $0x1  }
0x84a: {  	s28 =	simm.s32 $0xE600  }
0x84b: {  	[tilespmem:s28], [sflag:$0x2] =	stream.indirect_vreg.gather [hbm4b:s1+s5], $0x80, v1, vm2, $0xb8;
	[tilespmem:$0x18300] =	vst v63  }
0x84c: {  	s29 =	simm.s32 $0xEE00  }
0x84d: {  	[tilespmem:s29], [sflag:$0x2] =	stream.indirect_vreg.gather [hbm4b:s1+s5], $0x80, v0, vm2, $0xb8;
	[tilespmem:$0x18300] =	vst v63  }
0x84e: {  	v0 =	vld [tilespmem:$0x1F0];
	_ =	sdelay $0x4  }
0x84f: {  	v63 =	vperm.xlane v0, v39;
	_ =	sdelay $0x1  }
0x850: {  	v0 =	vperm.xlane v0, v4;
	v1 =	vadd.s32 v41, v63;
	_ =	sdelay $0x1  }
0x851: {  	v0 =	vadd.s32 v41, v0  }
.Ltmp14:
0x852: {  	_ = 	snop;
	(pc) =	sbr.rel .LBB2_10-.Ltmp14, $4  }
0x853: {  	s30 =	simm.s32 $0xF600  }
0x854: {  	[tilespmem:s30], [sflag:$0x2] =	stream.indirect_vreg.gather [hbm4b:s1+s5], $0x80, v1, vm2, $0xb8;
	[tilespmem:$0x18300] =	vst v63  }
0x855: {  	s22 =	sadd.s32 $0x1, s22;
	s31 =	simm.s32 $0xFE00  }
0x856: {  	[tilespmem:s31], [sflag:$0x2] =	stream.indirect_vreg.gather [hbm4b:s1+s5], $0x80, v0, vm2, $0xb8;
	[tilespmem:$0x18300] =	vst v63  }
.LBB2_27:
0x857: {  	_ =	sfence.sel $0x180000  }
0x858: {  	[bflag:$0x0] =	sbarrier.arrive $0xFFFF  }
0x859: {  	_ =	strace $0x90000047  }
0x85a: {  	s0 =	stileid.u32;
	[bflag:$0x2] =	sbarrier.arrive $0xFFFF  }
0x85b: {  	p0 =	sne.s32 s0, $0x0;
	s0 =	rddreg [dreg:$0x2]  }
0x85c: {  	s0 =	sadd.s32 @!p0 $0x100000, s0  }
0x85d: {  	[sflag:s0] =	ssyncadd.tile.s32 @!p0 $0x1;
	_ =	shalt  }
.Lfunc_end2:
_tile_overlayer_lowered:
.L_overlay_start_2:
0x85e: {  	(tag) =	ssettag $0x2  }
0x85f: {  	s0 =	rddreg [dreg:$0x0];
	s2 =	stileid.u32  }
0x860: {  	s1 =	rddreg [dreg:$0x1];
	p0 =	sne.s32 s2, $0x0  }
0x861: {  	s3 =	rddreg [dreg:$0x2];
	[bflag:$0x3] =	sbarrier.arrive $0xFFFF;
	s2 =	simm.s32 @!p0 $0x1C05  }
0x862: {  	[timem:s3], [sflag:s2] =	dma.local @!p0 [hbm:s0], s1  }
0x863: {  	s0 =	simm.s32 @!p0 $0x5  }
0x864: {  	_ =	swait.ge @!p0 [sflag:s0], s1  }
0x865: {  	s1 =	ssub.s32 @!p0 $0x0, s1;
	[sflag:s0] =	ssyncset.done @!p0 $0x0  }
0x866: {  	[sflag:s0] =	ssyncadd.s32 @!p0 s1  }
0x867: {  	[bflag:$0x3] =	sbarrier.arrive $0xFFFF  }
0x868: {  	_ =	shalt  }

</sc_bundles>
